<compile_context>
chip_gen: v7x
topology: tpu7x:2x2x1
jax: 0.10.2.dev20260603
libtpu: 0.0.44.dev20260713+nightly
codegen_flags: <defaults>
</compile_context>

<pallas_src>
import functools

import jax
import jax.numpy as jnp
from jax import lax
from jax.experimental import pallas as pl
from jax.experimental.pallas import tpu as pltpu
from jax.experimental.pallas import tpu_sc as plsc

VOCAB = 1000000
EMBED_DIM = 32
BATCH = 16384
HIST_LEN = 50

NC = 2
NS = 16
NW = NC * NS
B_PER_W = BATCH // NW
NBLK = B_PER_W // 128
NGF = EMBED_DIM // 8
NPAIRS = HIST_LEN // 2

_mesh = plsc.VectorSubcoreMesh(core_axis_name="c", subcore_axis_name="s")


@functools.partial(
    pl.kernel,
    out_type=jax.ShapeDtypeStruct((HIST_LEN, NGF, NW, NBLK * 8 * 128),
                                  jnp.float32),
    mesh=_mesh,
    scratch_types=[
        pltpu.VMEM((B_PER_W, HIST_LEN), jnp.int32),
        pltpu.VMEM((HIST_LEN * B_PER_W,), jnp.int32),
        pltpu.VMEM((B_PER_W, EMBED_DIM), jnp.float32),
        pltpu.VMEM((B_PER_W, EMBED_DIM), jnp.float32),
        pltpu.VMEM((NGF * NBLK * 8 * 128,), jnp.float32),
        pltpu.VMEM((NGF * NBLK * 8 * 128,), jnp.float32),
        pltpu.SemaphoreType.DMA,
        pltpu.SemaphoreType.DMA,
        pltpu.SemaphoreType.DMA,
        pltpu.SemaphoreType.DMA,
        pltpu.SemaphoreType.DMA,
    ],
    compiler_params=pltpu.CompilerParams(use_tc_tiling_on_sc=False,
                                         needs_layout_passes=False),
)
def _emb_gather(title_hbm, table_hbm, out_hbm, idx_b, idx_t, rows0, rows1,
                tiles0, tiles1, isem, gsem0, gsem1, wsem0, wsem1):
    wid = lax.axis_index("s") * NC + lax.axis_index("c")
    base = pl.multiple_of(wid * B_PER_W, B_PER_W)

    lanes = lax.iota(jnp.int32, 16)
    pos_lo = (lanes // 8) * 4096 + (lanes % 8) * 128
    pos_hi = pos_lo + 2 * 4096

    pltpu.async_copy(title_hbm.at[pl.ds(base, B_PER_W)], idx_b, isem).wait()

    @plsc.parallel_loop(0, HIST_LEN, unroll=2)
    def _(t):
        tb = t * B_PER_W
        col = lanes * 0 + t
        for m in range(B_PER_W // 16):
            src = plsc.load_gather(idx_b, [lanes + 16 * m, col])
            idx_t[pl.ds(tb + 16 * m, 16)] = src

    rows = (rows0, rows1)
    tiles = (tiles0, tiles1)
    gsem = (gsem0, gsem1)
    wsem = (wsem0, wsem1)

    def fire_gathers(t, slot):
        for k in range(NBLK):
            pltpu.async_copy(
                table_hbm.at[idx_t.at[pl.ds(t * B_PER_W + k * 128, 128)]],
                rows[slot].at[pl.ds(k * 128, 128)],
                gsem[slot],
            )

    def drain_gathers(slot):
        for k in range(NBLK):
            pltpu.make_async_copy(
                table_hbm.at[pl.ds(0, 128)],
                rows[slot].at[pl.ds(k * 128, 128)],
                gsem[slot],
            ).wait()

    def transpose_rows(slot):
        rv = rows[slot]
        tv = tiles[slot]
        for blk in range(NBLK):
            base_lo = pos_lo + blk * 1024
            base_hi = pos_hi + blk * 1024

            @plsc.parallel_loop(0, 128, unroll=16)
            def _(j, blk=blk, base_lo=base_lo, base_hi=base_hi):
                b = blk * 128 + j
                plsc.store_scatter(tv, [base_lo + j], rv[b, pl.ds(0, 16)])
                plsc.store_scatter(tv, [base_hi + j], rv[b, pl.ds(16, 16)])

    def fire_write(t, slot):
        for g in range(NGF):
            pltpu.async_copy(
                tiles[slot].at[pl.ds(g * 4096, 4096)],
                out_hbm.at[t, g, wid],
                wsem[slot],
            )

    def drain_write(slot):
        for g in range(NGF):
            pltpu.make_async_copy(
                tiles[slot].at[pl.ds(g * 4096, 4096)],
                out_hbm.at[0, 0, 0],
                wsem[slot],
            ).wait()

    fire_gathers(0, 0)

    def pair_body(p, carry):
        t0 = p * 2
        t1 = t0 + 1

        @pl.when(p > 0)
        def _():
            drain_write(1)

        fire_gathers(t1, 1)

        drain_gathers(0)
        transpose_rows(0)
        fire_write(t0, 0)

        @pl.when(p + 1 < NPAIRS)
        def _():
            drain_write(0)
            fire_gathers(t0 + 2, 0)

        drain_gathers(1)
        transpose_rows(1)
        fire_write(t1, 1)
        return carry

    lax.fori_loop(0, NPAIRS, pair_body, 0)
    drain_write(0)
    drain_write(1)


def kernel(title, table):
    x = _emb_gather(title.astype(jnp.int32), table)
    x = x.reshape(HIST_LEN, NGF, BATCH // 128, 8, 128)
    return x.transpose(2, 4, 0, 1, 3).reshape(BATCH, HIST_LEN, EMBED_DIM)

# --- scband reference (transcript-rebuilt; emitter-appended) ---
"""Pipeline reference for scband-title-emb-layer-43069932044323 (READ-ONLY COPY).

The authoritative reference and input builder live on the scoring server;
editing this copy changes nothing except your own understanding.
"""

import jax, jax.numpy as jnp
import numpy as np

VOCAB = 1000000
EMBED_DIM = 32
BATCH = 16384
HIST_LEN = 50


def setup_inputs(seed: int = 0) -> dict:
    key = jax.random.key(seed)
    k_table, k_idx = jax.random.split(key)
    # Pretrained embedding table passed to __init__ (learned parameter)
    table = jax.random.normal(k_table, (VOCAB, EMBED_DIM), dtype=jnp.float32)
    # Forward arg: title token indices
    title = jax.random.randint(k_idx, (BATCH, HIST_LEN), 0, VOCAB, dtype=jnp.int64)
    return {"title": title, "table": table}


def reference(title, table):
    # Faithful translation of nn.Embedding lookup: emb = self.title_emb(title)
    emb = jnp.take(table, title, axis=0)
    return emb

if __name__ == "__main__":
    import jax
    _d = setup_inputs()
    print(jax.jit(kernel)(*tuple(_d.values())))

</pallas_src>

<mosaic_0001>
#map = affine_map<(d0, d1) -> (0, 0)>
#map1 = affine_map<(d0, d1) -> (0, 0, 0, 0)>
module attributes {stable_mosaic.version = 14 : i64} {
  func.func @_emb_gather(%arg0: i32, %arg1: i32, %arg2: memref<16384x50xi32, #tpu.memory_space<hbm>>, %arg3: memref<1000000x32xf32, #tpu.memory_space<hbm>>, %arg4: memref<50x4x32x4096xf32, #tpu.memory_space<hbm>>, %arg5: memref<512x50xi32, #tpu.memory_space<vmem>>, %arg6: memref<25600xi32, #tpu.memory_space<vmem>>, %arg7: memref<512x32xf32, #tpu.memory_space<vmem>>, %arg8: memref<512x32xf32, #tpu.memory_space<vmem>>, %arg9: memref<16384xf32, #tpu.memory_space<vmem>>, %arg10: memref<16384xf32, #tpu.memory_space<vmem>>, %arg11: memref<!tpu.dma_semaphore, #tpu.memory_space<semaphore_mem>>, %arg12: memref<!tpu.dma_semaphore, #tpu.memory_space<semaphore_mem>>, %arg13: memref<!tpu.dma_semaphore, #tpu.memory_space<semaphore_mem>>, %arg14: memref<!tpu.dma_semaphore, #tpu.memory_space<semaphore_mem>>, %arg15: memref<!tpu.dma_semaphore, #tpu.memory_space<semaphore_mem>>) attributes {dimension_semantics = [#tpu.dimension_semantics<core_parallel>, #tpu.dimension_semantics<subcore_parallel>], iteration_bounds = array<i64: 2, 16>, scalar_prefetch = 0 : i64, scratch_operands = 11 : i64, tpu.core_type = #tpu.core_type<sc_vector_subcore>, window_params = [{transform_indices = #map}, {transform_indices = #map}, {transform_indices = #map1}]} {
    %mul3A = arith.constant 2 : i32
    %mul3A_0 = arith.muli %arg1, %mul3A : i32
    %add3A = arith.addi %mul3A_0, %arg0 : i32
    %mul3A_1 = arith.constant 512 : i32
    %mul3A_2 = arith.muli %add3A, %mul3A_1 : i32
    %multiple_of3A = tpu.assume_multiple %mul3A_2, 512 : i32
    %iota3A = tpu.iota {dimensions = array<i32: 0>} : vector<16xi32>
    %jit3A = arith.constant 8 : i32
    %div3A = vector.broadcast %jit3A : i32 to vector<16xi32>
    %div3A_3 = arith.divsi %iota3A, %div3A : vector<16xi32>
    %sign3A = arith.constant 0 : i32
    %sign3A_4 = vector.broadcast %sign3A : i32 to vector<16xi32>
    %sign3A_5 = arith.cmpi sgt, %iota3A, %sign3A_4 : vector<16xi32>
    %sign3A_6 = arith.extui %sign3A_5 : vector<16xi1> to vector<16xi32>
    %sign3A_7 = arith.constant 0 : i32
    %sign3A_8 = vector.broadcast %sign3A_7 : i32 to vector<16xi32>
    %sign3A_9 = arith.cmpi slt, %iota3A, %sign3A_8 : vector<16xi32>
    %sign3A_10 = arith.extui %sign3A_9 : vector<16xi1> to vector<16xi32>
    %sign3A_11 = arith.subi %sign3A_6, %sign3A_10 : vector<16xi32>
    %sign3A_12 = arith.constant 0 : i32
    %sign3A_13 = arith.cmpi sgt, %jit3A, %sign3A_12 : i32
    %sign3A_14 = arith.extui %sign3A_13 : i1 to i32
    %sign3A_15 = arith.constant 0 : i32
    %sign3A_16 = arith.cmpi slt, %jit3A, %sign3A_15 : i32
    %sign3A_17 = arith.extui %sign3A_16 : i1 to i32
    %sign3A_18 = arith.subi %sign3A_14, %sign3A_17 : i32
    %ne3A = vector.broadcast %sign3A_18 : i32 to vector<16xi32>
    %ne3A_19 = arith.cmpi ne, %sign3A_11, %ne3A : vector<16xi32>
    %rem3A = vector.broadcast %jit3A : i32 to vector<16xi32>
    %rem3A_20 = arith.remsi %iota3A, %rem3A : vector<16xi32>
    %ne3A_21 = arith.constant 0 : i32
    %ne3A_22 = vector.broadcast %ne3A_21 : i32 to vector<16xi32>
    %ne3A_23 = arith.cmpi ne, %rem3A_20, %ne3A_22 : vector<16xi32>
    %and3A = arith.andi %ne3A_19, %ne3A_23 : vector<16xi1>
    %sub3A = arith.constant 1 : i32
    %sub3A_24 = vector.broadcast %sub3A : i32 to vector<16xi32>
    %sub3A_25 = arith.subi %div3A_3, %sub3A_24 : vector<16xi32>
    %select_n3A = arith.select %and3A, %sub3A_25, %div3A_3 : vector<16xi1>, vector<16xi32>
    %mul3A_26 = arith.constant 4096 : i32
    %mul3A_27 = vector.broadcast %mul3A_26 : i32 to vector<16xi32>
    %mul3A_28 = arith.muli %select_n3A, %mul3A_27 : vector<16xi32>
    %jit3A_29 = arith.constant 8 : i32
    %eq3A = arith.constant 0 : i32
    %eq3A_30 = arith.cmpi eq, %jit3A_29, %eq3A : i32
    %jit3A_31 = arith.constant 1 : i32
    %select_n3A_32 = arith.select %eq3A_30, %jit3A_31, %jit3A_29 : i32
    %rem3A_33 = vector.broadcast %select_n3A_32 : i32 to vector<16xi32>
    %rem3A_34 = arith.remsi %iota3A, %rem3A_33 : vector<16xi32>
    %ne3A_35 = arith.constant 0 : i32
    %ne3A_36 = vector.broadcast %ne3A_35 : i32 to vector<16xi32>
    %ne3A_37 = arith.cmpi ne, %rem3A_34, %ne3A_36 : vector<16xi32>
    %lt3A = arith.constant 0 : i32
    %lt3A_38 = vector.broadcast %lt3A : i32 to vector<16xi32>
    %lt3A_39 = arith.cmpi slt, %rem3A_34, %lt3A_38 : vector<16xi32>
    %lt3A_40 = arith.constant 0 : i32
    %lt3A_41 = arith.cmpi slt, %select_n3A_32, %lt3A_40 : i32
    %ne3A_42 = vector.broadcast %lt3A_41 : i1 to vector<16xi1>
    %ne3A_43 = vector.broadcast %ne3A_42 : vector<16xi1> to vector<16xi1>
    %ne3A_44 = arith.xori %lt3A_39, %ne3A_43 : vector<16xi1>
    %and3A_45 = arith.andi %ne3A_44, %ne3A_37 : vector<16xi1>
    %add3A_46 = vector.broadcast %select_n3A_32 : i32 to vector<16xi32>
    %add3A_47 = arith.addi %rem3A_34, %add3A_46 : vector<16xi32>
    %select_n3A_48 = arith.select %and3A_45, %add3A_47, %rem3A_34 : vector<16xi1>, vector<16xi32>
    %mul3A_49 = arith.constant 128 : i32
    %mul3A_50 = vector.broadcast %mul3A_49 : i32 to vector<16xi32>
    %mul3A_51 = arith.muli %select_n3A_48, %mul3A_50 : vector<16xi32>
    %add3A_52 = arith.addi %mul3A_28, %mul3A_51 : vector<16xi32>
    %add3A_53 = arith.constant 8192 : i32
    %add3A_54 = vector.broadcast %add3A_53 : i32 to vector<16xi32>
    %add3A_55 = arith.addi %add3A_52, %add3A_54 : vector<16xi32>
    %dma_start3A = arith.constant 0 : i32
    %dma_start3A_56 = tpu.memref_slice %arg2[%multiple_of3A, %dma_start3A] : memref<16384x50xi32, #tpu.memory_space<hbm>> -> memref<512x50xi32, #tpu.memory_space<hbm>>
    %dma_start3A_57 = arith.constant 0 : i32
    %dma_start3A_58 = tpu.memref_slice %arg2[%multiple_of3A, %dma_start3A_57] : memref<16384x50xi32, #tpu.memory_space<hbm>> -> memref<512x50xi32, #tpu.memory_space<hbm>>
    tpu.enqueue_dma source(%dma_start3A_58 : memref<512x50xi32, #tpu.memory_space<hbm>>) target(%arg5 : memref<512x50xi32, #tpu.memory_space<vmem>>) target_semaphore(%arg11 : memref<!tpu.dma_semaphore, #tpu.memory_space<semaphore_mem>>)
    %dma_wait3A = arith.constant 0 : i32
    %dma_wait3A_59 = tpu.memref_slice %arg2[%multiple_of3A, %dma_wait3A] : memref<16384x50xi32, #tpu.memory_space<hbm>> -> memref<512x50xi32, #tpu.memory_space<hbm>>
    %dma_wait3A_60 = arith.constant 0 : i32
    %dma_wait3A_61 = tpu.memref_slice %arg2[%multiple_of3A, %dma_wait3A_60] : memref<16384x50xi32, #tpu.memory_space<hbm>> -> memref<512x50xi32, #tpu.memory_space<hbm>>
    tpu.wait_dma2 semaphore(%arg11 : memref<!tpu.dma_semaphore, #tpu.memory_space<semaphore_mem>>) src(%dma_wait3A_61 : memref<512x50xi32, #tpu.memory_space<hbm>>) dst(%arg5 : memref<512x50xi32, #tpu.memory_space<vmem>>)
    %parallel_loop3A = arith.constant 0 : i32
    %parallel_loop3A_62 = arith.constant 50 : i32
    %parallel_loop3A_63 = arith.constant 1 : i32
    scf.for %parallel_loop3A_205 = %parallel_loop3A to %parallel_loop3A_62 step %parallel_loop3A_63  : i32 {
      %parallel_loop3A_206 = arith.constant 512 : i32
      %parallel_loop3A_207 = arith.muli %parallel_loop3A_205, %parallel_loop3A_206 : i32
      %parallel_loop3A_208 = arith.constant 0 : i32
      %parallel_loop3A_209 = vector.broadcast %parallel_loop3A_208 : i32 to vector<16xi32>
      %parallel_loop3A_210 = arith.muli %iota3A, %parallel_loop3A_209 : vector<16xi32>
      %parallel_loop3A_211 = vector.broadcast %parallel_loop3A_205 : i32 to vector<16xi32>
      %parallel_loop3A_212 = arith.addi %parallel_loop3A_210, %parallel_loop3A_211 : vector<16xi32>
      %parallel_loop3A_213 = arith.constant 0 : i32
      %parallel_loop3A_214 = vector.broadcast %parallel_loop3A_213 : i32 to vector<16xi32>
      %parallel_loop3A_215 = arith.addi %iota3A, %parallel_loop3A_214 : vector<16xi32>
      %parallel_loop3A_216 = tpu.vector_load_idx %arg5[%parallel_loop3A_215, %parallel_loop3A_212] : memref<512x50xi32, #tpu.memory_space<vmem>>[vector<16xi32>, vector<16xi32>], vector<16xi32>,
      %parallel_loop3A_217 = arith.constant 0 : i32
      %parallel_loop3A_218 = arith.addi %parallel_loop3A_207, %parallel_loop3A_217 : i32
      %parallel_loop3A_219 = arith.index_cast %parallel_loop3A_218 : i32 to index
      %parallel_loop3A_220 = tpu.vector_load %arg6[%parallel_loop3A_219] {strides = array<i32>} : memref<25600xi32, #tpu.memory_space<vmem>>, vector<16xi32>,
      tpu.vector_store %arg6[%parallel_loop3A_219], %parallel_loop3A_216 {strides = array<i32>} : memref<25600xi32, #tpu.memory_space<vmem>>, vector<16xi32>,
      %parallel_loop3A_221 = arith.constant 16 : i32
      %parallel_loop3A_222 = vector.broadcast %parallel_loop3A_221 : i32 to vector<16xi32>
      %parallel_loop3A_223 = arith.addi %iota3A, %parallel_loop3A_222 : vector<16xi32>
      %parallel_loop3A_224 = tpu.vector_load_idx %arg5[%parallel_loop3A_223, %parallel_loop3A_212] : memref<512x50xi32, #tpu.memory_space<vmem>>[vector<16xi32>, vector<16xi32>], vector<16xi32>,
      %parallel_loop3A_225 = arith.constant 16 : i32
      %parallel_loop3A_226 = arith.addi %parallel_loop3A_207, %parallel_loop3A_225 : i32
      %parallel_loop3A_227 = arith.index_cast %parallel_loop3A_226 : i32 to index
      %parallel_loop3A_228 = tpu.vector_load %arg6[%parallel_loop3A_227] {strides = array<i32>} : memref<25600xi32, #tpu.memory_space<vmem>>, vector<16xi32>,
      tpu.vector_store %arg6[%parallel_loop3A_227], %parallel_loop3A_224 {strides = array<i32>} : memref<25600xi32, #tpu.memory_space<vmem>>, vector<16xi32>,
      %parallel_loop3A_229 = arith.constant 32 : i32
      %parallel_loop3A_230 = vector.broadcast %parallel_loop3A_229 : i32 to vector<16xi32>
      %parallel_loop3A_231 = arith.addi %iota3A, %parallel_loop3A_230 : vector<16xi32>
      %parallel_loop3A_232 = tpu.vector_load_idx %arg5[%parallel_loop3A_231, %parallel_loop3A_212] : memref<512x50xi32, #tpu.memory_space<vmem>>[vector<16xi32>, vector<16xi32>], vector<16xi32>,
      %parallel_loop3A_233 = arith.constant 32 : i32
      %parallel_loop3A_234 = arith.addi %parallel_loop3A_207, %parallel_loop3A_233 : i32
      %parallel_loop3A_235 = arith.index_cast %parallel_loop3A_234 : i32 to index
      %parallel_loop3A_236 = tpu.vector_load %arg6[%parallel_loop3A_235] {strides = array<i32>} : memref<25600xi32, #tpu.memory_space<vmem>>, vector<16xi32>,
      tpu.vector_store %arg6[%parallel_loop3A_235], %parallel_loop3A_232 {strides = array<i32>} : memref<25600xi32, #tpu.memory_space<vmem>>, vector<16xi32>,
      %parallel_loop3A_237 = arith.constant 48 : i32
      %parallel_loop3A_238 = vector.broadcast %parallel_loop3A_237 : i32 to vector<16xi32>
      %parallel_loop3A_239 = arith.addi %iota3A, %parallel_loop3A_238 : vector<16xi32>
      %parallel_loop3A_240 = tpu.vector_load_idx %arg5[%parallel_loop3A_239, %parallel_loop3A_212] : memref<512x50xi32, #tpu.memory_space<vmem>>[vector<16xi32>, vector<16xi32>], vector<16xi32>,
      %parallel_loop3A_241 = arith.constant 48 : i32
      %parallel_loop3A_242 = arith.addi %parallel_loop3A_207, %parallel_loop3A_241 : i32
      %parallel_loop3A_243 = arith.index_cast %parallel_loop3A_242 : i32 to index
      %parallel_loop3A_244 = tpu.vector_load %arg6[%parallel_loop3A_243] {strides = array<i32>} : memref<25600xi32, #tpu.memory_space<vmem>>, vector<16xi32>,
      tpu.vector_store %arg6[%parallel_loop3A_243], %parallel_loop3A_240 {strides = array<i32>} : memref<25600xi32, #tpu.memory_space<vmem>>, vector<16xi32>,
      %parallel_loop3A_245 = arith.constant 64 : i32
      %parallel_loop3A_246 = vector.broadcast %parallel_loop3A_245 : i32 to vector<16xi32>
      %parallel_loop3A_247 = arith.addi %iota3A, %parallel_loop3A_246 : vector<16xi32>
      %parallel_loop3A_248 = tpu.vector_load_idx %arg5[%parallel_loop3A_247, %parallel_loop3A_212] : memref<512x50xi32, #tpu.memory_space<vmem>>[vector<16xi32>, vector<16xi32>], vector<16xi32>,
      %parallel_loop3A_249 = arith.constant 64 : i32
      %parallel_loop3A_250 = arith.addi %parallel_loop3A_207, %parallel_loop3A_249 : i32
      %parallel_loop3A_251 = arith.index_cast %parallel_loop3A_250 : i32 to index
      %parallel_loop3A_252 = tpu.vector_load %arg6[%parallel_loop3A_251] {strides = array<i32>} : memref<25600xi32, #tpu.memory_space<vmem>>, vector<16xi32>,
      tpu.vector_store %arg6[%parallel_loop3A_251], %parallel_loop3A_248 {strides = array<i32>} : memref<25600xi32, #tpu.memory_space<vmem>>, vector<16xi32>,
      %parallel_loop3A_253 = arith.constant 80 : i32
      %parallel_loop3A_254 = vector.broadcast %parallel_loop3A_253 : i32 to vector<16xi32>
      %parallel_loop3A_255 = arith.addi %iota3A, %parallel_loop3A_254 : vector<16xi32>
      %parallel_loop3A_256 = tpu.vector_load_idx %arg5[%parallel_loop3A_255, %parallel_loop3A_212] : memref<512x50xi32, #tpu.memory_space<vmem>>[vector<16xi32>, vector<16xi32>], vector<16xi32>,
      %parallel_loop3A_257 = arith.constant 80 : i32
      %parallel_loop3A_258 = arith.addi %parallel_loop3A_207, %parallel_loop3A_257 : i32
      %parallel_loop3A_259 = arith.index_cast %parallel_loop3A_258 : i32 to index
      %parallel_loop3A_260 = tpu.vector_load %arg6[%parallel_loop3A_259] {strides = array<i32>} : memref<25600xi32, #tpu.memory_space<vmem>>, vector<16xi32>,
      tpu.vector_store %arg6[%parallel_loop3A_259], %parallel_loop3A_256 {strides = array<i32>} : memref<25600xi32, #tpu.memory_space<vmem>>, vector<16xi32>,
      %parallel_loop3A_261 = arith.constant 96 : i32
      %parallel_loop3A_262 = vector.broadcast %parallel_loop3A_261 : i32 to vector<16xi32>
      %parallel_loop3A_263 = arith.addi %iota3A, %parallel_loop3A_262 : vector<16xi32>
      %parallel_loop3A_264 = tpu.vector_load_idx %arg5[%parallel_loop3A_263, %parallel_loop3A_212] : memref<512x50xi32, #tpu.memory_space<vmem>>[vector<16xi32>, vector<16xi32>], vector<16xi32>,
      %parallel_loop3A_265 = arith.constant 96 : i32
      %parallel_loop3A_266 = arith.addi %parallel_loop3A_207, %parallel_loop3A_265 : i32
      %parallel_loop3A_267 = arith.index_cast %parallel_loop3A_266 : i32 to index
      %parallel_loop3A_268 = tpu.vector_load %arg6[%parallel_loop3A_267] {strides = array<i32>} : memref<25600xi32, #tpu.memory_space<vmem>>, vector<16xi32>,
      tpu.vector_store %arg6[%parallel_loop3A_267], %parallel_loop3A_264 {strides = array<i32>} : memref<25600xi32, #tpu.memory_space<vmem>>, vector<16xi32>,
      %parallel_loop3A_269 = arith.constant 112 : i32
      %parallel_loop3A_270 = vector.broadcast %parallel_loop3A_269 : i32 to vector<16xi32>
      %parallel_loop3A_271 = arith.addi %iota3A, %parallel_loop3A_270 : vector<16xi32>
      %parallel_loop3A_272 = tpu.vector_load_idx %arg5[%parallel_loop3A_271, %parallel_loop3A_212] : memref<512x50xi32, #tpu.memory_space<vmem>>[vector<16xi32>, vector<16xi32>], vector<16xi32>,
      %parallel_loop3A_273 = arith.constant 112 : i32
      %parallel_loop3A_274 = arith.addi %parallel_loop3A_207, %parallel_loop3A_273 : i32
      %parallel_loop3A_275 = arith.index_cast %parallel_loop3A_274 : i32 to index
      %parallel_loop3A_276 = tpu.vector_load %arg6[%parallel_loop3A_275] {strides = array<i32>} : memref<25600xi32, #tpu.memory_space<vmem>>, vector<16xi32>,
      tpu.vector_store %arg6[%parallel_loop3A_275], %parallel_loop3A_272 {strides = array<i32>} : memref<25600xi32, #tpu.memory_space<vmem>>, vector<16xi32>,
      %parallel_loop3A_277 = arith.constant 128 : i32
      %parallel_loop3A_278 = vector.broadcast %parallel_loop3A_277 : i32 to vector<16xi32>
      %parallel_loop3A_279 = arith.addi %iota3A, %parallel_loop3A_278 : vector<16xi32>
      %parallel_loop3A_280 = tpu.vector_load_idx %arg5[%parallel_loop3A_279, %parallel_loop3A_212] : memref<512x50xi32, #tpu.memory_space<vmem>>[vector<16xi32>, vector<16xi32>], vector<16xi32>,
      %parallel_loop3A_281 = arith.constant 128 : i32
      %parallel_loop3A_282 = arith.addi %parallel_loop3A_207, %parallel_loop3A_281 : i32
      %parallel_loop3A_283 = arith.index_cast %parallel_loop3A_282 : i32 to index
      %parallel_loop3A_284 = tpu.vector_load %arg6[%parallel_loop3A_283] {strides = array<i32>} : memref<25600xi32, #tpu.memory_space<vmem>>, vector<16xi32>,
      tpu.vector_store %arg6[%parallel_loop3A_283], %parallel_loop3A_280 {strides = array<i32>} : memref<25600xi32, #tpu.memory_space<vmem>>, vector<16xi32>,
      %parallel_loop3A_285 = arith.constant 144 : i32
      %parallel_loop3A_286 = vector.broadcast %parallel_loop3A_285 : i32 to vector<16xi32>
      %parallel_loop3A_287 = arith.addi %iota3A, %parallel_loop3A_286 : vector<16xi32>
      %parallel_loop3A_288 = tpu.vector_load_idx %arg5[%parallel_loop3A_287, %parallel_loop3A_212] : memref<512x50xi32, #tpu.memory_space<vmem>>[vector<16xi32>, vector<16xi32>], vector<16xi32>,
      %parallel_loop3A_289 = arith.constant 144 : i32
      %parallel_loop3A_290 = arith.addi %parallel_loop3A_207, %parallel_loop3A_289 : i32
      %parallel_loop3A_291 = arith.index_cast %parallel_loop3A_290 : i32 to index
      %parallel_loop3A_292 = tpu.vector_load %arg6[%parallel_loop3A_291] {strides = array<i32>} : memref<25600xi32, #tpu.memory_space<vmem>>, vector<16xi32>,
      tpu.vector_store %arg6[%parallel_loop3A_291], %parallel_loop3A_288 {strides = array<i32>} : memref<25600xi32, #tpu.memory_space<vmem>>, vector<16xi32>,
      %parallel_loop3A_293 = arith.constant 160 : i32
      %parallel_loop3A_294 = vector.broadcast %parallel_loop3A_293 : i32 to vector<16xi32>
      %parallel_loop3A_295 = arith.addi %iota3A, %parallel_loop3A_294 : vector<16xi32>
      %parallel_loop3A_296 = tpu.vector_load_idx %arg5[%parallel_loop3A_295, %parallel_loop3A_212] : memref<512x50xi32, #tpu.memory_space<vmem>>[vector<16xi32>, vector<16xi32>], vector<16xi32>,
      %parallel_loop3A_297 = arith.constant 160 : i32
      %parallel_loop3A_298 = arith.addi %parallel_loop3A_207, %parallel_loop3A_297 : i32
      %parallel_loop3A_299 = arith.index_cast %parallel_loop3A_298 : i32 to index
      %parallel_loop3A_300 = tpu.vector_load %arg6[%parallel_loop3A_299] {strides = array<i32>} : memref<25600xi32, #tpu.memory_space<vmem>>, vector<16xi32>,
      tpu.vector_store %arg6[%parallel_loop3A_299], %parallel_loop3A_296 {strides = array<i32>} : memref<25600xi32, #tpu.memory_space<vmem>>, vector<16xi32>,
      %parallel_loop3A_301 = arith.constant 176 : i32
      %parallel_loop3A_302 = vector.broadcast %parallel_loop3A_301 : i32 to vector<16xi32>
      %parallel_loop3A_303 = arith.addi %iota3A, %parallel_loop3A_302 : vector<16xi32>
      %parallel_loop3A_304 = tpu.vector_load_idx %arg5[%parallel_loop3A_303, %parallel_loop3A_212] : memref<512x50xi32, #tpu.memory_space<vmem>>[vector<16xi32>, vector<16xi32>], vector<16xi32>,
      %parallel_loop3A_305 = arith.constant 176 : i32
      %parallel_loop3A_306 = arith.addi %parallel_loop3A_207, %parallel_loop3A_305 : i32
      %parallel_loop3A_307 = arith.index_cast %parallel_loop3A_306 : i32 to index
      %parallel_loop3A_308 = tpu.vector_load %arg6[%parallel_loop3A_307] {strides = array<i32>} : memref<25600xi32, #tpu.memory_space<vmem>>, vector<16xi32>,
      tpu.vector_store %arg6[%parallel_loop3A_307], %parallel_loop3A_304 {strides = array<i32>} : memref<25600xi32, #tpu.memory_space<vmem>>, vector<16xi32>,
      %parallel_loop3A_309 = arith.constant 192 : i32
      %parallel_loop3A_310 = vector.broadcast %parallel_loop3A_309 : i32 to vector<16xi32>
      %parallel_loop3A_311 = arith.addi %iota3A, %parallel_loop3A_310 : vector<16xi32>
      %parallel_loop3A_312 = tpu.vector_load_idx %arg5[%parallel_loop3A_311, %parallel_loop3A_212] : memref<512x50xi32, #tpu.memory_space<vmem>>[vector<16xi32>, vector<16xi32>], vector<16xi32>,
      %parallel_loop3A_313 = arith.constant 192 : i32
      %parallel_loop3A_314 = arith.addi %parallel_loop3A_207, %parallel_loop3A_313 : i32
      %parallel_loop3A_315 = arith.index_cast %parallel_loop3A_314 : i32 to index
      %parallel_loop3A_316 = tpu.vector_load %arg6[%parallel_loop3A_315] {strides = array<i32>} : memref<25600xi32, #tpu.memory_space<vmem>>, vector<16xi32>,
      tpu.vector_store %arg6[%parallel_loop3A_315], %parallel_loop3A_312 {strides = array<i32>} : memref<25600xi32, #tpu.memory_space<vmem>>, vector<16xi32>,
      %parallel_loop3A_317 = arith.constant 208 : i32
      %parallel_loop3A_318 = vector.broadcast %parallel_loop3A_317 : i32 to vector<16xi32>
      %parallel_loop3A_319 = arith.addi %iota3A, %parallel_loop3A_318 : vector<16xi32>
      %parallel_loop3A_320 = tpu.vector_load_idx %arg5[%parallel_loop3A_319, %parallel_loop3A_212] : memref<512x50xi32, #tpu.memory_space<vmem>>[vector<16xi32>, vector<16xi32>], vector<16xi32>,
      %parallel_loop3A_321 = arith.constant 208 : i32
      %parallel_loop3A_322 = arith.addi %parallel_loop3A_207, %parallel_loop3A_321 : i32
      %parallel_loop3A_323 = arith.index_cast %parallel_loop3A_322 : i32 to index
      %parallel_loop3A_324 = tpu.vector_load %arg6[%parallel_loop3A_323] {strides = array<i32>} : memref<25600xi32, #tpu.memory_space<vmem>>, vector<16xi32>,
      tpu.vector_store %arg6[%parallel_loop3A_323], %parallel_loop3A_320 {strides = array<i32>} : memref<25600xi32, #tpu.memory_space<vmem>>, vector<16xi32>,
      %parallel_loop3A_325 = arith.constant 224 : i32
      %parallel_loop3A_326 = vector.broadcast %parallel_loop3A_325 : i32 to vector<16xi32>
      %parallel_loop3A_327 = arith.addi %iota3A, %parallel_loop3A_326 : vector<16xi32>
      %parallel_loop3A_328 = tpu.vector_load_idx %arg5[%parallel_loop3A_327, %parallel_loop3A_212] : memref<512x50xi32, #tpu.memory_space<vmem>>[vector<16xi32>, vector<16xi32>], vector<16xi32>,
      %parallel_loop3A_329 = arith.constant 224 : i32
      %parallel_loop3A_330 = arith.addi %parallel_loop3A_207, %parallel_loop3A_329 : i32
      %parallel_loop3A_331 = arith.index_cast %parallel_loop3A_330 : i32 to index
      %parallel_loop3A_332 = tpu.vector_load %arg6[%parallel_loop3A_331] {strides = array<i32>} : memref<25600xi32, #tpu.memory_space<vmem>>, vector<16xi32>,
      tpu.vector_store %arg6[%parallel_loop3A_331], %parallel_loop3A_328 {strides = array<i32>} : memref<25600xi32, #tpu.memory_space<vmem>>, vector<16xi32>,
      %parallel_loop3A_333 = arith.constant 240 : i32
      %parallel_loop3A_334 = vector.broadcast %parallel_loop3A_333 : i32 to vector<16xi32>
      %parallel_loop3A_335 = arith.addi %iota3A, %parallel_loop3A_334 : vector<16xi32>
      %parallel_loop3A_336 = tpu.vector_load_idx %arg5[%parallel_loop3A_335, %parallel_loop3A_212] : memref<512x50xi32, #tpu.memory_space<vmem>>[vector<16xi32>, vector<16xi32>], vector<16xi32>,
      %parallel_loop3A_337 = arith.constant 240 : i32
      %parallel_loop3A_338 = arith.addi %parallel_loop3A_207, %parallel_loop3A_337 : i32
      %parallel_loop3A_339 = arith.index_cast %parallel_loop3A_338 : i32 to index
      %parallel_loop3A_340 = tpu.vector_load %arg6[%parallel_loop3A_339] {strides = array<i32>} : memref<25600xi32, #tpu.memory_space<vmem>>, vector<16xi32>,
      tpu.vector_store %arg6[%parallel_loop3A_339], %parallel_loop3A_336 {strides = array<i32>} : memref<25600xi32, #tpu.memory_space<vmem>>, vector<16xi32>,
      %parallel_loop3A_341 = arith.constant 256 : i32
      %parallel_loop3A_342 = vector.broadcast %parallel_loop3A_341 : i32 to vector<16xi32>
      %parallel_loop3A_343 = arith.addi %iota3A, %parallel_loop3A_342 : vector<16xi32>
      %parallel_loop3A_344 = tpu.vector_load_idx %arg5[%parallel_loop3A_343, %parallel_loop3A_212] : memref<512x50xi32, #tpu.memory_space<vmem>>[vector<16xi32>, vector<16xi32>], vector<16xi32>,
      %parallel_loop3A_345 = arith.constant 256 : i32
      %parallel_loop3A_346 = arith.addi %parallel_loop3A_207, %parallel_loop3A_345 : i32
      %parallel_loop3A_347 = arith.index_cast %parallel_loop3A_346 : i32 to index
      %parallel_loop3A_348 = tpu.vector_load %arg6[%parallel_loop3A_347] {strides = array<i32>} : memref<25600xi32, #tpu.memory_space<vmem>>, vector<16xi32>,
      tpu.vector_store %arg6[%parallel_loop3A_347], %parallel_loop3A_344 {strides = array<i32>} : memref<25600xi32, #tpu.memory_space<vmem>>, vector<16xi32>,
      %parallel_loop3A_349 = arith.constant 272 : i32
      %parallel_loop3A_350 = vector.broadcast %parallel_loop3A_349 : i32 to vector<16xi32>
      %parallel_loop3A_351 = arith.addi %iota3A, %parallel_loop3A_350 : vector<16xi32>
      %parallel_loop3A_352 = tpu.vector_load_idx %arg5[%parallel_loop3A_351, %parallel_loop3A_212] : memref<512x50xi32, #tpu.memory_space<vmem>>[vector<16xi32>, vector<16xi32>], vector<16xi32>,
      %parallel_loop3A_353 = arith.constant 272 : i32
      %parallel_loop3A_354 = arith.addi %parallel_loop3A_207, %parallel_loop3A_353 : i32
      %parallel_loop3A_355 = arith.index_cast %parallel_loop3A_354 : i32 to index
      %parallel_loop3A_356 = tpu.vector_load %arg6[%parallel_loop3A_355] {strides = array<i32>} : memref<25600xi32, #tpu.memory_space<vmem>>, vector<16xi32>,
      tpu.vector_store %arg6[%parallel_loop3A_355], %parallel_loop3A_352 {strides = array<i32>} : memref<25600xi32, #tpu.memory_space<vmem>>, vector<16xi32>,
      %parallel_loop3A_357 = arith.constant 288 : i32
      %parallel_loop3A_358 = vector.broadcast %parallel_loop3A_357 : i32 to vector<16xi32>
      %parallel_loop3A_359 = arith.addi %iota3A, %parallel_loop3A_358 : vector<16xi32>
      %parallel_loop3A_360 = tpu.vector_load_idx %arg5[%parallel_loop3A_359, %parallel_loop3A_212] : memref<512x50xi32, #tpu.memory_space<vmem>>[vector<16xi32>, vector<16xi32>], vector<16xi32>,
      %parallel_loop3A_361 = arith.constant 288 : i32
      %parallel_loop3A_362 = arith.addi %parallel_loop3A_207, %parallel_loop3A_361 : i32
      %parallel_loop3A_363 = arith.index_cast %parallel_loop3A_362 : i32 to index
      %parallel_loop3A_364 = tpu.vector_load %arg6[%parallel_loop3A_363] {strides = array<i32>} : memref<25600xi32, #tpu.memory_space<vmem>>, vector<16xi32>,
      tpu.vector_store %arg6[%parallel_loop3A_363], %parallel_loop3A_360 {strides = array<i32>} : memref<25600xi32, #tpu.memory_space<vmem>>, vector<16xi32>,
      %parallel_loop3A_365 = arith.constant 304 : i32
      %parallel_loop3A_366 = vector.broadcast %parallel_loop3A_365 : i32 to vector<16xi32>
      %parallel_loop3A_367 = arith.addi %iota3A, %parallel_loop3A_366 : vector<16xi32>
      %parallel_loop3A_368 = tpu.vector_load_idx %arg5[%parallel_loop3A_367, %parallel_loop3A_212] : memref<512x50xi32, #tpu.memory_space<vmem>>[vector<16xi32>, vector<16xi32>], vector<16xi32>,
      %parallel_loop3A_369 = arith.constant 304 : i32
      %parallel_loop3A_370 = arith.addi %parallel_loop3A_207, %parallel_loop3A_369 : i32
      %parallel_loop3A_371 = arith.index_cast %parallel_loop3A_370 : i32 to index
      %parallel_loop3A_372 = tpu.vector_load %arg6[%parallel_loop3A_371] {strides = array<i32>} : memref<25600xi32, #tpu.memory_space<vmem>>, vector<16xi32>,
      tpu.vector_store %arg6[%parallel_loop3A_371], %parallel_loop3A_368 {strides = array<i32>} : memref<25600xi32, #tpu.memory_space<vmem>>, vector<16xi32>,
      %parallel_loop3A_373 = arith.constant 320 : i32
      %parallel_loop3A_374 = vector.broadcast %parallel_loop3A_373 : i32 to vector<16xi32>
      %parallel_loop3A_375 = arith.addi %iota3A, %parallel_loop3A_374 : vector<16xi32>
      %parallel_loop3A_376 = tpu.vector_load_idx %arg5[%parallel_loop3A_375, %parallel_loop3A_212] : memref<512x50xi32, #tpu.memory_space<vmem>>[vector<16xi32>, vector<16xi32>], vector<16xi32>,
      %parallel_loop3A_377 = arith.constant 320 : i32
      %parallel_loop3A_378 = arith.addi %parallel_loop3A_207, %parallel_loop3A_377 : i32
      %parallel_loop3A_379 = arith.index_cast %parallel_loop3A_378 : i32 to index
      %parallel_loop3A_380 = tpu.vector_load %arg6[%parallel_loop3A_379] {strides = array<i32>} : memref<25600xi32, #tpu.memory_space<vmem>>, vector<16xi32>,
      tpu.vector_store %arg6[%parallel_loop3A_379], %parallel_loop3A_376 {strides = array<i32>} : memref<25600xi32, #tpu.memory_space<vmem>>, vector<16xi32>,
      %parallel_loop3A_381 = arith.constant 336 : i32
      %parallel_loop3A_382 = vector.broadcast %parallel_loop3A_381 : i32 to vector<16xi32>
      %parallel_loop3A_383 = arith.addi %iota3A, %parallel_loop3A_382 : vector<16xi32>
      %parallel_loop3A_384 = tpu.vector_load_idx %arg5[%parallel_loop3A_383, %parallel_loop3A_212] : memref<512x50xi32, #tpu.memory_space<vmem>>[vector<16xi32>, vector<16xi32>], vector<16xi32>,
      %parallel_loop3A_385 = arith.constant 336 : i32
      %parallel_loop3A_386 = arith.addi %parallel_loop3A_207, %parallel_loop3A_385 : i32
      %parallel_loop3A_387 = arith.index_cast %parallel_loop3A_386 : i32 to index
      %parallel_loop3A_388 = tpu.vector_load %arg6[%parallel_loop3A_387] {strides = array<i32>} : memref<25600xi32, #tpu.memory_space<vmem>>, vector<16xi32>,
      tpu.vector_store %arg6[%parallel_loop3A_387], %parallel_loop3A_384 {strides = array<i32>} : memref<25600xi32, #tpu.memory_space<vmem>>, vector<16xi32>,
      %parallel_loop3A_389 = arith.constant 352 : i32
      %parallel_loop3A_390 = vector.broadcast %parallel_loop3A_389 : i32 to vector<16xi32>
      %parallel_loop3A_391 = arith.addi %iota3A, %parallel_loop3A_390 : vector<16xi32>
      %parallel_loop3A_392 = tpu.vector_load_idx %arg5[%parallel_loop3A_391, %parallel_loop3A_212] : memref<512x50xi32, #tpu.memory_space<vmem>>[vector<16xi32>, vector<16xi32>], vector<16xi32>,
      %parallel_loop3A_393 = arith.constant 352 : i32
      %parallel_loop3A_394 = arith.addi %parallel_loop3A_207, %parallel_loop3A_393 : i32
      %parallel_loop3A_395 = arith.index_cast %parallel_loop3A_394 : i32 to index
      %parallel_loop3A_396 = tpu.vector_load %arg6[%parallel_loop3A_395] {strides = array<i32>} : memref<25600xi32, #tpu.memory_space<vmem>>, vector<16xi32>,
      tpu.vector_store %arg6[%parallel_loop3A_395], %parallel_loop3A_392 {strides = array<i32>} : memref<25600xi32, #tpu.memory_space<vmem>>, vector<16xi32>,
      %parallel_loop3A_397 = arith.constant 368 : i32
      %parallel_loop3A_398 = vector.broadcast %parallel_loop3A_397 : i32 to vector<16xi32>
      %parallel_loop3A_399 = arith.addi %iota3A, %parallel_loop3A_398 : vector<16xi32>
      %parallel_loop3A_400 = tpu.vector_load_idx %arg5[%parallel_loop3A_399, %parallel_loop3A_212] : memref<512x50xi32, #tpu.memory_space<vmem>>[vector<16xi32>, vector<16xi32>], vector<16xi32>,
      %parallel_loop3A_401 = arith.constant 368 : i32
      %parallel_loop3A_402 = arith.addi %parallel_loop3A_207, %parallel_loop3A_401 : i32
      %parallel_loop3A_403 = arith.index_cast %parallel_loop3A_402 : i32 to index
      %parallel_loop3A_404 = tpu.vector_load %arg6[%parallel_loop3A_403] {strides = array<i32>} : memref<25600xi32, #tpu.memory_space<vmem>>, vector<16xi32>,
      tpu.vector_store %arg6[%parallel_loop3A_403], %parallel_loop3A_400 {strides = array<i32>} : memref<25600xi32, #tpu.memory_space<vmem>>, vector<16xi32>,
      %parallel_loop3A_405 = arith.constant 384 : i32
      %parallel_loop3A_406 = vector.broadcast %parallel_loop3A_405 : i32 to vector<16xi32>
      %parallel_loop3A_407 = arith.addi %iota3A, %parallel_loop3A_406 : vector<16xi32>
      %parallel_loop3A_408 = tpu.vector_load_idx %arg5[%parallel_loop3A_407, %parallel_loop3A_212] : memref<512x50xi32, #tpu.memory_space<vmem>>[vector<16xi32>, vector<16xi32>], vector<16xi32>,
      %parallel_loop3A_409 = arith.constant 384 : i32
      %parallel_loop3A_410 = arith.addi %parallel_loop3A_207, %parallel_loop3A_409 : i32
      %parallel_loop3A_411 = arith.index_cast %parallel_loop3A_410 : i32 to index
      %parallel_loop3A_412 = tpu.vector_load %arg6[%parallel_loop3A_411] {strides = array<i32>} : memref<25600xi32, #tpu.memory_space<vmem>>, vector<16xi32>,
      tpu.vector_store %arg6[%parallel_loop3A_411], %parallel_loop3A_408 {strides = array<i32>} : memref<25600xi32, #tpu.memory_space<vmem>>, vector<16xi32>,
      %parallel_loop3A_413 = arith.constant 400 : i32
      %parallel_loop3A_414 = vector.broadcast %parallel_loop3A_413 : i32 to vector<16xi32>
      %parallel_loop3A_415 = arith.addi %iota3A, %parallel_loop3A_414 : vector<16xi32>
      %parallel_loop3A_416 = tpu.vector_load_idx %arg5[%parallel_loop3A_415, %parallel_loop3A_212] : memref<512x50xi32, #tpu.memory_space<vmem>>[vector<16xi32>, vector<16xi32>], vector<16xi32>,
      %parallel_loop3A_417 = arith.constant 400 : i32
      %parallel_loop3A_418 = arith.addi %parallel_loop3A_207, %parallel_loop3A_417 : i32
      %parallel_loop3A_419 = arith.index_cast %parallel_loop3A_418 : i32 to index
      %parallel_loop3A_420 = tpu.vector_load %arg6[%parallel_loop3A_419] {strides = array<i32>} : memref<25600xi32, #tpu.memory_space<vmem>>, vector<16xi32>,
      tpu.vector_store %arg6[%parallel_loop3A_419], %parallel_loop3A_416 {strides = array<i32>} : memref<25600xi32, #tpu.memory_space<vmem>>, vector<16xi32>,
      %parallel_loop3A_421 = arith.constant 416 : i32
      %parallel_loop3A_422 = vector.broadcast %parallel_loop3A_421 : i32 to vector<16xi32>
      %parallel_loop3A_423 = arith.addi %iota3A, %parallel_loop3A_422 : vector<16xi32>
      %parallel_loop3A_424 = tpu.vector_load_idx %arg5[%parallel_loop3A_423, %parallel_loop3A_212] : memref<512x50xi32, #tpu.memory_space<vmem>>[vector<16xi32>, vector<16xi32>], vector<16xi32>,
      %parallel_loop3A_425 = arith.constant 416 : i32
      %parallel_loop3A_426 = arith.addi %parallel_loop3A_207, %parallel_loop3A_425 : i32
      %parallel_loop3A_427 = arith.index_cast %parallel_loop3A_426 : i32 to index
      %parallel_loop3A_428 = tpu.vector_load %arg6[%parallel_loop3A_427] {strides = array<i32>} : memref<25600xi32, #tpu.memory_space<vmem>>, vector<16xi32>,
      tpu.vector_store %arg6[%parallel_loop3A_427], %parallel_loop3A_424 {strides = array<i32>} : memref<25600xi32, #tpu.memory_space<vmem>>, vector<16xi32>,
      %parallel_loop3A_429 = arith.constant 432 : i32
      %parallel_loop3A_430 = vector.broadcast %parallel_loop3A_429 : i32 to vector<16xi32>
      %parallel_loop3A_431 = arith.addi %iota3A, %parallel_loop3A_430 : vector<16xi32>
      %parallel_loop3A_432 = tpu.vector_load_idx %arg5[%parallel_loop3A_431, %parallel_loop3A_212] : memref<512x50xi32, #tpu.memory_space<vmem>>[vector<16xi32>, vector<16xi32>], vector<16xi32>,
      %parallel_loop3A_433 = arith.constant 432 : i32
      %parallel_loop3A_434 = arith.addi %parallel_loop3A_207, %parallel_loop3A_433 : i32
      %parallel_loop3A_435 = arith.index_cast %parallel_loop3A_434 : i32 to index
      %parallel_loop3A_436 = tpu.vector_load %arg6[%parallel_loop3A_435] {strides = array<i32>} : memref<25600xi32, #tpu.memory_space<vmem>>, vector<16xi32>,
      tpu.vector_store %arg6[%parallel_loop3A_435], %parallel_loop3A_432 {strides = array<i32>} : memref<25600xi32, #tpu.memory_space<vmem>>, vector<16xi32>,
      %parallel_loop3A_437 = arith.constant 448 : i32
      %parallel_loop3A_438 = vector.broadcast %parallel_loop3A_437 : i32 to vector<16xi32>
      %parallel_loop3A_439 = arith.addi %iota3A, %parallel_loop3A_438 : vector<16xi32>
      %parallel_loop3A_440 = tpu.vector_load_idx %arg5[%parallel_loop3A_439, %parallel_loop3A_212] : memref<512x50xi32, #tpu.memory_space<vmem>>[vector<16xi32>, vector<16xi32>], vector<16xi32>,
      %parallel_loop3A_441 = arith.constant 448 : i32
      %parallel_loop3A_442 = arith.addi %parallel_loop3A_207, %parallel_loop3A_441 : i32
      %parallel_loop3A_443 = arith.index_cast %parallel_loop3A_442 : i32 to index
      %parallel_loop3A_444 = tpu.vector_load %arg6[%parallel_loop3A_443] {strides = array<i32>} : memref<25600xi32, #tpu.memory_space<vmem>>, vector<16xi32>,
      tpu.vector_store %arg6[%parallel_loop3A_443], %parallel_loop3A_440 {strides = array<i32>} : memref<25600xi32, #tpu.memory_space<vmem>>, vector<16xi32>,
      %parallel_loop3A_445 = arith.constant 464 : i32
      %parallel_loop3A_446 = vector.broadcast %parallel_loop3A_445 : i32 to vector<16xi32>
      %parallel_loop3A_447 = arith.addi %iota3A, %parallel_loop3A_446 : vector<16xi32>
      %parallel_loop3A_448 = tpu.vector_load_idx %arg5[%parallel_loop3A_447, %parallel_loop3A_212] : memref<512x50xi32, #tpu.memory_space<vmem>>[vector<16xi32>, vector<16xi32>], vector<16xi32>,
      %parallel_loop3A_449 = arith.constant 464 : i32
      %parallel_loop3A_450 = arith.addi %parallel_loop3A_207, %parallel_loop3A_449 : i32
      %parallel_loop3A_451 = arith.index_cast %parallel_loop3A_450 : i32 to index
      %parallel_loop3A_452 = tpu.vector_load %arg6[%parallel_loop3A_451] {strides = array<i32>} : memref<25600xi32, #tpu.memory_space<vmem>>, vector<16xi32>,
      tpu.vector_store %arg6[%parallel_loop3A_451], %parallel_loop3A_448 {strides = array<i32>} : memref<25600xi32, #tpu.memory_space<vmem>>, vector<16xi32>,
      %parallel_loop3A_453 = arith.constant 480 : i32
      %parallel_loop3A_454 = vector.broadcast %parallel_loop3A_453 : i32 to vector<16xi32>
      %parallel_loop3A_455 = arith.addi %iota3A, %parallel_loop3A_454 : vector<16xi32>
      %parallel_loop3A_456 = tpu.vector_load_idx %arg5[%parallel_loop3A_455, %parallel_loop3A_212] : memref<512x50xi32, #tpu.memory_space<vmem>>[vector<16xi32>, vector<16xi32>], vector<16xi32>,
      %parallel_loop3A_457 = arith.constant 480 : i32
      %parallel_loop3A_458 = arith.addi %parallel_loop3A_207, %parallel_loop3A_457 : i32
      %parallel_loop3A_459 = arith.index_cast %parallel_loop3A_458 : i32 to index
      %parallel_loop3A_460 = tpu.vector_load %arg6[%parallel_loop3A_459] {strides = array<i32>} : memref<25600xi32, #tpu.memory_space<vmem>>, vector<16xi32>,
      tpu.vector_store %arg6[%parallel_loop3A_459], %parallel_loop3A_456 {strides = array<i32>} : memref<25600xi32, #tpu.memory_space<vmem>>, vector<16xi32>,
      %parallel_loop3A_461 = arith.constant 496 : i32
      %parallel_loop3A_462 = vector.broadcast %parallel_loop3A_461 : i32 to vector<16xi32>
      %parallel_loop3A_463 = arith.addi %iota3A, %parallel_loop3A_462 : vector<16xi32>
      %parallel_loop3A_464 = tpu.vector_load_idx %arg5[%parallel_loop3A_463, %parallel_loop3A_212] : memref<512x50xi32, #tpu.memory_space<vmem>>[vector<16xi32>, vector<16xi32>], vector<16xi32>,
      %parallel_loop3A_465 = arith.constant 496 : i32
      %parallel_loop3A_466 = arith.addi %parallel_loop3A_207, %parallel_loop3A_465 : i32
      %parallel_loop3A_467 = arith.index_cast %parallel_loop3A_466 : i32 to index
      %parallel_loop3A_468 = tpu.vector_load %arg6[%parallel_loop3A_467] {strides = array<i32>} : memref<25600xi32, #tpu.memory_space<vmem>>, vector<16xi32>,
      tpu.vector_store %arg6[%parallel_loop3A_467], %parallel_loop3A_464 {strides = array<i32>} : memref<25600xi32, #tpu.memory_space<vmem>>, vector<16xi32>,
    } {sc.loop_unroll_factor = 2 : i64, sc.parallel_access}
    %dma_start3A_64 = arith.constant 0 : i32
    %dma_start3A_65 = arith.constant 0 : i32
    %dma_start3A_66 = tpu.memref_slice %arg7[%dma_start3A_64, %dma_start3A_65] : memref<512x32xf32, #tpu.memory_space<vmem>> -> memref<128x32xf32, #tpu.memory_space<vmem>>
    %dma_start3A_67 = arith.constant 0 : i32
    %dma_start3A_68 = tpu.memref_slice %arg6[%dma_start3A_67] : memref<25600xi32, #tpu.memory_space<vmem>> -> memref<128xi32, #tpu.memory_space<vmem>>
    %dma_start3A_69 = arith.constant 0 : i32
    %dma_start3A_70 = arith.constant 0 : i32
    %dma_start3A_71 = tpu.memref_slice %arg3[%dma_start3A_69, %dma_start3A_70] : memref<1000000x32xf32, #tpu.memory_space<hbm>> -> memref<1000000x32xf32, #tpu.memory_space<hbm>>
    tpu.enqueue_indirect_dma source(%dma_start3A_71 : memref<1000000x32xf32, #tpu.memory_space<hbm>>) target(%dma_start3A_66 : memref<128x32xf32, #tpu.memory_space<vmem>>) offsets(%dma_start3A_68 : memref<128xi32, #tpu.memory_space<vmem>>) semaphore(%arg12 : memref<!tpu.dma_semaphore, #tpu.memory_space<semaphore_mem>>)
    %dma_start3A_72 = arith.constant 128 : i32
    %dma_start3A_73 = arith.constant 0 : i32
    %dma_start3A_74 = tpu.memref_slice %arg7[%dma_start3A_72, %dma_start3A_73] : memref<512x32xf32, #tpu.memory_space<vmem>> -> memref<128x32xf32, #tpu.memory_space<vmem>>
    %dma_start3A_75 = arith.constant 128 : i32
    %dma_start3A_76 = tpu.memref_slice %arg6[%dma_start3A_75] : memref<25600xi32, #tpu.memory_space<vmem>> -> memref<128xi32, #tpu.memory_space<vmem>>
    %dma_start3A_77 = arith.constant 0 : i32
    %dma_start3A_78 = arith.constant 0 : i32
    %dma_start3A_79 = tpu.memref_slice %arg3[%dma_start3A_77, %dma_start3A_78] : memref<1000000x32xf32, #tpu.memory_space<hbm>> -> memref<1000000x32xf32, #tpu.memory_space<hbm>>
    tpu.enqueue_indirect_dma source(%dma_start3A_79 : memref<1000000x32xf32, #tpu.memory_space<hbm>>) target(%dma_start3A_74 : memref<128x32xf32, #tpu.memory_space<vmem>>) offsets(%dma_start3A_76 : memref<128xi32, #tpu.memory_space<vmem>>) semaphore(%arg12 : memref<!tpu.dma_semaphore, #tpu.memory_space<semaphore_mem>>)
    %dma_start3A_80 = arith.constant 256 : i32
    %dma_start3A_81 = arith.constant 0 : i32
    %dma_start3A_82 = tpu.memref_slice %arg7[%dma_start3A_80, %dma_start3A_81] : memref<512x32xf32, #tpu.memory_space<vmem>> -> memref<128x32xf32, #tpu.memory_space<vmem>>
    %dma_start3A_83 = arith.constant 256 : i32
    %dma_start3A_84 = tpu.memref_slice %arg6[%dma_start3A_83] : memref<25600xi32, #tpu.memory_space<vmem>> -> memref<128xi32, #tpu.memory_space<vmem>>
    %dma_start3A_85 = arith.constant 0 : i32
    %dma_start3A_86 = arith.constant 0 : i32
    %dma_start3A_87 = tpu.memref_slice %arg3[%dma_start3A_85, %dma_start3A_86] : memref<1000000x32xf32, #tpu.memory_space<hbm>> -> memref<1000000x32xf32, #tpu.memory_space<hbm>>
    tpu.enqueue_indirect_dma source(%dma_start3A_87 : memref<1000000x32xf32, #tpu.memory_space<hbm>>) target(%dma_start3A_82 : memref<128x32xf32, #tpu.memory_space<vmem>>) offsets(%dma_start3A_84 : memref<128xi32, #tpu.memory_space<vmem>>) semaphore(%arg12 : memref<!tpu.dma_semaphore, #tpu.memory_space<semaphore_mem>>)
    %dma_start3A_88 = arith.constant 384 : i32
    %dma_start3A_89 = arith.constant 0 : i32
    %dma_start3A_90 = tpu.memref_slice %arg7[%dma_start3A_88, %dma_start3A_89] : memref<512x32xf32, #tpu.memory_space<vmem>> -> memref<128x32xf32, #tpu.memory_space<vmem>>
    %dma_start3A_91 = arith.constant 384 : i32
    %dma_start3A_92 = tpu.memref_slice %arg6[%dma_start3A_91] : memref<25600xi32, #tpu.memory_space<vmem>> -> memref<128xi32, #tpu.memory_space<vmem>>
    %dma_start3A_93 = arith.constant 0 : i32
    %dma_start3A_94 = arith.constant 0 : i32
    %dma_start3A_95 = tpu.memref_slice %arg3[%dma_start3A_93, %dma_start3A_94] : memref<1000000x32xf32, #tpu.memory_space<hbm>> -> memref<1000000x32xf32, #tpu.memory_space<hbm>>
    tpu.enqueue_indirect_dma source(%dma_start3A_95 : memref<1000000x32xf32, #tpu.memory_space<hbm>>) target(%dma_start3A_90 : memref<128x32xf32, #tpu.memory_space<vmem>>) offsets(%dma_start3A_92 : memref<128xi32, #tpu.memory_space<vmem>>) semaphore(%arg12 : memref<!tpu.dma_semaphore, #tpu.memory_space<semaphore_mem>>)
    %scan3A = arith.constant 0 : i32
    %scan3A_96 = arith.constant 0 : i32
    %scan3A_97 = arith.constant 25 : i32
    %scan3A_98 = arith.addi %scan3A_96, %scan3A_97 : i32
    %scan3A_99 = arith.constant 1 : i32
    scf.for %scan3A_205 = %scan3A_96 to %scan3A_98 step %scan3A_99  : i32 {
      %mul3A_206 = arith.constant 2 : i32
      %mul3A_207 = arith.muli %scan3A_205, %mul3A_206 : i32
      %add3A_208 = arith.constant 1 : i32
      %add3A_209 = arith.addi %mul3A_207, %add3A_208 : i32
      %gt3A = arith.constant 0 : i32
      %gt3A_210 = arith.cmpi sgt, %scan3A_205, %gt3A : i32
      %convert_element_type3A = arith.extui %gt3A_210 : i1 to i32
      %cond3A = arith.constant 0 : i32
      %cond3A_211 = arith.cmpi ne, %convert_element_type3A, %cond3A : i32
      scf.if %cond3A_211 {
        %dma_wait3A_519 = arith.constant 0 : i32
        %dma_wait3A_520 = arith.constant 0 : i32
        %dma_wait3A_521 = arith.constant 0 : i32
        %dma_wait3A_522 = arith.constant 0 : i32
        %dma_wait3A_523 = tpu.memref_slice %arg10[%dma_wait3A_522] : memref<16384xf32, #tpu.memory_space<vmem>> -> memref<4096xf32, #tpu.memory_space<vmem>>
        %dma_wait3A_524 = arith.constant 0 : i32
        %dma_wait3A_525 = tpu.memref_slice %arg4[%dma_wait3A_519, %dma_wait3A_520, %dma_wait3A_521, %dma_wait3A_524] : memref<50x4x32x4096xf32, #tpu.memory_space<hbm>> -> memref<1x1x1x4096xf32, #tpu.memory_space<hbm>>
        %dma_wait3A_526 = tpu.memref_squeeze %dma_wait3A_525 : memref<1x1x1x4096xf32, #tpu.memory_space<hbm>> -> memref<4096xf32, #tpu.memory_space<hbm>>
        %dma_wait3A_527 = arith.constant 0 : i32
        %dma_wait3A_528 = tpu.memref_slice %arg4[%dma_wait3A_519, %dma_wait3A_520, %dma_wait3A_521, %dma_wait3A_527] : memref<50x4x32x4096xf32, #tpu.memory_space<hbm>> -> memref<1x1x1x4096xf32, #tpu.memory_space<hbm>>
        %dma_wait3A_529 = tpu.memref_squeeze %dma_wait3A_528 : memref<1x1x1x4096xf32, #tpu.memory_space<hbm>> -> memref<4096xf32, #tpu.memory_space<hbm>>
        %dma_wait3A_530 = arith.constant 0 : i32
        %dma_wait3A_531 = tpu.memref_slice %arg10[%dma_wait3A_530] : memref<16384xf32, #tpu.memory_space<vmem>> -> memref<4096xf32, #tpu.memory_space<vmem>>
        tpu.wait_dma2 semaphore(%arg15 : memref<!tpu.dma_semaphore, #tpu.memory_space<semaphore_mem>>) src(%dma_wait3A_531 : memref<4096xf32, #tpu.memory_space<vmem>>) dst(%dma_wait3A_529 : memref<4096xf32, #tpu.memory_space<hbm>>)
        %dma_wait3A_532 = arith.constant 0 : i32
        %dma_wait3A_533 = arith.constant 0 : i32
        %dma_wait3A_534 = arith.constant 0 : i32
        %dma_wait3A_535 = arith.constant 4096 : i32
        %dma_wait3A_536 = tpu.memref_slice %arg10[%dma_wait3A_535] : memref<16384xf32, #tpu.memory_space<vmem>> -> memref<4096xf32, #tpu.memory_space<vmem>>
        %dma_wait3A_537 = arith.constant 0 : i32
        %dma_wait3A_538 = tpu.memref_slice %arg4[%dma_wait3A_532, %dma_wait3A_533, %dma_wait3A_534, %dma_wait3A_537] : memref<50x4x32x4096xf32, #tpu.memory_space<hbm>> -> memref<1x1x1x4096xf32, #tpu.memory_space<hbm>>
        %dma_wait3A_539 = tpu.memref_squeeze %dma_wait3A_538 : memref<1x1x1x4096xf32, #tpu.memory_space<hbm>> -> memref<4096xf32, #tpu.memory_space<hbm>>
        %dma_wait3A_540 = arith.constant 0 : i32
        %dma_wait3A_541 = tpu.memref_slice %arg4[%dma_wait3A_532, %dma_wait3A_533, %dma_wait3A_534, %dma_wait3A_540] : memref<50x4x32x4096xf32, #tpu.memory_space<hbm>> -> memref<1x1x1x4096xf32, #tpu.memory_space<hbm>>
        %dma_wait3A_542 = tpu.memref_squeeze %dma_wait3A_541 : memref<1x1x1x4096xf32, #tpu.memory_space<hbm>> -> memref<4096xf32, #tpu.memory_space<hbm>>
        %dma_wait3A_543 = arith.constant 4096 : i32
        %dma_wait3A_544 = tpu.memref_slice %arg10[%dma_wait3A_543] : memref<16384xf32, #tpu.memory_space<vmem>> -> memref<4096xf32, #tpu.memory_space<vmem>>
        tpu.wait_dma2 semaphore(%arg15 : memref<!tpu.dma_semaphore, #tpu.memory_space<semaphore_mem>>) src(%dma_wait3A_544 : memref<4096xf32, #tpu.memory_space<vmem>>) dst(%dma_wait3A_542 : memref<4096xf32, #tpu.memory_space<hbm>>)
        %dma_wait3A_545 = arith.constant 0 : i32
        %dma_wait3A_546 = arith.constant 0 : i32
        %dma_wait3A_547 = arith.constant 0 : i32
        %dma_wait3A_548 = arith.constant 8192 : i32
        %dma_wait3A_549 = tpu.memref_slice %arg10[%dma_wait3A_548] : memref<16384xf32, #tpu.memory_space<vmem>> -> memref<4096xf32, #tpu.memory_space<vmem>>
        %dma_wait3A_550 = arith.constant 0 : i32
        %dma_wait3A_551 = tpu.memref_slice %arg4[%dma_wait3A_545, %dma_wait3A_546, %dma_wait3A_547, %dma_wait3A_550] : memref<50x4x32x4096xf32, #tpu.memory_space<hbm>> -> memref<1x1x1x4096xf32, #tpu.memory_space<hbm>>
        %dma_wait3A_552 = tpu.memref_squeeze %dma_wait3A_551 : memref<1x1x1x4096xf32, #tpu.memory_space<hbm>> -> memref<4096xf32, #tpu.memory_space<hbm>>
        %dma_wait3A_553 = arith.constant 0 : i32
        %dma_wait3A_554 = tpu.memref_slice %arg4[%dma_wait3A_545, %dma_wait3A_546, %dma_wait3A_547, %dma_wait3A_553] : memref<50x4x32x4096xf32, #tpu.memory_space<hbm>> -> memref<1x1x1x4096xf32, #tpu.memory_space<hbm>>
        %dma_wait3A_555 = tpu.memref_squeeze %dma_wait3A_554 : memref<1x1x1x4096xf32, #tpu.memory_space<hbm>> -> memref<4096xf32, #tpu.memory_space<hbm>>
        %dma_wait3A_556 = arith.constant 8192 : i32
        %dma_wait3A_557 = tpu.memref_slice %arg10[%dma_wait3A_556] : memref<16384xf32, #tpu.memory_space<vmem>> -> memref<4096xf32, #tpu.memory_space<vmem>>
        tpu.wait_dma2 semaphore(%arg15 : memref<!tpu.dma_semaphore, #tpu.memory_space<semaphore_mem>>) src(%dma_wait3A_557 : memref<4096xf32, #tpu.memory_space<vmem>>) dst(%dma_wait3A_555 : memref<4096xf32, #tpu.memory_space<hbm>>)
        %dma_wait3A_558 = arith.constant 0 : i32
        %dma_wait3A_559 = arith.constant 0 : i32
        %dma_wait3A_560 = arith.constant 0 : i32
        %dma_wait3A_561 = arith.constant 12288 : i32
        %dma_wait3A_562 = tpu.memref_slice %arg10[%dma_wait3A_561] : memref<16384xf32, #tpu.memory_space<vmem>> -> memref<4096xf32, #tpu.memory_space<vmem>>
        %dma_wait3A_563 = arith.constant 0 : i32
        %dma_wait3A_564 = tpu.memref_slice %arg4[%dma_wait3A_558, %dma_wait3A_559, %dma_wait3A_560, %dma_wait3A_563] : memref<50x4x32x4096xf32, #tpu.memory_space<hbm>> -> memref<1x1x1x4096xf32, #tpu.memory_space<hbm>>
        %dma_wait3A_565 = tpu.memref_squeeze %dma_wait3A_564 : memref<1x1x1x4096xf32, #tpu.memory_space<hbm>> -> memref<4096xf32, #tpu.memory_space<hbm>>
        %dma_wait3A_566 = arith.constant 0 : i32
        %dma_wait3A_567 = tpu.memref_slice %arg4[%dma_wait3A_558, %dma_wait3A_559, %dma_wait3A_560, %dma_wait3A_566] : memref<50x4x32x4096xf32, #tpu.memory_space<hbm>> -> memref<1x1x1x4096xf32, #tpu.memory_space<hbm>>
        %dma_wait3A_568 = tpu.memref_squeeze %dma_wait3A_567 : memref<1x1x1x4096xf32, #tpu.memory_space<hbm>> -> memref<4096xf32, #tpu.memory_space<hbm>>
        %dma_wait3A_569 = arith.constant 12288 : i32
        %dma_wait3A_570 = tpu.memref_slice %arg10[%dma_wait3A_569] : memref<16384xf32, #tpu.memory_space<vmem>> -> memref<4096xf32, #tpu.memory_space<vmem>>
        tpu.wait_dma2 semaphore(%arg15 : memref<!tpu.dma_semaphore, #tpu.memory_space<semaphore_mem>>) src(%dma_wait3A_570 : memref<4096xf32, #tpu.memory_space<vmem>>) dst(%dma_wait3A_568 : memref<4096xf32, #tpu.memory_space<hbm>>)
      } else {
      }
      %mul3A_212 = arith.constant 512 : i32
      %mul3A_213 = arith.muli %add3A_209, %mul3A_212 : i32
      %add3A_214 = arith.constant 0 : i32
      %add3A_215 = arith.addi %mul3A_213, %add3A_214 : i32
      %dma_start3A_216 = arith.constant 0 : i32
      %dma_start3A_217 = arith.constant 0 : i32
      %dma_start3A_218 = tpu.memref_slice %arg8[%dma_start3A_216, %dma_start3A_217] : memref<512x32xf32, #tpu.memory_space<vmem>> -> memref<128x32xf32, #tpu.memory_space<vmem>>
      %dma_start3A_219 = tpu.memref_slice %arg6[%add3A_215] : memref<25600xi32, #tpu.memory_space<vmem>> -> memref<128xi32, #tpu.memory_space<vmem>>
      %dma_start3A_220 = arith.constant 0 : i32
      %dma_start3A_221 = arith.constant 0 : i32
      %dma_start3A_222 = tpu.memref_slice %arg3[%dma_start3A_220, %dma_start3A_221] : memref<1000000x32xf32, #tpu.memory_space<hbm>> -> memref<1000000x32xf32, #tpu.memory_space<hbm>>
      tpu.enqueue_indirect_dma source(%dma_start3A_222 : memref<1000000x32xf32, #tpu.memory_space<hbm>>) target(%dma_start3A_218 : memref<128x32xf32, #tpu.memory_space<vmem>>) offsets(%dma_start3A_219 : memref<128xi32, #tpu.memory_space<vmem>>) semaphore(%arg13 : memref<!tpu.dma_semaphore, #tpu.memory_space<semaphore_mem>>)
      %mul3A_223 = arith.constant 512 : i32
      %mul3A_224 = arith.muli %add3A_209, %mul3A_223 : i32
      %add3A_225 = arith.constant 128 : i32
      %add3A_226 = arith.addi %mul3A_224, %add3A_225 : i32
      %dma_start3A_227 = arith.constant 128 : i32
      %dma_start3A_228 = arith.constant 0 : i32
      %dma_start3A_229 = tpu.memref_slice %arg8[%dma_start3A_227, %dma_start3A_228] : memref<512x32xf32, #tpu.memory_space<vmem>> -> memref<128x32xf32, #tpu.memory_space<vmem>>
      %dma_start3A_230 = tpu.memref_slice %arg6[%add3A_226] : memref<25600xi32, #tpu.memory_space<vmem>> -> memref<128xi32, #tpu.memory_space<vmem>>
      %dma_start3A_231 = arith.constant 0 : i32
      %dma_start3A_232 = arith.constant 0 : i32
      %dma_start3A_233 = tpu.memref_slice %arg3[%dma_start3A_231, %dma_start3A_232] : memref<1000000x32xf32, #tpu.memory_space<hbm>> -> memref<1000000x32xf32, #tpu.memory_space<hbm>>
      tpu.enqueue_indirect_dma source(%dma_start3A_233 : memref<1000000x32xf32, #tpu.memory_space<hbm>>) target(%dma_start3A_229 : memref<128x32xf32, #tpu.memory_space<vmem>>) offsets(%dma_start3A_230 : memref<128xi32, #tpu.memory_space<vmem>>) semaphore(%arg13 : memref<!tpu.dma_semaphore, #tpu.memory_space<semaphore_mem>>)
      %mul3A_234 = arith.constant 512 : i32
      %mul3A_235 = arith.muli %add3A_209, %mul3A_234 : i32
      %add3A_236 = arith.constant 256 : i32
      %add3A_237 = arith.addi %mul3A_235, %add3A_236 : i32
      %dma_start3A_238 = arith.constant 256 : i32
      %dma_start3A_239 = arith.constant 0 : i32
      %dma_start3A_240 = tpu.memref_slice %arg8[%dma_start3A_238, %dma_start3A_239] : memref<512x32xf32, #tpu.memory_space<vmem>> -> memref<128x32xf32, #tpu.memory_space<vmem>>
      %dma_start3A_241 = tpu.memref_slice %arg6[%add3A_237] : memref<25600xi32, #tpu.memory_space<vmem>> -> memref<128xi32, #tpu.memory_space<vmem>>
      %dma_start3A_242 = arith.constant 0 : i32
      %dma_start3A_243 = arith.constant 0 : i32
      %dma_start3A_244 = tpu.memref_slice %arg3[%dma_start3A_242, %dma_start3A_243] : memref<1000000x32xf32, #tpu.memory_space<hbm>> -> memref<1000000x32xf32, #tpu.memory_space<hbm>>
      tpu.enqueue_indirect_dma source(%dma_start3A_244 : memref<1000000x32xf32, #tpu.memory_space<hbm>>) target(%dma_start3A_240 : memref<128x32xf32, #tpu.memory_space<vmem>>) offsets(%dma_start3A_241 : memref<128xi32, #tpu.memory_space<vmem>>) semaphore(%arg13 : memref<!tpu.dma_semaphore, #tpu.memory_space<semaphore_mem>>)
      %mul3A_245 = arith.constant 512 : i32
      %mul3A_246 = arith.muli %add3A_209, %mul3A_245 : i32
      %add3A_247 = arith.constant 384 : i32
      %add3A_248 = arith.addi %mul3A_246, %add3A_247 : i32
      %dma_start3A_249 = arith.constant 384 : i32
      %dma_start3A_250 = arith.constant 0 : i32
      %dma_start3A_251 = tpu.memref_slice %arg8[%dma_start3A_249, %dma_start3A_250] : memref<512x32xf32, #tpu.memory_space<vmem>> -> memref<128x32xf32, #tpu.memory_space<vmem>>
      %dma_start3A_252 = tpu.memref_slice %arg6[%add3A_248] : memref<25600xi32, #tpu.memory_space<vmem>> -> memref<128xi32, #tpu.memory_space<vmem>>
      %dma_start3A_253 = arith.constant 0 : i32
      %dma_start3A_254 = arith.constant 0 : i32
      %dma_start3A_255 = tpu.memref_slice %arg3[%dma_start3A_253, %dma_start3A_254] : memref<1000000x32xf32, #tpu.memory_space<hbm>> -> memref<1000000x32xf32, #tpu.memory_space<hbm>>
      tpu.enqueue_indirect_dma source(%dma_start3A_255 : memref<1000000x32xf32, #tpu.memory_space<hbm>>) target(%dma_start3A_251 : memref<128x32xf32, #tpu.memory_space<vmem>>) offsets(%dma_start3A_252 : memref<128xi32, #tpu.memory_space<vmem>>) semaphore(%arg13 : memref<!tpu.dma_semaphore, #tpu.memory_space<semaphore_mem>>)
      %dma_wait3A_256 = arith.constant 0 : i32
      %dma_wait3A_257 = arith.constant 0 : i32
      %dma_wait3A_258 = tpu.memref_slice %arg7[%dma_wait3A_256, %dma_wait3A_257] : memref<512x32xf32, #tpu.memory_space<vmem>> -> memref<128x32xf32, #tpu.memory_space<vmem>>
      %dma_wait3A_259 = arith.constant 0 : i32
      %dma_wait3A_260 = arith.constant 0 : i32
      %dma_wait3A_261 = tpu.memref_slice %arg3[%dma_wait3A_259, %dma_wait3A_260] : memref<1000000x32xf32, #tpu.memory_space<hbm>> -> memref<128x32xf32, #tpu.memory_space<hbm>>
      %dma_wait3A_262 = arith.constant 0 : i32
      %dma_wait3A_263 = arith.constant 0 : i32
      %dma_wait3A_264 = tpu.memref_slice %arg7[%dma_wait3A_262, %dma_wait3A_263] : memref<512x32xf32, #tpu.memory_space<vmem>> -> memref<128x32xf32, #tpu.memory_space<vmem>>
      %dma_wait3A_265 = arith.constant 0 : i32
      %dma_wait3A_266 = arith.constant 0 : i32
      %dma_wait3A_267 = tpu.memref_slice %arg3[%dma_wait3A_265, %dma_wait3A_266] : memref<1000000x32xf32, #tpu.memory_space<hbm>> -> memref<128x32xf32, #tpu.memory_space<hbm>>
      tpu.wait_dma2 semaphore(%arg12 : memref<!tpu.dma_semaphore, #tpu.memory_space<semaphore_mem>>) src(%dma_wait3A_267 : memref<128x32xf32, #tpu.memory_space<hbm>>) dst(%dma_wait3A_264 : memref<128x32xf32, #tpu.memory_space<vmem>>)
      %dma_wait3A_268 = arith.constant 128 : i32
      %dma_wait3A_269 = arith.constant 0 : i32
      %dma_wait3A_270 = tpu.memref_slice %arg7[%dma_wait3A_268, %dma_wait3A_269] : memref<512x32xf32, #tpu.memory_space<vmem>> -> memref<128x32xf32, #tpu.memory_space<vmem>>
      %dma_wait3A_271 = arith.constant 0 : i32
      %dma_wait3A_272 = arith.constant 0 : i32
      %dma_wait3A_273 = tpu.memref_slice %arg3[%dma_wait3A_271, %dma_wait3A_272] : memref<1000000x32xf32, #tpu.memory_space<hbm>> -> memref<128x32xf32, #tpu.memory_space<hbm>>
      %dma_wait3A_274 = arith.constant 128 : i32
      %dma_wait3A_275 = arith.constant 0 : i32
      %dma_wait3A_276 = tpu.memref_slice %arg7[%dma_wait3A_274, %dma_wait3A_275] : memref<512x32xf32, #tpu.memory_space<vmem>> -> memref<128x32xf32, #tpu.memory_space<vmem>>
      %dma_wait3A_277 = arith.constant 0 : i32
      %dma_wait3A_278 = arith.constant 0 : i32
      %dma_wait3A_279 = tpu.memref_slice %arg3[%dma_wait3A_277, %dma_wait3A_278] : memref<1000000x32xf32, #tpu.memory_space<hbm>> -> memref<128x32xf32, #tpu.memory_space<hbm>>
      tpu.wait_dma2 semaphore(%arg12 : memref<!tpu.dma_semaphore, #tpu.memory_space<semaphore_mem>>) src(%dma_wait3A_279 : memref<128x32xf32, #tpu.memory_space<hbm>>) dst(%dma_wait3A_276 : memref<128x32xf32, #tpu.memory_space<vmem>>)
      %dma_wait3A_280 = arith.constant 256 : i32
      %dma_wait3A_281 = arith.constant 0 : i32
      %dma_wait3A_282 = tpu.memref_slice %arg7[%dma_wait3A_280, %dma_wait3A_281] : memref<512x32xf32, #tpu.memory_space<vmem>> -> memref<128x32xf32, #tpu.memory_space<vmem>>
      %dma_wait3A_283 = arith.constant 0 : i32
      %dma_wait3A_284 = arith.constant 0 : i32
      %dma_wait3A_285 = tpu.memref_slice %arg3[%dma_wait3A_283, %dma_wait3A_284] : memref<1000000x32xf32, #tpu.memory_space<hbm>> -> memref<128x32xf32, #tpu.memory_space<hbm>>
      %dma_wait3A_286 = arith.constant 256 : i32
      %dma_wait3A_287 = arith.constant 0 : i32
      %dma_wait3A_288 = tpu.memref_slice %arg7[%dma_wait3A_286, %dma_wait3A_287] : memref<512x32xf32, #tpu.memory_space<vmem>> -> memref<128x32xf32, #tpu.memory_space<vmem>>
      %dma_wait3A_289 = arith.constant 0 : i32
      %dma_wait3A_290 = arith.constant 0 : i32
      %dma_wait3A_291 = tpu.memref_slice %arg3[%dma_wait3A_289, %dma_wait3A_290] : memref<1000000x32xf32, #tpu.memory_space<hbm>> -> memref<128x32xf32, #tpu.memory_space<hbm>>
      tpu.wait_dma2 semaphore(%arg12 : memref<!tpu.dma_semaphore, #tpu.memory_space<semaphore_mem>>) src(%dma_wait3A_291 : memref<128x32xf32, #tpu.memory_space<hbm>>) dst(%dma_wait3A_288 : memref<128x32xf32, #tpu.memory_space<vmem>>)
      %dma_wait3A_292 = arith.constant 384 : i32
      %dma_wait3A_293 = arith.constant 0 : i32
      %dma_wait3A_294 = tpu.memref_slice %arg7[%dma_wait3A_292, %dma_wait3A_293] : memref<512x32xf32, #tpu.memory_space<vmem>> -> memref<128x32xf32, #tpu.memory_space<vmem>>
      %dma_wait3A_295 = arith.constant 0 : i32
      %dma_wait3A_296 = arith.constant 0 : i32
      %dma_wait3A_297 = tpu.memref_slice %arg3[%dma_wait3A_295, %dma_wait3A_296] : memref<1000000x32xf32, #tpu.memory_space<hbm>> -> memref<128x32xf32, #tpu.memory_space<hbm>>
      %dma_wait3A_298 = arith.constant 384 : i32
      %dma_wait3A_299 = arith.constant 0 : i32
      %dma_wait3A_300 = tpu.memref_slice %arg7[%dma_wait3A_298, %dma_wait3A_299] : memref<512x32xf32, #tpu.memory_space<vmem>> -> memref<128x32xf32, #tpu.memory_space<vmem>>
      %dma_wait3A_301 = arith.constant 0 : i32
      %dma_wait3A_302 = arith.constant 0 : i32
      %dma_wait3A_303 = tpu.memref_slice %arg3[%dma_wait3A_301, %dma_wait3A_302] : memref<1000000x32xf32, #tpu.memory_space<hbm>> -> memref<128x32xf32, #tpu.memory_space<hbm>>
      tpu.wait_dma2 semaphore(%arg12 : memref<!tpu.dma_semaphore, #tpu.memory_space<semaphore_mem>>) src(%dma_wait3A_303 : memref<128x32xf32, #tpu.memory_space<hbm>>) dst(%dma_wait3A_300 : memref<128x32xf32, #tpu.memory_space<vmem>>)
      %add3A_304 = arith.constant 0 : i32
      %add3A_305 = vector.broadcast %add3A_304 : i32 to vector<16xi32>
      %add3A_306 = arith.addi %add3A_52, %add3A_305 : vector<16xi32>
      %add3A_307 = arith.constant 0 : i32
      %add3A_308 = vector.broadcast %add3A_307 : i32 to vector<16xi32>
      %add3A_309 = arith.addi %add3A_55, %add3A_308 : vector<16xi32>
      %parallel_loop3A_310 = arith.constant 0 : i32
      %parallel_loop3A_311 = arith.constant 128 : i32
      %parallel_loop3A_312 = arith.constant 1 : i32
      scf.for %parallel_loop3A_519 = %parallel_loop3A_310 to %parallel_loop3A_311 step %parallel_loop3A_312  : i32 {
        %parallel_loop3A_520 = arith.constant 0 : i32
        %parallel_loop3A_521 = arith.addi %parallel_loop3A_520, %parallel_loop3A_519 : i32
        %parallel_loop3A_522 = vector.broadcast %parallel_loop3A_519 : i32 to vector<16xi32>
        %parallel_loop3A_523 = arith.addi %add3A_306, %parallel_loop3A_522 : vector<16xi32>
        %parallel_loop3A_524 = arith.index_cast %parallel_loop3A_521 : i32 to index
        %parallel_loop3A_525 = arith.constant 0 : index
        %parallel_loop3A_526 = tpu.vector_load %arg7[%parallel_loop3A_524, %parallel_loop3A_525] {strides = array<i32>} : memref<512x32xf32, #tpu.memory_space<vmem>>, vector<16xf32>,
        tpu.vector_store_idx %arg9[%parallel_loop3A_523], %parallel_loop3A_526 : memref<16384xf32, #tpu.memory_space<vmem>>[vector<16xi32>], vector<16xf32>,
        %parallel_loop3A_527 = vector.broadcast %parallel_loop3A_519 : i32 to vector<16xi32>
        %parallel_loop3A_528 = arith.addi %add3A_309, %parallel_loop3A_527 : vector<16xi32>
        %parallel_loop3A_529 = arith.index_cast %parallel_loop3A_521 : i32 to index
        %parallel_loop3A_530 = arith.constant 16 : index
        %parallel_loop3A_531 = tpu.vector_load %arg7[%parallel_loop3A_529, %parallel_loop3A_530] {strides = array<i32>} : memref<512x32xf32, #tpu.memory_space<vmem>>, vector<16xf32>,
        tpu.vector_store_idx %arg9[%parallel_loop3A_528], %parallel_loop3A_531 : memref<16384xf32, #tpu.memory_space<vmem>>[vector<16xi32>], vector<16xf32>,
      } {sc.loop_unroll_factor = 16 : i64, sc.parallel_access}
      %add3A_313 = arith.constant 1024 : i32
      %add3A_314 = vector.broadcast %add3A_313 : i32 to vector<16xi32>
      %add3A_315 = arith.addi %add3A_52, %add3A_314 : vector<16xi32>
      %add3A_316 = arith.constant 1024 : i32
      %add3A_317 = vector.broadcast %add3A_316 : i32 to vector<16xi32>
      %add3A_318 = arith.addi %add3A_55, %add3A_317 : vector<16xi32>
      %parallel_loop3A_319 = arith.constant 0 : i32
      %parallel_loop3A_320 = arith.constant 128 : i32
      %parallel_loop3A_321 = arith.constant 1 : i32
      scf.for %parallel_loop3A_519 = %parallel_loop3A_319 to %parallel_loop3A_320 step %parallel_loop3A_321  : i32 {
        %parallel_loop3A_520 = arith.constant 128 : i32
        %parallel_loop3A_521 = arith.addi %parallel_loop3A_520, %parallel_loop3A_519 : i32
        %parallel_loop3A_522 = vector.broadcast %parallel_loop3A_519 : i32 to vector<16xi32>
        %parallel_loop3A_523 = arith.addi %add3A_315, %parallel_loop3A_522 : vector<16xi32>
        %parallel_loop3A_524 = arith.index_cast %parallel_loop3A_521 : i32 to index
        %parallel_loop3A_525 = arith.constant 0 : index
        %parallel_loop3A_526 = tpu.vector_load %arg7[%parallel_loop3A_524, %parallel_loop3A_525] {strides = array<i32>} : memref<512x32xf32, #tpu.memory_space<vmem>>, vector<16xf32>,
        tpu.vector_store_idx %arg9[%parallel_loop3A_523], %parallel_loop3A_526 : memref<16384xf32, #tpu.memory_space<vmem>>[vector<16xi32>], vector<16xf32>,
        %parallel_loop3A_527 = vector.broadcast %parallel_loop3A_519 : i32 to vector<16xi32>
        %parallel_loop3A_528 = arith.addi %add3A_318, %parallel_loop3A_527 : vector<16xi32>
        %parallel_loop3A_529 = arith.index_cast %parallel_loop3A_521 : i32 to index
        %parallel_loop3A_530 = arith.constant 16 : index
        %parallel_loop3A_531 = tpu.vector_load %arg7[%parallel_loop3A_529, %parallel_loop3A_530] {strides = array<i32>} : memref<512x32xf32, #tpu.memory_space<vmem>>, vector<16xf32>,
        tpu.vector_store_idx %arg9[%parallel_loop3A_528], %parallel_loop3A_531 : memref<16384xf32, #tpu.memory_space<vmem>>[vector<16xi32>], vector<16xf32>,
      } {sc.loop_unroll_factor = 16 : i64, sc.parallel_access}
      %add3A_322 = arith.constant 2048 : i32
      %add3A_323 = vector.broadcast %add3A_322 : i32 to vector<16xi32>
      %add3A_324 = arith.addi %add3A_52, %add3A_323 : vector<16xi32>
      %add3A_325 = arith.constant 2048 : i32
      %add3A_326 = vector.broadcast %add3A_325 : i32 to vector<16xi32>
      %add3A_327 = arith.addi %add3A_55, %add3A_326 : vector<16xi32>
      %parallel_loop3A_328 = arith.constant 0 : i32
      %parallel_loop3A_329 = arith.constant 128 : i32
      %parallel_loop3A_330 = arith.constant 1 : i32
      scf.for %parallel_loop3A_519 = %parallel_loop3A_328 to %parallel_loop3A_329 step %parallel_loop3A_330  : i32 {
        %parallel_loop3A_520 = arith.constant 256 : i32
        %parallel_loop3A_521 = arith.addi %parallel_loop3A_520, %parallel_loop3A_519 : i32
        %parallel_loop3A_522 = vector.broadcast %parallel_loop3A_519 : i32 to vector<16xi32>
        %parallel_loop3A_523 = arith.addi %add3A_324, %parallel_loop3A_522 : vector<16xi32>
        %parallel_loop3A_524 = arith.index_cast %parallel_loop3A_521 : i32 to index
        %parallel_loop3A_525 = arith.constant 0 : index
        %parallel_loop3A_526 = tpu.vector_load %arg7[%parallel_loop3A_524, %parallel_loop3A_525] {strides = array<i32>} : memref<512x32xf32, #tpu.memory_space<vmem>>, vector<16xf32>,
        tpu.vector_store_idx %arg9[%parallel_loop3A_523], %parallel_loop3A_526 : memref<16384xf32, #tpu.memory_space<vmem>>[vector<16xi32>], vector<16xf32>,
        %parallel_loop3A_527 = vector.broadcast %parallel_loop3A_519 : i32 to vector<16xi32>
        %parallel_loop3A_528 = arith.addi %add3A_327, %parallel_loop3A_527 : vector<16xi32>
        %parallel_loop3A_529 = arith.index_cast %parallel_loop3A_521 : i32 to index
        %parallel_loop3A_530 = arith.constant 16 : index
        %parallel_loop3A_531 = tpu.vector_load %arg7[%parallel_loop3A_529, %parallel_loop3A_530] {strides = array<i32>} : memref<512x32xf32, #tpu.memory_space<vmem>>, vector<16xf32>,
        tpu.vector_store_idx %arg9[%parallel_loop3A_528], %parallel_loop3A_531 : memref<16384xf32, #tpu.memory_space<vmem>>[vector<16xi32>], vector<16xf32>,
      } {sc.loop_unroll_factor = 16 : i64, sc.parallel_access}
      %add3A_331 = arith.constant 3072 : i32
      %add3A_332 = vector.broadcast %add3A_331 : i32 to vector<16xi32>
      %add3A_333 = arith.addi %add3A_52, %add3A_332 : vector<16xi32>
      %add3A_334 = arith.constant 3072 : i32
      %add3A_335 = vector.broadcast %add3A_334 : i32 to vector<16xi32>
      %add3A_336 = arith.addi %add3A_55, %add3A_335 : vector<16xi32>
      %parallel_loop3A_337 = arith.constant 0 : i32
      %parallel_loop3A_338 = arith.constant 128 : i32
      %parallel_loop3A_339 = arith.constant 1 : i32
      scf.for %parallel_loop3A_519 = %parallel_loop3A_337 to %parallel_loop3A_338 step %parallel_loop3A_339  : i32 {
        %parallel_loop3A_520 = arith.constant 384 : i32
        %parallel_loop3A_521 = arith.addi %parallel_loop3A_520, %parallel_loop3A_519 : i32
        %parallel_loop3A_522 = vector.broadcast %parallel_loop3A_519 : i32 to vector<16xi32>
        %parallel_loop3A_523 = arith.addi %add3A_333, %parallel_loop3A_522 : vector<16xi32>
        %parallel_loop3A_524 = arith.index_cast %parallel_loop3A_521 : i32 to index
        %parallel_loop3A_525 = arith.constant 0 : index
        %parallel_loop3A_526 = tpu.vector_load %arg7[%parallel_loop3A_524, %parallel_loop3A_525] {strides = array<i32>} : memref<512x32xf32, #tpu.memory_space<vmem>>, vector<16xf32>,
        tpu.vector_store_idx %arg9[%parallel_loop3A_523], %parallel_loop3A_526 : memref<16384xf32, #tpu.memory_space<vmem>>[vector<16xi32>], vector<16xf32>,
        %parallel_loop3A_527 = vector.broadcast %parallel_loop3A_519 : i32 to vector<16xi32>
        %parallel_loop3A_528 = arith.addi %add3A_336, %parallel_loop3A_527 : vector<16xi32>
        %parallel_loop3A_529 = arith.index_cast %parallel_loop3A_521 : i32 to index
        %parallel_loop3A_530 = arith.constant 16 : index
        %parallel_loop3A_531 = tpu.vector_load %arg7[%parallel_loop3A_529, %parallel_loop3A_530] {strides = array<i32>} : memref<512x32xf32, #tpu.memory_space<vmem>>, vector<16xf32>,
        tpu.vector_store_idx %arg9[%parallel_loop3A_528], %parallel_loop3A_531 : memref<16384xf32, #tpu.memory_space<vmem>>[vector<16xi32>], vector<16xf32>,
      } {sc.loop_unroll_factor = 16 : i64, sc.parallel_access}
      %dma_start3A_340 = arith.constant 0 : i32
      %dma_start3A_341 = arith.constant 0 : i32
      %dma_start3A_342 = tpu.memref_slice %arg9[%dma_start3A_341] : memref<16384xf32, #tpu.memory_space<vmem>> -> memref<4096xf32, #tpu.memory_space<vmem>>
      %dma_start3A_343 = arith.constant 0 : i32
      %dma_start3A_344 = tpu.memref_slice %arg4[%mul3A_207, %dma_start3A_340, %add3A, %dma_start3A_343] : memref<50x4x32x4096xf32, #tpu.memory_space<hbm>> -> memref<1x1x1x4096xf32, #tpu.memory_space<hbm>>
      %dma_start3A_345 = tpu.memref_squeeze %dma_start3A_344 : memref<1x1x1x4096xf32, #tpu.memory_space<hbm>> -> memref<4096xf32, #tpu.memory_space<hbm>>
      %dma_start3A_346 = arith.constant 0 : i32
      %dma_start3A_347 = tpu.memref_slice %arg4[%mul3A_207, %dma_start3A_340, %add3A, %dma_start3A_346] : memref<50x4x32x4096xf32, #tpu.memory_space<hbm>> -> memref<1x1x1x4096xf32, #tpu.memory_space<hbm>>
      %dma_start3A_348 = tpu.memref_squeeze %dma_start3A_347 : memref<1x1x1x4096xf32, #tpu.memory_space<hbm>> -> memref<4096xf32, #tpu.memory_space<hbm>>
      %dma_start3A_349 = arith.constant 0 : i32
      %dma_start3A_350 = tpu.memref_slice %arg9[%dma_start3A_349] : memref<16384xf32, #tpu.memory_space<vmem>> -> memref<4096xf32, #tpu.memory_space<vmem>>
      tpu.enqueue_dma source(%dma_start3A_350 : memref<4096xf32, #tpu.memory_space<vmem>>) target(%dma_start3A_348 : memref<4096xf32, #tpu.memory_space<hbm>>) target_semaphore(%arg14 : memref<!tpu.dma_semaphore, #tpu.memory_space<semaphore_mem>>)
      %dma_start3A_351 = arith.constant 1 : i32
      %dma_start3A_352 = arith.constant 4096 : i32
      %dma_start3A_353 = tpu.memref_slice %arg9[%dma_start3A_352] : memref<16384xf32, #tpu.memory_space<vmem>> -> memref<4096xf32, #tpu.memory_space<vmem>>
      %dma_start3A_354 = arith.constant 0 : i32
      %dma_start3A_355 = tpu.memref_slice %arg4[%mul3A_207, %dma_start3A_351, %add3A, %dma_start3A_354] : memref<50x4x32x4096xf32, #tpu.memory_space<hbm>> -> memref<1x1x1x4096xf32, #tpu.memory_space<hbm>>
      %dma_start3A_356 = tpu.memref_squeeze %dma_start3A_355 : memref<1x1x1x4096xf32, #tpu.memory_space<hbm>> -> memref<4096xf32, #tpu.memory_space<hbm>>
      %dma_start3A_357 = arith.constant 0 : i32
      %dma_start3A_358 = tpu.memref_slice %arg4[%mul3A_207, %dma_start3A_351, %add3A, %dma_start3A_357] : memref<50x4x32x4096xf32, #tpu.memory_space<hbm>> -> memref<1x1x1x4096xf32, #tpu.memory_space<hbm>>
      %dma_start3A_359 = tpu.memref_squeeze %dma_start3A_358 : memref<1x1x1x4096xf32, #tpu.memory_space<hbm>> -> memref<4096xf32, #tpu.memory_space<hbm>>
      %dma_start3A_360 = arith.constant 4096 : i32
      %dma_start3A_361 = tpu.memref_slice %arg9[%dma_start3A_360] : memref<16384xf32, #tpu.memory_space<vmem>> -> memref<4096xf32, #tpu.memory_space<vmem>>
      tpu.enqueue_dma source(%dma_start3A_361 : memref<4096xf32, #tpu.memory_space<vmem>>) target(%dma_start3A_359 : memref<4096xf32, #tpu.memory_space<hbm>>) target_semaphore(%arg14 : memref<!tpu.dma_semaphore, #tpu.memory_space<semaphore_mem>>)
      %dma_start3A_362 = arith.constant 2 : i32
      %dma_start3A_363 = arith.constant 8192 : i32
      %dma_start3A_364 = tpu.memref_slice %arg9[%dma_start3A_363] : memref<16384xf32, #tpu.memory_space<vmem>> -> memref<4096xf32, #tpu.memory_space<vmem>>
      %dma_start3A_365 = arith.constant 0 : i32
      %dma_start3A_366 = tpu.memref_slice %arg4[%mul3A_207, %dma_start3A_362, %add3A, %dma_start3A_365] : memref<50x4x32x4096xf32, #tpu.memory_space<hbm>> -> memref<1x1x1x4096xf32, #tpu.memory_space<hbm>>
      %dma_start3A_367 = tpu.memref_squeeze %dma_start3A_366 : memref<1x1x1x4096xf32, #tpu.memory_space<hbm>> -> memref<4096xf32, #tpu.memory_space<hbm>>
      %dma_start3A_368 = arith.constant 0 : i32
      %dma_start3A_369 = tpu.memref_slice %arg4[%mul3A_207, %dma_start3A_362, %add3A, %dma_start3A_368] : memref<50x4x32x4096xf32, #tpu.memory_space<hbm>> -> memref<1x1x1x4096xf32, #tpu.memory_space<hbm>>
      %dma_start3A_370 = tpu.memref_squeeze %dma_start3A_369 : memref<1x1x1x4096xf32, #tpu.memory_space<hbm>> -> memref<4096xf32, #tpu.memory_space<hbm>>
      %dma_start3A_371 = arith.constant 8192 : i32
      %dma_start3A_372 = tpu.memref_slice %arg9[%dma_start3A_371] : memref<16384xf32, #tpu.memory_space<vmem>> -> memref<4096xf32, #tpu.memory_space<vmem>>
      tpu.enqueue_dma source(%dma_start3A_372 : memref<4096xf32, #tpu.memory_space<vmem>>) target(%dma_start3A_370 : memref<4096xf32, #tpu.memory_space<hbm>>) target_semaphore(%arg14 : memref<!tpu.dma_semaphore, #tpu.memory_space<semaphore_mem>>)
      %dma_start3A_373 = arith.constant 3 : i32
      %dma_start3A_374 = arith.constant 12288 : i32
      %dma_start3A_375 = tpu.memref_slice %arg9[%dma_start3A_374] : memref<16384xf32, #tpu.memory_space<vmem>> -> memref<4096xf32, #tpu.memory_space<vmem>>
      %dma_start3A_376 = arith.constant 0 : i32
      %dma_start3A_377 = tpu.memref_slice %arg4[%mul3A_207, %dma_start3A_373, %add3A, %dma_start3A_376] : memref<50x4x32x4096xf32, #tpu.memory_space<hbm>> -> memref<1x1x1x4096xf32, #tpu.memory_space<hbm>>
      %dma_start3A_378 = tpu.memref_squeeze %dma_start3A_377 : memref<1x1x1x4096xf32, #tpu.memory_space<hbm>> -> memref<4096xf32, #tpu.memory_space<hbm>>
      %dma_start3A_379 = arith.constant 0 : i32
      %dma_start3A_380 = tpu.memref_slice %arg4[%mul3A_207, %dma_start3A_373, %add3A, %dma_start3A_379] : memref<50x4x32x4096xf32, #tpu.memory_space<hbm>> -> memref<1x1x1x4096xf32, #tpu.memory_space<hbm>>
      %dma_start3A_381 = tpu.memref_squeeze %dma_start3A_380 : memref<1x1x1x4096xf32, #tpu.memory_space<hbm>> -> memref<4096xf32, #tpu.memory_space<hbm>>
      %dma_start3A_382 = arith.constant 12288 : i32
      %dma_start3A_383 = tpu.memref_slice %arg9[%dma_start3A_382] : memref<16384xf32, #tpu.memory_space<vmem>> -> memref<4096xf32, #tpu.memory_space<vmem>>
      tpu.enqueue_dma source(%dma_start3A_383 : memref<4096xf32, #tpu.memory_space<vmem>>) target(%dma_start3A_381 : memref<4096xf32, #tpu.memory_space<hbm>>) target_semaphore(%arg14 : memref<!tpu.dma_semaphore, #tpu.memory_space<semaphore_mem>>)
      %add3A_384 = arith.constant 1 : i32
      %add3A_385 = arith.addi %scan3A_205, %add3A_384 : i32
      %lt3A_386 = arith.constant 25 : i32
      %lt3A_387 = arith.cmpi slt, %add3A_385, %lt3A_386 : i32
      %convert_element_type3A_388 = arith.extui %lt3A_387 : i1 to i32
      %cond3A_389 = arith.constant 0 : i32
      %cond3A_390 = arith.cmpi ne, %convert_element_type3A_388, %cond3A_389 : i32
      scf.if %cond3A_390 {
        %dma_wait3A_519 = arith.constant 0 : i32
        %dma_wait3A_520 = arith.constant 0 : i32
        %dma_wait3A_521 = arith.constant 0 : i32
        %dma_wait3A_522 = arith.constant 0 : i32
        %dma_wait3A_523 = tpu.memref_slice %arg9[%dma_wait3A_522] : memref<16384xf32, #tpu.memory_space<vmem>> -> memref<4096xf32, #tpu.memory_space<vmem>>
        %dma_wait3A_524 = arith.constant 0 : i32
        %dma_wait3A_525 = tpu.memref_slice %arg4[%dma_wait3A_519, %dma_wait3A_520, %dma_wait3A_521, %dma_wait3A_524] : memref<50x4x32x4096xf32, #tpu.memory_space<hbm>> -> memref<1x1x1x4096xf32, #tpu.memory_space<hbm>>
        %dma_wait3A_526 = tpu.memref_squeeze %dma_wait3A_525 : memref<1x1x1x4096xf32, #tpu.memory_space<hbm>> -> memref<4096xf32, #tpu.memory_space<hbm>>
        %dma_wait3A_527 = arith.constant 0 : i32
        %dma_wait3A_528 = tpu.memref_slice %arg4[%dma_wait3A_519, %dma_wait3A_520, %dma_wait3A_521, %dma_wait3A_527] : memref<50x4x32x4096xf32, #tpu.memory_space<hbm>> -> memref<1x1x1x4096xf32, #tpu.memory_space<hbm>>
        %dma_wait3A_529 = tpu.memref_squeeze %dma_wait3A_528 : memref<1x1x1x4096xf32, #tpu.memory_space<hbm>> -> memref<4096xf32, #tpu.memory_space<hbm>>
        %dma_wait3A_530 = arith.constant 0 : i32
        %dma_wait3A_531 = tpu.memref_slice %arg9[%dma_wait3A_530] : memref<16384xf32, #tpu.memory_space<vmem>> -> memref<4096xf32, #tpu.memory_space<vmem>>
        tpu.wait_dma2 semaphore(%arg14 : memref<!tpu.dma_semaphore, #tpu.memory_space<semaphore_mem>>) src(%dma_wait3A_531 : memref<4096xf32, #tpu.memory_space<vmem>>) dst(%dma_wait3A_529 : memref<4096xf32, #tpu.memory_space<hbm>>)
        %dma_wait3A_532 = arith.constant 0 : i32
        %dma_wait3A_533 = arith.constant 0 : i32
        %dma_wait3A_534 = arith.constant 0 : i32
        %dma_wait3A_535 = arith.constant 4096 : i32
        %dma_wait3A_536 = tpu.memref_slice %arg9[%dma_wait3A_535] : memref<16384xf32, #tpu.memory_space<vmem>> -> memref<4096xf32, #tpu.memory_space<vmem>>
        %dma_wait3A_537 = arith.constant 0 : i32
        %dma_wait3A_538 = tpu.memref_slice %arg4[%dma_wait3A_532, %dma_wait3A_533, %dma_wait3A_534, %dma_wait3A_537] : memref<50x4x32x4096xf32, #tpu.memory_space<hbm>> -> memref<1x1x1x4096xf32, #tpu.memory_space<hbm>>
        %dma_wait3A_539 = tpu.memref_squeeze %dma_wait3A_538 : memref<1x1x1x4096xf32, #tpu.memory_space<hbm>> -> memref<4096xf32, #tpu.memory_space<hbm>>
        %dma_wait3A_540 = arith.constant 0 : i32
        %dma_wait3A_541 = tpu.memref_slice %arg4[%dma_wait3A_532, %dma_wait3A_533, %dma_wait3A_534, %dma_wait3A_540] : memref<50x4x32x4096xf32, #tpu.memory_space<hbm>> -> memref<1x1x1x4096xf32, #tpu.memory_space<hbm>>
        %dma_wait3A_542 = tpu.memref_squeeze %dma_wait3A_541 : memref<1x1x1x4096xf32, #tpu.memory_space<hbm>> -> memref<4096xf32, #tpu.memory_space<hbm>>
        %dma_wait3A_543 = arith.constant 4096 : i32
        %dma_wait3A_544 = tpu.memref_slice %arg9[%dma_wait3A_543] : memref<16384xf32, #tpu.memory_space<vmem>> -> memref<4096xf32, #tpu.memory_space<vmem>>
        tpu.wait_dma2 semaphore(%arg14 : memref<!tpu.dma_semaphore, #tpu.memory_space<semaphore_mem>>) src(%dma_wait3A_544 : memref<4096xf32, #tpu.memory_space<vmem>>) dst(%dma_wait3A_542 : memref<4096xf32, #tpu.memory_space<hbm>>)
        %dma_wait3A_545 = arith.constant 0 : i32
        %dma_wait3A_546 = arith.constant 0 : i32
        %dma_wait3A_547 = arith.constant 0 : i32
        %dma_wait3A_548 = arith.constant 8192 : i32
        %dma_wait3A_549 = tpu.memref_slice %arg9[%dma_wait3A_548] : memref<16384xf32, #tpu.memory_space<vmem>> -> memref<4096xf32, #tpu.memory_space<vmem>>
        %dma_wait3A_550 = arith.constant 0 : i32
        %dma_wait3A_551 = tpu.memref_slice %arg4[%dma_wait3A_545, %dma_wait3A_546, %dma_wait3A_547, %dma_wait3A_550] : memref<50x4x32x4096xf32, #tpu.memory_space<hbm>> -> memref<1x1x1x4096xf32, #tpu.memory_space<hbm>>
        %dma_wait3A_552 = tpu.memref_squeeze %dma_wait3A_551 : memref<1x1x1x4096xf32, #tpu.memory_space<hbm>> -> memref<4096xf32, #tpu.memory_space<hbm>>
        %dma_wait3A_553 = arith.constant 0 : i32
        %dma_wait3A_554 = tpu.memref_slice %arg4[%dma_wait3A_545, %dma_wait3A_546, %dma_wait3A_547, %dma_wait3A_553] : memref<50x4x32x4096xf32, #tpu.memory_space<hbm>> -> memref<1x1x1x4096xf32, #tpu.memory_space<hbm>>
        %dma_wait3A_555 = tpu.memref_squeeze %dma_wait3A_554 : memref<1x1x1x4096xf32, #tpu.memory_space<hbm>> -> memref<4096xf32, #tpu.memory_space<hbm>>
        %dma_wait3A_556 = arith.constant 8192 : i32
        %dma_wait3A_557 = tpu.memref_slice %arg9[%dma_wait3A_556] : memref<16384xf32, #tpu.memory_space<vmem>> -> memref<4096xf32, #tpu.memory_space<vmem>>
        tpu.wait_dma2 semaphore(%arg14 : memref<!tpu.dma_semaphore, #tpu.memory_space<semaphore_mem>>) src(%dma_wait3A_557 : memref<4096xf32, #tpu.memory_space<vmem>>) dst(%dma_wait3A_555 : memref<4096xf32, #tpu.memory_space<hbm>>)
        %dma_wait3A_558 = arith.constant 0 : i32
        %dma_wait3A_559 = arith.constant 0 : i32
        %dma_wait3A_560 = arith.constant 0 : i32
        %dma_wait3A_561 = arith.constant 12288 : i32
        %dma_wait3A_562 = tpu.memref_slice %arg9[%dma_wait3A_561] : memref<16384xf32, #tpu.memory_space<vmem>> -> memref<4096xf32, #tpu.memory_space<vmem>>
        %dma_wait3A_563 = arith.constant 0 : i32
        %dma_wait3A_564 = tpu.memref_slice %arg4[%dma_wait3A_558, %dma_wait3A_559, %dma_wait3A_560, %dma_wait3A_563] : memref<50x4x32x4096xf32, #tpu.memory_space<hbm>> -> memref<1x1x1x4096xf32, #tpu.memory_space<hbm>>
        %dma_wait3A_565 = tpu.memref_squeeze %dma_wait3A_564 : memref<1x1x1x4096xf32, #tpu.memory_space<hbm>> -> memref<4096xf32, #tpu.memory_space<hbm>>
        %dma_wait3A_566 = arith.constant 0 : i32
        %dma_wait3A_567 = tpu.memref_slice %arg4[%dma_wait3A_558, %dma_wait3A_559, %dma_wait3A_560, %dma_wait3A_566] : memref<50x4x32x4096xf32, #tpu.memory_space<hbm>> -> memref<1x1x1x4096xf32, #tpu.memory_space<hbm>>
        %dma_wait3A_568 = tpu.memref_squeeze %dma_wait3A_567 : memref<1x1x1x4096xf32, #tpu.memory_space<hbm>> -> memref<4096xf32, #tpu.memory_space<hbm>>
        %dma_wait3A_569 = arith.constant 12288 : i32
        %dma_wait3A_570 = tpu.memref_slice %arg9[%dma_wait3A_569] : memref<16384xf32, #tpu.memory_space<vmem>> -> memref<4096xf32, #tpu.memory_space<vmem>>
        tpu.wait_dma2 semaphore(%arg14 : memref<!tpu.dma_semaphore, #tpu.memory_space<semaphore_mem>>) src(%dma_wait3A_570 : memref<4096xf32, #tpu.memory_space<vmem>>) dst(%dma_wait3A_568 : memref<4096xf32, #tpu.memory_space<hbm>>)
        %add3A_571 = arith.constant 2 : i32
        %add3A_572 = arith.addi %mul3A_207, %add3A_571 : i32
        %mul3A_573 = arith.constant 512 : i32
        %mul3A_574 = arith.muli %add3A_572, %mul3A_573 : i32
        %add3A_575 = arith.constant 0 : i32
        %add3A_576 = arith.addi %mul3A_574, %add3A_575 : i32
        %dma_start3A_577 = arith.constant 0 : i32
        %dma_start3A_578 = arith.constant 0 : i32
        %dma_start3A_579 = tpu.memref_slice %arg7[%dma_start3A_577, %dma_start3A_578] : memref<512x32xf32, #tpu.memory_space<vmem>> -> memref<128x32xf32, #tpu.memory_space<vmem>>
        %dma_start3A_580 = tpu.memref_slice %arg6[%add3A_576] : memref<25600xi32, #tpu.memory_space<vmem>> -> memref<128xi32, #tpu.memory_space<vmem>>
        %dma_start3A_581 = arith.constant 0 : i32
        %dma_start3A_582 = arith.constant 0 : i32
        %dma_start3A_583 = tpu.memref_slice %arg3[%dma_start3A_581, %dma_start3A_582] : memref<1000000x32xf32, #tpu.memory_space<hbm>> -> memref<1000000x32xf32, #tpu.memory_space<hbm>>
        tpu.enqueue_indirect_dma source(%dma_start3A_583 : memref<1000000x32xf32, #tpu.memory_space<hbm>>) target(%dma_start3A_579 : memref<128x32xf32, #tpu.memory_space<vmem>>) offsets(%dma_start3A_580 : memref<128xi32, #tpu.memory_space<vmem>>) semaphore(%arg12 : memref<!tpu.dma_semaphore, #tpu.memory_space<semaphore_mem>>)
        %mul3A_584 = arith.constant 512 : i32
        %mul3A_585 = arith.muli %add3A_572, %mul3A_584 : i32
        %add3A_586 = arith.constant 128 : i32
        %add3A_587 = arith.addi %mul3A_585, %add3A_586 : i32
        %dma_start3A_588 = arith.constant 128 : i32
        %dma_start3A_589 = arith.constant 0 : i32
        %dma_start3A_590 = tpu.memref_slice %arg7[%dma_start3A_588, %dma_start3A_589] : memref<512x32xf32, #tpu.memory_space<vmem>> -> memref<128x32xf32, #tpu.memory_space<vmem>>
        %dma_start3A_591 = tpu.memref_slice %arg6[%add3A_587] : memref<25600xi32, #tpu.memory_space<vmem>> -> memref<128xi32, #tpu.memory_space<vmem>>
        %dma_start3A_592 = arith.constant 0 : i32
        %dma_start3A_593 = arith.constant 0 : i32
        %dma_start3A_594 = tpu.memref_slice %arg3[%dma_start3A_592, %dma_start3A_593] : memref<1000000x32xf32, #tpu.memory_space<hbm>> -> memref<1000000x32xf32, #tpu.memory_space<hbm>>
        tpu.enqueue_indirect_dma source(%dma_start3A_594 : memref<1000000x32xf32, #tpu.memory_space<hbm>>) target(%dma_start3A_590 : memref<128x32xf32, #tpu.memory_space<vmem>>) offsets(%dma_start3A_591 : memref<128xi32, #tpu.memory_space<vmem>>) semaphore(%arg12 : memref<!tpu.dma_semaphore, #tpu.memory_space<semaphore_mem>>)
        %mul3A_595 = arith.constant 512 : i32
        %mul3A_596 = arith.muli %add3A_572, %mul3A_595 : i32
        %add3A_597 = arith.constant 256 : i32
        %add3A_598 = arith.addi %mul3A_596, %add3A_597 : i32
        %dma_start3A_599 = arith.constant 256 : i32
        %dma_start3A_600 = arith.constant 0 : i32
        %dma_start3A_601 = tpu.memref_slice %arg7[%dma_start3A_599, %dma_start3A_600] : memref<512x32xf32, #tpu.memory_space<vmem>> -> memref<128x32xf32, #tpu.memory_space<vmem>>
        %dma_start3A_602 = tpu.memref_slice %arg6[%add3A_598] : memref<25600xi32, #tpu.memory_space<vmem>> -> memref<128xi32, #tpu.memory_space<vmem>>
        %dma_start3A_603 = arith.constant 0 : i32
        %dma_start3A_604 = arith.constant 0 : i32
        %dma_start3A_605 = tpu.memref_slice %arg3[%dma_start3A_603, %dma_start3A_604] : memref<1000000x32xf32, #tpu.memory_space<hbm>> -> memref<1000000x32xf32, #tpu.memory_space<hbm>>
        tpu.enqueue_indirect_dma source(%dma_start3A_605 : memref<1000000x32xf32, #tpu.memory_space<hbm>>) target(%dma_start3A_601 : memref<128x32xf32, #tpu.memory_space<vmem>>) offsets(%dma_start3A_602 : memref<128xi32, #tpu.memory_space<vmem>>) semaphore(%arg12 : memref<!tpu.dma_semaphore, #tpu.memory_space<semaphore_mem>>)
        %mul3A_606 = arith.constant 512 : i32
        %mul3A_607 = arith.muli %add3A_572, %mul3A_606 : i32
        %add3A_608 = arith.constant 384 : i32
        %add3A_609 = arith.addi %mul3A_607, %add3A_608 : i32
        %dma_start3A_610 = arith.constant 384 : i32
        %dma_start3A_611 = arith.constant 0 : i32
        %dma_start3A_612 = tpu.memref_slice %arg7[%dma_start3A_610, %dma_start3A_611] : memref<512x32xf32, #tpu.memory_space<vmem>> -> memref<128x32xf32, #tpu.memory_space<vmem>>
        %dma_start3A_613 = tpu.memref_slice %arg6[%add3A_609] : memref<25600xi32, #tpu.memory_space<vmem>> -> memref<128xi32, #tpu.memory_space<vmem>>
        %dma_start3A_614 = arith.constant 0 : i32
        %dma_start3A_615 = arith.constant 0 : i32
        %dma_start3A_616 = tpu.memref_slice %arg3[%dma_start3A_614, %dma_start3A_615] : memref<1000000x32xf32, #tpu.memory_space<hbm>> -> memref<1000000x32xf32, #tpu.memory_space<hbm>>
        tpu.enqueue_indirect_dma source(%dma_start3A_616 : memref<1000000x32xf32, #tpu.memory_space<hbm>>) target(%dma_start3A_612 : memref<128x32xf32, #tpu.memory_space<vmem>>) offsets(%dma_start3A_613 : memref<128xi32, #tpu.memory_space<vmem>>) semaphore(%arg12 : memref<!tpu.dma_semaphore, #tpu.memory_space<semaphore_mem>>)
      } else {
      }
      %dma_wait3A_391 = arith.constant 0 : i32
      %dma_wait3A_392 = arith.constant 0 : i32
      %dma_wait3A_393 = tpu.memref_slice %arg8[%dma_wait3A_391, %dma_wait3A_392] : memref<512x32xf32, #tpu.memory_space<vmem>> -> memref<128x32xf32, #tpu.memory_space<vmem>>
      %dma_wait3A_394 = arith.constant 0 : i32
      %dma_wait3A_395 = arith.constant 0 : i32
      %dma_wait3A_396 = tpu.memref_slice %arg3[%dma_wait3A_394, %dma_wait3A_395] : memref<1000000x32xf32, #tpu.memory_space<hbm>> -> memref<128x32xf32, #tpu.memory_space<hbm>>
      %dma_wait3A_397 = arith.constant 0 : i32
      %dma_wait3A_398 = arith.constant 0 : i32
      %dma_wait3A_399 = tpu.memref_slice %arg8[%dma_wait3A_397, %dma_wait3A_398] : memref<512x32xf32, #tpu.memory_space<vmem>> -> memref<128x32xf32, #tpu.memory_space<vmem>>
      %dma_wait3A_400 = arith.constant 0 : i32
      %dma_wait3A_401 = arith.constant 0 : i32
      %dma_wait3A_402 = tpu.memref_slice %arg3[%dma_wait3A_400, %dma_wait3A_401] : memref<1000000x32xf32, #tpu.memory_space<hbm>> -> memref<128x32xf32, #tpu.memory_space<hbm>>
      tpu.wait_dma2 semaphore(%arg13 : memref<!tpu.dma_semaphore, #tpu.memory_space<semaphore_mem>>) src(%dma_wait3A_402 : memref<128x32xf32, #tpu.memory_space<hbm>>) dst(%dma_wait3A_399 : memref<128x32xf32, #tpu.memory_space<vmem>>)
      %dma_wait3A_403 = arith.constant 128 : i32
      %dma_wait3A_404 = arith.constant 0 : i32
      %dma_wait3A_405 = tpu.memref_slice %arg8[%dma_wait3A_403, %dma_wait3A_404] : memref<512x32xf32, #tpu.memory_space<vmem>> -> memref<128x32xf32, #tpu.memory_space<vmem>>
      %dma_wait3A_406 = arith.constant 0 : i32
      %dma_wait3A_407 = arith.constant 0 : i32
      %dma_wait3A_408 = tpu.memref_slice %arg3[%dma_wait3A_406, %dma_wait3A_407] : memref<1000000x32xf32, #tpu.memory_space<hbm>> -> memref<128x32xf32, #tpu.memory_space<hbm>>
      %dma_wait3A_409 = arith.constant 128 : i32
      %dma_wait3A_410 = arith.constant 0 : i32
      %dma_wait3A_411 = tpu.memref_slice %arg8[%dma_wait3A_409, %dma_wait3A_410] : memref<512x32xf32, #tpu.memory_space<vmem>> -> memref<128x32xf32, #tpu.memory_space<vmem>>
      %dma_wait3A_412 = arith.constant 0 : i32
      %dma_wait3A_413 = arith.constant 0 : i32
      %dma_wait3A_414 = tpu.memref_slice %arg3[%dma_wait3A_412, %dma_wait3A_413] : memref<1000000x32xf32, #tpu.memory_space<hbm>> -> memref<128x32xf32, #tpu.memory_space<hbm>>
      tpu.wait_dma2 semaphore(%arg13 : memref<!tpu.dma_semaphore, #tpu.memory_space<semaphore_mem>>) src(%dma_wait3A_414 : memref<128x32xf32, #tpu.memory_space<hbm>>) dst(%dma_wait3A_411 : memref<128x32xf32, #tpu.memory_space<vmem>>)
      %dma_wait3A_415 = arith.constant 256 : i32
      %dma_wait3A_416 = arith.constant 0 : i32
      %dma_wait3A_417 = tpu.memref_slice %arg8[%dma_wait3A_415, %dma_wait3A_416] : memref<512x32xf32, #tpu.memory_space<vmem>> -> memref<128x32xf32, #tpu.memory_space<vmem>>
      %dma_wait3A_418 = arith.constant 0 : i32
      %dma_wait3A_419 = arith.constant 0 : i32
      %dma_wait3A_420 = tpu.memref_slice %arg3[%dma_wait3A_418, %dma_wait3A_419] : memref<1000000x32xf32, #tpu.memory_space<hbm>> -> memref<128x32xf32, #tpu.memory_space<hbm>>
      %dma_wait3A_421 = arith.constant 256 : i32
      %dma_wait3A_422 = arith.constant 0 : i32
      %dma_wait3A_423 = tpu.memref_slice %arg8[%dma_wait3A_421, %dma_wait3A_422] : memref<512x32xf32, #tpu.memory_space<vmem>> -> memref<128x32xf32, #tpu.memory_space<vmem>>
      %dma_wait3A_424 = arith.constant 0 : i32
      %dma_wait3A_425 = arith.constant 0 : i32
      %dma_wait3A_426 = tpu.memref_slice %arg3[%dma_wait3A_424, %dma_wait3A_425] : memref<1000000x32xf32, #tpu.memory_space<hbm>> -> memref<128x32xf32, #tpu.memory_space<hbm>>
      tpu.wait_dma2 semaphore(%arg13 : memref<!tpu.dma_semaphore, #tpu.memory_space<semaphore_mem>>) src(%dma_wait3A_426 : memref<128x32xf32, #tpu.memory_space<hbm>>) dst(%dma_wait3A_423 : memref<128x32xf32, #tpu.memory_space<vmem>>)
      %dma_wait3A_427 = arith.constant 384 : i32
      %dma_wait3A_428 = arith.constant 0 : i32
      %dma_wait3A_429 = tpu.memref_slice %arg8[%dma_wait3A_427, %dma_wait3A_428] : memref<512x32xf32, #tpu.memory_space<vmem>> -> memref<128x32xf32, #tpu.memory_space<vmem>>
      %dma_wait3A_430 = arith.constant 0 : i32
      %dma_wait3A_431 = arith.constant 0 : i32
      %dma_wait3A_432 = tpu.memref_slice %arg3[%dma_wait3A_430, %dma_wait3A_431] : memref<1000000x32xf32, #tpu.memory_space<hbm>> -> memref<128x32xf32, #tpu.memory_space<hbm>>
      %dma_wait3A_433 = arith.constant 384 : i32
      %dma_wait3A_434 = arith.constant 0 : i32
      %dma_wait3A_435 = tpu.memref_slice %arg8[%dma_wait3A_433, %dma_wait3A_434] : memref<512x32xf32, #tpu.memory_space<vmem>> -> memref<128x32xf32, #tpu.memory_space<vmem>>
      %dma_wait3A_436 = arith.constant 0 : i32
      %dma_wait3A_437 = arith.constant 0 : i32
      %dma_wait3A_438 = tpu.memref_slice %arg3[%dma_wait3A_436, %dma_wait3A_437] : memref<1000000x32xf32, #tpu.memory_space<hbm>> -> memref<128x32xf32, #tpu.memory_space<hbm>>
      tpu.wait_dma2 semaphore(%arg13 : memref<!tpu.dma_semaphore, #tpu.memory_space<semaphore_mem>>) src(%dma_wait3A_438 : memref<128x32xf32, #tpu.memory_space<hbm>>) dst(%dma_wait3A_435 : memref<128x32xf32, #tpu.memory_space<vmem>>)
      %add3A_439 = arith.constant 0 : i32
      %add3A_440 = vector.broadcast %add3A_439 : i32 to vector<16xi32>
      %add3A_441 = arith.addi %add3A_52, %add3A_440 : vector<16xi32>
      %add3A_442 = arith.constant 0 : i32
      %add3A_443 = vector.broadcast %add3A_442 : i32 to vector<16xi32>
      %add3A_444 = arith.addi %add3A_55, %add3A_443 : vector<16xi32>
      %parallel_loop3A_445 = arith.constant 0 : i32
      %parallel_loop3A_446 = arith.constant 128 : i32
      %parallel_loop3A_447 = arith.constant 1 : i32
      scf.for %parallel_loop3A_519 = %parallel_loop3A_445 to %parallel_loop3A_446 step %parallel_loop3A_447  : i32 {
        %parallel_loop3A_520 = arith.constant 0 : i32
        %parallel_loop3A_521 = arith.addi %parallel_loop3A_520, %parallel_loop3A_519 : i32
        %parallel_loop3A_522 = vector.broadcast %parallel_loop3A_519 : i32 to vector<16xi32>
        %parallel_loop3A_523 = arith.addi %add3A_441, %parallel_loop3A_522 : vector<16xi32>
        %parallel_loop3A_524 = arith.index_cast %parallel_loop3A_521 : i32 to index
        %parallel_loop3A_525 = arith.constant 0 : index
        %parallel_loop3A_526 = tpu.vector_load %arg8[%parallel_loop3A_524, %parallel_loop3A_525] {strides = array<i32>} : memref<512x32xf32, #tpu.memory_space<vmem>>, vector<16xf32>,
        tpu.vector_store_idx %arg10[%parallel_loop3A_523], %parallel_loop3A_526 : memref<16384xf32, #tpu.memory_space<vmem>>[vector<16xi32>], vector<16xf32>,
        %parallel_loop3A_527 = vector.broadcast %parallel_loop3A_519 : i32 to vector<16xi32>
        %parallel_loop3A_528 = arith.addi %add3A_444, %parallel_loop3A_527 : vector<16xi32>
        %parallel_loop3A_529 = arith.index_cast %parallel_loop3A_521 : i32 to index
        %parallel_loop3A_530 = arith.constant 16 : index
        %parallel_loop3A_531 = tpu.vector_load %arg8[%parallel_loop3A_529, %parallel_loop3A_530] {strides = array<i32>} : memref<512x32xf32, #tpu.memory_space<vmem>>, vector<16xf32>,
        tpu.vector_store_idx %arg10[%parallel_loop3A_528], %parallel_loop3A_531 : memref<16384xf32, #tpu.memory_space<vmem>>[vector<16xi32>], vector<16xf32>,
      } {sc.loop_unroll_factor = 16 : i64, sc.parallel_access}
      %add3A_448 = arith.constant 1024 : i32
      %add3A_449 = vector.broadcast %add3A_448 : i32 to vector<16xi32>
      %add3A_450 = arith.addi %add3A_52, %add3A_449 : vector<16xi32>
      %add3A_451 = arith.constant 1024 : i32
      %add3A_452 = vector.broadcast %add3A_451 : i32 to vector<16xi32>
      %add3A_453 = arith.addi %add3A_55, %add3A_452 : vector<16xi32>
      %parallel_loop3A_454 = arith.constant 0 : i32
      %parallel_loop3A_455 = arith.constant 128 : i32
      %parallel_loop3A_456 = arith.constant 1 : i32
      scf.for %parallel_loop3A_519 = %parallel_loop3A_454 to %parallel_loop3A_455 step %parallel_loop3A_456  : i32 {
        %parallel_loop3A_520 = arith.constant 128 : i32
        %parallel_loop3A_521 = arith.addi %parallel_loop3A_520, %parallel_loop3A_519 : i32
        %parallel_loop3A_522 = vector.broadcast %parallel_loop3A_519 : i32 to vector<16xi32>
        %parallel_loop3A_523 = arith.addi %add3A_450, %parallel_loop3A_522 : vector<16xi32>
        %parallel_loop3A_524 = arith.index_cast %parallel_loop3A_521 : i32 to index
        %parallel_loop3A_525 = arith.constant 0 : index
        %parallel_loop3A_526 = tpu.vector_load %arg8[%parallel_loop3A_524, %parallel_loop3A_525] {strides = array<i32>} : memref<512x32xf32, #tpu.memory_space<vmem>>, vector<16xf32>,
        tpu.vector_store_idx %arg10[%parallel_loop3A_523], %parallel_loop3A_526 : memref<16384xf32, #tpu.memory_space<vmem>>[vector<16xi32>], vector<16xf32>,
        %parallel_loop3A_527 = vector.broadcast %parallel_loop3A_519 : i32 to vector<16xi32>
        %parallel_loop3A_528 = arith.addi %add3A_453, %parallel_loop3A_527 : vector<16xi32>
        %parallel_loop3A_529 = arith.index_cast %parallel_loop3A_521 : i32 to index
        %parallel_loop3A_530 = arith.constant 16 : index
        %parallel_loop3A_531 = tpu.vector_load %arg8[%parallel_loop3A_529, %parallel_loop3A_530] {strides = array<i32>} : memref<512x32xf32, #tpu.memory_space<vmem>>, vector<16xf32>,
        tpu.vector_store_idx %arg10[%parallel_loop3A_528], %parallel_loop3A_531 : memref<16384xf32, #tpu.memory_space<vmem>>[vector<16xi32>], vector<16xf32>,
      } {sc.loop_unroll_factor = 16 : i64, sc.parallel_access}
      %add3A_457 = arith.constant 2048 : i32
      %add3A_458 = vector.broadcast %add3A_457 : i32 to vector<16xi32>
      %add3A_459 = arith.addi %add3A_52, %add3A_458 : vector<16xi32>
      %add3A_460 = arith.constant 2048 : i32
      %add3A_461 = vector.broadcast %add3A_460 : i32 to vector<16xi32>
      %add3A_462 = arith.addi %add3A_55, %add3A_461 : vector<16xi32>
      %parallel_loop3A_463 = arith.constant 0 : i32
      %parallel_loop3A_464 = arith.constant 128 : i32
      %parallel_loop3A_465 = arith.constant 1 : i32
      scf.for %parallel_loop3A_519 = %parallel_loop3A_463 to %parallel_loop3A_464 step %parallel_loop3A_465  : i32 {
        %parallel_loop3A_520 = arith.constant 256 : i32
        %parallel_loop3A_521 = arith.addi %parallel_loop3A_520, %parallel_loop3A_519 : i32
        %parallel_loop3A_522 = vector.broadcast %parallel_loop3A_519 : i32 to vector<16xi32>
        %parallel_loop3A_523 = arith.addi %add3A_459, %parallel_loop3A_522 : vector<16xi32>
        %parallel_loop3A_524 = arith.index_cast %parallel_loop3A_521 : i32 to index
        %parallel_loop3A_525 = arith.constant 0 : index
        %parallel_loop3A_526 = tpu.vector_load %arg8[%parallel_loop3A_524, %parallel_loop3A_525] {strides = array<i32>} : memref<512x32xf32, #tpu.memory_space<vmem>>, vector<16xf32>,
        tpu.vector_store_idx %arg10[%parallel_loop3A_523], %parallel_loop3A_526 : memref<16384xf32, #tpu.memory_space<vmem>>[vector<16xi32>], vector<16xf32>,
        %parallel_loop3A_527 = vector.broadcast %parallel_loop3A_519 : i32 to vector<16xi32>
        %parallel_loop3A_528 = arith.addi %add3A_462, %parallel_loop3A_527 : vector<16xi32>
        %parallel_loop3A_529 = arith.index_cast %parallel_loop3A_521 : i32 to index
        %parallel_loop3A_530 = arith.constant 16 : index
        %parallel_loop3A_531 = tpu.vector_load %arg8[%parallel_loop3A_529, %parallel_loop3A_530] {strides = array<i32>} : memref<512x32xf32, #tpu.memory_space<vmem>>, vector<16xf32>,
        tpu.vector_store_idx %arg10[%parallel_loop3A_528], %parallel_loop3A_531 : memref<16384xf32, #tpu.memory_space<vmem>>[vector<16xi32>], vector<16xf32>,
      } {sc.loop_unroll_factor = 16 : i64, sc.parallel_access}
      %add3A_466 = arith.constant 3072 : i32
      %add3A_467 = vector.broadcast %add3A_466 : i32 to vector<16xi32>
      %add3A_468 = arith.addi %add3A_52, %add3A_467 : vector<16xi32>
      %add3A_469 = arith.constant 3072 : i32
      %add3A_470 = vector.broadcast %add3A_469 : i32 to vector<16xi32>
      %add3A_471 = arith.addi %add3A_55, %add3A_470 : vector<16xi32>
      %parallel_loop3A_472 = arith.constant 0 : i32
      %parallel_loop3A_473 = arith.constant 128 : i32
      %parallel_loop3A_474 = arith.constant 1 : i32
      scf.for %parallel_loop3A_519 = %parallel_loop3A_472 to %parallel_loop3A_473 step %parallel_loop3A_474  : i32 {
        %parallel_loop3A_520 = arith.constant 384 : i32
        %parallel_loop3A_521 = arith.addi %parallel_loop3A_520, %parallel_loop3A_519 : i32
        %parallel_loop3A_522 = vector.broadcast %parallel_loop3A_519 : i32 to vector<16xi32>
        %parallel_loop3A_523 = arith.addi %add3A_468, %parallel_loop3A_522 : vector<16xi32>
        %parallel_loop3A_524 = arith.index_cast %parallel_loop3A_521 : i32 to index
        %parallel_loop3A_525 = arith.constant 0 : index
        %parallel_loop3A_526 = tpu.vector_load %arg8[%parallel_loop3A_524, %parallel_loop3A_525] {strides = array<i32>} : memref<512x32xf32, #tpu.memory_space<vmem>>, vector<16xf32>,
        tpu.vector_store_idx %arg10[%parallel_loop3A_523], %parallel_loop3A_526 : memref<16384xf32, #tpu.memory_space<vmem>>[vector<16xi32>], vector<16xf32>,
        %parallel_loop3A_527 = vector.broadcast %parallel_loop3A_519 : i32 to vector<16xi32>
        %parallel_loop3A_528 = arith.addi %add3A_471, %parallel_loop3A_527 : vector<16xi32>
        %parallel_loop3A_529 = arith.index_cast %parallel_loop3A_521 : i32 to index
        %parallel_loop3A_530 = arith.constant 16 : index
        %parallel_loop3A_531 = tpu.vector_load %arg8[%parallel_loop3A_529, %parallel_loop3A_530] {strides = array<i32>} : memref<512x32xf32, #tpu.memory_space<vmem>>, vector<16xf32>,
        tpu.vector_store_idx %arg10[%parallel_loop3A_528], %parallel_loop3A_531 : memref<16384xf32, #tpu.memory_space<vmem>>[vector<16xi32>], vector<16xf32>,
      } {sc.loop_unroll_factor = 16 : i64, sc.parallel_access}
      %dma_start3A_475 = arith.constant 0 : i32
      %dma_start3A_476 = arith.constant 0 : i32
      %dma_start3A_477 = tpu.memref_slice %arg10[%dma_start3A_476] : memref<16384xf32, #tpu.memory_space<vmem>> -> memref<4096xf32, #tpu.memory_space<vmem>>
      %dma_start3A_478 = arith.constant 0 : i32
      %dma_start3A_479 = tpu.memref_slice %arg4[%add3A_209, %dma_start3A_475, %add3A, %dma_start3A_478] : memref<50x4x32x4096xf32, #tpu.memory_space<hbm>> -> memref<1x1x1x4096xf32, #tpu.memory_space<hbm>>
      %dma_start3A_480 = tpu.memref_squeeze %dma_start3A_479 : memref<1x1x1x4096xf32, #tpu.memory_space<hbm>> -> memref<4096xf32, #tpu.memory_space<hbm>>
      %dma_start3A_481 = arith.constant 0 : i32
      %dma_start3A_482 = tpu.memref_slice %arg4[%add3A_209, %dma_start3A_475, %add3A, %dma_start3A_481] : memref<50x4x32x4096xf32, #tpu.memory_space<hbm>> -> memref<1x1x1x4096xf32, #tpu.memory_space<hbm>>
      %dma_start3A_483 = tpu.memref_squeeze %dma_start3A_482 : memref<1x1x1x4096xf32, #tpu.memory_space<hbm>> -> memref<4096xf32, #tpu.memory_space<hbm>>
      %dma_start3A_484 = arith.constant 0 : i32
      %dma_start3A_485 = tpu.memref_slice %arg10[%dma_start3A_484] : memref<16384xf32, #tpu.memory_space<vmem>> -> memref<4096xf32, #tpu.memory_space<vmem>>
      tpu.enqueue_dma source(%dma_start3A_485 : memref<4096xf32, #tpu.memory_space<vmem>>) target(%dma_start3A_483 : memref<4096xf32, #tpu.memory_space<hbm>>) target_semaphore(%arg15 : memref<!tpu.dma_semaphore, #tpu.memory_space<semaphore_mem>>)
      %dma_start3A_486 = arith.constant 1 : i32
      %dma_start3A_487 = arith.constant 4096 : i32
      %dma_start3A_488 = tpu.memref_slice %arg10[%dma_start3A_487] : memref<16384xf32, #tpu.memory_space<vmem>> -> memref<4096xf32, #tpu.memory_space<vmem>>
      %dma_start3A_489 = arith.constant 0 : i32
      %dma_start3A_490 = tpu.memref_slice %arg4[%add3A_209, %dma_start3A_486, %add3A, %dma_start3A_489] : memref<50x4x32x4096xf32, #tpu.memory_space<hbm>> -> memref<1x1x1x4096xf32, #tpu.memory_space<hbm>>
      %dma_start3A_491 = tpu.memref_squeeze %dma_start3A_490 : memref<1x1x1x4096xf32, #tpu.memory_space<hbm>> -> memref<4096xf32, #tpu.memory_space<hbm>>
      %dma_start3A_492 = arith.constant 0 : i32
      %dma_start3A_493 = tpu.memref_slice %arg4[%add3A_209, %dma_start3A_486, %add3A, %dma_start3A_492] : memref<50x4x32x4096xf32, #tpu.memory_space<hbm>> -> memref<1x1x1x4096xf32, #tpu.memory_space<hbm>>
      %dma_start3A_494 = tpu.memref_squeeze %dma_start3A_493 : memref<1x1x1x4096xf32, #tpu.memory_space<hbm>> -> memref<4096xf32, #tpu.memory_space<hbm>>
      %dma_start3A_495 = arith.constant 4096 : i32
      %dma_start3A_496 = tpu.memref_slice %arg10[%dma_start3A_495] : memref<16384xf32, #tpu.memory_space<vmem>> -> memref<4096xf32, #tpu.memory_space<vmem>>
      tpu.enqueue_dma source(%dma_start3A_496 : memref<4096xf32, #tpu.memory_space<vmem>>) target(%dma_start3A_494 : memref<4096xf32, #tpu.memory_space<hbm>>) target_semaphore(%arg15 : memref<!tpu.dma_semaphore, #tpu.memory_space<semaphore_mem>>)
      %dma_start3A_497 = arith.constant 2 : i32
      %dma_start3A_498 = arith.constant 8192 : i32
      %dma_start3A_499 = tpu.memref_slice %arg10[%dma_start3A_498] : memref<16384xf32, #tpu.memory_space<vmem>> -> memref<4096xf32, #tpu.memory_space<vmem>>
      %dma_start3A_500 = arith.constant 0 : i32
      %dma_start3A_501 = tpu.memref_slice %arg4[%add3A_209, %dma_start3A_497, %add3A, %dma_start3A_500] : memref<50x4x32x4096xf32, #tpu.memory_space<hbm>> -> memref<1x1x1x4096xf32, #tpu.memory_space<hbm>>
      %dma_start3A_502 = tpu.memref_squeeze %dma_start3A_501 : memref<1x1x1x4096xf32, #tpu.memory_space<hbm>> -> memref<4096xf32, #tpu.memory_space<hbm>>
      %dma_start3A_503 = arith.constant 0 : i32
      %dma_start3A_504 = tpu.memref_slice %arg4[%add3A_209, %dma_start3A_497, %add3A, %dma_start3A_503] : memref<50x4x32x4096xf32, #tpu.memory_space<hbm>> -> memref<1x1x1x4096xf32, #tpu.memory_space<hbm>>
      %dma_start3A_505 = tpu.memref_squeeze %dma_start3A_504 : memref<1x1x1x4096xf32, #tpu.memory_space<hbm>> -> memref<4096xf32, #tpu.memory_space<hbm>>
      %dma_start3A_506 = arith.constant 8192 : i32
      %dma_start3A_507 = tpu.memref_slice %arg10[%dma_start3A_506] : memref<16384xf32, #tpu.memory_space<vmem>> -> memref<4096xf32, #tpu.memory_space<vmem>>
      tpu.enqueue_dma source(%dma_start3A_507 : memref<4096xf32, #tpu.memory_space<vmem>>) target(%dma_start3A_505 : memref<4096xf32, #tpu.memory_space<hbm>>) target_semaphore(%arg15 : memref<!tpu.dma_semaphore, #tpu.memory_space<semaphore_mem>>)
      %dma_start3A_508 = arith.constant 3 : i32
      %dma_start3A_509 = arith.constant 12288 : i32
      %dma_start3A_510 = tpu.memref_slice %arg10[%dma_start3A_509] : memref<16384xf32, #tpu.memory_space<vmem>> -> memref<4096xf32, #tpu.memory_space<vmem>>
      %dma_start3A_511 = arith.constant 0 : i32
      %dma_start3A_512 = tpu.memref_slice %arg4[%add3A_209, %dma_start3A_508, %add3A, %dma_start3A_511] : memref<50x4x32x4096xf32, #tpu.memory_space<hbm>> -> memref<1x1x1x4096xf32, #tpu.memory_space<hbm>>
      %dma_start3A_513 = tpu.memref_squeeze %dma_start3A_512 : memref<1x1x1x4096xf32, #tpu.memory_space<hbm>> -> memref<4096xf32, #tpu.memory_space<hbm>>
      %dma_start3A_514 = arith.constant 0 : i32
      %dma_start3A_515 = tpu.memref_slice %arg4[%add3A_209, %dma_start3A_508, %add3A, %dma_start3A_514] : memref<50x4x32x4096xf32, #tpu.memory_space<hbm>> -> memref<1x1x1x4096xf32, #tpu.memory_space<hbm>>
      %dma_start3A_516 = tpu.memref_squeeze %dma_start3A_515 : memref<1x1x1x4096xf32, #tpu.memory_space<hbm>> -> memref<4096xf32, #tpu.memory_space<hbm>>
      %dma_start3A_517 = arith.constant 12288 : i32
      %dma_start3A_518 = tpu.memref_slice %arg10[%dma_start3A_517] : memref<16384xf32, #tpu.memory_space<vmem>> -> memref<4096xf32, #tpu.memory_space<vmem>>
      tpu.enqueue_dma source(%dma_start3A_518 : memref<4096xf32, #tpu.memory_space<vmem>>) target(%dma_start3A_516 : memref<4096xf32, #tpu.memory_space<hbm>>) target_semaphore(%arg15 : memref<!tpu.dma_semaphore, #tpu.memory_space<semaphore_mem>>)
    }
    %scan3A_100 = arith.constant 25 : i32
    %dma_wait3A_101 = arith.constant 0 : i32
    %dma_wait3A_102 = arith.constant 0 : i32
    %dma_wait3A_103 = arith.constant 0 : i32
    %dma_wait3A_104 = arith.constant 0 : i32
    %dma_wait3A_105 = tpu.memref_slice %arg9[%dma_wait3A_104] : memref<16384xf32, #tpu.memory_space<vmem>> -> memref<4096xf32, #tpu.memory_space<vmem>>
    %dma_wait3A_106 = arith.constant 0 : i32
    %dma_wait3A_107 = tpu.memref_slice %arg4[%dma_wait3A_101, %dma_wait3A_102, %dma_wait3A_103, %dma_wait3A_106] : memref<50x4x32x4096xf32, #tpu.memory_space<hbm>> -> memref<1x1x1x4096xf32, #tpu.memory_space<hbm>>
    %dma_wait3A_108 = tpu.memref_squeeze %dma_wait3A_107 : memref<1x1x1x4096xf32, #tpu.memory_space<hbm>> -> memref<4096xf32, #tpu.memory_space<hbm>>
    %dma_wait3A_109 = arith.constant 0 : i32
    %dma_wait3A_110 = tpu.memref_slice %arg4[%dma_wait3A_101, %dma_wait3A_102, %dma_wait3A_103, %dma_wait3A_109] : memref<50x4x32x4096xf32, #tpu.memory_space<hbm>> -> memref<1x1x1x4096xf32, #tpu.memory_space<hbm>>
    %dma_wait3A_111 = tpu.memref_squeeze %dma_wait3A_110 : memref<1x1x1x4096xf32, #tpu.memory_space<hbm>> -> memref<4096xf32, #tpu.memory_space<hbm>>
    %dma_wait3A_112 = arith.constant 0 : i32
    %dma_wait3A_113 = tpu.memref_slice %arg9[%dma_wait3A_112] : memref<16384xf32, #tpu.memory_space<vmem>> -> memref<4096xf32, #tpu.memory_space<vmem>>
    tpu.wait_dma2 semaphore(%arg14 : memref<!tpu.dma_semaphore, #tpu.memory_space<semaphore_mem>>) src(%dma_wait3A_113 : memref<4096xf32, #tpu.memory_space<vmem>>) dst(%dma_wait3A_111 : memref<4096xf32, #tpu.memory_space<hbm>>)
    %dma_wait3A_114 = arith.constant 0 : i32
    %dma_wait3A_115 = arith.constant 0 : i32
    %dma_wait3A_116 = arith.constant 0 : i32
    %dma_wait3A_117 = arith.constant 4096 : i32
    %dma_wait3A_118 = tpu.memref_slice %arg9[%dma_wait3A_117] : memref<16384xf32, #tpu.memory_space<vmem>> -> memref<4096xf32, #tpu.memory_space<vmem>>
    %dma_wait3A_119 = arith.constant 0 : i32
    %dma_wait3A_120 = tpu.memref_slice %arg4[%dma_wait3A_114, %dma_wait3A_115, %dma_wait3A_116, %dma_wait3A_119] : memref<50x4x32x4096xf32, #tpu.memory_space<hbm>> -> memref<1x1x1x4096xf32, #tpu.memory_space<hbm>>
    %dma_wait3A_121 = tpu.memref_squeeze %dma_wait3A_120 : memref<1x1x1x4096xf32, #tpu.memory_space<hbm>> -> memref<4096xf32, #tpu.memory_space<hbm>>
    %dma_wait3A_122 = arith.constant 0 : i32
    %dma_wait3A_123 = tpu.memref_slice %arg4[%dma_wait3A_114, %dma_wait3A_115, %dma_wait3A_116, %dma_wait3A_122] : memref<50x4x32x4096xf32, #tpu.memory_space<hbm>> -> memref<1x1x1x4096xf32, #tpu.memory_space<hbm>>
    %dma_wait3A_124 = tpu.memref_squeeze %dma_wait3A_123 : memref<1x1x1x4096xf32, #tpu.memory_space<hbm>> -> memref<4096xf32, #tpu.memory_space<hbm>>
    %dma_wait3A_125 = arith.constant 4096 : i32
    %dma_wait3A_126 = tpu.memref_slice %arg9[%dma_wait3A_125] : memref<16384xf32, #tpu.memory_space<vmem>> -> memref<4096xf32, #tpu.memory_space<vmem>>
    tpu.wait_dma2 semaphore(%arg14 : memref<!tpu.dma_semaphore, #tpu.memory_space<semaphore_mem>>) src(%dma_wait3A_126 : memref<4096xf32, #tpu.memory_space<vmem>>) dst(%dma_wait3A_124 : memref<4096xf32, #tpu.memory_space<hbm>>)
    %dma_wait3A_127 = arith.constant 0 : i32
    %dma_wait3A_128 = arith.constant 0 : i32
    %dma_wait3A_129 = arith.constant 0 : i32
    %dma_wait3A_130 = arith.constant 8192 : i32
    %dma_wait3A_131 = tpu.memref_slice %arg9[%dma_wait3A_130] : memref<16384xf32, #tpu.memory_space<vmem>> -> memref<4096xf32, #tpu.memory_space<vmem>>
    %dma_wait3A_132 = arith.constant 0 : i32
    %dma_wait3A_133 = tpu.memref_slice %arg4[%dma_wait3A_127, %dma_wait3A_128, %dma_wait3A_129, %dma_wait3A_132] : memref<50x4x32x4096xf32, #tpu.memory_space<hbm>> -> memref<1x1x1x4096xf32, #tpu.memory_space<hbm>>
    %dma_wait3A_134 = tpu.memref_squeeze %dma_wait3A_133 : memref<1x1x1x4096xf32, #tpu.memory_space<hbm>> -> memref<4096xf32, #tpu.memory_space<hbm>>
    %dma_wait3A_135 = arith.constant 0 : i32
    %dma_wait3A_136 = tpu.memref_slice %arg4[%dma_wait3A_127, %dma_wait3A_128, %dma_wait3A_129, %dma_wait3A_135] : memref<50x4x32x4096xf32, #tpu.memory_space<hbm>> -> memref<1x1x1x4096xf32, #tpu.memory_space<hbm>>
    %dma_wait3A_137 = tpu.memref_squeeze %dma_wait3A_136 : memref<1x1x1x4096xf32, #tpu.memory_space<hbm>> -> memref<4096xf32, #tpu.memory_space<hbm>>
    %dma_wait3A_138 = arith.constant 8192 : i32
    %dma_wait3A_139 = tpu.memref_slice %arg9[%dma_wait3A_138] : memref<16384xf32, #tpu.memory_space<vmem>> -> memref<4096xf32, #tpu.memory_space<vmem>>
    tpu.wait_dma2 semaphore(%arg14 : memref<!tpu.dma_semaphore, #tpu.memory_space<semaphore_mem>>) src(%dma_wait3A_139 : memref<4096xf32, #tpu.memory_space<vmem>>) dst(%dma_wait3A_137 : memref<4096xf32, #tpu.memory_space<hbm>>)
    %dma_wait3A_140 = arith.constant 0 : i32
    %dma_wait3A_141 = arith.constant 0 : i32
    %dma_wait3A_142 = arith.constant 0 : i32
    %dma_wait3A_143 = arith.constant 12288 : i32
    %dma_wait3A_144 = tpu.memref_slice %arg9[%dma_wait3A_143] : memref<16384xf32, #tpu.memory_space<vmem>> -> memref<4096xf32, #tpu.memory_space<vmem>>
    %dma_wait3A_145 = arith.constant 0 : i32
    %dma_wait3A_146 = tpu.memref_slice %arg4[%dma_wait3A_140, %dma_wait3A_141, %dma_wait3A_142, %dma_wait3A_145] : memref<50x4x32x4096xf32, #tpu.memory_space<hbm>> -> memref<1x1x1x4096xf32, #tpu.memory_space<hbm>>
    %dma_wait3A_147 = tpu.memref_squeeze %dma_wait3A_146 : memref<1x1x1x4096xf32, #tpu.memory_space<hbm>> -> memref<4096xf32, #tpu.memory_space<hbm>>
    %dma_wait3A_148 = arith.constant 0 : i32
    %dma_wait3A_149 = tpu.memref_slice %arg4[%dma_wait3A_140, %dma_wait3A_141, %dma_wait3A_142, %dma_wait3A_148] : memref<50x4x32x4096xf32, #tpu.memory_space<hbm>> -> memref<1x1x1x4096xf32, #tpu.memory_space<hbm>>
    %dma_wait3A_150 = tpu.memref_squeeze %dma_wait3A_149 : memref<1x1x1x4096xf32, #tpu.memory_space<hbm>> -> memref<4096xf32, #tpu.memory_space<hbm>>
    %dma_wait3A_151 = arith.constant 12288 : i32
    %dma_wait3A_152 = tpu.memref_slice %arg9[%dma_wait3A_151] : memref<16384xf32, #tpu.memory_space<vmem>> -> memref<4096xf32, #tpu.memory_space<vmem>>
    tpu.wait_dma2 semaphore(%arg14 : memref<!tpu.dma_semaphore, #tpu.memory_space<semaphore_mem>>) src(%dma_wait3A_152 : memref<4096xf32, #tpu.memory_space<vmem>>) dst(%dma_wait3A_150 : memref<4096xf32, #tpu.memory_space<hbm>>)
    %dma_wait3A_153 = arith.constant 0 : i32
    %dma_wait3A_154 = arith.constant 0 : i32
    %dma_wait3A_155 = arith.constant 0 : i32
    %dma_wait3A_156 = arith.constant 0 : i32
    %dma_wait3A_157 = tpu.memref_slice %arg10[%dma_wait3A_156] : memref<16384xf32, #tpu.memory_space<vmem>> -> memref<4096xf32, #tpu.memory_space<vmem>>
    %dma_wait3A_158 = arith.constant 0 : i32
    %dma_wait3A_159 = tpu.memref_slice %arg4[%dma_wait3A_153, %dma_wait3A_154, %dma_wait3A_155, %dma_wait3A_158] : memref<50x4x32x4096xf32, #tpu.memory_space<hbm>> -> memref<1x1x1x4096xf32, #tpu.memory_space<hbm>>
    %dma_wait3A_160 = tpu.memref_squeeze %dma_wait3A_159 : memref<1x1x1x4096xf32, #tpu.memory_space<hbm>> -> memref<4096xf32, #tpu.memory_space<hbm>>
    %dma_wait3A_161 = arith.constant 0 : i32
    %dma_wait3A_162 = tpu.memref_slice %arg4[%dma_wait3A_153, %dma_wait3A_154, %dma_wait3A_155, %dma_wait3A_161] : memref<50x4x32x4096xf32, #tpu.memory_space<hbm>> -> memref<1x1x1x4096xf32, #tpu.memory_space<hbm>>
    %dma_wait3A_163 = tpu.memref_squeeze %dma_wait3A_162 : memref<1x1x1x4096xf32, #tpu.memory_space<hbm>> -> memref<4096xf32, #tpu.memory_space<hbm>>
    %dma_wait3A_164 = arith.constant 0 : i32
    %dma_wait3A_165 = tpu.memref_slice %arg10[%dma_wait3A_164] : memref<16384xf32, #tpu.memory_space<vmem>> -> memref<4096xf32, #tpu.memory_space<vmem>>
    tpu.wait_dma2 semaphore(%arg15 : memref<!tpu.dma_semaphore, #tpu.memory_space<semaphore_mem>>) src(%dma_wait3A_165 : memref<4096xf32, #tpu.memory_space<vmem>>) dst(%dma_wait3A_163 : memref<4096xf32, #tpu.memory_space<hbm>>)
    %dma_wait3A_166 = arith.constant 0 : i32
    %dma_wait3A_167 = arith.constant 0 : i32
    %dma_wait3A_168 = arith.constant 0 : i32
    %dma_wait3A_169 = arith.constant 4096 : i32
    %dma_wait3A_170 = tpu.memref_slice %arg10[%dma_wait3A_169] : memref<16384xf32, #tpu.memory_space<vmem>> -> memref<4096xf32, #tpu.memory_space<vmem>>
    %dma_wait3A_171 = arith.constant 0 : i32
    %dma_wait3A_172 = tpu.memref_slice %arg4[%dma_wait3A_166, %dma_wait3A_167, %dma_wait3A_168, %dma_wait3A_171] : memref<50x4x32x4096xf32, #tpu.memory_space<hbm>> -> memref<1x1x1x4096xf32, #tpu.memory_space<hbm>>
    %dma_wait3A_173 = tpu.memref_squeeze %dma_wait3A_172 : memref<1x1x1x4096xf32, #tpu.memory_space<hbm>> -> memref<4096xf32, #tpu.memory_space<hbm>>
    %dma_wait3A_174 = arith.constant 0 : i32
    %dma_wait3A_175 = tpu.memref_slice %arg4[%dma_wait3A_166, %dma_wait3A_167, %dma_wait3A_168, %dma_wait3A_174] : memref<50x4x32x4096xf32, #tpu.memory_space<hbm>> -> memref<1x1x1x4096xf32, #tpu.memory_space<hbm>>
    %dma_wait3A_176 = tpu.memref_squeeze %dma_wait3A_175 : memref<1x1x1x4096xf32, #tpu.memory_space<hbm>> -> memref<4096xf32, #tpu.memory_space<hbm>>
    %dma_wait3A_177 = arith.constant 4096 : i32
    %dma_wait3A_178 = tpu.memref_slice %arg10[%dma_wait3A_177] : memref<16384xf32, #tpu.memory_space<vmem>> -> memref<4096xf32, #tpu.memory_space<vmem>>
    tpu.wait_dma2 semaphore(%arg15 : memref<!tpu.dma_semaphore, #tpu.memory_space<semaphore_mem>>) src(%dma_wait3A_178 : memref<4096xf32, #tpu.memory_space<vmem>>) dst(%dma_wait3A_176 : memref<4096xf32, #tpu.memory_space<hbm>>)
    %dma_wait3A_179 = arith.constant 0 : i32
    %dma_wait3A_180 = arith.constant 0 : i32
    %dma_wait3A_181 = arith.constant 0 : i32
    %dma_wait3A_182 = arith.constant 8192 : i32
    %dma_wait3A_183 = tpu.memref_slice %arg10[%dma_wait3A_182] : memref<16384xf32, #tpu.memory_space<vmem>> -> memref<4096xf32, #tpu.memory_space<vmem>>
    %dma_wait3A_184 = arith.constant 0 : i32
    %dma_wait3A_185 = tpu.memref_slice %arg4[%dma_wait3A_179, %dma_wait3A_180, %dma_wait3A_181, %dma_wait3A_184] : memref<50x4x32x4096xf32, #tpu.memory_space<hbm>> -> memref<1x1x1x4096xf32, #tpu.memory_space<hbm>>
    %dma_wait3A_186 = tpu.memref_squeeze %dma_wait3A_185 : memref<1x1x1x4096xf32, #tpu.memory_space<hbm>> -> memref<4096xf32, #tpu.memory_space<hbm>>
    %dma_wait3A_187 = arith.constant 0 : i32
    %dma_wait3A_188 = tpu.memref_slice %arg4[%dma_wait3A_179, %dma_wait3A_180, %dma_wait3A_181, %dma_wait3A_187] : memref<50x4x32x4096xf32, #tpu.memory_space<hbm>> -> memref<1x1x1x4096xf32, #tpu.memory_space<hbm>>
    %dma_wait3A_189 = tpu.memref_squeeze %dma_wait3A_188 : memref<1x1x1x4096xf32, #tpu.memory_space<hbm>> -> memref<4096xf32, #tpu.memory_space<hbm>>
    %dma_wait3A_190 = arith.constant 8192 : i32
    %dma_wait3A_191 = tpu.memref_slice %arg10[%dma_wait3A_190] : memref<16384xf32, #tpu.memory_space<vmem>> -> memref<4096xf32, #tpu.memory_space<vmem>>
    tpu.wait_dma2 semaphore(%arg15 : memref<!tpu.dma_semaphore, #tpu.memory_space<semaphore_mem>>) src(%dma_wait3A_191 : memref<4096xf32, #tpu.memory_space<vmem>>) dst(%dma_wait3A_189 : memref<4096xf32, #tpu.memory_space<hbm>>)
    %dma_wait3A_192 = arith.constant 0 : i32
    %dma_wait3A_193 = arith.constant 0 : i32
    %dma_wait3A_194 = arith.constant 0 : i32
    %dma_wait3A_195 = arith.constant 12288 : i32
    %dma_wait3A_196 = tpu.memref_slice %arg10[%dma_wait3A_195] : memref<16384xf32, #tpu.memory_space<vmem>> -> memref<4096xf32, #tpu.memory_space<vmem>>
    %dma_wait3A_197 = arith.constant 0 : i32
    %dma_wait3A_198 = tpu.memref_slice %arg4[%dma_wait3A_192, %dma_wait3A_193, %dma_wait3A_194, %dma_wait3A_197] : memref<50x4x32x4096xf32, #tpu.memory_space<hbm>> -> memref<1x1x1x4096xf32, #tpu.memory_space<hbm>>
    %dma_wait3A_199 = tpu.memref_squeeze %dma_wait3A_198 : memref<1x1x1x4096xf32, #tpu.memory_space<hbm>> -> memref<4096xf32, #tpu.memory_space<hbm>>
    %dma_wait3A_200 = arith.constant 0 : i32
    %dma_wait3A_201 = tpu.memref_slice %arg4[%dma_wait3A_192, %dma_wait3A_193, %dma_wait3A_194, %dma_wait3A_200] : memref<50x4x32x4096xf32, #tpu.memory_space<hbm>> -> memref<1x1x1x4096xf32, #tpu.memory_space<hbm>>
    %dma_wait3A_202 = tpu.memref_squeeze %dma_wait3A_201 : memref<1x1x1x4096xf32, #tpu.memory_space<hbm>> -> memref<4096xf32, #tpu.memory_space<hbm>>
    %dma_wait3A_203 = arith.constant 12288 : i32
    %dma_wait3A_204 = tpu.memref_slice %arg10[%dma_wait3A_203] : memref<16384xf32, #tpu.memory_space<vmem>> -> memref<4096xf32, #tpu.memory_space<vmem>>
    tpu.wait_dma2 semaphore(%arg15 : memref<!tpu.dma_semaphore, #tpu.memory_space<semaphore_mem>>) src(%dma_wait3A_204 : memref<4096xf32, #tpu.memory_space<vmem>>) dst(%dma_wait3A_202 : memref<4096xf32, #tpu.memory_space<hbm>>)
    return
  }
}

</mosaic_0001>

<sc_bundles>
// kernel: kernel.3.cloned.1.call-start
scs
__scs_entry_jumppad:
0x0: {  	(pc) =	sbr.rel $0x88, $3  }
0x1: {  	(tag) =	ssettag $0x0;
	lr =	simm.s32 $0x1  }
0x2: {  	[smem:$0x3F9F] =	sst lr;
	_ =	strace $0xD0000000  }
0x3: {  	_ = 	snop  }
0x4: {  	_ = 	snop  }
0x5: {  	_ = 	snop  }
0x6: {  	_ = 	snop  }
0x7: {  	_ = 	snop  }
__scs_overlays_trampoline_lowered:
0x8: {  	[smem:$0x3FAE] =	sst s0  }
0x9: {  	[smem:$0x3FAF] =	sst s1  }
0xa: {  	[smem:$0x3FB0] =	sst s2  }
0xb: {  	[smem:$0x3FB1] =	sst s3  }
0xc: {  	[smem:$0x3FB2] =	sst s4  }
0xd: {  	[smem:$0x3FB3] =	sst s5  }
0xe: {  	[smem:$0x3FB4] =	sst s6  }
0xf: {  	[smem:$0x3FB5] =	sst s7  }
0x10: {  	[smem:$0x3FB6] =	sst s8  }
0x11: {  	[smem:$0x3FB7] =	sst s9;
	s0 =	simm.s32 @!p0 $0x0  }
0x12: {  	s1 =	sld [smem:$0x3F9D];
	s0 =	simm.s32 @p0 $0x1  }
0x13: {  	[smem:$0x3FB8] =	sst s0;
	s0 =	simm.s32 @!p1 $0x0  }
0x14: {  	s2 =	sld [smem:$0x3F9C];
	s0 =	simm.s32 @p1 $0x1  }
0x15: {  	[smem:$0x3FB9] =	sst s0;
	s0 =	simm.s32 @!p2 $0x0  }
0x16: {  	s3 =	sld [smem:$0x3FDB];
	s0 =	simm.s32 @p2 $0x1  }
0x17: {  	s4 =	simm.s32 $0x1BF5;
	[smem:$0x3FBB] =	sst s0  }
0x18: {  	s0 =	sld [smem:$0x3F9E];
	_ =	swait.ge [sflag:s4], $0x0  }
0x19: {  	s7 =	sld [smem:$0x3F9F]  }
0x1a: {  	s8 =	sadd.s32 $0xFFFFE003, lr  }
0x1b: {  	s9 =	sadd.s32 $0xFFFFFEF7, lr;
	s5 =	simm.s32 $0xFFFFFFFF;
	p2 =	slt.u32 s8, $0xFFFFF086  }
0x1c: {  	p1 =	slt.u32 s9, $0xF7A;
	s5 =	simm.s32 @!p2 $0x0  }
0x1d: {  	s5 =	simm.s32 @p1 $0x1;
	p0 =	seq.s32 s7, s2  }
0x1e: {  	s7 =	smul.u32 @!p0 $0xF7A, s2;
	p2 =	seq.s32 @!p0 s5, $0x0  }
0x1f: {  	s9 =	smul.u32 $0xF7A, s1;
	s8 =	simm.s32 @!p0 $0x1BF5;
	p2 =	por !p2, p0  }
0x20: {  	[sflag:s8] =	ssyncset.s32 @!p0 $0xFFFFF086;
	s6 =	sadd.s32 @!p0 s3, s7;
	s7 =	simm.s32 @!p0 $0x108  }
0x21: {  	s3 =	sadd.s32 s3, s9;
	s6 =	sadd.s32 @!p0 $0x88, s6;
	s7 =	simm.s32 @p2 $0x1082  }
0x22: {  	[simem:s7], [sflag:s8] =	dma.local @!p0 [hbm:s6], $0xF7A  }
0x23: {  	s9 =	sor.u32 $0xD0000000, s2;
	s6 =	simm.s32 $0x108;
	_ =	swait.ge @!p0 [sflag:s8], $0x0  }
0x24: {  	s3 =	sadd.s32 $0x88, s3;
	s6 =	simm.s32 @!p1 $0x1082;
	[sflag:s4] =	ssyncset.s32 $0xFFFFF086  }
0x25: {  	[simem:s6], [sflag:s4] =	dma.local [hbm:s3], $0xF7A  }
0x26: {  	[smem:$0x3F9F] =	sst s1;
	(tag) =	ssettag s2;
	_ =	strace s9  }
0x27: {  	s1 =	sld [smem:$0x3FAF]  }
0x28: {  	s2 =	sld [smem:$0x3FB0]  }
0x29: {  	s4 =	sld [smem:$0x3FB2]  }
0x2a: {  	p0 =	seq.s32 s5, $0x0;
	s5 =	sld [smem:$0x3FB3]  }
0x2b: {  	s6 =	sld [smem:$0x3FB4]  }
0x2c: {  	s7 =	sld [smem:$0x3FB5]  }
0x2d: {  	s3 =	simm.s32 $0x108;
	s8 =	sld [smem:$0x3FB6]  }
0x2e: {  	s3 =	simm.s32 @!p0 $0x1082;
	s9 =	sld [smem:$0x3FB7]  }
0x2f: {  	lr =	sadd.s32 s0, s3;
	s0 =	sld [smem:$0x3FAE]  }
0x30: {  	s3 =	sld [smem:$0x3FB1]  }
0x31: {  	[smem:$0x3FBA] =	sst s10  }
0x32: {  	s10 =	sld [smem:$0x3FB8];
	_ =	sdelay $0x3  }
0x33: {  	p0 =	seq.s32 s10, $0x1;
	s10 =	sld [smem:$0x3FBA];
	_ =	sdelay $0x3  }
0x34: {  	[smem:$0x3FBA] =	sst s10  }
0x35: {  	s10 =	sld [smem:$0x3FB9];
	_ =	sdelay $0x3  }
0x36: {  	p1 =	seq.s32 s10, $0x1;
	s10 =	sld [smem:$0x3FBA];
	_ =	sdelay $0x3  }
0x37: {  	[smem:$0x3FBA] =	sst s10  }
0x38: {  	s10 =	sld [smem:$0x3FBB]  }
0x39: {  	_ = 	snop;
	(pc) =	sbr.ind lr, $3  }
0x3a: {  	_ = 	snop  }
0x3b: {  	_ = 	snop  }
0x3c: {  	p2 =	seq.s32 s10, $0x1;
	s10 =	sld [smem:$0x3FBA]  }
0x3d: {  	_ =	shalt  }
0x3e: {  	_ =	shalt  }
0x3f: {  	_ =	shalt  }
0x40: {  	_ =	shalt  }
0x41: {  	_ =	shalt  }
0x42: {  	_ =	shalt  }
0x43: {  	_ =	shalt  }
0x44: {  	_ =	shalt  }
0x45: {  	_ =	shalt  }
0x46: {  	_ =	shalt  }
0x47: {  	_ =	shalt  }
0x48: {  	_ =	shalt  }
0x49: {  	_ =	shalt  }
0x4a: {  	_ =	shalt  }
0x4b: {  	_ =	shalt  }
0x4c: {  	_ =	shalt  }
0x4d: {  	_ =	shalt  }
0x4e: {  	_ =	shalt  }
0x4f: {  	_ =	shalt  }
0x50: {  	_ =	shalt  }
0x51: {  	_ =	shalt  }
0x52: {  	_ =	shalt  }
0x53: {  	_ =	shalt  }
0x54: {  	_ =	shalt  }
0x55: {  	_ =	shalt  }
0x56: {  	_ =	shalt  }
0x57: {  	_ =	shalt  }
0x58: {  	_ =	shalt  }
0x59: {  	_ =	shalt  }
0x5a: {  	_ =	shalt  }
0x5b: {  	_ =	shalt  }
0x5c: {  	_ =	shalt  }
0x5d: {  	_ =	shalt  }
0x5e: {  	_ =	shalt  }
0x5f: {  	_ =	shalt  }
0x60: {  	_ =	shalt  }
0x61: {  	_ =	shalt  }
0x62: {  	_ =	shalt  }
0x63: {  	_ =	shalt  }
0x64: {  	_ =	shalt  }
0x65: {  	_ =	shalt  }
0x66: {  	_ =	shalt  }
0x67: {  	_ =	shalt  }
0x68: {  	_ =	shalt  }
0x69: {  	_ =	shalt  }
0x6a: {  	_ =	shalt  }
0x6b: {  	_ =	shalt  }
0x6c: {  	_ =	shalt  }
0x6d: {  	_ =	shalt  }
0x6e: {  	_ =	shalt  }
0x6f: {  	_ =	shalt  }
0x70: {  	_ =	shalt  }
0x71: {  	_ =	shalt  }
0x72: {  	_ =	shalt  }
0x73: {  	_ =	shalt  }
0x74: {  	_ =	shalt  }
0x75: {  	_ =	shalt  }
0x76: {  	_ =	shalt  }
0x77: {  	_ =	shalt  }
0x78: {  	_ =	shalt  }
0x79: {  	_ =	shalt  }
0x7a: {  	_ =	shalt  }
0x7b: {  	_ =	shalt  }
0x7c: {  	_ =	shalt  }
0x7d: {  	_ =	shalt  }
0x7e: {  	_ =	shalt  }
0x7f: {  	_ =	shalt  }
0x80: {  	_ =	shalt  }
0x81: {  	_ =	shalt  }
0x82: {  	_ =	shalt  }
0x83: {  	_ =	shalt  }
0x84: {  	_ =	shalt  }
0x85: {  	_ =	shalt  }
0x86: {  	_ =	shalt  }
0x87: {  	_ =	shalt  }
.Lfunc_end0:
.L_simem_size_0:
called_computation_lowered:
.L_overlay_start_0:
0x88: {  	s2 =	sld [smem:$0x3FD9]  }
0x89: {  	s3 =	sld [smem:$0x3FFE];
	_ =	sdelay $0x1  }
0x8a: {  	s1 =	srdreg.scid  }
0x8b: {  	s0 =	sand.u32 $0x1, s1  }
0x8c: {  	s17 =	sshll.u32 s0, $0xA;
	s2 =	sadd.s32 s3, s2  }
0x8d: {  	s2 =	sadd.s32 s2, s17  }
0x8e: {  	[smem:$0x3FC6] =	sst s2  }
0x8f: {  	_ = 	snop  }
0x90: {  	s2 =	sld [smem:$0x3FD0];
	(tm) =	ssettm $0x1  }
0x91: {  	s18 =	sld [smem:$0x3FFB];
	_ =	sdelay $0x3  }
0x92: {  	_ =	strace s18  }
0x93: {  	s3 =	sld [smem:$0x3FFC];
	_ =	sdelay $0x3  }
0x94: {  	_ =	strace s3  }
0x95: {  	s3 =	sld [smem:$0x3FFD];
	_ =	sdelay $0x3  }
0x96: {  	_ =	strace s3  }
0x97: {  	_ =	strace $0x8FFFFFFF  }
0x98: {  	s19 =	sld [smem:$0x3FDB];
	_ =	sdelay $0x1  }
0x99: {  	s4 =	simm.s32 $_scs_section_size  }
0x9a: {  	s5 =	simm.s32 $_size__tile_overlayer_lowered;
	s6 =	simm.s32 $_tile_overlayer_lowered  }
0x9b: {  	s22 =	simm.s32 $0x1BFF;
	s21 =	sshll.u32 s6, $0x1;
	s3 =	sadd.s32 s4, s19  }
0x9c: {  	s7 =	simm.s32 $0x0;
	s20 =	sshll.u32 s5, $0x1;
	s5 =	sadd.s32 s21, s3  }
0x9d: {  	[timem:s7], [sflag:s22] =	dma.local [hbm:s5], s20  }
0x9e: {  	_ =	swait.ge [sflag:s22], s20  }
0x9f: {  	s4 =	ssub.s32 $0x0, s20;
	[sflag:s22] =	ssyncset.done $0x0  }
0xa0: {  	[sflag:s22] =	ssyncadd.s32 s4;
	_ =	sdelay $0x1  }
0xa1: {  	s23 =	simm.s32 $0x1B8B  }
0xa2: {  	_ =	swait.ge [sflag:s23], $0x1  }
0xa3: {  	[sflag:s23] =	ssyncset.done $0x0  }
0xa4: {  	s25 =	simm.s32 $0x1B8E;
	s24 =	sld [smem:$0x3FFE];
	[sflag:s23] =	ssyncadd.s32 $0xFFFFFFFF  }
0xa5: {  	s26 =	simm.s32 $execute0_lowered;
	[smem:$0x3FD2] =	sst s25  }
0xa6: {  	s5 =	sshll.u32 s26, $0x1;
	_ =	strace $0x80000046;
	[dreg:$0x1] =	wrdreg $0xFFFFFFFF  }
0xa7: {  	s28 =	simm.s32 $_size_execute0_lowered;
	s3 =	sadd.s32 s3, s5;
	[dreg:$0x0] =	wrdreg $0x0  }
0xa8: {  	s5 =	sshll.u32 s28, $0x1;
	[dreg:$0x2] =	wrdreg s3  }
0xa9: {  	[dreg:$0x3] =	wrdreg s5  }
0xaa: {  	[dreg:$0x4] =	wrdreg $0xC0  }
0xab: {  	_ =	task [dreg:s7], $0x5FFFF  }
0xac: {  	[dreg:$0x1] =	wrdreg $0xFFFFFFFF  }
0xad: {  	[dreg:$0x0] =	wrdreg $0x60  }
0xae: {  	[dreg:$0x2] =	wrdreg s24  }
0xaf: {  	[dreg:$0x3] =	wrdreg s2  }
0xb0: {  	[dreg:$0x4] =	wrdreg $0x9  }
0xb1: {  	_ =	task.clear_ibuf [dreg:s7], $0x5FFFF;
	_ =	strace $0x90000046  }
0xb2: {  	s29 =	simm.s32 $0x9;
	_ =	strace $0x80000048  }
0xb3: {  	_ =	swait.ge [sflag:s29], $0x1  }
0xb4: {  	[sflag:s29] =	ssyncadd.s32 $0xFFFFFFFF  }
0xb5: {  	_ =	strace $0x90000048  }
0xb6: {  	_ =	sfence  }
0xb7: {  	s30 =	sld [smem:$0x0];
	_ =	sdelay $0x2  }
0xb8: {  	s31 =	sshll.u32 s1, $0xD;
	s1 =	sshrl.u32 s1, $0x2  }
0xb9: {  	s3 =	sand.u32 $0x4000, s31;
	s1 =	sadd.s32 s1, s30  }
0xba: {  	s0 =	sor.u32 s3, s0;
	s1 =	sshll.u32 s1, $0x11  }
0xbb: {  	s0 =	sor.u32 s1, s0  }
0xbc: {  	s0 =	sadd.s32 $0x8F2B, s0  }
0xbd: {  	[sflag:s0] =	ssyncadd.remote.s32 $0x1  }
0xbe: {  	_ =	sfence.sel $0xFFFF  }
0xbf: {  	[dreg:$0x0] =	wrdreg $0xFFFFFFFF;
	(pc) =	sbr.abs _section_cstart, $3  }
0xc0: {  	[dreg:$0x1] =	wrdreg $0xFFFFFFFF  }
0xc1: {  	_ =	task.clear_ibuf [dreg:s7], $0x2FFFF;
	_ =	strace $0x9FFFFFFF  }
0xc2: {  	(tm) =	ssettm $0x7FFFFFFF  }
0xc3: {  	_ =	shalt  }
tec
execute0_lowered:
.L_overlay_start_1:
0x0: {  	(tag) =	ssettag $0x1  }
0x1: {  	v0 =	vlaneseq.u32;
	v31 =	vimm.s32 $0x1380  }
0x2: {  	vm14 =	vcmask $0x300;
	v32 =	vimm.s32 $0x3380;
	vm13 =	vcmask $0x704  }
0x3: {  	vm12 =	vcmask $0xB08;
	vm11 =	vcmask $0xF0C;
	vm10 =	vcmask $0x1310  }
0x4: {  	vm9 =	vcmask $0x1714;
	vm8 =	vcmask $0x1B18;
	vm7 =	vcmask $0x1F1C  }
0x5: {  	vm6 =	vcmask $0x2320;
	vm5 =	vcmask $0x2724;
	vm3 =	vcmask $0x2B28  }
0x6: {  	vm4 =	vcmask $0x2F2C;
	vm2 =	vcmask $0x3330;
	vm1 =	vcmask $0x3734  }
0x7: {  	vm0 =	vcmask $0x3B38;
	v59 =	vimm.s32 $0x1780;
	v35 =	vimm.s32 $0x3780  }
0x8: {  	v36 =	vimm.s32 $0x1B80;
	v37 =	vimm.s32 $0x3B80;
	v38 =	vimm.s32 $0x1F80  }
0x9: {  	v39 =	vimm.s32 $0x3F80;
	v0 =	vmul.u32 $0x38, v0;
	v31 =	vsel vm14, $0x0, v31  }
0xa: {  	v32 =	vsel vm14, $0x2000, v32;
	v35 =	vsel vm14, $0x2400, v35;
	v36 =	vsel vm14, $0x800, v36  }
0xb: {  	v37 =	vsel vm14, $0x2800, v37;
	v38 =	vsel vm14, $0xC00, v38;
	v39 =	vsel vm14, $0x2C00, v39  }
0xc: {  	v31 =	vsel vm13, $0x80, v31;
	v32 =	vsel vm13, $0x2080, v32;
	v35 =	vsel vm13, $0x2480, v35  }
0xd: {  	v36 =	vsel vm13, $0x880, v36;
	v37 =	vsel vm13, $0x2880, v37;
	v38 =	vsel vm13, $0xC80, v38  }
0xe: {  	v39 =	vsel vm13, $0x2C80, v39;
	v1 =	vadd.s32 $0x380, v0;
	v2 =	vadd.s32 $0x700, v0  }
0xf: {  	v3 =	vadd.s32 $0xA80, v0;
	v4 =	vadd.s32 $0xE00, v0;
	v5 =	vadd.s32 $0x1180, v0  }
0x10: {  	v6 =	vadd.s32 $0x1500, v0;
	v7 =	vadd.s32 $0x1880, v0;
	v8 =	vor.u32 $0x1C00, v0  }
0x11: {  	v9 =	vadd.s32 $0x1F80, v0;
	v23 =	vadd.s32 $0x2300, v0;
	v62 =	vadd.s32 $0x2680, v0  }
0x12: {  	v11 =	vadd.s32 $0x2A00, v0;
	v12 =	vadd.s32 $0x2D80, v0;
	v63 =	vadd.s32 $0x3100, v0  }
0x13: {  	v29 =	vadd.s32 $0x3480, v0;
	v14 =	vor.u32 $0x3800, v0;
	v15 =	vadd.s32 $0x3B80, v0  }
0x14: {  	v60 =	vadd.s32 $0x3F00, v0;
	v19 =	vadd.s32 $0x4280, v0;
	v61 =	vadd.s32 $0x4600, v0  }
0x15: {  	v21 =	vadd.s32 $0x4980, v0;
	v13 =	vadd.s32 $0x4D00, v0;
	v24 =	vadd.s32 $0x5080, v0  }
0x16: {  	v25 =	vor.u32 $0x5400, v0;
	v17 =	vadd.s32 $0x5780, v0;
	v27 =	vadd.s32 $0x5B00, v0  }
0x17: {  	v26 =	vadd.s32 $0x5E80, v0;
	v22 =	vadd.s32 $0x6200, v0;
	v31 =	vsel vm12, $0x100, v31  }
0x18: {  	v32 =	vsel vm12, $0x2100, v32;
	v10 =	vadd.s32 $0x6C80, v0;
	v35 =	vsel vm12, $0x2500, v35  }
0x19: {  	v36 =	vsel vm12, $0x900, v36;
	v37 =	vsel vm12, $0x2900, v37;
	v38 =	vsel vm12, $0xD00, v38  }
0x1a: {  	v39 =	vsel vm12, $0x2D00, v39;
	[tilespmem:$0x1FF00] =	vst v22;
	v22 =	vadd.s32 $0x6580, v0;
	v31 =	vsel vm11, $0x180, v31  }
0x1b: {  	v32 =	vsel vm11, $0x2180, v32;
	v35 =	vsel vm11, $0x2580, v35;
	v36 =	vsel vm11, $0x980, v36  }
0x1c: {  	v37 =	vsel vm11, $0x2980, v37;
	v38 =	vsel vm11, $0xD80, v38;
	v39 =	vsel vm11, $0x2D80, v39  }
0x1d: {  	[tilespmem:$0x1FF10] =	vst v22;
	v22 =	vadd.s32 $0x6900, v0;
	v31 =	vsel vm10, $0x200, v31;
	v32 =	vsel vm10, $0x2200, v32  }
0x1e: {  	v35 =	vsel vm10, $0x2600, v35;
	v36 =	vsel vm10, $0xA00, v36;
	v37 =	vsel vm10, $0x2A00, v37  }
0x1f: {  	v38 =	vsel vm10, $0xE00, v38;
	v39 =	vsel vm10, $0x2E00, v39;
	v31 =	vsel vm9, $0x280, v31  }
0x20: {  	v32 =	vsel vm9, $0x2280, v32;
	v35 =	vsel vm9, $0x2680, v35;
	v36 =	vsel vm9, $0xA80, v36  }
0x21: {  	v37 =	vsel vm9, $0x2A80, v37;
	v38 =	vsel vm9, $0xE80, v38;
	v39 =	vsel vm9, $0x2E80, v39  }
0x22: {  	v31 =	vsel vm8, $0x300, v31;
	v32 =	vsel vm8, $0x2300, v32;
	v35 =	vsel vm8, $0x2700, v35  }
0x23: {  	v36 =	vsel vm8, $0xB00, v36;
	v37 =	vsel vm8, $0x2B00, v37;
	v38 =	vsel vm8, $0xF00, v38  }
0x24: {  	v39 =	vsel vm8, $0x2F00, v39;
	v31 =	vsel vm7, $0x380, v31;
	v32 =	vsel vm7, $0x2380, v32  }
0x25: {  	v35 =	vsel vm7, $0x2780, v35;
	v36 =	vsel vm7, $0xB80, v36;
	v37 =	vsel vm7, $0x2B80, v37  }
0x26: {  	v38 =	vsel vm7, $0xF80, v38;
	v39 =	vsel vm7, $0x2F80, v39;
	v31 =	vsel vm6, $0x1000, v31  }
0x27: {  	v32 =	vsel vm6, $0x3000, v32;
	v35 =	vsel vm6, $0x3400, v35;
	v36 =	vsel vm6, $0x1800, v36  }
0x28: {  	v37 =	vsel vm6, $0x3800, v37;
	v31 =	vsel vm5, $0x1080, v31;
	v32 =	vsel vm5, $0x3080, v32  }
0x29: {  	v38 =	vsel vm6, $0x1C00, v38;
	v31 =	vsel vm3, $0x1100, v31;
	v32 =	vsel vm3, $0x3100, v32  }
0x2a: {  	v39 =	vsel vm6, $0x3C00, v39;
	v31 =	vsel vm4, $0x1180, v31;
	v32 =	vsel vm4, $0x3180, v32  }
0x2b: {  	v35 =	vsel vm5, $0x3480, v35;
	v31 =	vsel vm2, $0x1200, v31;
	v32 =	vsel vm2, $0x3200, v32  }
0x2c: {  	v36 =	vsel vm5, $0x1880, v36;
	v33 =	vsel vm1, $0x1280, v31;
	v34 =	vsel vm1, $0x3280, v32  }
0x2d: {  	s0 =	rddreg [dreg:$0x0];
	s3 =	simm.s32 $0x0;
	v32 =	vsel vm0, $0x1300, v33;
	v33 =	vsel vm0, $0x3300, v34;
	v34 =	vsel vm14, $0x400, v59  }
0x2e: {  	[smem:$0x7FF] =	sst s3;
	[tilespmem:$0x1FF20] =	vst v22;
	v37 =	vsel vm5, $0x3880, v37;
	v38 =	vsel vm5, $0x1C80, v38;
	v34 =	vsel vm13, $0x480, v34  }
0x2f: {  	s7 =	rddreg [dreg:$0x1];
	_ =	strace $0x80000047;
	[tilespmem:$0x1FF30] =	vst v1;
	v39 =	vsel vm5, $0x3C80, v39;
	v35 =	vsel vm3, $0x3500, v35;
	v34 =	vsel vm12, $0x500, v34  }
0x30: {  	s1 =	srdreg.scid;
	s2 =	stileid.u32;
	[tilespmem:$0x1FF40] =	vst v0;
	v36 =	vsel vm3, $0x1900, v36;
	v37 =	vsel vm3, $0x3900, v37;
	v34 =	vsel vm11, $0x580, v34  }
0x31: {  	s1 =	sand.u32 $0x1, s1;
	s2 =	sshll.u32 s2, $0x1;
	[tilespmem:$0x1FF50] =	vst v3;
	v38 =	vsel vm3, $0x1D00, v38;
	v39 =	vsel vm3, $0x3D00, v39;
	v34 =	vsel vm10, $0x600, v34  }
0x32: {  	s2 =	sor.u32 s1, s2;
	[tilespmem:$0x1FF60] =	vst v4;
	v35 =	vsel vm4, $0x3580, v35;
	v36 =	vsel vm4, $0x1980, v36;
	v34 =	vsel vm9, $0x680, v34  }
0x33: {  	s4 =	smul.u32 $0xE00, s2;
	[tilespmem:$0x1FF70] =	vst v5;
	v37 =	vsel vm4, $0x3980, v37;
	v38 =	vsel vm4, $0x1D80, v38;
	v34 =	vsel vm8, $0x700, v34  }
0x34: {  	s12 =	simm.s32 $0x80;
	s31 =	simm.s32 $0x3;
	[tilespmem:$0x1FF80] =	vst v6;
	v39 =	vsel vm4, $0x3D80, v39;
	v35 =	vsel vm2, $0x3600, v35;
	v34 =	vsel vm7, $0x780, v34  }
0x35: {  	s29 =	sadd.s32 $0x4000, s7;
	s1 =	ssub.s32 $0x2, s1;
	s6 =	sadd.s32 s4, s0;
	[tilespmem:$0x1FF90] =	vst v7;
	v36 =	vsel vm2, $0x1A00, v36;
	v37 =	vsel vm2, $0x3A00, v37;
	v34 =	vsel vm6, $0x1400, v34  }
0x36: {  	s30 =	sadd.s32 $0x8000, s7;
	s5 =	sshrl.u32 s1, $0x1;
	s26 =	sadd.s32 $0x600, s6;
	[tilespmem:$0x1FFA0] =	vst v8;
	v38 =	vsel vm2, $0x1E00, v38;
	v39 =	vsel vm2, $0x3E00, v39;
	v34 =	vsel vm5, $0x1480, v34  }
.Ltmp0:
0x37: {  	s28 =	sshll.u32 s2, $0xC;
	[dreg:$0x3] =	wrdreg s26;
	[tilespmem:$0x1FFB0] =	vst v9;
	v35 =	vsel vm1, $0x3680, v35;
	v36 =	vsel vm1, $0x1A80, v36;
	v34 =	vsel vm3, $0x1500, v34;
	(pc) =	sbr.rel .LBB2_1-.Ltmp0, $4  }
0x38: {  	s9 =	sadd.s32 $0xC000, s7;
	s25 =	ssub.s32 s1, s5;
	[dreg:$0x4] =	wrdreg s28;
	[tilespmem:$0x1FFC0] =	vst v17;
	v37 =	vsel vm1, $0x3A80, v37;
	v38 =	vsel vm1, $0x1E80, v38;
	v34 =	vsel vm4, $0x1580, v34  }
0x39: {  	s1 =	simm.s32 $0x19400;
	s5 =	simm.s32 $0x0;
	[dreg:$0x5] =	wrdreg s29;
	[tilespmem:$0x1FFD0] =	vst v26;
	v39 =	vsel vm1, $0x3E80, v39;
	v35 =	vsel vm0, $0x3700, v35;
	v34 =	vsel vm2, $0x1600, v34  }
0x3a: {  	s4 =	sadd.s32 $0xF42A00, s0;
	s0 =	smax.u32 s25, $0x1;
	[dreg:$0x6] =	wrdreg s30;
	[tilespmem:$0x1FFE0] =	vst v27;
	v36 =	vsel vm0, $0x1B00, v36;
	v37 =	vsel vm0, $0x3B00, v37;
	v34 =	vsel vm1, $0x1680, v34  }
0x3b: {  	s25 =	simm.s32 $0x2;
	[dreg:$0x7] =	wrdreg s0;
	s26 =	simm.s32 $0x15400;
	[tilespmem:$0x1FFF0] =	vst v13;
	v38 =	vsel vm0, $0x1F00, v38;
	v39 =	vsel vm0, $0x3F00, v39;
	v34 =	vsel vm0, $0x1700, v34  }
.LBB2_38:
0x3c: {  	s0 =	simm.s32 $0x4  }
0x3d: {  	_ =	swait.ge [sflag:s0], $0x1000  }
0x3e: {  	[sflag:s0] =	ssyncset.done $0x0  }
0x3f: {  	[sflag:s0] =	ssyncadd.s32 $0xFFFFF000  }
0x40: {  	_ =	swait.ge [sflag:s0], $0x1000  }
0x41: {  	[sflag:s0] =	ssyncset.done $0x0  }
0x42: {  	[sflag:s0] =	ssyncadd.s32 $0xFFFFF000  }
0x43: {  	_ =	swait.ge [sflag:s0], $0x1000  }
0x44: {  	[sflag:s0] =	ssyncset.done $0x0  }
0x45: {  	[sflag:s0] =	ssyncadd.s32 $0xFFFFF000  }
0x46: {  	_ =	swait.ge [sflag:s0], $0x1000  }
0x47: {  	[sflag:s0] =	ssyncset.done $0x0  }
0x48: {  	s2 =	simm.s32 $0x5;
	[sflag:s0] =	ssyncadd.s32 $0xFFFFF000  }
0x49: {  	_ =	swait.ge [sflag:s2], $0x1000  }
0x4a: {  	[sflag:s2] =	ssyncset.done $0x0  }
0x4b: {  	[sflag:s2] =	ssyncadd.s32 $0xFFFFF000  }
0x4c: {  	_ =	swait.ge [sflag:s2], $0x1000  }
0x4d: {  	[sflag:s2] =	ssyncset.done $0x0  }
0x4e: {  	[sflag:s2] =	ssyncadd.s32 $0xFFFFF000  }
0x4f: {  	_ =	swait.ge [sflag:s2], $0x1000  }
0x50: {  	[sflag:s2] =	ssyncset.done $0x0  }
0x51: {  	[sflag:s2] =	ssyncadd.s32 $0xFFFFF000  }
0x52: {  	_ =	swait.ge [sflag:s2], $0x1000  }
0x53: {  	v1 =	vld [tilespmem:$0x1FF30]  }
0x54: {  	s5 =	rddreg [dreg:$0x8];
	v0 =	vld [tilespmem:$0x1FF40]  }
0x55: {  	s30 =	rddreg [dreg:$0x7];
	v3 =	vld [tilespmem:$0x1FF50];
	s5 =	sadd.s32 $0x1, s5  }
0x56: {  	v4 =	vld [tilespmem:$0x1FF60];
	p0 =	sne.s32 s5, s30  }
.Ltmp1:
0x57: {  	v5 =	vld [tilespmem:$0x1FF70];
	(pc) =	sbr.rel @!p0 .LBB2_39-.Ltmp1, $4  }
0x58: {  	v6 =	vld [tilespmem:$0x1FF80]  }
0x59: {  	v7 =	vld [tilespmem:$0x1FF90]  }
0x5a: {  	[sflag:s2] =	ssyncset.done $0x0;
	v8 =	vld [tilespmem:$0x1FFA0]  }
0x5b: {  	v9 =	vld [tilespmem:$0x1FFB0];
	[sflag:s2] =	ssyncadd.s32 $0xFFFFF000  }
.LBB2_1:
0x5c: {  	s0 =	simm.s32 $0x1;
	v41 =	vmov s3  }
0x5d: {  	[dreg:$0x8] =	wrdreg s5;
	v40 =	vmov s0;
	v47 =	vand.u32 $0x3E, v41  }
0x5e: {  	s20 =	rddreg [dreg:$0x3];
	s21 =	simm.s32 $0x1;
	v46 =	vand.u32 $0x3F, v40;
	v41 =	vadd.s32 v0, v47  }
0x5f: {  	[tilespmem:s3], [sflag:$0x1] =	stream.linear.gather [hbm4b:s20+s3], $0x7000, $0x38;
	v40 =	vadd.s32 v0, v46;
	[tilespmem:$0x1D400] =	vst v63  }
0x60: {  	_ =	swait.ge [sflag:s21], $0x7000  }
0x61: {  	[sflag:s21] =	ssyncset.done $0x0  }
0x62: {  	[sflag:s21] =	ssyncadd.s32 $0xFFFF9000  }
0x63: {  	v41 =	vld.idx.msk [tilespmem:v41+s3+$0x0], $0xffff  }
0x64: {  	v59 =	vadd.s32 v1, v47;
	v40 =	vld.idx.msk [tilespmem:v40+s3+$0x0], $0xffff  }
0x65: {  	v42 =	vadd.s32 v1, v46;
	_ =	sdelay $0x1  }
0x66: {  	s10 =	simm.s32 $0x7200  }
0x67: {  	[tilespmem:s10+$0xFFFFFE00] =	vst v41  }
0x68: {  	[tilespmem:s10+$0x0] =	vst v40;
	v40 =	vld.idx.msk [tilespmem:v59+s3+$0x0], $0xffff  }
0x69: {  	v45 =	vadd.s32 v2, v47;
	v42 =	vld.idx.msk [tilespmem:v42+s3+$0x0], $0xffff  }
0x6a: {  	v43 =	vadd.s32 v2, v46;
	_ =	sdelay $0x2  }
0x6b: {  	[tilespmem:s10+$0xFFFFFE10] =	vst v40  }
0x6c: {  	[tilespmem:s10+$0x10] =	vst v42;
	v40 =	vld.idx.msk [tilespmem:v45+s3+$0x0], $0xffff  }
0x6d: {  	v49 =	vadd.s32 v3, v47;
	v42 =	vld.idx.msk [tilespmem:v43+s3+$0x0], $0xffff  }
0x6e: {  	v48 =	vadd.s32 v3, v46;
	_ =	sdelay $0x2  }
0x6f: {  	[tilespmem:s10+$0xFFFFFE20] =	vst v40  }
0x70: {  	[tilespmem:s10+$0x20] =	vst v42;
	v40 =	vld.idx.msk [tilespmem:v49+s3+$0x0], $0xffff  }
0x71: {  	v51 =	vadd.s32 v4, v47;
	v42 =	vld.idx.msk [tilespmem:v48+s3+$0x0], $0xffff  }
0x72: {  	v50 =	vadd.s32 v4, v46;
	_ =	sdelay $0x2  }
0x73: {  	[tilespmem:s10+$0xFFFFFE30] =	vst v40  }
0x74: {  	[tilespmem:s10+$0x30] =	vst v42;
	v40 =	vld.idx.msk [tilespmem:v51+s3+$0x0], $0xffff  }
0x75: {  	v53 =	vadd.s32 v5, v47;
	v42 =	vld.idx.msk [tilespmem:v50+s3+$0x0], $0xffff  }
0x76: {  	v52 =	vadd.s32 v5, v46;
	_ =	sdelay $0x2  }
0x77: {  	[tilespmem:s10+$0xFFFFFE40] =	vst v40  }
0x78: {  	[tilespmem:s10+$0x40] =	vst v42;
	v40 =	vld.idx.msk [tilespmem:v53+s3+$0x0], $0xffff  }
0x79: {  	v55 =	vadd.s32 v6, v47;
	v42 =	vld.idx.msk [tilespmem:v52+s3+$0x0], $0xffff  }
0x7a: {  	v54 =	vadd.s32 v6, v46;
	_ =	sdelay $0x2  }
0x7b: {  	[tilespmem:s10+$0xFFFFFE50] =	vst v40  }
0x7c: {  	[tilespmem:s10+$0x50] =	vst v42;
	v40 =	vld.idx.msk [tilespmem:v55+s3+$0x0], $0xffff  }
0x7d: {  	v57 =	vadd.s32 v7, v47;
	v42 =	vld.idx.msk [tilespmem:v54+s3+$0x0], $0xffff  }
0x7e: {  	v56 =	vadd.s32 v7, v46;
	_ =	sdelay $0x2  }
0x7f: {  	[tilespmem:s10+$0xFFFFFE60] =	vst v40  }
0x80: {  	[tilespmem:s10+$0x60] =	vst v42;
	v41 =	vld.idx.msk [tilespmem:v57+s3+$0x0], $0xffff  }
0x81: {  	v59 =	vadd.s32 v8, v47;
	v42 =	vld.idx.msk [tilespmem:v56+s3+$0x0], $0xffff  }
0x82: {  	s22 =	simm.s32 $0x3;
	v58 =	vadd.s32 v8, v46  }
0x83: {  	s23 =	simm.s32 $0x2;
	v50 =	vmov s22  }
0x84: {  	v51 =	vmov s23;
	v44 =	vand.u32 $0x3F, v50  }
0x85: {  	v48 =	vadd.s32 v0, v44;
	v40 =	vand.u32 $0x3E, v51;
	[tilespmem:s10+$0xFFFFFE70] =	vst v41  }
0x86: {  	v52 =	vadd.s32 v0, v40;
	[tilespmem:s10+$0x70] =	vst v42;
	v42 =	vld.idx.msk [tilespmem:v59+s3+$0x0], $0xffff  }
0x87: {  	v53 =	vadd.s32 v9, v47;
	v43 =	vld.idx.msk [tilespmem:v58+s3+$0x0], $0xffff  }
0x88: {  	v45 =	vadd.s32 v9, v46;
	_ =	sdelay $0x1  }
0x89: {  	v48 =	vld.idx.msk [tilespmem:v48+s3+$0x0], $0xffff  }
0x8a: {  	v50 =	vadd.s32 v1, v44;
	v41 =	vld.idx.msk [tilespmem:v52+s3+$0x0], $0xffff;
	[tilespmem:s10+$0xFFFFFE80] =	vst v42  }
0x8b: {  	v54 =	vadd.s32 v1, v40;
	[tilespmem:s10+$0x80] =	vst v43;
	v42 =	vld.idx.msk [tilespmem:v53+s3+$0x0], $0xffff  }
0x8c: {  	v55 =	vadd.s32 v23, v47;
	v45 =	vld.idx.msk [tilespmem:v45+s3+$0x0], $0xffff  }
0x8d: {  	s5 =	simm.s32 $0x7600;
	v49 =	vadd.s32 v23, v46  }
0x8e: {  	[tilespmem:s5+$0x0] =	vst v48  }
0x8f: {  	v57 =	vld.idx.msk [tilespmem:v50+s3+$0x0], $0xffff;
	[tilespmem:s5+$0xFFFFFE00] =	vst v41  }
0x90: {  	v41 =	vld.idx.msk [tilespmem:v54+s3+$0x0], $0xffff;
	[tilespmem:s10+$0xFFFFFE90] =	vst v42  }
0x91: {  	v59 =	vadd.s32 v2, v40;
	[tilespmem:s10+$0x90] =	vst v45;
	v42 =	vld.idx.msk [tilespmem:v55+s3+$0x0], $0xffff  }
0x92: {  	v54 =	vadd.s32 v62, v47;
	v56 =	vld.idx.msk [tilespmem:v49+s3+$0x0], $0xffff  }
0x93: {  	v58 =	vadd.s32 v62, v46  }
0x94: {  	v51 =	vadd.s32 v2, v44;
	[tilespmem:s5+$0x10] =	vst v57  }
0x95: {  	[tilespmem:s5+$0xFFFFFE10] =	vst v41  }
0x96: {  	v41 =	vld.idx.msk [tilespmem:v59+s3+$0x0], $0xffff;
	[tilespmem:s10+$0xFFFFFEA0] =	vst v42  }
0x97: {  	v57 =	vadd.s32 v3, v40;
	[tilespmem:s10+$0xA0] =	vst v56;
	v42 =	vld.idx.msk [tilespmem:v54+s3+$0x0], $0xffff  }
0x98: {  	v48 =	vld.idx.msk [tilespmem:v58+s3+$0x0], $0xffff;
	v58 =	vadd.s32 v11, v47  }
0x99: {  	v55 =	vadd.s32 v11, v46;
	v49 =	vld.idx.msk [tilespmem:v51+s3+$0x0], $0xffff  }
0x9a: {  	v56 =	vadd.s32 v3, v44  }
0x9b: {  	[tilespmem:s5+$0xFFFFFE20] =	vst v41  }
0x9c: {  	v41 =	vld.idx.msk [tilespmem:v57+s3+$0x0], $0xffff;
	[tilespmem:s10+$0xFFFFFEB0] =	vst v42  }
0x9d: {  	[tilespmem:s10+$0xB0] =	vst v48;
	v42 =	vld.idx.msk [tilespmem:v58+s3+$0x0], $0xffff  }
0x9e: {  	[tilespmem:s5+$0x20] =	vst v49;
	v48 =	vld.idx.msk [tilespmem:v55+s3+$0x0], $0xffff;
	v55 =	vadd.s32 v4, v40  }
0x9f: {  	v49 =	vld.idx.msk [tilespmem:v56+s3+$0x0], $0xffff;
	v56 =	vadd.s32 v12, v47  }
0xa0: {  	v59 =	vadd.s32 v12, v46  }
0xa1: {  	v54 =	vadd.s32 v4, v44  }
0xa2: {  	[tilespmem:s5+$0xFFFFFE30] =	vst v41  }
0xa3: {  	[tilespmem:s10+$0xFFFFFEC0] =	vst v42;
	v41 =	vld.idx.msk [tilespmem:v55+s3+$0x0], $0xffff  }
0xa4: {  	[tilespmem:s10+$0xC0] =	vst v48;
	v42 =	vld.idx.msk [tilespmem:v56+s3+$0x0], $0xffff  }
0xa5: {  	[tilespmem:s5+$0x30] =	vst v49;
	v48 =	vld.idx.msk [tilespmem:v59+s3+$0x0], $0xffff;
	v59 =	vadd.s32 v5, v40  }
0xa6: {  	v49 =	vld.idx.msk [tilespmem:v54+s3+$0x0], $0xffff;
	v54 =	vadd.s32 v63, v47  }
0xa7: {  	v57 =	vadd.s32 v63, v46  }
0xa8: {  	v58 =	vadd.s32 v5, v44  }
0xa9: {  	[tilespmem:s5+$0xFFFFFE40] =	vst v41  }
0xaa: {  	[tilespmem:s10+$0xFFFFFED0] =	vst v42;
	v41 =	vld.idx.msk [tilespmem:v59+s3+$0x0], $0xffff  }
0xab: {  	[tilespmem:s10+$0xD0] =	vst v48;
	v42 =	vld.idx.msk [tilespmem:v54+s3+$0x0], $0xffff  }
0xac: {  	[tilespmem:s5+$0x40] =	vst v49;
	v48 =	vld.idx.msk [tilespmem:v57+s3+$0x0], $0xffff;
	v57 =	vadd.s32 v6, v40  }
0xad: {  	v49 =	vld.idx.msk [tilespmem:v58+s3+$0x0], $0xffff;
	v58 =	vadd.s32 v29, v47  }
0xae: {  	v55 =	vadd.s32 v29, v46  }
0xaf: {  	v56 =	vadd.s32 v6, v44  }
0xb0: {  	[tilespmem:s5+$0xFFFFFE50] =	vst v41  }
0xb1: {  	[tilespmem:s10+$0xFFFFFEE0] =	vst v42;
	v41 =	vld.idx.msk [tilespmem:v57+s3+$0x0], $0xffff  }
0xb2: {  	[tilespmem:s10+$0xE0] =	vst v48;
	v42 =	vld.idx.msk [tilespmem:v58+s3+$0x0], $0xffff  }
0xb3: {  	[tilespmem:s5+$0x50] =	vst v49;
	v48 =	vld.idx.msk [tilespmem:v55+s3+$0x0], $0xffff;
	v55 =	vadd.s32 v7, v40  }
0xb4: {  	v49 =	vld.idx.msk [tilespmem:v56+s3+$0x0], $0xffff;
	v56 =	vadd.s32 v14, v47  }
0xb5: {  	v59 =	vadd.s32 v14, v46  }
0xb6: {  	v54 =	vadd.s32 v7, v44  }
0xb7: {  	[tilespmem:s5+$0xFFFFFE60] =	vst v41  }
0xb8: {  	[tilespmem:s10+$0xFFFFFEF0] =	vst v42;
	v43 =	vld.idx.msk [tilespmem:v55+s3+$0x0], $0xffff  }
0xb9: {  	v52 =	vadd.s32 v8, v40;
	[tilespmem:s10+$0xF0] =	vst v48;
	v45 =	vld.idx.msk [tilespmem:v56+s3+$0x0], $0xffff  }
0xba: {  	[tilespmem:s5+$0x60] =	vst v49;
	v48 =	vld.idx.msk [tilespmem:v59+s3+$0x0], $0xffff;
	v59 =	vadd.s32 v15, v47  }
0xbb: {  	v57 =	vadd.s32 v15, v46;
	v49 =	vld.idx.msk [tilespmem:v54+s3+$0x0], $0xffff  }
0xbc: {  	v58 =	vadd.s32 v8, v44  }
0xbd: {  	[tilespmem:s5+$0xFFFFFE70] =	vst v43  }
0xbe: {  	[tilespmem:s10+$0xFFFFFF00] =	vst v45;
	v52 =	vld.idx.msk [tilespmem:v52+s3+$0x0], $0xffff  }
0xbf: {  	[tilespmem:s10+$0x100] =	vst v48;
	v45 =	vld.idx.msk [tilespmem:v59+s3+$0x0], $0xffff  }
0xc0: {  	s24 =	simm.s32 $0x5;
	[tilespmem:s5+$0x70] =	vst v49;
	v59 =	vadd.s32 v9, v40;
	v49 =	vld.idx.msk [tilespmem:v57+s3+$0x0], $0xffff  }
0xc1: {  	v51 =	vadd.s32 v60, v46;
	v50 =	vld.idx.msk [tilespmem:v58+s3+$0x0], $0xffff;
	v57 =	vmov s24  }
0xc2: {  	s2 =	simm.s32 $0x4;
	v54 =	vadd.s32 v9, v44;
	v42 =	vand.u32 $0x3F, v57  }
0xc3: {  	v53 =	vmov s2;
	v58 =	vadd.s32 v0, v42;
	[tilespmem:s5+$0xFFFFFE80] =	vst v52  }
0xc4: {  	v41 =	vand.u32 $0x3E, v53;
	[tilespmem:s10+$0xFFFFFF10] =	vst v45  }
0xc5: {  	v53 =	vadd.s32 v0, v41;
	[tilespmem:s10+$0x110] =	vst v49;
	v45 =	vld.idx.msk [tilespmem:v59+s3+$0x0], $0xffff  }
0xc6: {  	v57 =	vadd.s32 v60, v47;
	[tilespmem:s5+$0x80] =	vst v50;
	v50 =	vld.idx.msk [tilespmem:v51+s3+$0x0], $0xffff  }
0xc7: {  	v51 =	vld.idx.msk [tilespmem:v54+s3+$0x0], $0xffff;
	v54 =	vadd.s32 v19, v46  }
0xc8: {  	v55 =	vadd.s32 v23, v44;
	v43 =	vld.idx.msk [tilespmem:v58+s3+$0x0], $0xffff  }
0xc9: {  	v56 =	vadd.s32 v23, v40  }
0xca: {  	v53 =	vld.idx.msk [tilespmem:v53+s3+$0x0], $0xffff;
	v52 =	vadd.s32 v1, v42;
	[tilespmem:s5+$0xFFFFFE90] =	vst v45  }
0xcb: {  	v49 =	vld.idx.msk [tilespmem:v57+s3+$0x0], $0xffff;
	[tilespmem:s10+$0x120] =	vst v50  }
0xcc: {  	s18 =	simm.s32 $0x7A00;
	v48 =	vadd.s32 v1, v41;
	[tilespmem:s5+$0x90] =	vst v51;
	v51 =	vld.idx.msk [tilespmem:v54+s3+$0x0], $0xffff  }
0xcd: {  	v58 =	vadd.s32 v19, v47;
	[tilespmem:s18+$0x0] =	vst v43;
	v43 =	vld.idx.msk [tilespmem:v55+s3+$0x0], $0xffff  }
0xce: {  	v54 =	vadd.s32 v61, v46;
	v55 =	vld.idx.msk [tilespmem:v56+s3+$0x0], $0xffff  }
0xcf: {  	[tilespmem:s18+$0xFFFFFE00] =	vst v53;
	v53 =	vadd.s32 v62, v44;
	v52 =	vld.idx.msk [tilespmem:v52+s3+$0x0], $0xffff  }
0xd0: {  	[tilespmem:s10+$0xFFFFFF20] =	vst v49;
	v56 =	vadd.s32 v62, v40  }
0xd1: {  	v48 =	vld.idx.msk [tilespmem:v48+s3+$0x0], $0xffff;
	v45 =	vadd.s32 v2, v42;
	[tilespmem:s10+$0x130] =	vst v51  }
0xd2: {  	v50 =	vld.idx.msk [tilespmem:v58+s3+$0x0], $0xffff;
	[tilespmem:s5+$0xA0] =	vst v43  }
0xd3: {  	v49 =	vadd.s32 v2, v41;
	[tilespmem:s5+$0xFFFFFEA0] =	vst v55;
	v51 =	vld.idx.msk [tilespmem:v54+s3+$0x0], $0xffff  }
0xd4: {  	v59 =	vadd.s32 v61, v47;
	[tilespmem:s18+$0x10] =	vst v52;
	v52 =	vld.idx.msk [tilespmem:v53+s3+$0x0], $0xffff  }
0xd5: {  	v53 =	vadd.s32 v21, v46;
	v55 =	vld.idx.msk [tilespmem:v56+s3+$0x0], $0xffff  }
0xd6: {  	[tilespmem:s18+$0xFFFFFE10] =	vst v48;
	v48 =	vadd.s32 v11, v44;
	v45 =	vld.idx.msk [tilespmem:v45+s3+$0x0], $0xffff  }
0xd7: {  	[tilespmem:s10+$0xFFFFFF30] =	vst v50;
	v56 =	vadd.s32 v11, v40  }
0xd8: {  	v49 =	vld.idx.msk [tilespmem:v49+s3+$0x0], $0xffff;
	v54 =	vadd.s32 v3, v42;
	[tilespmem:s10+$0x140] =	vst v51  }
0xd9: {  	v43 =	vld.idx.msk [tilespmem:v59+s3+$0x0], $0xffff;
	[tilespmem:s5+$0xB0] =	vst v52  }
0xda: {  	v50 =	vadd.s32 v3, v41;
	[tilespmem:s5+$0xFFFFFEB0] =	vst v55;
	v52 =	vld.idx.msk [tilespmem:v53+s3+$0x0], $0xffff  }
0xdb: {  	v51 =	vadd.s32 v21, v47;
	[tilespmem:s18+$0x20] =	vst v45;
	v45 =	vld.idx.msk [tilespmem:v48+s3+$0x0], $0xffff  }
0xdc: {  	v48 =	vadd.s32 v13, v46;
	v55 =	vld.idx.msk [tilespmem:v56+s3+$0x0], $0xffff  }
0xdd: {  	[tilespmem:s18+$0xFFFFFE20] =	vst v49;
	v53 =	vadd.s32 v12, v44;
	v49 =	vld.idx.msk [tilespmem:v54+s3+$0x0], $0xffff  }
0xde: {  	v57 =	vadd.s32 v12, v40;
	[tilespmem:s10+$0xFFFFFF40] =	vst v43  }
0xdf: {  	v50 =	vld.idx.msk [tilespmem:v50+s3+$0x0], $0xffff;
	v54 =	vadd.s32 v4, v42;
	[tilespmem:s10+$0x150] =	vst v52  }
0xe0: {  	v51 =	vld.idx.msk [tilespmem:v51+s3+$0x0], $0xffff;
	[tilespmem:s5+$0xC0] =	vst v45  }
0xe1: {  	v56 =	vadd.s32 v4, v41;
	[tilespmem:s5+$0xFFFFFEC0] =	vst v55;
	v48 =	vld.idx.msk [tilespmem:v48+s3+$0x0], $0xffff  }
0xe2: {  	v45 =	vadd.s32 v13, v47;
	[tilespmem:s18+$0x30] =	vst v49;
	v49 =	vld.idx.msk [tilespmem:v53+s3+$0x0], $0xffff  }
0xe3: {  	v53 =	vadd.s32 v24, v46;
	v57 =	vld.idx.msk [tilespmem:v57+s3+$0x0], $0xffff  }
0xe4: {  	[tilespmem:s18+$0xFFFFFE30] =	vst v50;
	v55 =	vadd.s32 v63, v44;
	v50 =	vld.idx.msk [tilespmem:v54+s3+$0x0], $0xffff  }
0xe5: {  	v58 =	vadd.s32 v63, v40;
	[tilespmem:s10+$0xFFFFFF50] =	vst v51  }
0xe6: {  	v54 =	vld.idx.msk [tilespmem:v56+s3+$0x0], $0xffff;
	v56 =	vadd.s32 v5, v42;
	[tilespmem:s10+$0x160] =	vst v48  }
0xe7: {  	v51 =	vadd.s32 v5, v41;
	v45 =	vld.idx.msk [tilespmem:v45+s3+$0x0], $0xffff;
	[tilespmem:s5+$0xD0] =	vst v49  }
0xe8: {  	v48 =	vadd.s32 v24, v47;
	[tilespmem:s5+$0xFFFFFED0] =	vst v57;
	v49 =	vld.idx.msk [tilespmem:v53+s3+$0x0], $0xffff  }
0xe9: {  	[tilespmem:s18+$0x40] =	vst v50;
	v50 =	vld.idx.msk [tilespmem:v55+s3+$0x0], $0xffff;
	v53 =	vadd.s32 v25, v46  }
0xea: {  	v55 =	vadd.s32 v29, v44;
	v57 =	vld.idx.msk [tilespmem:v58+s3+$0x0], $0xffff  }
0xeb: {  	[tilespmem:s18+$0xFFFFFE40] =	vst v54;
	v58 =	vadd.s32 v29, v40;
	v54 =	vld.idx.msk [tilespmem:v56+s3+$0x0], $0xffff  }
0xec: {  	v56 =	vadd.s32 v6, v42;
	v51 =	vld.idx.msk [tilespmem:v51+s3+$0x0], $0xffff;
	[tilespmem:s10+$0xFFFFFF60] =	vst v45  }
0xed: {  	v48 =	vld.idx.msk [tilespmem:v48+s3+$0x0], $0xffff;
	[tilespmem:s10+$0x170] =	vst v49  }
0xee: {  	v45 =	vadd.s32 v6, v41;
	[tilespmem:s5+$0xE0] =	vst v50;
	v50 =	vld.idx.msk [tilespmem:v53+s3+$0x0], $0xffff  }
0xef: {  	v28 =	vmov v17;
	v49 =	vadd.s32 v25, v47;
	[tilespmem:s5+$0xFFFFFEE0] =	vst v57;
	v53 =	vld.idx.msk [tilespmem:v55+s3+$0x0], $0xffff  }
0xf0: {  	[tilespmem:s18+$0x50] =	vst v54;
	v54 =	vadd.s32 v28, v46;
	v57 =	vld.idx.msk [tilespmem:v58+s3+$0x0], $0xffff  }
0xf1: {  	v55 =	vadd.s32 v14, v44;
	[tilespmem:s18+$0xFFFFFE50] =	vst v51;
	v51 =	vld.idx.msk [tilespmem:v56+s3+$0x0], $0xffff  }
0xf2: {  	v58 =	vadd.s32 v14, v40;
	[tilespmem:s10+$0xFFFFFF70] =	vst v48  }
0xf3: {  	v56 =	vadd.s32 v7, v42;
	v45 =	vld.idx.msk [tilespmem:v45+s3+$0x0], $0xffff;
	[tilespmem:s10+$0x180] =	vst v50  }
0xf4: {  	v48 =	vadd.s32 v7, v41;
	v49 =	vld.idx.msk [tilespmem:v49+s3+$0x0], $0xffff;
	[tilespmem:s5+$0xF0] =	vst v53  }
0xf5: {  	[tilespmem:s5+$0xFFFFFEF0] =	vst v57;
	v53 =	vld.idx.msk [tilespmem:v54+s3+$0x0], $0xffff  }
0xf6: {  	v50 =	vadd.s32 v28, v47;
	[tilespmem:s18+$0x60] =	vst v51;
	v51 =	vld.idx.msk [tilespmem:v55+s3+$0x0], $0xffff  }
0xf7: {  	v54 =	vadd.s32 v27, v46;
	v57 =	vld.idx.msk [tilespmem:v58+s3+$0x0], $0xffff  }
0xf8: {  	v55 =	vadd.s32 v15, v44;
	[tilespmem:s18+$0xFFFFFE60] =	vst v45;
	v45 =	vld.idx.msk [tilespmem:v56+s3+$0x0], $0xffff  }
0xf9: {  	v56 =	vadd.s32 v8, v42;
	v48 =	vld.idx.msk [tilespmem:v48+s3+$0x0], $0xffff;
	[tilespmem:s10+$0xFFFFFF80] =	vst v49  }
0xfa: {  	v58 =	vadd.s32 v15, v40;
	[tilespmem:s10+$0x190] =	vst v53  }
0xfb: {  	v49 =	vadd.s32 v8, v41;
	v50 =	vld.idx.msk [tilespmem:v50+s3+$0x0], $0xffff;
	[tilespmem:s5+$0x100] =	vst v51  }
0xfc: {  	v51 =	vadd.s32 v27, v47;
	[tilespmem:s5+$0xFFFFFF00] =	vst v57;
	v53 =	vld.idx.msk [tilespmem:v54+s3+$0x0], $0xffff  }
0xfd: {  	[tilespmem:s18+$0x70] =	vst v45;
	v54 =	vld.idx.msk [tilespmem:v55+s3+$0x0], $0xffff;
	v55 =	vadd.s32 v26, v46  }
0xfe: {  	s29 =	simm.s32 $0x7;
	[tilespmem:s18+$0xFFFFFE70] =	vst v48;
	v48 =	vld.idx.msk [tilespmem:v56+s3+$0x0], $0xffff;
	v56 =	vadd.s32 v60, v44  }
0xff: {  	v57 =	vadd.s32 v9, v42;
	v45 =	vmov s29;
	v58 =	vld.idx.msk [tilespmem:v58+s3+$0x0], $0xffff  }
0x100: {  	v45 =	vand.u32 $0x3F, v45;
	v49 =	vld.idx.msk [tilespmem:v49+s3+$0x0], $0xffff;
	[tilespmem:s10+$0xFFFFFF90] =	vst v50  }
0x101: {  	s28 =	simm.s32 $0x6;
	v50 =	vadd.s32 v0, v45;
	v51 =	vld.idx.msk [tilespmem:v51+s3+$0x0], $0xffff;
	[tilespmem:s10+$0x1A0] =	vst v53  }
0x102: {  	v59 =	vadd.s32 v9, v41;
	v43 =	vmov s28;
	[tilespmem:s5+$0x110] =	vst v54;
	v54 =	vld.idx.msk [tilespmem:v55+s3+$0x0], $0xffff  }
0x103: {  	v43 =	vand.u32 $0x3E, v43;
	[tilespmem:s18+$0x80] =	vst v48;
	v48 =	vld.idx.msk [tilespmem:v56+s3+$0x0], $0xffff  }
0x104: {  	v52 =	vadd.s32 v0, v43;
	v56 =	vld.idx.msk [tilespmem:v57+s3+$0x0], $0xffff  }
0x105: {  	v16 =	vmov v29;
	v53 =	vadd.s32 v60, v40;
	v29 =	vld [tilespmem:$0x1FF00]  }
0x106: {  	[tilespmem:s18+$0xFFFFFE80] =	vst v49;
	v49 =	vld.idx.msk [tilespmem:v50+s3+$0x0], $0xffff;
	v50 =	vadd.s32 v19, v44  }
0x107: {  	[tilespmem:s5+$0xFFFFFF10] =	vst v58;
	v58 =	vld.idx.msk [tilespmem:v59+s3+$0x0], $0xffff;
	v59 =	vadd.s32 v23, v42  }
0x108: {  	[tilespmem:s10+$0xFFFFFFA0] =	vst v51  }
0x109: {  	v52 =	vld.idx.msk [tilespmem:v52+s3+$0x0], $0xffff;
	v51 =	vadd.s32 v1, v45;
	[tilespmem:s10+$0x1B0] =	vst v54  }
0x10a: {  	v53 =	vld.idx.msk [tilespmem:v53+s3+$0x0], $0xffff;
	[tilespmem:s5+$0x120] =	vst v48;
	v57 =	vadd.s32 v29, v46  }
0x10b: {  	s19 =	simm.s32 $0x7E00;
	[tilespmem:s18+$0x90] =	vst v56;
	v50 =	vld.idx.msk [tilespmem:v50+s3+$0x0], $0xffff  }
0x10c: {  	[tilespmem:s19+$0x0] =	vst v49;
	v49 =	vld.idx.msk [tilespmem:v59+s3+$0x0], $0xffff  }
0x10d: {  	v20 =	vmov v19;
	v19 =	vmov v60;
	v60 =	vadd.s32 v1, v43;
	v30 =	vld [tilespmem:$0x1FF10]  }
0x10e: {  	v54 =	vadd.s32 v23, v41;
	[tilespmem:s19+$0xFFFFFE00] =	vst v52;
	v51 =	vld.idx.msk [tilespmem:v51+s3+$0x0], $0xffff  }
0x10f: {  	v56 =	vadd.s32 v20, v40;
	[tilespmem:s18+$0xFFFFFE90] =	vst v58;
	v48 =	vld.idx.msk [tilespmem:v57+s3+$0x0], $0xffff  }
0x110: {  	[tilespmem:s5+$0xFFFFFF20] =	vst v53  }
0x111: {  	v52 =	vadd.s32 v61, v44;
	[tilespmem:s5+$0x130] =	vst v50  }
0x112: {  	v58 =	vadd.s32 v62, v42;
	v59 =	vld.idx.msk [tilespmem:v60+s3+$0x0], $0xffff;
	[tilespmem:s18+$0xA0] =	vst v49  }
0x113: {  	v53 =	vadd.s32 v2, v43;
	v54 =	vld.idx.msk [tilespmem:v54+s3+$0x0], $0xffff;
	[tilespmem:s19+$0x10] =	vst v51  }
0x114: {  	v56 =	vld.idx.msk [tilespmem:v56+s3+$0x0], $0xffff;
	v57 =	vadd.s32 v30, v46;
	[tilespmem:s10+$0x1C0] =	vst v48  }
0x115: {  	v49 =	vadd.s32 v61, v40;
	v31 =	vld [tilespmem:$0x1FF20]  }
0x116: {  	v60 =	vadd.s32 v2, v45;
	v52 =	vld.idx.msk [tilespmem:v52+s3+$0x0], $0xffff  }
0x117: {  	v51 =	vld.idx.msk [tilespmem:v58+s3+$0x0], $0xffff;
	v48 =	vadd.s32 v62, v41;
	[tilespmem:s19+$0xFFFFFE10] =	vst v59  }
0x118: {  	[tilespmem:s18+$0xFFFFFEA0] =	vst v54;
	v54 =	vadd.s32 v11, v42;
	v53 =	vld.idx.msk [tilespmem:v53+s3+$0x0], $0xffff  }
0x119: {  	[tilespmem:s5+$0xFFFFFF30] =	vst v56;
	v56 =	vadd.s32 v3, v43;
	v50 =	vld.idx.msk [tilespmem:v57+s3+$0x0], $0xffff  }
0x11a: {  	v49 =	vld.idx.msk [tilespmem:v49+s3+$0x0], $0xffff;
	v57 =	vadd.s32 v31, v46  }
0x11b: {  	v58 =	vld.idx.msk [tilespmem:v60+s3+$0x0], $0xffff;
	v59 =	vadd.s32 v21, v44;
	[tilespmem:s5+$0x140] =	vst v52  }
0x11c: {  	v60 =	vadd.s32 v3, v45;
	[tilespmem:s18+$0xB0] =	vst v51;
	v48 =	vld.idx.msk [tilespmem:v48+s3+$0x0], $0xffff  }
0x11d: {  	v51 =	vadd.s32 v21, v40;
	v54 =	vld.idx.msk [tilespmem:v54+s3+$0x0], $0xffff;
	[tilespmem:s19+$0xFFFFFE20] =	vst v53  }
0x11e: {  	[tilespmem:s10+$0x1D0] =	vst v50;
	v50 =	vadd.s32 v11, v41;
	v56 =	vld.idx.msk [tilespmem:v56+s3+$0x0], $0xffff  }
0x11f: {  	[tilespmem:s5+$0xFFFFFF40] =	vst v49;
	v49 =	vadd.s32 v4, v43;
	v52 =	vld.idx.msk [tilespmem:v57+s3+$0x0], $0xffff  }
0x120: {  	[tilespmem:s19+$0x20] =	vst v58;
	v46 =	vadd.s32 v10, v46;
	v57 =	vld.idx.msk [tilespmem:v59+s3+$0x0], $0xffff  }
0x121: {  	v53 =	vld.idx.msk [tilespmem:v60+s3+$0x0], $0xffff;
	[tilespmem:s18+$0xFFFFFEB0] =	vst v48;
	v48 =	vadd.s32 v12, v42  }
0x122: {  	v51 =	vld.idx.msk [tilespmem:v51+s3+$0x0], $0xffff;
	v59 =	vadd.s32 v4, v45;
	[tilespmem:s18+$0xC0] =	vst v54  }
0x123: {  	s30 =	simm.s32 $0x8;
	v50 =	vld.idx.msk [tilespmem:v50+s3+$0x0], $0xffff;
	[tilespmem:s19+$0xFFFFFE30] =	vst v56  }
0x124: {  	v58 =	vadd.s32 v13, v44;
	v49 =	vld.idx.msk [tilespmem:v49+s3+$0x0], $0xffff;
	[tilespmem:s10+$0x1E0] =	vst v52;
	v52 =	vmov s30  }
0x125: {  	[tilespmem:s5+$0x150] =	vst v57;
	v57 =	vld.idx.msk [tilespmem:v46+s3+$0x0], $0xffff;
	v46 =	vand.u32 $0x3E, v52;
	v52 =	vadd.s32 v13, v40  }
0x126: {  	v55 =	vadd.s32 v26, v47;
	[tilespmem:s19+$0x30] =	vst v53;
	v53 =	vld.idx.msk [tilespmem:v48+s3+$0x0], $0xffff  }
0x127: {  	v60 =	vadd.s32 v12, v41;
	v56 =	vld.idx.msk [tilespmem:v59+s3+$0x0], $0xffff  }
0x128: {  	[tilespmem:s5+$0xFFFFFF50] =	vst v51;
	v51 =	vadd.s32 v5, v43  }
0x129: {  	v22 =	vmov v21;
	v21 =	vmov v61;
	v61 =	vadd.s32 v5, v45;
	v54 =	vld.idx.msk [tilespmem:v58+s3+$0x0], $0xffff;
	[tilespmem:s18+$0xFFFFFEC0] =	vst v50  }
0x12a: {  	v59 =	vadd.s32 v24, v44;
	[tilespmem:s19+$0xFFFFFE40] =	vst v49;
	v52 =	vld.idx.msk [tilespmem:v52+s3+$0x0], $0xffff  }
0x12b: {  	v55 =	vld.idx.msk [tilespmem:v55+s3+$0x0], $0xffff;
	[tilespmem:s18+$0xD0] =	vst v53;
	v53 =	vadd.s32 v24, v40  }
0x12c: {  	v50 =	vadd.s32 v63, v42;
	v60 =	vld.idx.msk [tilespmem:v60+s3+$0x0], $0xffff;
	[tilespmem:s19+$0x40] =	vst v56  }
0x12d: {  	v58 =	vadd.s32 v0, v46;
	v51 =	vld.idx.msk [tilespmem:v51+s3+$0x0], $0xffff;
	[tilespmem:s10+$0x1F0] =	vst v57  }
0x12e: {  	v57 =	vadd.s32 v63, v41;
	[tilespmem:s5+$0x160] =	vst v54;
	v49 =	vld.idx.msk [tilespmem:v61+s3+$0x0], $0xffff  }
0x12f: {  	v61 =	vadd.s32 v6, v43;
	v54 =	vld.idx.msk [tilespmem:v59+s3+$0x0], $0xffff;
	[tilespmem:s5+$0xFFFFFF60] =	vst v52  }
0x130: {  	[tilespmem:s10+$0xFFFFFFB0] =	vst v55;
	v56 =	vadd.s32 v29, v47;
	v53 =	vld.idx.msk [tilespmem:v53+s3+$0x0], $0xffff  }
0x131: {  	v50 =	vld.idx.msk [tilespmem:v50+s3+$0x0], $0xffff;
	[tilespmem:s18+$0xFFFFFED0] =	vst v60;
	v60 =	vadd.s32 v6, v45  }
0x132: {  	v48 =	vld.idx.msk [tilespmem:v58+s3+$0x0], $0xffff;
	v58 =	vadd.s32 v25, v44;
	[tilespmem:s19+$0xFFFFFE50] =	vst v51  }
0x133: {  	v59 =	vadd.s32 v16, v42;
	v57 =	vld.idx.msk [tilespmem:v57+s3+$0x0], $0xffff;
	[tilespmem:s19+$0x50] =	vst v49  }
0x134: {  	v55 =	vadd.s32 v16, v41;
	v52 =	vld.idx.msk [tilespmem:v61+s3+$0x0], $0xffff;
	[tilespmem:s5+$0x170] =	vst v54  }
0x135: {  	v54 =	vld.idx.msk [tilespmem:v56+s3+$0x0], $0xffff;
	[tilespmem:s5+$0xFFFFFF70] =	vst v53;
	v53 =	vadd.s32 v7, v43  }
0x136: {  	[tilespmem:s18+$0xE0] =	vst v50;
	v50 =	vadd.s32 v25, v40;
	v51 =	vld.idx.msk [tilespmem:v60+s3+$0x0], $0xffff  }
0x137: {  	v56 =	vld.idx.msk [tilespmem:v58+s3+$0x0], $0xffff;
	v58 =	vadd.s32 v30, v47  }
0x138: {  	v49 =	vld.idx.msk [tilespmem:v59+s3+$0x0], $0xffff;
	v60 =	vadd.s32 v7, v45;
	[tilespmem:s18+$0xFFFFFEE0] =	vst v57  }
0x139: {  	v17 =	vmov v14;
	v59 =	vadd.s32 v28, v44;
	[tilespmem:s19+$0xFFFFFE60] =	vst v52;
	v55 =	vld.idx.msk [tilespmem:v55+s3+$0x0], $0xffff  }
0x13a: {  	v13 =	vmov v11;
	v57 =	vadd.s32 v17, v42;
	[tilespmem:s10+$0xFFFFFFC0] =	vst v54;
	v11 =	vld.idx.msk [tilespmem:v53+s3+$0x0], $0xffff  }
0x13b: {  	[tilespmem:s19+$0x60] =	vst v51;
	v50 =	vld.idx.msk [tilespmem:v50+s3+$0x0], $0xffff  }
0x13c: {  	[tilespmem:s5+$0x180] =	vst v56;
	v56 =	vld.idx.msk [tilespmem:v58+s3+$0x0], $0xffff  }
0x13d: {  	v52 =	vld.idx.msk [tilespmem:v60+s3+$0x0], $0xffff  }
0x13e: {  	[tilespmem:s18+$0xF0] =	vst v49;
	v59 =	vld.idx.msk [tilespmem:v59+s3+$0x0], $0xffff  }
0x13f: {  	v51 =	vld.idx.msk [tilespmem:v57+s3+$0x0], $0xffff;
	[tilespmem:$0x1FEF0] =	vst v11  }
0x140: {  	v54 =	vadd.s32 v17, v41;
	[tilespmem:s18+$0xFFFFFEF0] =	vst v55  }
0x141: {  	[tilespmem:s5+$0xFFFFFF80] =	vst v50  }
0x142: {  	v49 =	vadd.s32 v28, v40;
	[tilespmem:s10+$0xFFFFFFD0] =	vst v56  }
0x143: {  	v61 =	vadd.s32 v31, v47;
	[tilespmem:s5+$0x190] =	vst v59  }
0x144: {  	v18 =	vmov v15;
	v60 =	vadd.s32 v27, v44;
	[tilespmem:s18+$0x100] =	vst v51  }
0x145: {  	v15 =	vmov v63;
	v63 =	vadd.s32 v18, v42;
	[tilespmem:s19+$0x70] =	vst v52;
	v58 =	vld.idx.msk [tilespmem:v54+s3+$0x0], $0xffff  }
0x146: {  	v14 =	vmovc v12;
	v12 =	vmovc v62;
	v62 =	vadd.s32 v8, v45;
	v28 =	vmov v10;
	v51 =	vadd.s32 v10, v47;
	v10 =	vld [tilespmem:$0x1FEF0]  }
0x147: {  	v57 =	vld.idx.msk [tilespmem:v49+s3+$0x0], $0xffff  }
0x148: {  	v53 =	vld.idx.msk [tilespmem:v61+s3+$0x0], $0xffff  }
0x149: {  	v59 =	vadd.s32 v8, v43;
	v54 =	vld.idx.msk [tilespmem:v60+s3+$0x0], $0xffff  }
0x14a: {  	v55 =	vadd.s32 v18, v41;
	v50 =	vadd.s32 v27, v40;
	v52 =	vld.idx.msk [tilespmem:v63+s3+$0x0], $0xffff  }
0x14b: {  	s11 =	simm.s32 $0xA;
	s0 =	simm.s32 $0x9;
	v11 =	vmovc v23;
	v60 =	vld.idx.msk [tilespmem:v62+s3+$0x0], $0xffff;
	v49 =	vadd.s32 v26, v44;
	[tilespmem:s19+$0xFFFFFE70] =	vst v10;
	v10 =	vmov v2;
	v2 =	vmov v1  }
.LBB2_2:
0x14c: {  	_ =	sdelay $0x1  }
0x14d: {  	v56 =	vld.idx.msk [tilespmem:v59+s3+$0x0], $0xffff;
	[tilespmem:s18+$0xFFFFFF00] =	vst v58  }
0x14e: {  	v47 =	vmov s0;
	v63 =	vadd.s32 v19, v42;
	v55 =	vld.idx.msk [tilespmem:v55+s3+$0x0], $0xffff;
	[tilespmem:s5+$0xFFFFFF90] =	vst v57  }
0x14f: {  	v61 =	vadd.s32 v9, v45;
	v27 =	vld [tilespmem:$0x1FFD0];
	v59 =	vand.u32 $0x3F, v47;
	[tilespmem:s5+$0x1A0] =	vst v54  }
0x150: {  	v57 =	vadd.s32 v0, v59;
	v50 =	vld.idx.msk [tilespmem:v50+s3+$0x0], $0xffff;
	[tilespmem:s10+$0xFFFFFFE0] =	vst v53  }
0x151: {  	v53 =	vadd.s32 v9, v43;
	[tilespmem:s18+$0x110] =	vst v52;
	v51 =	vld.idx.msk [tilespmem:v51+s3+$0x0], $0xffff  }
0x152: {  	v54 =	vadd.s32 v19, v41;
	v49 =	vld.idx.msk [tilespmem:v49+s3+$0x0], $0xffff;
	[tilespmem:s19+$0x80] =	vst v60  }
0x153: {  	v52 =	vld.idx.msk [tilespmem:v63+s3+$0x0], $0xffff  }
0x154: {  	v58 =	vadd.s32 v27, v40;
	[tilespmem:s19+$0xFFFFFE80] =	vst v56;
	v56 =	vld.idx.msk [tilespmem:v61+s3+$0x0], $0xffff  }
0x155: {  	v60 =	vadd.s32 v29, v44;
	v57 =	vld.idx.msk [tilespmem:v57+s3+$0x0], $0xffff;
	[tilespmem:s18+$0xFFFFFF10] =	vst v55  }
0x156: {  	v63 =	vadd.s32 v2, v46;
	v53 =	vld.idx.msk [tilespmem:v53+s3+$0x0], $0xffff;
	[tilespmem:s5+$0xFFFFFFA0] =	vst v50  }
0x157: {  	v55 =	vadd.s32 v20, v42;
	v54 =	vld.idx.msk [tilespmem:v54+s3+$0x0], $0xffff;
	[tilespmem:s10+$0xFFFFFFF0] =	vst v51;
	s10 =	smov.u32 s5  }
0x158: {  	v61 =	vadd.s32 v11, v45;
	s5 =	smov.u32 s18;
	[tilespmem:s10+$0x1B0] =	vst v49  }
0x159: {  	v62 =	vadd.s32 v2, v59;
	s18 =	smov.u32 s19;
	s19 =	sadd.s32 $0x400, s19;
	v47 =	vld.idx.msk [tilespmem:v58+s3+$0x0], $0xffff;
	[tilespmem:s5+$0x120] =	vst v52  }
0x15a: {  	v49 =	vadd.s32 v11, v43;
	[tilespmem:s19+$0xFFFFFE00] =	vst v48;
	v52 =	vld.idx.msk [tilespmem:v60+s3+$0x0], $0xffff  }
0x15b: {  	[tilespmem:s18+$0x90] =	vst v56;
	v51 =	vld.idx.msk [tilespmem:v63+s3+$0x0], $0xffff  }
0x15c: {  	v56 =	vadd.s32 v20, v41;
	v55 =	vld.idx.msk [tilespmem:v55+s3+$0x0], $0xffff;
	[tilespmem:s19+$0x0] =	vst v57  }
0x15d: {  	v58 =	vadd.s32 v30, v44;
	v57 =	vld.idx.msk [tilespmem:v61+s3+$0x0], $0xffff  }
0x15e: {  	v48 =	vld.idx.msk [tilespmem:v62+s3+$0x0], $0xffff;
	[tilespmem:s18+$0xFFFFFE90] =	vst v53;
	v62 =	vadd.s32 v10, v46  }
0x15f: {  	v50 =	vadd.s32 v21, v42;
	v49 =	vld.idx.msk [tilespmem:v49+s3+$0x0], $0xffff;
	[tilespmem:s5+$0xFFFFFF20] =	vst v54  }
0x160: {  	v53 =	vadd.s32 v12, v45;
	[tilespmem:s10+$0x1C0] =	vst v52  }
0x161: {  	v60 =	vadd.s32 v10, v59;
	v56 =	vld.idx.msk [tilespmem:v56+s3+$0x0], $0xffff;
	[tilespmem:s5+$0x130] =	vst v55  }
0x162: {  	v52 =	vadd.s32 v12, v43;
	[tilespmem:s19+$0xFFFFFE10] =	vst v51;
	v55 =	vld.idx.msk [tilespmem:v58+s3+$0x0], $0xffff  }
0x163: {  	[tilespmem:s18+$0xA0] =	vst v57;
	v54 =	vld.idx.msk [tilespmem:v62+s3+$0x0], $0xffff  }
0x164: {  	v57 =	vadd.s32 v21, v41;
	v50 =	vld.idx.msk [tilespmem:v50+s3+$0x0], $0xffff;
	[tilespmem:s19+$0x10] =	vst v48  }
0x165: {  	v48 =	vld.idx.msk [tilespmem:v53+s3+$0x0], $0xffff;
	v53 =	vadd.s32 v31, v44  }
0x166: {  	v58 =	vadd.s32 v22, v42;
	v51 =	vld.idx.msk [tilespmem:v60+s3+$0x0], $0xffff;
	[tilespmem:s18+$0xFFFFFEA0] =	vst v49  }
0x167: {  	v63 =	vadd.s32 v3, v46;
	v52 =	vld.idx.msk [tilespmem:v52+s3+$0x0], $0xffff;
	[tilespmem:s5+$0xFFFFFF30] =	vst v56  }
0x168: {  	v1 =	vld [tilespmem:$0x1FFF0];
	v49 =	vadd.s32 v13, v45;
	[tilespmem:s10+$0x1D0] =	vst v55  }
0x169: {  	v60 =	vadd.s32 v3, v59;
	v57 =	vld.idx.msk [tilespmem:v57+s3+$0x0], $0xffff;
	[tilespmem:s5+$0x140] =	vst v50  }
0x16a: {  	v55 =	vadd.s32 v13, v43;
	v50 =	vld.idx.msk [tilespmem:v53+s3+$0x0], $0xffff;
	[tilespmem:s18+$0xB0] =	vst v48  }
0x16b: {  	[tilespmem:s19+$0xFFFFFE20] =	vst v54;
	v48 =	vadd.s32 v22, v41;
	v53 =	vld.idx.msk [tilespmem:v58+s3+$0x0], $0xffff  }
0x16c: {  	[tilespmem:s19+$0x20] =	vst v51;
	v51 =	vadd.s32 v28, v44;
	v44 =	vmovc v42;
	v42 =	vmov v45;
	v45 =	vmov v59;
	v59 =	vld.idx.msk [tilespmem:v63+s3+$0x0], $0xffff  }
0x16d: {  	v49 =	vld.idx.msk [tilespmem:v49+s3+$0x0], $0xffff  }
0x16e: {  	[tilespmem:s18+$0xFFFFFEB0] =	vst v52;
	v54 =	vld.idx.msk [tilespmem:v60+s3+$0x0], $0xffff;
	v58 =	vadd.s32 v1, v44  }
0x16f: {  	v55 =	vld.idx.msk [tilespmem:v55+s3+$0x0], $0xffff;
	[tilespmem:s5+$0xFFFFFF40] =	vst v57;
	v57 =	vadd.s32 v4, v46  }
0x170: {  	v52 =	vadd.s32 v14, v42;
	[tilespmem:s10+$0x1E0] =	vst v50  }
0x171: {  	v60 =	vadd.s32 v4, v45;
	v48 =	vld.idx.msk [tilespmem:v48+s3+$0x0], $0xffff;
	[tilespmem:s5+$0x150] =	vst v53  }
0x172: {  	v61 =	vadd.s32 v14, v43;
	v56 =	vmov s11;
	v51 =	vld.idx.msk [tilespmem:v51+s3+$0x0], $0xffff;
	[tilespmem:s18+$0xC0] =	vst v49  }
0x173: {  	v56 =	vand.u32 $0x3E, v56;
	[tilespmem:s19+$0xFFFFFE30] =	vst v59;
	v50 =	vld.idx.msk [tilespmem:v58+s3+$0x0], $0xffff  }
0x174: {  	v53 =	vadd.s32 v0, v56;
	[tilespmem:s19+$0x30] =	vst v54;
	v57 =	vld.idx.msk [tilespmem:v57+s3+$0x0], $0xffff  }
0x175: {  	v49 =	vadd.s32 v1, v41;
	v52 =	vld.idx.msk [tilespmem:v52+s3+$0x0], $0xffff  }
0x176: {  	v58 =	vadd.s32 v24, v44;
	[tilespmem:s18+$0xFFFFFEC0] =	vst v55;
	v54 =	vld.idx.msk [tilespmem:v60+s3+$0x0], $0xffff  }
0x177: {  	v60 =	vld.idx.msk [tilespmem:v61+s3+$0x0], $0xffff;
	v61 =	vadd.s32 v5, v46;
	[tilespmem:s5+$0xFFFFFF50] =	vst v48  }
0x178: {  	v55 =	vadd.s32 v15, v42;
	[tilespmem:s10+$0x1F0] =	vst v51  }
0x179: {  	v59 =	vadd.s32 v5, v45;
	v48 =	vld.idx.msk [tilespmem:v53+s3+$0x0], $0xffff;
	[tilespmem:s5+$0x160] =	vst v50  }
0x17a: {  	v49 =	vld.idx.msk [tilespmem:v49+s3+$0x0], $0xffff;
	v51 =	vadd.s32 v15, v43;
	[tilespmem:s18+$0xD0] =	vst v52  }
0x17b: {  	v50 =	vadd.s32 v24, v41;
	[tilespmem:s19+$0xFFFFFE40] =	vst v57;
	v52 =	vld.idx.msk [tilespmem:v58+s3+$0x0], $0xffff  }
0x17c: {  	[tilespmem:s19+$0x40] =	vst v54;
	v58 =	vld.idx.msk [tilespmem:v61+s3+$0x0], $0xffff  }
0x17d: {  	v54 =	vadd.s32 v29, v40;
	v53 =	vld.idx.msk [tilespmem:v55+s3+$0x0], $0xffff  }
0x17e: {  	v63 =	vadd.s32 v6, v46;
	[tilespmem:s18+$0xFFFFFED0] =	vst v60;
	v55 =	vld.idx.msk [tilespmem:v59+s3+$0x0], $0xffff  }
0x17f: {  	v57 =	vadd.s32 v25, v44;
	v51 =	vld.idx.msk [tilespmem:v51+s3+$0x0], $0xffff;
	[tilespmem:s5+$0xFFFFFF60] =	vst v49  }
0x180: {  	v59 =	vadd.s32 v16, v42;
	v50 =	vld.idx.msk [tilespmem:v50+s3+$0x0], $0xffff;
	[tilespmem:s10+$0xFFFFFFB0] =	vst v47  }
0x181: {  	v1 =	vld [tilespmem:$0x1FFC0];
	v47 =	vadd.s32 v16, v43;
	[tilespmem:s5+$0x170] =	vst v52  }
0x182: {  	v60 =	vadd.s32 v6, v45;
	v52 =	vld.idx.msk [tilespmem:v54+s3+$0x0], $0xffff;
	[tilespmem:s19+$0xFFFFFE50] =	vst v58  }
0x183: {  	[tilespmem:s18+$0xE0] =	vst v53;
	v53 =	vadd.s32 v25, v41;
	v49 =	vld.idx.msk [tilespmem:v63+s3+$0x0], $0xffff  }
0x184: {  	v54 =	vld.idx.msk [tilespmem:v57+s3+$0x0], $0xffff;
	[tilespmem:s19+$0x50] =	vst v55  }
0x185: {  	v57 =	vadd.s32 v30, v40;
	[tilespmem:s18+$0xFFFFFEE0] =	vst v51;
	v55 =	vld.idx.msk [tilespmem:v59+s3+$0x0], $0xffff  }
0x186: {  	v47 =	vld.idx.msk [tilespmem:v47+s3+$0x0], $0xffff;
	[tilespmem:s5+$0xFFFFFF70] =	vst v50;
	v50 =	vadd.s32 v7, v46  }
0x187: {  	v58 =	vld.idx.msk [tilespmem:v60+s3+$0x0], $0xffff;
	v59 =	vadd.s32 v1, v44  }
0x188: {  	v51 =	vadd.s32 v17, v42;
	v53 =	vld.idx.msk [tilespmem:v53+s3+$0x0], $0xffff;
	[tilespmem:s10+$0xFFFFFFC0] =	vst v52  }
0x189: {  	v23 =	vld [tilespmem:$0x1FFE0];
	v60 =	vadd.s32 v7, v45;
	[tilespmem:s5+$0x180] =	vst v54  }
0x18a: {  	v52 =	vadd.s32 v17, v43;
	v54 =	vld.idx.msk [tilespmem:v57+s3+$0x0], $0xffff;
	[tilespmem:s19+$0xFFFFFE60] =	vst v49  }
0x18b: {  	[tilespmem:s18+$0xF0] =	vst v55;
	v55 =	vadd.s32 v1, v41;
	v63 =	vld.idx.msk [tilespmem:v50+s3+$0x0], $0xffff  }
0x18c: {  	v61 =	vld.idx.msk [tilespmem:v59+s3+$0x0], $0xffff;
	[tilespmem:s19+$0x60] =	vst v58  }
0x18d: {  	v62 =	vadd.s32 v31, v40;
	v51 =	vld.idx.msk [tilespmem:v51+s3+$0x0], $0xffff  }
0x18e: {  	[tilespmem:s18+$0xFFFFFEF0] =	vst v47;
	v49 =	vld.idx.msk [tilespmem:v60+s3+$0x0], $0xffff;
	v60 =	vadd.s32 v23, v44  }
0x18f: {  	v47 =	vadd.s32 v18, v42;
	v58 =	vld.idx.msk [tilespmem:v52+s3+$0x0], $0xffff;
	[tilespmem:s5+$0xFFFFFF80] =	vst v53  }
0x190: {  	p0 =	slt.u32 s11, $0x30;
	v1 =	vadd.s32 v8, v45;
	v57 =	vld.idx.msk [tilespmem:v55+s3+$0x0], $0xffff;
	[tilespmem:s10+$0xFFFFFFD0] =	vst v54  }
.Ltmp2:
0x191: {  	[tilespmem:s5+$0x190] =	vst v61;
	(pc) =	sbr.rel @p0 .LBB2_2-.Ltmp2, $4  }
0x192: {  	v53 =	vld.idx.msk [tilespmem:v62+s3+$0x0], $0xffff;
	[tilespmem:s18+$0x100] =	vst v51  }
0x193: {  	v50 =	vadd.s32 v23, v41;
	v59 =	vadd.s32 v8, v46;
	v54 =	vld.idx.msk [tilespmem:v60+s3+$0x0], $0xffff;
	[tilespmem:s19+$0x70] =	vst v49  }
0x194: {  	v55 =	vadd.s32 v18, v43;
	[tilespmem:s19+$0xFFFFFE70] =	vst v63;
	v51 =	vadd.s32 v28, v40;
	v52 =	vld.idx.msk [tilespmem:v47+s3+$0x0], $0xffff  }
0x195: {  	s0 =	sadd.s32 $0x1, s11;
	s11 =	sadd.s32 $0x2, s11;
	v40 =	vmovc v41;
	v41 =	vmovc v43;
	v43 =	vmov v46;
	v46 =	vmov v56;
	v49 =	vadd.s32 v27, v44;
	v60 =	vld.idx.msk [tilespmem:v1+s3+$0x0], $0xffff  }
0x196: {  	v1 =	vmov s0  }
0x197: {  	v47 =	vand.u32 $0x3F, v1  }
0x198: {  	v1 =	vadd.s32 v0, v47;
	_ =	sdelay $0x4  }
0x199: {  	v1 =	vld.idx.msk [tilespmem:v1+s3+$0x0], $0xffff  }
0x19a: {  	v56 =	vadd.s32 v2, v47  }
0x19b: {  	v61 =	vadd.s32 v2, v46;
	_ =	sdelay $0x1  }
0x19c: {  	s11 =	sadd.s32 $0x400, s19  }
0x19d: {  	[tilespmem:s11+$0x0] =	vst v1  }
0x19e: {  	[tilespmem:s11+$0xFFFFFE00] =	vst v48;
	v1 =	vld.idx.msk [tilespmem:v56+s3+$0x0], $0xffff  }
0x19f: {  	v48 =	vld.idx.msk [tilespmem:v61+s3+$0x0], $0xffff;
	v56 =	vadd.s32 v10, v47  }
0x1a0: {  	v61 =	vadd.s32 v10, v46;
	_ =	sdelay $0x2  }
0x1a1: {  	[tilespmem:s11+$0x10] =	vst v1  }
0x1a2: {  	[tilespmem:s11+$0xFFFFFE10] =	vst v48;
	v1 =	vld.idx.msk [tilespmem:v56+s3+$0x0], $0xffff  }
0x1a3: {  	v48 =	vld.idx.msk [tilespmem:v61+s3+$0x0], $0xffff;
	v56 =	vadd.s32 v3, v47  }
0x1a4: {  	v61 =	vadd.s32 v3, v46;
	_ =	sdelay $0x2  }
0x1a5: {  	[tilespmem:s11+$0x20] =	vst v1  }
0x1a6: {  	[tilespmem:s11+$0xFFFFFE20] =	vst v48;
	v1 =	vld.idx.msk [tilespmem:v56+s3+$0x0], $0xffff  }
0x1a7: {  	v48 =	vld.idx.msk [tilespmem:v61+s3+$0x0], $0xffff;
	v56 =	vadd.s32 v4, v47  }
0x1a8: {  	v4 =	vadd.s32 v4, v46;
	_ =	sdelay $0x2  }
0x1a9: {  	[tilespmem:s11+$0x30] =	vst v1  }
0x1aa: {  	[tilespmem:s11+$0xFFFFFE30] =	vst v48;
	v1 =	vld.idx.msk [tilespmem:v56+s3+$0x0], $0xffff  }
0x1ab: {  	v48 =	vld.idx.msk [tilespmem:v4+s3+$0x0], $0xffff;
	v56 =	vadd.s32 v5, v47  }
0x1ac: {  	v4 =	vadd.s32 v5, v46;
	_ =	sdelay $0x2  }
0x1ad: {  	[tilespmem:s11+$0x40] =	vst v1  }
0x1ae: {  	[tilespmem:s11+$0xFFFFFE40] =	vst v48;
	v1 =	vld.idx.msk [tilespmem:v56+s3+$0x0], $0xffff  }
0x1af: {  	v5 =	vadd.s32 v6, v47;
	v48 =	vld.idx.msk [tilespmem:v4+s3+$0x0], $0xffff  }
0x1b0: {  	v6 =	vadd.s32 v6, v46;
	_ =	sdelay $0x2  }
0x1b1: {  	[tilespmem:s11+$0x50] =	vst v1  }
0x1b2: {  	[tilespmem:s11+$0xFFFFFE50] =	vst v48;
	v1 =	vld.idx.msk [tilespmem:v5+s3+$0x0], $0xffff  }
0x1b3: {  	v4 =	vadd.s32 v7, v47;
	v48 =	vld.idx.msk [tilespmem:v6+s3+$0x0], $0xffff  }
0x1b4: {  	v5 =	vadd.s32 v7, v46;
	_ =	sdelay $0x2  }
0x1b5: {  	[tilespmem:s11+$0x60] =	vst v1  }
0x1b6: {  	[tilespmem:s11+$0xFFFFFE60] =	vst v48;
	v1 =	vld.idx.msk [tilespmem:v4+s3+$0x0], $0xffff  }
0x1b7: {  	v6 =	vadd.s32 v8, v47;
	v48 =	vld.idx.msk [tilespmem:v5+s3+$0x0], $0xffff  }
0x1b8: {  	v7 =	vadd.s32 v8, v46;
	_ =	sdelay $0x2  }
0x1b9: {  	v59 =	vld.idx.msk [tilespmem:v59+s3+$0x0], $0xffff;
	v62 =	vadd.s32 v9, v45;
	[tilespmem:s11+$0x70] =	vst v1  }
0x1ba: {  	[tilespmem:s11+$0xFFFFFE70] =	vst v48;
	v1 =	vadd.s32 v9, v43;
	v4 =	vld.idx.msk [tilespmem:v6+s3+$0x0], $0xffff  }
0x1bb: {  	v5 =	vld.idx.msk [tilespmem:v7+s3+$0x0], $0xffff;
	v6 =	vadd.s32 v9, v47  }
0x1bc: {  	v63 =	vadd.s32 v9, v46  }
0x1bd: {  	[tilespmem:s19+$0x80] =	vst v60  }
0x1be: {  	[tilespmem:s19+$0xFFFFFE80] =	vst v59;
	v59 =	vld.idx.msk [tilespmem:v62+s3+$0x0], $0xffff  }
0x1bf: {  	v48 =	vadd.s32 v11, v45;
	v1 =	vld.idx.msk [tilespmem:v1+s3+$0x0], $0xffff;
	[tilespmem:s11+$0x80] =	vst v4  }
0x1c0: {  	v56 =	vadd.s32 v11, v43;
	[tilespmem:s11+$0xFFFFFE80] =	vst v5;
	v7 =	vld.idx.msk [tilespmem:v6+s3+$0x0], $0xffff  }
0x1c1: {  	[tilespmem:s18+$0xFFFFFF00] =	vst v58;
	v4 =	vld.idx.msk [tilespmem:v63+s3+$0x0], $0xffff  }
0x1c2: {  	[tilespmem:s5+$0xFFFFFF90] =	vst v57;
	v6 =	vadd.s32 v11, v46  }
0x1c3: {  	[tilespmem:s19+$0x90] =	vst v59;
	v5 =	vadd.s32 v11, v47  }
0x1c4: {  	[tilespmem:s19+$0xFFFFFE90] =	vst v1;
	v1 =	vld.idx.msk [tilespmem:v48+s3+$0x0], $0xffff  }
0x1c5: {  	v56 =	vld.idx.msk [tilespmem:v56+s3+$0x0], $0xffff;
	[tilespmem:s11+$0x90] =	vst v7;
	v7 =	vadd.s32 v12, v45  }
0x1c6: {  	v60 =	vadd.s32 v12, v43;
	[tilespmem:s11+$0xFFFFFE90] =	vst v4  }
0x1c7: {  	[tilespmem:s10+$0xFFFFFFE0] =	vst v53;
	v57 =	vld.idx.msk [tilespmem:v6+s3+$0x0], $0xffff  }
0x1c8: {  	[tilespmem:s5+$0x1A0] =	vst v54;
	v4 =	vadd.s32 v12, v46;
	v62 =	vld.idx.msk [tilespmem:v5+s3+$0x0], $0xffff  }
0x1c9: {  	v55 =	vld.idx.msk [tilespmem:v55+s3+$0x0], $0xffff;
	v63 =	vadd.s32 v12, v47;
	[tilespmem:s19+$0xA0] =	vst v1  }
0x1ca: {  	[tilespmem:s19+$0xFFFFFEA0] =	vst v56;
	v1 =	vld.idx.msk [tilespmem:v7+s3+$0x0], $0xffff  }
0x1cb: {  	[tilespmem:s18+$0x110] =	vst v52;
	v5 =	vadd.s32 v13, v45;
	v56 =	vld.idx.msk [tilespmem:v60+s3+$0x0], $0xffff  }
0x1cc: {  	v50 =	vld.idx.msk [tilespmem:v50+s3+$0x0], $0xffff;
	v6 =	vadd.s32 v13, v43;
	[tilespmem:s11+$0xFFFFFEA0] =	vst v57  }
0x1cd: {  	[tilespmem:s11+$0xA0] =	vst v62;
	v54 =	vld.idx.msk [tilespmem:v4+s3+$0x0], $0xffff  }
0x1ce: {  	[tilespmem:s18+$0xFFFFFF10] =	vst v55;
	v60 =	vadd.s32 v13, v46;
	v53 =	vld.idx.msk [tilespmem:v63+s3+$0x0], $0xffff  }
0x1cf: {  	v51 =	vld.idx.msk [tilespmem:v51+s3+$0x0], $0xffff;
	v7 =	vadd.s32 v13, v47;
	[tilespmem:s19+$0xB0] =	vst v1  }
0x1d0: {  	v1 =	vadd.s32 v19, v42;
	[tilespmem:s19+$0xFFFFFEB0] =	vst v56;
	v48 =	vld.idx.msk [tilespmem:v5+s3+$0x0], $0xffff  }
0x1d1: {  	[tilespmem:s5+$0xFFFFFFA0] =	vst v50;
	v61 =	vadd.s32 v14, v45;
	v62 =	vld.idx.msk [tilespmem:v6+s3+$0x0], $0xffff  }
0x1d2: {  	v49 =	vld.idx.msk [tilespmem:v49+s3+$0x0], $0xffff;
	v63 =	vadd.s32 v14, v43;
	[tilespmem:s11+$0xFFFFFEB0] =	vst v54  }
0x1d3: {  	v6 =	vadd.s32 v19, v41;
	[tilespmem:s11+$0xB0] =	vst v53;
	v54 =	vld.idx.msk [tilespmem:v60+s3+$0x0], $0xffff  }
0x1d4: {  	[tilespmem:s10+$0xFFFFFFF0] =	vst v51;
	v5 =	vadd.s32 v14, v46;
	v52 =	vld.idx.msk [tilespmem:v7+s3+$0x0], $0xffff  }
0x1d5: {  	v4 =	vadd.s32 v14, v47;
	v1 =	vld.idx.msk [tilespmem:v1+s3+$0x0], $0xffff;
	[tilespmem:s19+$0xC0] =	vst v48  }
0x1d6: {  	v7 =	vadd.s32 v29, v44;
	[tilespmem:s19+$0xFFFFFEC0] =	vst v62;
	v56 =	vld.idx.msk [tilespmem:v61+s3+$0x0], $0xffff  }
0x1d7: {  	[tilespmem:s5+$0x1B0] =	vst v49;
	v60 =	vadd.s32 v15, v45;
	v53 =	vld.idx.msk [tilespmem:v63+s3+$0x0], $0xffff  }
0x1d8: {  	v61 =	vadd.s32 v15, v43;
	[tilespmem:s11+$0xFFFFFEC0] =	vst v54;
	v63 =	vld.idx.msk [tilespmem:v6+s3+$0x0], $0xffff  }
0x1d9: {  	[tilespmem:s11+$0xC0] =	vst v52;
	v51 =	vld.idx.msk [tilespmem:v5+s3+$0x0], $0xffff;
	v5 =	vadd.s32 v20, v41  }
0x1da: {  	v50 =	vld.idx.msk [tilespmem:v4+s3+$0x0], $0xffff;
	v4 =	vadd.s32 v20, v42;
	[tilespmem:s18+$0x120] =	vst v1  }
0x1db: {  	v62 =	vadd.s32 v15, v47;
	v48 =	vld.idx.msk [tilespmem:v7+s3+$0x0], $0xffff;
	[tilespmem:s19+$0xD0] =	vst v56  }
0x1dc: {  	v1 =	vadd.s32 v15, v46;
	[tilespmem:s19+$0xFFFFFED0] =	vst v53;
	v57 =	vld.idx.msk [tilespmem:v60+s3+$0x0], $0xffff  }
0x1dd: {  	v6 =	vadd.s32 v16, v45;
	[tilespmem:s18+$0xFFFFFF20] =	vst v63;
	v52 =	vld.idx.msk [tilespmem:v61+s3+$0x0], $0xffff  }
0x1de: {  	v7 =	vadd.s32 v16, v43;
	v56 =	vld.idx.msk [tilespmem:v5+s3+$0x0], $0xffff  }
0x1df: {  	v63 =	vadd.s32 v30, v44;
	[tilespmem:s11+$0xD0] =	vst v50;
	v61 =	vld.idx.msk [tilespmem:v4+s3+$0x0], $0xffff  }
0x1e0: {  	[tilespmem:s11+$0xFFFFFED0] =	vst v51;
	v4 =	vadd.s32 v21, v42;
	v49 =	vld.idx.msk [tilespmem:v62+s3+$0x0], $0xffff  }
0x1e1: {  	v60 =	vadd.s32 v16, v47;
	v1 =	vld.idx.msk [tilespmem:v1+s3+$0x0], $0xffff;
	[tilespmem:s19+$0xE0] =	vst v57  }
0x1e2: {  	v62 =	vadd.s32 v16, v46;
	[tilespmem:s19+$0xFFFFFEE0] =	vst v52;
	v53 =	vld.idx.msk [tilespmem:v6+s3+$0x0], $0xffff  }
0x1e3: {  	[tilespmem:s5+$0x1C0] =	vst v48;
	v50 =	vld.idx.msk [tilespmem:v7+s3+$0x0], $0xffff  }
0x1e4: {  	v5 =	vadd.s32 v17, v45;
	[tilespmem:s18+$0x130] =	vst v61;
	v7 =	vld.idx.msk [tilespmem:v63+s3+$0x0], $0xffff  }
0x1e5: {  	v61 =	vadd.s32 v21, v41;
	[tilespmem:s11+$0xE0] =	vst v49;
	v57 =	vld.idx.msk [tilespmem:v4+s3+$0x0], $0xffff  }
0x1e6: {  	v6 =	vadd.s32 v17, v43;
	[tilespmem:s11+$0xFFFFFEE0] =	vst v1;
	v51 =	vld.idx.msk [tilespmem:v60+s3+$0x0], $0xffff  }
0x1e7: {  	[tilespmem:s18+$0xFFFFFF30] =	vst v56;
	v48 =	vld.idx.msk [tilespmem:v62+s3+$0x0], $0xffff;
	v62 =	vadd.s32 v31, v44  }
0x1e8: {  	v1 =	vadd.s32 v17, v47;
	[tilespmem:s19+$0xF0] =	vst v53  }
0x1e9: {  	v60 =	vadd.s32 v17, v46;
	[tilespmem:s19+$0xFFFFFEF0] =	vst v50;
	v52 =	vld.idx.msk [tilespmem:v5+s3+$0x0], $0xffff  }
0x1ea: {  	v63 =	vadd.s32 v18, v45;
	[tilespmem:s5+$0x1D0] =	vst v7;
	v7 =	vld.idx.msk [tilespmem:v61+s3+$0x0], $0xffff  }
0x1eb: {  	v61 =	vadd.s32 v22, v42;
	v49 =	vld.idx.msk [tilespmem:v6+s3+$0x0], $0xffff;
	[tilespmem:s18+$0x140] =	vst v57  }
0x1ec: {  	v4 =	vadd.s32 v18, v43;
	[tilespmem:s11+$0xF0] =	vst v51;
	v53 =	vld.idx.msk [tilespmem:v62+s3+$0x0], $0xffff  }
0x1ed: {  	[tilespmem:s11+$0xFFFFFEF0] =	vst v48;
	v62 =	vadd.s32 v22, v41;
	v1 =	vld.idx.msk [tilespmem:v1+s3+$0x0], $0xffff  }
0x1ee: {  	v5 =	vadd.s32 v18, v47;
	v6 =	vld.idx.msk [tilespmem:v60+s3+$0x0], $0xffff;
	[tilespmem:s19+$0x100] =	vst v52  }
0x1ef: {  	v60 =	vadd.s32 v18, v46;
	[tilespmem:s18+$0xFFFFFF40] =	vst v7;
	v50 =	vld.idx.msk [tilespmem:v63+s3+$0x0], $0xffff  }
0x1f0: {  	v56 =	vld.idx.msk [tilespmem:v61+s3+$0x0], $0xffff;
	[tilespmem:s19+$0xFFFFFF00] =	vst v49  }
0x1f1: {  	v63 =	vadd.s32 v19, v45;
	v51 =	vld.idx.msk [tilespmem:v4+s3+$0x0], $0xffff;
	[tilespmem:s5+$0x1E0] =	vst v53  }
0x1f2: {  	v52 =	vld.idx.msk [tilespmem:v62+s3+$0x0], $0xffff;
	[tilespmem:s11+$0x100] =	vst v1  }
0x1f3: {  	v1 =	vadd.s32 v19, v43;
	[tilespmem:s11+$0xFFFFFF00] =	vst v6;
	v48 =	vld.idx.msk [tilespmem:v5+s3+$0x0], $0xffff  }
0x1f4: {  	v54 =	vadd.s32 v19, v47;
	v55 =	vld.idx.msk [tilespmem:v60+s3+$0x0], $0xffff;
	[tilespmem:s19+$0x110] =	vst v50  }
0x1f5: {  	v60 =	vadd.s32 v19, v46;
	v6 =	vld [tilespmem:$0x1FFF0]  }
0x1f6: {  	v61 =	vadd.s32 v28, v44;
	v49 =	vld.idx.msk [tilespmem:v63+s3+$0x0], $0xffff;
	[tilespmem:s19+$0xFFFFFF10] =	vst v51  }
0x1f7: {  	[tilespmem:s18+$0x150] =	vst v56  }
0x1f8: {  	v63 =	vadd.s32 v20, v45;
	v1 =	vld.idx.msk [tilespmem:v1+s3+$0x0], $0xffff;
	[tilespmem:s11+$0x110] =	vst v48  }
0x1f9: {  	v4 =	vadd.s32 v20, v43;
	[tilespmem:s11+$0xFFFFFF10] =	vst v55;
	v54 =	vld.idx.msk [tilespmem:v54+s3+$0x0], $0xffff  }
0x1fa: {  	v5 =	vadd.s32 v20, v47;
	[tilespmem:s18+$0xFFFFFF50] =	vst v52;
	v53 =	vld.idx.msk [tilespmem:v60+s3+$0x0], $0xffff  }
0x1fb: {  	v7 =	vadd.s32 v20, v46;
	v44 =	vld.idx.msk [tilespmem:v61+s3+$0x0], $0xffff;
	[tilespmem:s19+$0x120] =	vst v49  }
0x1fc: {  	v62 =	vadd.s32 v6, v42;
	v26 =	vld [tilespmem:$0x1FFD0]  }
0x1fd: {  	v51 =	vld.idx.msk [tilespmem:v63+s3+$0x0], $0xffff;
	[tilespmem:s19+$0xFFFFFF20] =	vst v1  }
0x1fe: {  	v60 =	vadd.s32 v6, v41;
	v48 =	vld.idx.msk [tilespmem:v4+s3+$0x0], $0xffff;
	[tilespmem:s11+$0x120] =	vst v54  }
0x1ff: {  	v1 =	vadd.s32 v21, v45;
	[tilespmem:s11+$0xFFFFFF20] =	vst v53;
	v55 =	vld.idx.msk [tilespmem:v5+s3+$0x0], $0xffff  }
0x200: {  	v63 =	vadd.s32 v21, v47;
	v52 =	vld.idx.msk [tilespmem:v7+s3+$0x0], $0xffff  }
0x201: {  	v50 =	vld.idx.msk [tilespmem:v62+s3+$0x0], $0xffff;
	v62 =	vadd.s32 v21, v43  }
0x202: {  	[tilespmem:s5+$0x1F0] =	vst v44;
	v5 =	vadd.s32 v21, v46  }
0x203: {  	v4 =	vld.idx.msk [tilespmem:v60+s3+$0x0], $0xffff;
	v61 =	vadd.s32 v26, v40;
	[tilespmem:s19+$0x130] =	vst v51  }
0x204: {  	v1 =	vld.idx.msk [tilespmem:v1+s3+$0x0], $0xffff;
	[tilespmem:s11+$0x130] =	vst v55  }
0x205: {  	v7 =	vadd.s32 v24, v42;
	[tilespmem:s19+$0xFFFFFF30] =	vst v48;
	v44 =	vld.idx.msk [tilespmem:v63+s3+$0x0], $0xffff  }
0x206: {  	v60 =	vadd.s32 v24, v41;
	[tilespmem:s11+$0xFFFFFF30] =	vst v52;
	v54 =	vld.idx.msk [tilespmem:v62+s3+$0x0], $0xffff  }
0x207: {  	v63 =	vadd.s32 v22, v47;
	[tilespmem:s18+$0x160] =	vst v50;
	v50 =	vld.idx.msk [tilespmem:v5+s3+$0x0], $0xffff  }
0x208: {  	v49 =	vld.idx.msk [tilespmem:v61+s3+$0x0], $0xffff;
	v61 =	vadd.s32 v22, v45  }
0x209: {  	v62 =	vadd.s32 v22, v43;
	[tilespmem:s18+$0xFFFFFF60] =	vst v4  }
0x20a: {  	v5 =	vadd.s32 v22, v46;
	v4 =	vld.idx.msk [tilespmem:v7+s3+$0x0], $0xffff;
	[tilespmem:s19+$0x140] =	vst v1  }
0x20b: {  	v7 =	vadd.s32 v29, v40;
	v51 =	vld.idx.msk [tilespmem:v60+s3+$0x0], $0xffff;
	[tilespmem:s11+$0x140] =	vst v44  }
0x20c: {  	v1 =	vadd.s32 v25, v42;
	[tilespmem:s19+$0xFFFFFF40] =	vst v54;
	v52 =	vld.idx.msk [tilespmem:v63+s3+$0x0], $0xffff  }
0x20d: {  	[tilespmem:s11+$0xFFFFFF40] =	vst v50;
	v48 =	vld.idx.msk [tilespmem:v61+s3+$0x0], $0xffff  }
0x20e: {  	[tilespmem:s5+$0xFFFFFFB0] =	vst v49;
	v55 =	vld.idx.msk [tilespmem:v62+s3+$0x0], $0xffff  }
0x20f: {  	[tilespmem:s18+$0x170] =	vst v4;
	v49 =	vld.idx.msk [tilespmem:v5+s3+$0x0], $0xffff  }
0x210: {  	v62 =	vadd.s32 v6, v47;
	[tilespmem:s18+$0xFFFFFF70] =	vst v51;
	v63 =	vld.idx.msk [tilespmem:v7+s3+$0x0], $0xffff  }
0x211: {  	v60 =	vadd.s32 v6, v45;
	v1 =	vld.idx.msk [tilespmem:v1+s3+$0x0], $0xffff;
	[tilespmem:s11+$0x150] =	vst v52  }
0x212: {  	[tilespmem:s19+$0x150] =	vst v48  }
0x213: {  	v61 =	vadd.s32 v6, v43;
	[tilespmem:s19+$0xFFFFFF50] =	vst v55  }
0x214: {  	v4 =	vadd.s32 v6, v46;
	[tilespmem:s11+$0xFFFFFF50] =	vst v49  }
0x215: {  	v5 =	vadd.s32 v25, v41;
	v50 =	vld.idx.msk [tilespmem:v62+s3+$0x0], $0xffff;
	[tilespmem:s5+$0xFFFFFFC0] =	vst v63  }
0x216: {  	v7 =	vadd.s32 v30, v40;
	v54 =	vld.idx.msk [tilespmem:v60+s3+$0x0], $0xffff;
	[tilespmem:s18+$0x180] =	vst v1  }
0x217: {  	v60 =	vadd.s32 v24, v45;
	v3 =	vld [tilespmem:$0x1FFC0]  }
0x218: {  	v44 =	vld.idx.msk [tilespmem:v61+s3+$0x0], $0xffff  }
0x219: {  	v61 =	vadd.s32 v24, v43;
	v51 =	vld.idx.msk [tilespmem:v4+s3+$0x0], $0xffff  }
0x21a: {  	v62 =	vadd.s32 v24, v47;
	v63 =	vld.idx.msk [tilespmem:v5+s3+$0x0], $0xffff  }
0x21b: {  	v1 =	vadd.s32 v24, v46;
	v48 =	vld.idx.msk [tilespmem:v7+s3+$0x0], $0xffff;
	[tilespmem:s19+$0x160] =	vst v54  }
0x21c: {  	[tilespmem:s11+$0x160] =	vst v50;
	v5 =	vadd.s32 v3, v42;
	v55 =	vld.idx.msk [tilespmem:v60+s3+$0x0], $0xffff  }
0x21d: {  	[tilespmem:s19+$0xFFFFFF60] =	vst v44  }
0x21e: {  	[tilespmem:s11+$0xFFFFFF60] =	vst v51;
	v60 =	vadd.s32 v25, v45;
	v52 =	vld.idx.msk [tilespmem:v61+s3+$0x0], $0xffff  }
0x21f: {  	v49 =	vld.idx.msk [tilespmem:v62+s3+$0x0], $0xffff;
	[tilespmem:s18+$0xFFFFFF80] =	vst v63;
	v61 =	vadd.s32 v25, v43  }
0x220: {  	v62 =	vadd.s32 v25, v47;
	v1 =	vld.idx.msk [tilespmem:v1+s3+$0x0], $0xffff;
	[tilespmem:s5+$0xFFFFFFD0] =	vst v48  }
0x221: {  	v4 =	vadd.s32 v25, v46;
	v63 =	vld.idx.msk [tilespmem:v5+s3+$0x0], $0xffff;
	[tilespmem:s19+$0x170] =	vst v55  }
0x222: {  	v7 =	vadd.s32 v3, v41;
	v27 =	vld [tilespmem:$0x1FFE0]  }
0x223: {  	v5 =	vadd.s32 v31, v40;
	v44 =	vld.idx.msk [tilespmem:v60+s3+$0x0], $0xffff;
	[tilespmem:s19+$0xFFFFFF70] =	vst v52  }
0x224: {  	v60 =	vadd.s32 v3, v45;
	[tilespmem:s11+$0x170] =	vst v49;
	v50 =	vld.idx.msk [tilespmem:v61+s3+$0x0], $0xffff  }
0x225: {  	[tilespmem:s11+$0xFFFFFF70] =	vst v1;
	v61 =	vadd.s32 v3, v43;
	v51 =	vld.idx.msk [tilespmem:v62+s3+$0x0], $0xffff  }
0x226: {  	v1 =	vadd.s32 v3, v47;
	v48 =	vld.idx.msk [tilespmem:v4+s3+$0x0], $0xffff  }
0x227: {  	v54 =	vld.idx.msk [tilespmem:v7+s3+$0x0], $0xffff;
	[tilespmem:s18+$0x190] =	vst v63;
	v63 =	vadd.s32 v3, v46  }
0x228: {  	v62 =	vld.idx.msk [tilespmem:v5+s3+$0x0], $0xffff;
	v7 =	vadd.s32 v27, v42;
	[tilespmem:s19+$0x180] =	vst v44  }
0x229: {  	v4 =	vadd.s32 v27, v41;
	v44 =	vld.idx.msk [tilespmem:v60+s3+$0x0], $0xffff;
	[tilespmem:s19+$0xFFFFFF80] =	vst v50  }
0x22a: {  	v5 =	vadd.s32 v28, v40;
	[tilespmem:s11+$0x180] =	vst v51;
	v49 =	vld.idx.msk [tilespmem:v61+s3+$0x0], $0xffff  }
0x22b: {  	v57 =	vadd.s32 v27, v43;
	[tilespmem:s11+$0xFFFFFF80] =	vst v48;
	v1 =	vld.idx.msk [tilespmem:v1+s3+$0x0], $0xffff  }
0x22c: {  	[tilespmem:s18+$0xFFFFFF90] =	vst v54;
	v58 =	vadd.s32 v27, v47;
	v59 =	vld.idx.msk [tilespmem:v63+s3+$0x0], $0xffff  }
0x22d: {  	[tilespmem:s5+$0xFFFFFFE0] =	vst v62;
	v55 =	vld.idx.msk [tilespmem:v7+s3+$0x0], $0xffff;
	v7 =	vadd.s32 v27, v45  }
0x22e: {  	v61 =	vadd.s32 v27, v46;
	v60 =	vld.idx.msk [tilespmem:v4+s3+$0x0], $0xffff;
	[tilespmem:s19+$0x190] =	vst v44  }
0x22f: {  	v62 =	vadd.s32 v26, v42;
	v40 =	vld.idx.msk [tilespmem:v5+s3+$0x0], $0xffff;
	[tilespmem:s19+$0xFFFFFF90] =	vst v49  }
0x230: {  	v63 =	vadd.s32 v26, v41;
	[tilespmem:s11+$0x190] =	vst v1;
	v51 =	vld.idx.msk [tilespmem:v57+s3+$0x0], $0xffff  }
0x231: {  	v1 =	vadd.s32 v26, v43;
	v48 =	vld.idx.msk [tilespmem:v58+s3+$0x0], $0xffff;
	[tilespmem:s11+$0xFFFFFF90] =	vst v59  }
0x232: {  	v5 =	vadd.s32 v26, v47;
	[tilespmem:s18+$0x1A0] =	vst v55;
	v50 =	vld.idx.msk [tilespmem:v7+s3+$0x0], $0xffff  }
0x233: {  	v4 =	vadd.s32 v26, v45;
	[tilespmem:s18+$0xFFFFFFA0] =	vst v60;
	v7 =	vld.idx.msk [tilespmem:v61+s3+$0x0], $0xffff  }
0x234: {  	v58 =	vadd.s32 v26, v46;
	[tilespmem:s5+$0xFFFFFFF0] =	vst v40;
	v57 =	vld.idx.msk [tilespmem:v62+s3+$0x0], $0xffff  }
0x235: {  	v59 =	vadd.s32 v29, v42;
	v44 =	vld.idx.msk [tilespmem:v63+s3+$0x0], $0xffff;
	[tilespmem:s19+$0xFFFFFFA0] =	vst v51  }
0x236: {  	v60 =	vadd.s32 v29, v41;
	[tilespmem:s11+$0x1A0] =	vst v48;
	v1 =	vld.idx.msk [tilespmem:v1+s3+$0x0], $0xffff  }
0x237: {  	v62 =	vadd.s32 v29, v43;
	v52 =	vld.idx.msk [tilespmem:v5+s3+$0x0], $0xffff;
	[tilespmem:s19+$0x1A0] =	vst v50  }
0x238: {  	v63 =	vadd.s32 v29, v47;
	[tilespmem:s11+$0xFFFFFFA0] =	vst v7;
	v49 =	vld.idx.msk [tilespmem:v4+s3+$0x0], $0xffff  }
0x239: {  	v61 =	vadd.s32 v29, v45;
	[tilespmem:s18+$0x1B0] =	vst v57;
	v40 =	vld.idx.msk [tilespmem:v58+s3+$0x0], $0xffff  }
0x23a: {  	[tilespmem:s18+$0xFFFFFFB0] =	vst v44;
	v4 =	vadd.s32 v29, v46;
	v54 =	vld.idx.msk [tilespmem:v59+s3+$0x0], $0xffff  }
0x23b: {  	v5 =	vadd.s32 v30, v42;
	v50 =	vld.idx.msk [tilespmem:v60+s3+$0x0], $0xffff;
	[tilespmem:s19+$0xFFFFFFB0] =	vst v1  }
0x23c: {  	v7 =	vadd.s32 v30, v41;
	[tilespmem:s11+$0x1B0] =	vst v52;
	v48 =	vld.idx.msk [tilespmem:v62+s3+$0x0], $0xffff  }
0x23d: {  	v57 =	vadd.s32 v30, v43;
	v53 =	vld.idx.msk [tilespmem:v63+s3+$0x0], $0xffff;
	[tilespmem:s19+$0x1B0] =	vst v49  }
0x23e: {  	v58 =	vadd.s32 v30, v47;
	[tilespmem:s11+$0xFFFFFFB0] =	vst v40;
	v51 =	vld.idx.msk [tilespmem:v61+s3+$0x0], $0xffff  }
0x23f: {  	v1 =	vadd.s32 v30, v45;
	[tilespmem:s18+$0x1C0] =	vst v54;
	v44 =	vld.idx.msk [tilespmem:v4+s3+$0x0], $0xffff  }
0x240: {  	[tilespmem:s18+$0xFFFFFFC0] =	vst v50;
	v54 =	vld.idx.msk [tilespmem:v5+s3+$0x0], $0xffff  }
0x241: {  	v59 =	vadd.s32 v30, v46;
	v49 =	vld.idx.msk [tilespmem:v7+s3+$0x0], $0xffff;
	[tilespmem:s19+$0xFFFFFFC0] =	vst v48  }
0x242: {  	v60 =	vadd.s32 v31, v42;
	[tilespmem:s11+$0x1C0] =	vst v53;
	v52 =	vld.idx.msk [tilespmem:v57+s3+$0x0], $0xffff  }
0x243: {  	v61 =	vadd.s32 v31, v41;
	v40 =	vld.idx.msk [tilespmem:v58+s3+$0x0], $0xffff;
	[tilespmem:s19+$0x1C0] =	vst v51  }
0x244: {  	v63 =	vadd.s32 v31, v43;
	[tilespmem:s11+$0xFFFFFFC0] =	vst v44;
	v1 =	vld.idx.msk [tilespmem:v1+s3+$0x0], $0xffff  }
0x245: {  	v4 =	vadd.s32 v31, v47;
	[tilespmem:s18+$0x1D0] =	vst v54  }
0x246: {  	v62 =	vadd.s32 v31, v45;
	v50 =	vld.idx.msk [tilespmem:v59+s3+$0x0], $0xffff;
	[tilespmem:s18+$0xFFFFFFD0] =	vst v49  }
0x247: {  	v5 =	vadd.s32 v31, v46;
	v54 =	vld.idx.msk [tilespmem:v60+s3+$0x0], $0xffff;
	[tilespmem:s19+$0xFFFFFFD0] =	vst v52  }
0x248: {  	v7 =	vadd.s32 v28, v42;
	v51 =	vld.idx.msk [tilespmem:v61+s3+$0x0], $0xffff;
	[tilespmem:s11+$0x1D0] =	vst v40  }
0x249: {  	v57 =	vld.idx.msk [tilespmem:v63+s3+$0x0], $0xffff;
	[tilespmem:s19+$0x1D0] =	vst v1;
	v1 =	vadd.s32 v28, v41  }
0x24a: {  	v58 =	vadd.s32 v28, v43;
	v59 =	vld.idx.msk [tilespmem:v4+s3+$0x0], $0xffff  }
0x24b: {  	v60 =	vadd.s32 v28, v47;
	[tilespmem:s11+$0xFFFFFFD0] =	vst v50;
	v55 =	vld.idx.msk [tilespmem:v62+s3+$0x0], $0xffff  }
0x24c: {  	v56 =	vadd.s32 v28, v45;
	[tilespmem:s18+$0x1E0] =	vst v54;
	v61 =	vld.idx.msk [tilespmem:v5+s3+$0x0], $0xffff  }
0x24d: {  	[tilespmem:s18+$0xFFFFFFE0] =	vst v51;
	v62 =	vadd.s32 v28, v46;
	v42 =	vld.idx.msk [tilespmem:v7+s3+$0x0], $0xffff  }
0x24e: {  	[tilespmem:s19+$0xFFFFFFE0] =	vst v57;
	v1 =	vld.idx.msk [tilespmem:v1+s3+$0x0], $0xffff  }
0x24f: {  	[tilespmem:s11+$0x1E0] =	vst v59;
	v40 =	vld.idx.msk [tilespmem:v58+s3+$0x0], $0xffff  }
0x250: {  	v43 =	vld.idx.msk [tilespmem:v60+s3+$0x0], $0xffff;
	[tilespmem:s19+$0x1E0] =	vst v55  }
0x251: {  	[tilespmem:s11+$0xFFFFFFE0] =	vst v61;
	v41 =	vld.idx.msk [tilespmem:v56+s3+$0x0], $0xffff  }
0x252: {  	[tilespmem:s18+$0x1F0] =	vst v42;
	v63 =	vld.idx.msk [tilespmem:v62+s3+$0x0], $0xffff  }
0x253: {  	[tilespmem:s18+$0xFFFFFFF0] =	vst v1  }
0x254: {  	[tilespmem:s19+$0xFFFFFFF0] =	vst v40  }
0x255: {  	[tilespmem:s11+$0x1F0] =	vst v43  }
0x256: {  	[tilespmem:s19+$0x1F0] =	vst v41  }
0x257: {  	s21 =	simm.s32 $0x7000;
	s2 =	simm.s32 $0xD400;
	[tilespmem:s11+$0xFFFFFFF0] =	vst v63  }
0x258: {  	[tilespmem:s2], [sflag:$0x2] =	stream.indirect.gather [hbm4b:s4+s12], $0x20, s21, s12, $0xb8;
	[tilespmem:$0x1D400] =	vst v63  }
0x259: {  	s22 =	simm.s32 $0x7080;
	s23 =	simm.s32 $0xE400  }
0x25a: {  	[tilespmem:s23], [sflag:$0x2] =	stream.indirect.gather [hbm4b:s4+s12], $0x20, s22, s12, $0xb8;
	[tilespmem:$0x1D400] =	vst v63  }
0x25b: {  	s24 =	simm.s32 $0x7100;
	s28 =	simm.s32 $0xF400;
	v23 =	vmov v11  }
0x25c: {  	v2 =	vmovc v10;
	v10 =	vmovc v28;
	v11 =	vmov v13;
	v13 =	vmov v6;
	v29 =	vmov v16;
	[tilespmem:s28], [sflag:$0x2] =	stream.indirect.gather [hbm4b:s4+s12], $0x20, s24, s12, $0xb8;
	[tilespmem:$0x1D400] =	vst v63  }
0x25d: {  	s29 =	simm.s32 $0x7180;
	s30 =	simm.s32 $0x10400;
	s20 =	simm.s32 $0x0;
	v60 =	vmovc v19;
	v19 =	vmovc v20;
	v61 =	vmov v21;
	v21 =	vmov v22;
	v62 =	vmov v12  }
0x25e: {  	v12 =	vmovc v14;
	v14 =	vmovc v17;
	v17 =	vmov v3;
	v63 =	vmov v15;
	v15 =	vmov v18;
	[tilespmem:s30], [sflag:$0x2] =	stream.indirect.gather [hbm4b:s4+s12], $0x20, s29, s12, $0xb8;
	[tilespmem:$0x1D400] =	vst v63  }
.LBB2_4:
0x25f: {  	p0 =	seq.s32 s20, $0x0  }
0x260: {  	s0 =	simm.s32 @!p0 $0x5  }
0x261: {  	_ =	swait.ge @!p0 [sflag:s0], $0x1000  }
0x262: {  	[sflag:s0] =	ssyncset.done @!p0 $0x0  }
0x263: {  	[sflag:s0] =	ssyncadd.s32 @!p0 $0xFFFFF000  }
0x264: {  	_ =	swait.ge @!p0 [sflag:s0], $0x1000  }
0x265: {  	[sflag:s0] =	ssyncset.done @!p0 $0x0  }
0x266: {  	[sflag:s0] =	ssyncadd.s32 @!p0 $0xFFFFF000  }
0x267: {  	_ =	swait.ge @!p0 [sflag:s0], $0x1000  }
0x268: {  	[sflag:s0] =	ssyncset.done @!p0 $0x0  }
0x269: {  	s19 =	sshllo.u32 s20, $0x1;
	[sflag:s0] =	ssyncadd.s32 @!p0 $0xFFFFF000  }
0x26a: {  	s2 =	sshll.u32 s19, $0x9;
	_ =	swait.ge @!p0 [sflag:s0], $0x1000  }
0x26b: {  	s2 =	sand.u32 $0x3FFFFE00, s2;
	[sflag:s0] =	ssyncset.done @!p0 $0x0  }
0x26c: {  	s5 =	simm.s32 $0x11400;
	s8 =	sadd.s32 $0x7000, s2;
	[sflag:s0] =	ssyncadd.s32 @!p0 $0xFFFFF000  }
0x26d: {  	[tilespmem:s5], [sflag:$0x3] =	stream.indirect.gather [hbm4b:s4+s12], $0x20, s8, s12, $0xb8;
	[tilespmem:$0x1D400] =	vst v63  }
0x26e: {  	s11 =	simm.s32 $0x12400;
	s10 =	sadd.s32 $0x7080, s2  }
0x26f: {  	[tilespmem:s11], [sflag:$0x3] =	stream.indirect.gather [hbm4b:s4+s12], $0x20, s10, s12, $0xb8;
	[tilespmem:$0x1D400] =	vst v63  }
0x270: {  	s14 =	simm.s32 $0x13400;
	s13 =	sadd.s32 $0x7100, s2  }
0x271: {  	[tilespmem:s14], [sflag:$0x3] =	stream.indirect.gather [hbm4b:s4+s12], $0x20, s13, s12, $0xb8;
	[tilespmem:$0x1D400] =	vst v63  }
0x272: {  	s16 =	simm.s32 $0x14400;
	s15 =	sadd.s32 $0x7180, s2  }
0x273: {  	[tilespmem:s16], [sflag:$0x3] =	stream.indirect.gather [hbm4b:s4+s12], $0x20, s15, s12, $0xb8;
	[tilespmem:$0x1D400] =	vst v63  }
0x274: {  	_ =	swait.ge [sflag:s25], $0x1000  }
0x275: {  	[sflag:s25] =	ssyncset.done $0x0  }
0x276: {  	[sflag:s25] =	ssyncadd.s32 $0xFFFFF000  }
0x277: {  	_ =	swait.ge [sflag:s25], $0x1000  }
0x278: {  	[sflag:s25] =	ssyncset.done $0x0  }
0x279: {  	[sflag:s25] =	ssyncadd.s32 $0xFFFFF000  }
0x27a: {  	_ =	swait.ge [sflag:s25], $0x1000  }
0x27b: {  	[sflag:s25] =	ssyncset.done $0x0  }
0x27c: {  	[sflag:s25] =	ssyncadd.s32 $0xFFFFF000  }
0x27d: {  	_ =	swait.ge [sflag:s25], $0x1000  }
0x27e: {  	[sflag:s25] =	ssyncset.done $0x0  }
0x27f: {  	s17 =	simm.s32 $0xF;
	s10 =	simm.s32 $0xD500;
	[sflag:s25] =	ssyncadd.s32 $0xFFFFF000  }
0x280: {  	s6 =	simm.s32 $0x0;
	v1 =	vor.u32 s17, v32;
	v40 =	vld [tilespmem:s10+$0xE0]  }
0x281: {  	s18 =	simm.s32 $0x1;
	v41 =	vor.u32 s6, v32;
	v42 =	vld [tilespmem:s10+$0xFFFFFF00]  }
0x282: {  	s29 =	simm.s32 $0x2;
	v43 =	vor.u32 s18, v32;
	v44 =	vld [tilespmem:s10+$0xFFFFFF20]  }
0x283: {  	v45 =	vor.u32 s29, v32;
	s11 =	simm.s32 $0x3;
	v46 =	vld [tilespmem:s10+$0xFFFFFF40]  }
0x284: {  	v47 =	vor.u32 s11, v32;
	s13 =	simm.s32 $0x4;
	v48 =	vld [tilespmem:s10+$0xFFFFFF60]  }
0x285: {  	s14 =	simm.s32 $0x5;
	v49 =	vor.u32 s13, v32;
	v50 =	vld [tilespmem:s10+$0xFFFFFF80];
	[tilespmem:v1+s26+$0x0] =	vst.idx.msk $0xffff, v40  }
0x286: {  	s30 =	simm.s32 $0x6;
	v58 =	vor.u32 s14, v32;
	v59 =	vld [tilespmem:s10+$0xFFFFFFA0];
	[tilespmem:v41+s26+$0x0] =	vst.idx.msk $0xffff, v42  }
0x287: {  	v4 =	vor.u32 s30, v32;
	s15 =	simm.s32 $0x7;
	v5 =	vld [tilespmem:s10+$0xFFFFFFC0];
	[tilespmem:v43+s26+$0x0] =	vst.idx.msk $0xffff, v44  }
0x288: {  	v6 =	vor.u32 s15, v32;
	v7 =	vld [tilespmem:s10+$0xFFFFFFE0];
	[tilespmem:v45+s26+$0x0] =	vst.idx.msk $0xffff, v46  }
0x289: {  	s16 =	simm.s32 $0x8;
	v1 =	vor.u32 s17, v33;
	[tilespmem:v47+s26+$0x0] =	vst.idx.msk $0xffff, v48;
	v40 =	vld [tilespmem:s10+$0xF0]  }
0x28a: {  	s22 =	simm.s32 $0xB;
	v52 =	vor.u32 s16, v32;
	v53 =	vld [tilespmem:s10+$0x0];
	[tilespmem:v49+s26+$0x0] =	vst.idx.msk $0xffff, v50  }
0x28b: {  	s23 =	simm.s32 $0xC;
	v57 =	vor.u32 s22, v32;
	[tilespmem:v58+s26+$0x0] =	vst.idx.msk $0xffff, v59;
	v58 =	vld [tilespmem:s10+$0x60]  }
0x28c: {  	s17 =	simm.s32 $0x9;
	[tilespmem:v4+s26+$0x0] =	vst.idx.msk $0xffff, v5;
	v59 =	vor.u32 s23, v32;
	v4 =	vld [tilespmem:s10+$0x80]  }
0x28d: {  	s21 =	simm.s32 $0xA;
	v55 =	vld [tilespmem:s10+$0x20];
	[tilespmem:v6+s26+$0x0] =	vst.idx.msk $0xffff, v7;
	v54 =	vor.u32 s17, v32  }
0x28e: {  	s24 =	simm.s32 $0xD;
	v56 =	vld [tilespmem:s10+$0x40];
	[tilespmem:v1+s26+$0x0] =	vst.idx.msk $0xffff, v40;
	v1 =	vor.u32 s21, v32  }
0x28f: {  	s28 =	simm.s32 $0xE;
	[tilespmem:v52+s26+$0x0] =	vst.idx.msk $0xffff, v53;
	v5 =	vor.u32 s24, v32;
	v6 =	vld [tilespmem:s10+$0xA0]  }
0x290: {  	v7 =	vor.u32 s28, v32;
	v52 =	vld [tilespmem:s10+$0xC0];
	[tilespmem:v57+s26+$0x0] =	vst.idx.msk $0xffff, v58  }
0x291: {  	[tilespmem:v59+s26+$0x0] =	vst.idx.msk $0xffff, v4;
	v58 =	vor.u32 s13, v33;
	v59 =	vld [tilespmem:s10+$0xFFFFFF90]  }
0x292: {  	v53 =	vor.u32 s18, v33;
	[tilespmem:v54+s26+$0x0] =	vst.idx.msk $0xffff, v55;
	v54 =	vld [tilespmem:s10+$0xFFFFFF30]  }
0x293: {  	v55 =	vld [tilespmem:s10+$0xFFFFFF50];
	[tilespmem:v1+s26+$0x0] =	vst.idx.msk $0xffff, v56;
	v1 =	vor.u32 s29, v33  }
0x294: {  	v57 =	vld [tilespmem:s10+$0xFFFFFF70];
	[tilespmem:v5+s26+$0x0] =	vst.idx.msk $0xffff, v6;
	v56 =	vor.u32 s11, v33  }
0x295: {  	v4 =	vor.u32 s14, v33;
	v5 =	vld [tilespmem:s10+$0xFFFFFFB0];
	[tilespmem:v7+s26+$0x0] =	vst.idx.msk $0xffff, v52  }
0x296: {  	v6 =	vor.u32 s30, v33;
	v7 =	vld [tilespmem:s10+$0xFFFFFFD0];
	[tilespmem:v58+s26+$0x0] =	vst.idx.msk $0xffff, v59  }
0x297: {  	v59 =	vor.u32 s21, v33;
	[tilespmem:v53+s26+$0x0] =	vst.idx.msk $0xffff, v54;
	v51 =	vld [tilespmem:s10+$0x50]  }
0x298: {  	v54 =	vor.u32 s15, v33;
	[tilespmem:v1+s26+$0x0] =	vst.idx.msk $0xffff, v55;
	v1 =	vld [tilespmem:s10+$0xFFFFFFF0]  }
0x299: {  	v55 =	vor.u32 s16, v33;
	[tilespmem:v56+s26+$0x0] =	vst.idx.msk $0xffff, v57;
	v56 =	vld [tilespmem:s10+$0x10]  }
0x29a: {  	v58 =	vld [tilespmem:s10+$0x30];
	[tilespmem:v4+s26+$0x0] =	vst.idx.msk $0xffff, v5;
	v57 =	vor.u32 s17, v33  }
0x29b: {  	v49 =	vor.u32 s22, v33;
	v48 =	vld [tilespmem:s10+$0x70];
	[tilespmem:v6+s26+$0x0] =	vst.idx.msk $0xffff, v7  }
0x29c: {  	v47 =	vor.u32 s23, v33;
	v45 =	vld [tilespmem:s10+$0x90];
	[tilespmem:v59+s26+$0x0] =	vst.idx.msk $0xffff, v51  }
0x29d: {  	v46 =	vor.u32 s24, v33;
	v41 =	vld [tilespmem:s10+$0xB0];
	[tilespmem:v54+s26+$0x0] =	vst.idx.msk $0xffff, v1  }
0x29e: {  	s5 =	simm.s32 $0x10;
	v43 =	vor.u32 s28, v33;
	v42 =	vld [tilespmem:s10+$0xD0];
	[tilespmem:v55+s26+$0x0] =	vst.idx.msk $0xffff, v56  }
0x29f: {  	s22 =	simm.s32 $0x1F;
	v44 =	vld [tilespmem:s10+$0xFFFFFF10];
	v40 =	vor.u32 s6, v33;
	s11 =	simm.s32 $0x20;
	s10 =	simm.s32 $0xD700;
	[tilespmem:v57+s26+$0x0] =	vst.idx.msk $0xffff, v58  }
.LBB2_5:
0x2a0: {  	p0 =	slt.u32 s11, $0x70;
	v1 =	vor.u32 s22, v32;
	v50 =	vld [tilespmem:s10+$0xE0];
	[tilespmem:v49+s26+$0x0] =	vst.idx.msk $0xffff, v48;
	s15 =	smov.u32 s5;
	s5 =	smov.u32 s11  }
0x2a1: {  	v48 =	vor.u32 s15, v32;
	v49 =	vld [tilespmem:s10+$0xFFFFFF00];
	s16 =	sadd.s32 $0x1, s15;
	[tilespmem:v47+s26+$0x0] =	vst.idx.msk $0xffff, v45  }
0x2a2: {  	s17 =	sadd.s32 $0x2, s15;
	v45 =	vor.u32 s16, v32;
	v47 =	vld [tilespmem:s10+$0xFFFFFF20];
	[tilespmem:v46+s26+$0x0] =	vst.idx.msk $0xffff, v41  }
0x2a3: {  	s21 =	sadd.s32 $0x3, s15;
	v41 =	vor.u32 s17, v32;
	v46 =	vld [tilespmem:s10+$0xFFFFFF40];
	[tilespmem:v43+s26+$0x0] =	vst.idx.msk $0xffff, v42  }
0x2a4: {  	s23 =	sadd.s32 $0x4, s15;
	v42 =	vor.u32 s21, v32;
	v43 =	vld [tilespmem:s10+$0xFFFFFF60];
	[tilespmem:v40+s26+$0x0] =	vst.idx.msk $0xffff, v44  }
0x2a5: {  	v40 =	vor.u32 s23, v32;
	v44 =	vld [tilespmem:s10+$0xFFFFFF80];
	[tilespmem:v1+s26+$0x0] =	vst.idx.msk $0xffff, v50  }
0x2a6: {  	s24 =	sadd.s32 $0x5, s15;
	v1 =	vor.u32 s22, v33;
	[tilespmem:v48+s26+$0x0] =	vst.idx.msk $0xffff, v49;
	v48 =	vld [tilespmem:s10+$0xF0]  }
0x2a7: {  	s22 =	sadd.s32 $0x6, s15;
	[tilespmem:v45+s26+$0x0] =	vst.idx.msk $0xffff, v47;
	v45 =	vor.u32 s24, v32;
	v47 =	vld [tilespmem:s10+$0xFFFFFFA0]  }
0x2a8: {  	s28 =	sadd.s32 $0x7, s15;
	[tilespmem:v41+s26+$0x0] =	vst.idx.msk $0xffff, v46;
	v41 =	vor.u32 s22, v32;
	v46 =	vld [tilespmem:s10+$0xFFFFFFC0]  }
0x2a9: {  	s0 =	sadd.s32 $0x8, s15;
	[tilespmem:v42+s26+$0x0] =	vst.idx.msk $0xffff, v43;
	v42 =	vor.u32 s28, v32;
	v43 =	vld [tilespmem:s10+$0xFFFFFFE0]  }
0x2aa: {  	s13 =	sadd.s32 $0x9, s15;
	[tilespmem:v40+s26+$0x0] =	vst.idx.msk $0xffff, v44;
	v40 =	vor.u32 s0, v32;
	v44 =	vld [tilespmem:s10+$0x0]  }
0x2ab: {  	s29 =	sadd.s32 $0xA, s15;
	v49 =	vor.u32 s13, v32;
	v50 =	vld [tilespmem:s10+$0x20];
	[tilespmem:v1+s26+$0x0] =	vst.idx.msk $0xffff, v48  }
0x2ac: {  	s2 =	sadd.s32 $0xB, s15;
	v1 =	vor.u32 s29, v32;
	[tilespmem:v45+s26+$0x0] =	vst.idx.msk $0xffff, v47;
	v45 =	vld [tilespmem:s10+$0x40]  }
0x2ad: {  	s14 =	sadd.s32 $0xC, s15;
	[tilespmem:v41+s26+$0x0] =	vst.idx.msk $0xffff, v46;
	v41 =	vor.u32 s2, v32;
	v46 =	vld [tilespmem:s10+$0x60]  }
0x2ae: {  	s30 =	sadd.s32 $0xD, s15;
	[tilespmem:v42+s26+$0x0] =	vst.idx.msk $0xffff, v43;
	v42 =	vor.u32 s14, v32;
	v43 =	vld [tilespmem:s10+$0x80]  }
0x2af: {  	s18 =	sadd.s32 $0xE, s15;
	[tilespmem:v40+s26+$0x0] =	vst.idx.msk $0xffff, v44;
	v40 =	vor.u32 s30, v32;
	v44 =	vld [tilespmem:s10+$0xA0]  }
0x2b0: {  	v47 =	vor.u32 s18, v32;
	[tilespmem:v49+s26+$0x0] =	vst.idx.msk $0xffff, v50;
	v48 =	vld [tilespmem:s10+$0xC0]  }
0x2b1: {  	v49 =	vor.u32 s16, v33;
	v50 =	vld [tilespmem:s10+$0xFFFFFF30];
	[tilespmem:v1+s26+$0x0] =	vst.idx.msk $0xffff, v45  }
0x2b2: {  	v1 =	vor.u32 s17, v33;
	v45 =	vld [tilespmem:s10+$0xFFFFFF50];
	[tilespmem:v41+s26+$0x0] =	vst.idx.msk $0xffff, v46  }
0x2b3: {  	v41 =	vor.u32 s21, v33;
	v46 =	vld [tilespmem:s10+$0xFFFFFF70];
	[tilespmem:v42+s26+$0x0] =	vst.idx.msk $0xffff, v43  }
0x2b4: {  	v42 =	vor.u32 s23, v33;
	v43 =	vld [tilespmem:s10+$0xFFFFFF90];
	[tilespmem:v40+s26+$0x0] =	vst.idx.msk $0xffff, v44  }
0x2b5: {  	v40 =	vor.u32 s24, v33;
	v44 =	vld [tilespmem:s10+$0xFFFFFFB0];
	[tilespmem:v47+s26+$0x0] =	vst.idx.msk $0xffff, v48  }
0x2b6: {  	v47 =	vor.u32 s22, v33;
	[tilespmem:v49+s26+$0x0] =	vst.idx.msk $0xffff, v50;
	v48 =	vld [tilespmem:s10+$0xFFFFFFD0]  }
0x2b7: {  	[tilespmem:v1+s26+$0x0] =	vst.idx.msk $0xffff, v45;
	v1 =	vor.u32 s28, v33;
	v45 =	vld [tilespmem:s10+$0xFFFFFFF0]  }
0x2b8: {  	[tilespmem:v41+s26+$0x0] =	vst.idx.msk $0xffff, v46;
	v41 =	vor.u32 s0, v33;
	v46 =	vld [tilespmem:s10+$0x10]  }
0x2b9: {  	[tilespmem:v42+s26+$0x0] =	vst.idx.msk $0xffff, v43;
	v42 =	vor.u32 s13, v33;
	v43 =	vld [tilespmem:s10+$0x30]  }
0x2ba: {  	v50 =	vor.u32 s29, v33;
	[tilespmem:v40+s26+$0x0] =	vst.idx.msk $0xffff, v44;
	v51 =	vld [tilespmem:s10+$0x50]  }
.Ltmp3:
0x2bb: {  	v49 =	vor.u32 s2, v33;
	[tilespmem:v47+s26+$0x0] =	vst.idx.msk $0xffff, v48;
	v48 =	vld [tilespmem:s10+$0x70];
	(pc) =	sbr.rel @p0 .LBB2_5-.Ltmp3, $4  }
0x2bc: {  	v47 =	vor.u32 s14, v33;
	[tilespmem:v1+s26+$0x0] =	vst.idx.msk $0xffff, v45;
	v45 =	vld [tilespmem:s10+$0x90]  }
0x2bd: {  	[tilespmem:v41+s26+$0x0] =	vst.idx.msk $0xffff, v46;
	v46 =	vor.u32 s30, v33;
	v41 =	vld [tilespmem:s10+$0xB0]  }
0x2be: {  	[tilespmem:v42+s26+$0x0] =	vst.idx.msk $0xffff, v43;
	v43 =	vor.u32 s18, v33;
	v42 =	vld [tilespmem:s10+$0xD0]  }
0x2bf: {  	s11 =	sadd.s32 $0x10, s11;
	s22 =	sadd.s32 $0xF, s5;
	v40 =	vor.u32 s15, v33;
	v44 =	vld [tilespmem:s10+$0xFFFFFF10];
	[tilespmem:v50+s26+$0x0] =	vst.idx.msk $0xffff, v51;
	s10 =	sadd.s32 $0x200, s10  }
0x2c0: {  	_ =	sdelay $0x3  }
0x2c1: {  	v1 =	vor.u32 s22, v32;
	v50 =	vld [tilespmem:s10+$0xE0];
	[tilespmem:v49+s26+$0x0] =	vst.idx.msk $0xffff, v48  }
0x2c2: {  	v7 =	vor.u32 s5, v32;
	v52 =	vld [tilespmem:s10+$0xFFFFFF00];
	s0 =	sadd.s32 $0x1, s5;
	[tilespmem:v47+s26+$0x0] =	vst.idx.msk $0xffff, v45  }
0x2c3: {  	v54 =	vld [tilespmem:s10+$0xFFFFFF20];
	s2 =	sadd.s32 $0x2, s5;
	v53 =	vor.u32 s0, v32;
	[tilespmem:v46+s26+$0x0] =	vst.idx.msk $0xffff, v41  }
0x2c4: {  	v56 =	vld [tilespmem:s10+$0xFFFFFF40];
	s11 =	sadd.s32 $0x3, s5;
	v55 =	vor.u32 s2, v32;
	[tilespmem:v43+s26+$0x0] =	vst.idx.msk $0xffff, v42  }
0x2c5: {  	v58 =	vld [tilespmem:s10+$0xFFFFFF60];
	s13 =	sadd.s32 $0x4, s5;
	v57 =	vor.u32 s11, v32;
	[tilespmem:v40+s26+$0x0] =	vst.idx.msk $0xffff, v44  }
0x2c6: {  	v4 =	vld [tilespmem:s10+$0xFFFFFF80];
	s14 =	sadd.s32 $0x5, s5;
	v59 =	vor.u32 s13, v32;
	[tilespmem:v1+s26+$0x0] =	vst.idx.msk $0xffff, v50  }
0x2c7: {  	v6 =	vor.u32 s14, v32;
	[tilespmem:v7+s26+$0x0] =	vst.idx.msk $0xffff, v52;
	v7 =	vld [tilespmem:s10+$0xFFFFFFA0]  }
0x2c8: {  	s15 =	sadd.s32 $0x6, s5;
	v1 =	vor.u32 s22, v33;
	v5 =	vld [tilespmem:s10+$0xF0];
	[tilespmem:v53+s26+$0x0] =	vst.idx.msk $0xffff, v54  }
0x2c9: {  	s16 =	sadd.s32 $0x7, s5;
	v52 =	vor.u32 s15, v32;
	[tilespmem:v55+s26+$0x0] =	vst.idx.msk $0xffff, v56;
	v53 =	vld [tilespmem:s10+$0xFFFFFFC0]  }
0x2ca: {  	s17 =	sadd.s32 $0x8, s5;
	[tilespmem:v57+s26+$0x0] =	vst.idx.msk $0xffff, v58;
	v54 =	vor.u32 s16, v32;
	v55 =	vld [tilespmem:s10+$0xFFFFFFE0]  }
0x2cb: {  	s18 =	sadd.s32 $0x9, s5;
	[tilespmem:v59+s26+$0x0] =	vst.idx.msk $0xffff, v4;
	v56 =	vor.u32 s17, v32;
	v57 =	vld [tilespmem:s10+$0x0]  }
0x2cc: {  	s21 =	sadd.s32 $0xA, s5;
	v58 =	vor.u32 s18, v32;
	v59 =	vld [tilespmem:s10+$0x20];
	[tilespmem:v6+s26+$0x0] =	vst.idx.msk $0xffff, v7  }
0x2cd: {  	s30 =	sadd.s32 $0xB, s5;
	v4 =	vld [tilespmem:s10+$0x40];
	[tilespmem:v1+s26+$0x0] =	vst.idx.msk $0xffff, v5;
	v1 =	vor.u32 s21, v32  }
0x2ce: {  	s23 =	sadd.s32 $0xC, s5;
	v6 =	vld [tilespmem:s10+$0x60];
	[tilespmem:v52+s26+$0x0] =	vst.idx.msk $0xffff, v53;
	v5 =	vor.u32 s30, v32  }
0x2cf: {  	s24 =	sadd.s32 $0xD, s5;
	v7 =	vor.u32 s23, v32;
	[tilespmem:v54+s26+$0x0] =	vst.idx.msk $0xffff, v55;
	v52 =	vld [tilespmem:s10+$0x80]  }
0x2d0: {  	s28 =	sadd.s32 $0xE, s5;
	[tilespmem:v56+s26+$0x0] =	vst.idx.msk $0xffff, v57;
	v53 =	vor.u32 s24, v32;
	v54 =	vld [tilespmem:s10+$0xA0]  }
0x2d1: {  	[tilespmem:v58+s26+$0x0] =	vst.idx.msk $0xffff, v59;
	v55 =	vor.u32 s28, v32;
	v56 =	vld [tilespmem:s10+$0xC0]  }
0x2d2: {  	v57 =	vor.u32 s0, v33;
	v58 =	vld [tilespmem:s10+$0xFFFFFF30];
	[tilespmem:v1+s26+$0x0] =	vst.idx.msk $0xffff, v4  }
0x2d3: {  	v59 =	vld [tilespmem:s10+$0xFFFFFF50];
	v1 =	vor.u32 s2, v33;
	[tilespmem:v5+s26+$0x0] =	vst.idx.msk $0xffff, v6  }
0x2d4: {  	v4 =	vor.u32 s11, v33;
	v5 =	vld [tilespmem:s10+$0xFFFFFF70];
	[tilespmem:v7+s26+$0x0] =	vst.idx.msk $0xffff, v52  }
0x2d5: {  	v6 =	vor.u32 s13, v33;
	v7 =	vld [tilespmem:s10+$0xFFFFFF90];
	[tilespmem:v53+s26+$0x0] =	vst.idx.msk $0xffff, v54  }
0x2d6: {  	v52 =	vor.u32 s14, v33;
	v53 =	vld [tilespmem:s10+$0xFFFFFFB0];
	[tilespmem:v55+s26+$0x0] =	vst.idx.msk $0xffff, v56  }
0x2d7: {  	[tilespmem:v57+s26+$0x0] =	vst.idx.msk $0xffff, v58;
	v54 =	vor.u32 s15, v33;
	v55 =	vld [tilespmem:s10+$0xFFFFFFD0]  }
0x2d8: {  	v57 =	vor.u32 s17, v33;
	v58 =	vld [tilespmem:s10+$0x10];
	[tilespmem:v1+s26+$0x0] =	vst.idx.msk $0xffff, v59  }
0x2d9: {  	v56 =	vld [tilespmem:s10+$0xFFFFFFF0];
	v1 =	vor.u32 s16, v33;
	[tilespmem:v4+s26+$0x0] =	vst.idx.msk $0xffff, v5  }
0x2da: {  	[tilespmem:v6+s26+$0x0] =	vst.idx.msk $0xffff, v7;
	v59 =	vor.u32 s18, v33;
	v4 =	vld [tilespmem:s10+$0x30]  }
0x2db: {  	[tilespmem:v52+s26+$0x0] =	vst.idx.msk $0xffff, v53;
	v5 =	vor.u32 s21, v33;
	v6 =	vld [tilespmem:s10+$0x50]  }
0x2dc: {  	[tilespmem:v54+s26+$0x0] =	vst.idx.msk $0xffff, v55;
	v7 =	vor.u32 s30, v33;
	v52 =	vld [tilespmem:s10+$0x70]  }
0x2dd: {  	[tilespmem:v57+s26+$0x0] =	vst.idx.msk $0xffff, v58;
	v54 =	vor.u32 s24, v33;
	v55 =	vld [tilespmem:s10+$0xB0]  }
0x2de: {  	v53 =	vld [tilespmem:s10+$0x90];
	[tilespmem:v1+s26+$0x0] =	vst.idx.msk $0xffff, v56;
	v1 =	vor.u32 s23, v33  }
0x2df: {  	v57 =	vld [tilespmem:s10+$0xD0];
	[tilespmem:v59+s26+$0x0] =	vst.idx.msk $0xffff, v4;
	v56 =	vor.u32 s28, v33  }
0x2e0: {  	p1 =	por $0x1, $0x1;
	v58 =	vor.u32 s5, v33;
	v59 =	vld [tilespmem:s10+$0xFFFFFF10];
	[tilespmem:v5+s26+$0x0] =	vst.idx.msk $0xffff, v6  }
.Ltmp4:
0x2e1: {  	[tilespmem:v7+s26+$0x0] =	vst.idx.msk $0xffff, v52;
	(pc) =	sbr.rel @!p1 .LBB2_7-.Ltmp4, $4  }
0x2e2: {  	[tilespmem:v54+s26+$0x0] =	vst.idx.msk $0xffff, v55  }
0x2e3: {  	[tilespmem:v1+s26+$0x0] =	vst.idx.msk $0xffff, v53  }
0x2e4: {  	p0 =	por $0x0, $0x0;
	s15 =	simm.s32 $0xE5F0;
	[tilespmem:v56+s26+$0x0] =	vst.idx.msk $0xffff, v57  }
0x2e5: {  	s11 =	simm.s32 $0xF;
	s5 =	simm.s32 $0x10;
	s10 =	simm.s32 $0x0;
	[tilespmem:v58+s26+$0x0] =	vst.idx.msk $0xffff, v59  }
0x2e6: {  	v1 =	vor.u32 s11, v34;
	v40 =	vld [tilespmem:s15+$0xFFFFFFF0]  }
0x2e7: {  	v41 =	vld [tilespmem:s15+$0xFFFFFE10];
	v42 =	vor.u32 s10, v34;
	s0 =	simm.s32 $0x1  }
0x2e8: {  	v43 =	vld [tilespmem:s15+$0xFFFFFE30];
	s2 =	simm.s32 $0x2;
	v44 =	vor.u32 s0, v34  }
0x2e9: {  	v45 =	vld [tilespmem:s15+$0xFFFFFE50];
	s16 =	simm.s32 $0x5;
	v46 =	vor.u32 s2, v34  }
0x2ea: {  	v57 =	vld [tilespmem:s15+$0xFFFFFEB0];
	s17 =	simm.s32 $0x6;
	v58 =	vor.u32 s16, v34  }
0x2eb: {  	s14 =	simm.s32 $0x4;
	v59 =	vld [tilespmem:s15+$0xFFFFFED0];
	v4 =	vor.u32 s17, v34;
	[tilespmem:v1+s26+$0x0] =	vst.idx.msk $0xffff, v40  }
0x2ec: {  	v49 =	vld [tilespmem:s15+$0xFFFFFE90];
	s18 =	simm.s32 $0x7;
	v1 =	vor.u32 s14, v34;
	[tilespmem:v42+s26+$0x0] =	vst.idx.msk $0xffff, v41  }
0x2ed: {  	v5 =	vld [tilespmem:s15+$0xFFFFFEF0];
	s22 =	simm.s32 $0x9;
	v6 =	vor.u32 s18, v34;
	[tilespmem:v44+s26+$0x0] =	vst.idx.msk $0xffff, v43  }
0x2ee: {  	v52 =	vld [tilespmem:s15+$0xFFFFFF30];
	s23 =	simm.s32 $0xA;
	v50 =	vor.u32 s22, v34;
	[tilespmem:v46+s26+$0x0] =	vst.idx.msk $0xffff, v45  }
0x2ef: {  	v53 =	vld [tilespmem:s15+$0xFFFFFF50];
	v54 =	vor.u32 s23, v34;
	[tilespmem:v58+s26+$0x0] =	vst.idx.msk $0xffff, v57  }
0x2f0: {  	v56 =	vor.u32 s11, v35;
	s21 =	simm.s32 $0x8;
	v40 =	vld [tilespmem:s15+$0x0];
	[tilespmem:v4+s26+$0x0] =	vst.idx.msk $0xffff, v59  }
0x2f1: {  	v7 =	vld [tilespmem:s15+$0xFFFFFF10];
	s24 =	simm.s32 $0xB;
	[tilespmem:v1+s26+$0x0] =	vst.idx.msk $0xffff, v49;
	v1 =	vor.u32 s21, v34  }
0x2f2: {  	v55 =	vld [tilespmem:s15+$0xFFFFFF70];
	s28 =	simm.s32 $0xC;
	v59 =	vor.u32 s24, v34;
	[tilespmem:v6+s26+$0x0] =	vst.idx.msk $0xffff, v5  }
0x2f3: {  	s13 =	simm.s32 $0x3;
	v4 =	vld [tilespmem:s15+$0xFFFFFF90];
	v5 =	vor.u32 s28, v34;
	[tilespmem:v50+s26+$0x0] =	vst.idx.msk $0xffff, v52  }
0x2f4: {  	v47 =	vld [tilespmem:s15+$0xFFFFFE70];
	v48 =	vor.u32 s13, v34;
	[tilespmem:v54+s26+$0x0] =	vst.idx.msk $0xffff, v53  }
0x2f5: {  	s29 =	simm.s32 $0xD;
	v53 =	vor.u32 s2, v35;
	v52 =	vld [tilespmem:s15+$0xFFFFFE60];
	[tilespmem:v56+s26+$0x0] =	vst.idx.msk $0xffff, v40  }
0x2f6: {  	s30 =	simm.s32 $0xE;
	v6 =	vld [tilespmem:s15+$0xFFFFFFB0];
	[tilespmem:v1+s26+$0x0] =	vst.idx.msk $0xffff, v7;
	v1 =	vor.u32 s29, v34  }
0x2f7: {  	v57 =	vor.u32 s30, v34;
	v56 =	vld [tilespmem:s15+$0xFFFFFFD0];
	[tilespmem:v59+s26+$0x0] =	vst.idx.msk $0xffff, v55  }
0x2f8: {  	[tilespmem:v5+s26+$0x0] =	vst.idx.msk $0xffff, v4;
	v59 =	vld [tilespmem:s15+$0xFFFFFEA0];
	v4 =	vor.u32 s14, v35  }
0x2f9: {  	[tilespmem:v48+s26+$0x0] =	vst.idx.msk $0xffff, v47;
	v58 =	vld [tilespmem:s15+$0xFFFFFE40];
	v7 =	vor.u32 s0, v35  }
0x2fa: {  	v54 =	vld [tilespmem:s15+$0xFFFFFE80];
	v55 =	vor.u32 s13, v35;
	[tilespmem:v53+s26+$0x0] =	vst.idx.msk $0xffff, v52  }
0x2fb: {  	v5 =	vor.u32 s16, v35;
	[tilespmem:v1+s26+$0x0] =	vst.idx.msk $0xffff, v6;
	v1 =	vld [tilespmem:s15+$0xFFFFFEC0]  }
0x2fc: {  	[tilespmem:v57+s26+$0x0] =	vst.idx.msk $0xffff, v56;
	v56 =	vld [tilespmem:s15+$0xFFFFFF00];
	v57 =	vor.u32 s18, v35  }
0x2fd: {  	v52 =	vld [tilespmem:s15+$0xFFFFFF40];
	[tilespmem:v4+s26+$0x0] =	vst.idx.msk $0xffff, v59;
	v59 =	vor.u32 s22, v35  }
0x2fe: {  	v6 =	vld [tilespmem:s15+$0xFFFFFEE0];
	[tilespmem:v7+s26+$0x0] =	vst.idx.msk $0xffff, v58;
	v7 =	vor.u32 s17, v35  }
0x2ff: {  	v51 =	vor.u32 s21, v35;
	[tilespmem:v55+s26+$0x0] =	vst.idx.msk $0xffff, v54;
	v58 =	vld [tilespmem:s15+$0xFFFFFF20]  }
0x300: {  	p3 =	por $0x1, $0x1;
	v53 =	vld [tilespmem:s15+$0xFFFFFF60];
	[tilespmem:v5+s26+$0x0] =	vst.idx.msk $0xffff, v1;
	v1 =	vor.u32 s23, v35  }
.Ltmp5:
0x301: {  	v49 =	vor.u32 s24, v35;
	v43 =	vld [tilespmem:s15+$0xFFFFFF80];
	[tilespmem:v57+s26+$0x0] =	vst.idx.msk $0xffff, v56;
	(pc) =	sbr.rel @!p3 .LBB2_9-.Ltmp5, $4  }
0x302: {  	v46 =	vor.u32 s28, v35;
	v42 =	vld [tilespmem:s15+$0xFFFFFFA0];
	[tilespmem:v59+s26+$0x0] =	vst.idx.msk $0xffff, v52  }
0x303: {  	v48 =	vor.u32 s29, v35;
	v41 =	vld [tilespmem:s15+$0xFFFFFFC0];
	[tilespmem:v7+s26+$0x0] =	vst.idx.msk $0xffff, v6  }
0x304: {  	p2 =	por $0x1, $0x1;
	v47 =	vor.u32 s30, v35;
	s16 =	simm.s32 $0x10;
	v40 =	vld [tilespmem:s15+$0xFFFFFFE0];
	[tilespmem:v51+s26+$0x0] =	vst.idx.msk $0xffff, v58  }
0x305: {  	v44 =	vld [tilespmem:s15+$0xFFFFFE20];
	v45 =	vor.u32 s10, v35;
	s22 =	simm.s32 $0x1F;
	s17 =	simm.s32 $0x20;
	s15 =	simm.s32 $0xE7F0;
	[tilespmem:v1+s26+$0x0] =	vst.idx.msk $0xffff, v53  }
.LBB2_10:
0x306: {  	p3 =	slt.u32 s17, $0x70;
	v1 =	vor.u32 s22, v34;
	v50 =	vld [tilespmem:s15+$0xFFFFFFF0];
	[tilespmem:v49+s26+$0x0] =	vst.idx.msk $0xffff, v43;
	s21 =	smov.u32 s16;
	s16 =	smov.u32 s17  }
0x307: {  	v43 =	vor.u32 s21, v34;
	v49 =	vld [tilespmem:s15+$0xFFFFFE10];
	s23 =	sadd.s32 $0x1, s21;
	[tilespmem:v46+s26+$0x0] =	vst.idx.msk $0xffff, v42  }
0x308: {  	s24 =	sadd.s32 $0x2, s21;
	v42 =	vor.u32 s23, v34;
	v46 =	vld [tilespmem:s15+$0xFFFFFE30];
	[tilespmem:v48+s26+$0x0] =	vst.idx.msk $0xffff, v41  }
0x309: {  	s28 =	sadd.s32 $0x3, s21;
	v41 =	vor.u32 s24, v34;
	v48 =	vld [tilespmem:s15+$0xFFFFFE50];
	[tilespmem:v47+s26+$0x0] =	vst.idx.msk $0xffff, v40  }
0x30a: {  	s29 =	sadd.s32 $0x4, s21;
	v40 =	vor.u32 s28, v34;
	v47 =	vld [tilespmem:s15+$0xFFFFFE70];
	[tilespmem:v45+s26+$0x0] =	vst.idx.msk $0xffff, v44  }
0x30b: {  	v44 =	vor.u32 s29, v34;
	v45 =	vld [tilespmem:s15+$0xFFFFFE90];
	[tilespmem:v1+s26+$0x0] =	vst.idx.msk $0xffff, v50  }
0x30c: {  	s30 =	sadd.s32 $0x5, s21;
	v1 =	vor.u32 s22, v35;
	[tilespmem:v43+s26+$0x0] =	vst.idx.msk $0xffff, v49;
	v43 =	vld [tilespmem:s15+$0x0]  }
0x30d: {  	s22 =	sadd.s32 $0x6, s21;
	[tilespmem:v42+s26+$0x0] =	vst.idx.msk $0xffff, v46;
	v42 =	vor.u32 s30, v34;
	v46 =	vld [tilespmem:s15+$0xFFFFFEB0]  }
0x30e: {  	s0 =	sadd.s32 $0x7, s21;
	[tilespmem:v41+s26+$0x0] =	vst.idx.msk $0xffff, v48;
	v41 =	vor.u32 s22, v34;
	v48 =	vld [tilespmem:s15+$0xFFFFFED0]  }
0x30f: {  	s13 =	sadd.s32 $0x8, s21;
	[tilespmem:v40+s26+$0x0] =	vst.idx.msk $0xffff, v47;
	v40 =	vor.u32 s0, v34;
	v47 =	vld [tilespmem:s15+$0xFFFFFEF0]  }
0x310: {  	s14 =	sadd.s32 $0x9, s21;
	[tilespmem:v44+s26+$0x0] =	vst.idx.msk $0xffff, v45;
	v44 =	vor.u32 s13, v34;
	v45 =	vld [tilespmem:s15+$0xFFFFFF10]  }
0x311: {  	s2 =	sadd.s32 $0xA, s21;
	v49 =	vor.u32 s14, v34;
	v50 =	vld [tilespmem:s15+$0xFFFFFF30];
	[tilespmem:v1+s26+$0x0] =	vst.idx.msk $0xffff, v43  }
0x312: {  	s18 =	sadd.s32 $0xB, s21;
	v1 =	vor.u32 s2, v34;
	[tilespmem:v42+s26+$0x0] =	vst.idx.msk $0xffff, v46;
	v42 =	vld [tilespmem:s15+$0xFFFFFF50]  }
0x313: {  	s6 =	sadd.s32 $0xC, s21;
	[tilespmem:v41+s26+$0x0] =	vst.idx.msk $0xffff, v48;
	v41 =	vor.u32 s18, v34;
	v43 =	vld [tilespmem:s15+$0xFFFFFF70]  }
0x314: {  	s7 =	sadd.s32 $0xD, s21;
	[tilespmem:v40+s26+$0x0] =	vst.idx.msk $0xffff, v47;
	v40 =	vor.u32 s6, v34;
	v46 =	vld [tilespmem:s15+$0xFFFFFF90]  }
0x315: {  	s8 =	sadd.s32 $0xE, s21;
	[tilespmem:v44+s26+$0x0] =	vst.idx.msk $0xffff, v45;
	v44 =	vor.u32 s7, v34;
	v45 =	vld [tilespmem:s15+$0xFFFFFFB0]  }
0x316: {  	v47 =	vor.u32 s8, v34;
	[tilespmem:v49+s26+$0x0] =	vst.idx.msk $0xffff, v50;
	v48 =	vld [tilespmem:s15+$0xFFFFFFD0]  }
0x317: {  	v49 =	vor.u32 s23, v35;
	v50 =	vld [tilespmem:s15+$0xFFFFFE40];
	[tilespmem:v1+s26+$0x0] =	vst.idx.msk $0xffff, v42  }
0x318: {  	v1 =	vor.u32 s24, v35;
	v42 =	vld [tilespmem:s15+$0xFFFFFE60];
	[tilespmem:v41+s26+$0x0] =	vst.idx.msk $0xffff, v43  }
0x319: {  	v41 =	vor.u32 s28, v35;
	v43 =	vld [tilespmem:s15+$0xFFFFFE80];
	[tilespmem:v40+s26+$0x0] =	vst.idx.msk $0xffff, v46  }
0x31a: {  	v40 =	vor.u32 s29, v35;
	v46 =	vld [tilespmem:s15+$0xFFFFFEA0];
	[tilespmem:v44+s26+$0x0] =	vst.idx.msk $0xffff, v45  }
0x31b: {  	v44 =	vor.u32 s30, v35;
	v45 =	vld [tilespmem:s15+$0xFFFFFEC0];
	[tilespmem:v47+s26+$0x0] =	vst.idx.msk $0xffff, v48  }
0x31c: {  	v47 =	vor.u32 s22, v35;
	[tilespmem:v49+s26+$0x0] =	vst.idx.msk $0xffff, v50;
	v48 =	vld [tilespmem:s15+$0xFFFFFEE0]  }
0x31d: {  	[tilespmem:v1+s26+$0x0] =	vst.idx.msk $0xffff, v42;
	v1 =	vor.u32 s0, v35;
	v42 =	vld [tilespmem:s15+$0xFFFFFF00]  }
0x31e: {  	[tilespmem:v41+s26+$0x0] =	vst.idx.msk $0xffff, v43;
	v41 =	vor.u32 s13, v35;
	v50 =	vld [tilespmem:s15+$0xFFFFFF20]  }
0x31f: {  	[tilespmem:v40+s26+$0x0] =	vst.idx.msk $0xffff, v46;
	v40 =	vor.u32 s14, v35;
	v51 =	vld [tilespmem:s15+$0xFFFFFF40]  }
0x320: {  	v52 =	vor.u32 s2, v35;
	[tilespmem:v44+s26+$0x0] =	vst.idx.msk $0xffff, v45;
	v53 =	vld [tilespmem:s15+$0xFFFFFF60]  }
.Ltmp6:
0x321: {  	v49 =	vor.u32 s18, v35;
	[tilespmem:v47+s26+$0x0] =	vst.idx.msk $0xffff, v48;
	v43 =	vld [tilespmem:s15+$0xFFFFFF80];
	(pc) =	sbr.rel @p3 .LBB2_10-.Ltmp6, $4  }
0x322: {  	v46 =	vor.u32 s6, v35;
	[tilespmem:v1+s26+$0x0] =	vst.idx.msk $0xffff, v42;
	v42 =	vld [tilespmem:s15+$0xFFFFFFA0]  }
0x323: {  	v48 =	vor.u32 s7, v35;
	[tilespmem:v41+s26+$0x0] =	vst.idx.msk $0xffff, v50;
	v41 =	vld [tilespmem:s15+$0xFFFFFFC0]  }
0x324: {  	v47 =	vor.u32 s8, v35;
	[tilespmem:v40+s26+$0x0] =	vst.idx.msk $0xffff, v51;
	v40 =	vld [tilespmem:s15+$0xFFFFFFE0]  }
0x325: {  	s17 =	sadd.s32 $0x10, s17;
	s22 =	sadd.s32 $0xF, s16;
	v45 =	vor.u32 s21, v35;
	v44 =	vld [tilespmem:s15+$0xFFFFFE20];
	[tilespmem:v52+s26+$0x0] =	vst.idx.msk $0xffff, v53;
	s15 =	sadd.s32 $0x200, s15  }
.LBB2_11:
0x326: {  	_ =	sdelay $0x3  }
0x327: {  	v1 =	vor.u32 s22, v34;
	v50 =	vld [tilespmem:s15+$0xFFFFFFF0];
	[tilespmem:v49+s26+$0x0] =	vst.idx.msk @p2 $0xffff, v43  }
0x328: {  	v7 =	vor.u32 s16, v34;
	v52 =	vld [tilespmem:s15+$0xFFFFFE10];
	s0 =	sadd.s32 $0x1, s16;
	[tilespmem:v46+s26+$0x0] =	vst.idx.msk @p2 $0xffff, v42  }
0x329: {  	v54 =	vld [tilespmem:s15+$0xFFFFFE30];
	s2 =	sadd.s32 $0x2, s16;
	v53 =	vor.u32 s0, v34;
	[tilespmem:v48+s26+$0x0] =	vst.idx.msk @p2 $0xffff, v41  }
0x32a: {  	v56 =	vld [tilespmem:s15+$0xFFFFFE50];
	s6 =	sadd.s32 $0x3, s16;
	v55 =	vor.u32 s2, v34;
	[tilespmem:v47+s26+$0x0] =	vst.idx.msk @p2 $0xffff, v40  }
0x32b: {  	v58 =	vld [tilespmem:s15+$0xFFFFFE70];
	s7 =	sadd.s32 $0x4, s16;
	v57 =	vor.u32 s6, v34;
	[tilespmem:v45+s26+$0x0] =	vst.idx.msk @p2 $0xffff, v44  }
0x32c: {  	v4 =	vld [tilespmem:s15+$0xFFFFFE90];
	s8 =	sadd.s32 $0x5, s16;
	v59 =	vor.u32 s7, v34;
	[tilespmem:v1+s26+$0x0] =	vst.idx.msk $0xffff, v50  }
0x32d: {  	v6 =	vor.u32 s8, v34;
	[tilespmem:v7+s26+$0x0] =	vst.idx.msk $0xffff, v52;
	v7 =	vld [tilespmem:s15+$0xFFFFFEB0]  }
0x32e: {  	s13 =	sadd.s32 $0x6, s16;
	v1 =	vor.u32 s22, v35;
	v5 =	vld [tilespmem:s15+$0x0];
	[tilespmem:v53+s26+$0x0] =	vst.idx.msk $0xffff, v54  }
0x32f: {  	s14 =	sadd.s32 $0x7, s16;
	v52 =	vor.u32 s13, v34;
	[tilespmem:v55+s26+$0x0] =	vst.idx.msk $0xffff, v56;
	v53 =	vld [tilespmem:s15+$0xFFFFFED0]  }
0x330: {  	s17 =	sadd.s32 $0x8, s16;
	[tilespmem:v57+s26+$0x0] =	vst.idx.msk $0xffff, v58;
	v54 =	vor.u32 s14, v34;
	v55 =	vld [tilespmem:s15+$0xFFFFFEF0]  }
0x331: {  	s18 =	sadd.s32 $0x9, s16;
	[tilespmem:v59+s26+$0x0] =	vst.idx.msk $0xffff, v4;
	v56 =	vor.u32 s17, v34;
	v57 =	vld [tilespmem:s15+$0xFFFFFF10]  }
0x332: {  	s21 =	sadd.s32 $0xA, s16;
	v58 =	vor.u32 s18, v34;
	v59 =	vld [tilespmem:s15+$0xFFFFFF30];
	[tilespmem:v6+s26+$0x0] =	vst.idx.msk $0xffff, v7  }
0x333: {  	s30 =	sadd.s32 $0xB, s16;
	v4 =	vld [tilespmem:s15+$0xFFFFFF50];
	[tilespmem:v1+s26+$0x0] =	vst.idx.msk $0xffff, v5;
	v1 =	vor.u32 s21, v34  }
0x334: {  	s23 =	sadd.s32 $0xC, s16;
	v6 =	vld [tilespmem:s15+$0xFFFFFF70];
	[tilespmem:v52+s26+$0x0] =	vst.idx.msk $0xffff, v53;
	v5 =	vor.u32 s30, v34  }
0x335: {  	s24 =	sadd.s32 $0xD, s16;
	v7 =	vor.u32 s23, v34;
	[tilespmem:v54+s26+$0x0] =	vst.idx.msk $0xffff, v55;
	v52 =	vld [tilespmem:s15+$0xFFFFFF90]  }
0x336: {  	s28 =	sadd.s32 $0xE, s16;
	[tilespmem:v56+s26+$0x0] =	vst.idx.msk $0xffff, v57;
	v53 =	vor.u32 s24, v34;
	v54 =	vld [tilespmem:s15+$0xFFFFFFB0]  }
0x337: {  	[tilespmem:v58+s26+$0x0] =	vst.idx.msk $0xffff, v59;
	v55 =	vor.u32 s28, v34;
	v56 =	vld [tilespmem:s15+$0xFFFFFFD0]  }
0x338: {  	v57 =	vor.u32 s0, v35;
	v58 =	vld [tilespmem:s15+$0xFFFFFE40];
	[tilespmem:v1+s26+$0x0] =	vst.idx.msk $0xffff, v4  }
0x339: {  	v59 =	vld [tilespmem:s15+$0xFFFFFE60];
	v1 =	vor.u32 s2, v35;
	[tilespmem:v5+s26+$0x0] =	vst.idx.msk $0xffff, v6  }
0x33a: {  	v4 =	vor.u32 s6, v35;
	v5 =	vld [tilespmem:s15+$0xFFFFFE80];
	[tilespmem:v7+s26+$0x0] =	vst.idx.msk $0xffff, v52  }
0x33b: {  	v6 =	vor.u32 s7, v35;
	v7 =	vld [tilespmem:s15+$0xFFFFFEA0];
	[tilespmem:v53+s26+$0x0] =	vst.idx.msk $0xffff, v54  }
0x33c: {  	v52 =	vor.u32 s8, v35;
	v53 =	vld [tilespmem:s15+$0xFFFFFEC0];
	[tilespmem:v55+s26+$0x0] =	vst.idx.msk $0xffff, v56  }
0x33d: {  	[tilespmem:v57+s26+$0x0] =	vst.idx.msk $0xffff, v58;
	v54 =	vor.u32 s13, v35;
	v55 =	vld [tilespmem:s15+$0xFFFFFEE0]  }
0x33e: {  	v57 =	vor.u32 s17, v35;
	v58 =	vld [tilespmem:s15+$0xFFFFFF20];
	[tilespmem:v1+s26+$0x0] =	vst.idx.msk $0xffff, v59  }
0x33f: {  	v56 =	vld [tilespmem:s15+$0xFFFFFF00];
	v1 =	vor.u32 s14, v35;
	[tilespmem:v4+s26+$0x0] =	vst.idx.msk $0xffff, v5  }
0x340: {  	[tilespmem:v6+s26+$0x0] =	vst.idx.msk $0xffff, v7;
	v59 =	vor.u32 s18, v35;
	v4 =	vld [tilespmem:s15+$0xFFFFFF40]  }
0x341: {  	[tilespmem:v52+s26+$0x0] =	vst.idx.msk $0xffff, v53;
	v5 =	vor.u32 s21, v35;
	v6 =	vld [tilespmem:s15+$0xFFFFFF60]  }
0x342: {  	[tilespmem:v54+s26+$0x0] =	vst.idx.msk $0xffff, v55;
	v7 =	vor.u32 s30, v35;
	v52 =	vld [tilespmem:s15+$0xFFFFFF80]  }
0x343: {  	[tilespmem:v57+s26+$0x0] =	vst.idx.msk $0xffff, v58;
	v54 =	vor.u32 s24, v35;
	v55 =	vld [tilespmem:s15+$0xFFFFFFC0]  }
0x344: {  	v53 =	vld [tilespmem:s15+$0xFFFFFFA0];
	[tilespmem:v1+s26+$0x0] =	vst.idx.msk $0xffff, v56;
	v1 =	vor.u32 s23, v35  }
0x345: {  	v57 =	vld [tilespmem:s15+$0xFFFFFFE0];
	[tilespmem:v59+s26+$0x0] =	vst.idx.msk $0xffff, v4;
	v56 =	vor.u32 s28, v35  }
0x346: {  	v58 =	vor.u32 s16, v35;
	v59 =	vld [tilespmem:s15+$0xFFFFFE20];
	[tilespmem:v5+s26+$0x0] =	vst.idx.msk $0xffff, v6  }
.Ltmp7:
0x347: {  	[tilespmem:v7+s26+$0x0] =	vst.idx.msk $0xffff, v52;
	(pc) =	sbr.rel @!p1 .LBB2_12-.Ltmp7, $4  }
0x348: {  	[tilespmem:v54+s26+$0x0] =	vst.idx.msk $0xffff, v55  }
0x349: {  	[tilespmem:v1+s26+$0x0] =	vst.idx.msk $0xffff, v53  }
0x34a: {  	[tilespmem:v56+s26+$0x0] =	vst.idx.msk $0xffff, v57  }
0x34b: {  	s15 =	simm.s32 $0xF5F0;
	[tilespmem:v58+s26+$0x0] =	vst.idx.msk $0xffff, v59  }
0x34c: {  	v1 =	vor.u32 s11, v36;
	v40 =	vld [tilespmem:s15+$0xFFFFFFF0]  }
0x34d: {  	v41 =	vld [tilespmem:s15+$0xFFFFFE10];
	v42 =	vor.u32 s10, v36;
	s0 =	simm.s32 $0x1  }
0x34e: {  	v43 =	vld [tilespmem:s15+$0xFFFFFE30];
	s2 =	simm.s32 $0x2;
	v44 =	vor.u32 s0, v36  }
0x34f: {  	v45 =	vld [tilespmem:s15+$0xFFFFFE50];
	s6 =	simm.s32 $0x3;
	v46 =	vor.u32 s2, v36  }
0x350: {  	v47 =	vld [tilespmem:s15+$0xFFFFFE70];
	s8 =	simm.s32 $0x5;
	v48 =	vor.u32 s6, v36  }
0x351: {  	s7 =	simm.s32 $0x4;
	v56 =	vld [tilespmem:s15+$0xFFFFFEB0];
	v57 =	vor.u32 s8, v36;
	[tilespmem:v1+s26+$0x0] =	vst.idx.msk $0xffff, v40  }
0x352: {  	v49 =	vld [tilespmem:s15+$0xFFFFFE90];
	s30 =	simm.s32 $0x6;
	v1 =	vor.u32 s7, v36;
	[tilespmem:v42+s26+$0x0] =	vst.idx.msk $0xffff, v41  }
0x353: {  	v58 =	vld [tilespmem:s15+$0xFFFFFED0];
	s13 =	simm.s32 $0x7;
	v59 =	vor.u32 s30, v36;
	[tilespmem:v44+s26+$0x0] =	vst.idx.msk $0xffff, v43  }
0x354: {  	v4 =	vld [tilespmem:s15+$0xFFFFFEF0];
	v5 =	vor.u32 s13, v36;
	[tilespmem:v46+s26+$0x0] =	vst.idx.msk $0xffff, v45  }
0x355: {  	v55 =	vor.u32 s11, v37;
	s16 =	simm.s32 $0x9;
	v40 =	vld [tilespmem:s15+$0x0];
	[tilespmem:v48+s26+$0x0] =	vst.idx.msk $0xffff, v47  }
0x356: {  	s14 =	simm.s32 $0x8;
	v7 =	vld [tilespmem:s15+$0xFFFFFF30];
	v50 =	vor.u32 s16, v36;
	[tilespmem:v57+s26+$0x0] =	vst.idx.msk $0xffff, v56  }
0x357: {  	v6 =	vld [tilespmem:s15+$0xFFFFFF10];
	s17 =	simm.s32 $0xA;
	[tilespmem:v1+s26+$0x0] =	vst.idx.msk $0xffff, v49;
	v1 =	vor.u32 s14, v36  }
0x358: {  	v52 =	vld [tilespmem:s15+$0xFFFFFF50];
	s21 =	simm.s32 $0xC;
	v53 =	vor.u32 s17, v36;
	[tilespmem:v59+s26+$0x0] =	vst.idx.msk $0xffff, v58  }
0x359: {  	s18 =	simm.s32 $0xB;
	v59 =	vld [tilespmem:s15+$0xFFFFFF90];
	[tilespmem:v5+s26+$0x0] =	vst.idx.msk $0xffff, v4;
	v4 =	vor.u32 s21, v36  }
0x35a: {  	v54 =	vld [tilespmem:s15+$0xFFFFFF70];
	[tilespmem:v55+s26+$0x0] =	vst.idx.msk $0xffff, v40;
	v55 =	vor.u32 s18, v36  }
0x35b: {  	s22 =	simm.s32 $0xD;
	[tilespmem:v50+s26+$0x0] =	vst.idx.msk $0xffff, v7;
	v57 =	vor.u32 s0, v37;
	v56 =	vld [tilespmem:s15+$0xFFFFFE40]  }
0x35c: {  	v5 =	vld [tilespmem:s15+$0xFFFFFFB0];
	[tilespmem:v1+s26+$0x0] =	vst.idx.msk $0xffff, v6;
	v1 =	vor.u32 s22, v36  }
0x35d: {  	s23 =	simm.s32 $0xE;
	[tilespmem:v53+s26+$0x0] =	vst.idx.msk $0xffff, v52;
	v52 =	vor.u32 s2, v37;
	v58 =	vld [tilespmem:s15+$0xFFFFFE60]  }
0x35e: {  	v7 =	vor.u32 s23, v36;
	[tilespmem:v4+s26+$0x0] =	vst.idx.msk $0xffff, v59;
	v6 =	vld [tilespmem:s15+$0xFFFFFFD0]  }
0x35f: {  	v53 =	vld [tilespmem:s15+$0xFFFFFE80];
	[tilespmem:v55+s26+$0x0] =	vst.idx.msk $0xffff, v54;
	v54 =	vor.u32 s6, v37  }
0x360: {  	v59 =	vor.u32 s7, v37;
	[tilespmem:v57+s26+$0x0] =	vst.idx.msk $0xffff, v56;
	v55 =	vld [tilespmem:s15+$0xFFFFFEA0]  }
0x361: {  	v4 =	vor.u32 s8, v37;
	[tilespmem:v1+s26+$0x0] =	vst.idx.msk $0xffff, v5;
	v1 =	vld [tilespmem:s15+$0xFFFFFEC0]  }
0x362: {  	[tilespmem:v52+s26+$0x0] =	vst.idx.msk $0xffff, v58;
	v58 =	vor.u32 s14, v37;
	v57 =	vld [tilespmem:s15+$0xFFFFFF20]  }
0x363: {  	[tilespmem:v7+s26+$0x0] =	vst.idx.msk $0xffff, v6;
	v5 =	vld [tilespmem:s15+$0xFFFFFEE0];
	v6 =	vor.u32 s30, v37  }
0x364: {  	v56 =	vor.u32 s13, v37;
	v7 =	vld [tilespmem:s15+$0xFFFFFF00];
	[tilespmem:v54+s26+$0x0] =	vst.idx.msk $0xffff, v53  }
0x365: {  	v51 =	vld [tilespmem:s15+$0xFFFFFF40];
	[tilespmem:v59+s26+$0x0] =	vst.idx.msk $0xffff, v55;
	v59 =	vor.u32 s16, v37  }
0x366: {  	p1 =	por $0x1, $0x1;
	v52 =	vld [tilespmem:s15+$0xFFFFFF60];
	[tilespmem:v4+s26+$0x0] =	vst.idx.msk $0xffff, v1;
	v1 =	vor.u32 s17, v37  }
.Ltmp8:
0x367: {  	v49 =	vor.u32 s18, v37;
	v44 =	vld [tilespmem:s15+$0xFFFFFF80];
	[tilespmem:v58+s26+$0x0] =	vst.idx.msk $0xffff, v57;
	(pc) =	sbr.rel @!p1 .LBB2_14-.Ltmp8, $4  }
0x368: {  	v47 =	vor.u32 s21, v37;
	v42 =	vld [tilespmem:s15+$0xFFFFFFA0];
	[tilespmem:v6+s26+$0x0] =	vst.idx.msk $0xffff, v5  }
0x369: {  	v48 =	vor.u32 s22, v37;
	v41 =	vld [tilespmem:s15+$0xFFFFFFC0];
	[tilespmem:v56+s26+$0x0] =	vst.idx.msk $0xffff, v7  }
0x36a: {  	s11 =	simm.s32 $0x1F;
	v45 =	vor.u32 s23, v37;
	v40 =	vld [tilespmem:s15+$0xFFFFFFE0];
	[tilespmem:v59+s26+$0x0] =	vst.idx.msk $0xffff, v51  }
0x36b: {  	p0 =	por $0x1, $0x1;
	v43 =	vld [tilespmem:s15+$0xFFFFFE20];
	v46 =	vor.u32 s10, v37;
	s16 =	simm.s32 $0x20;
	s15 =	simm.s32 $0xF7F0;
	[tilespmem:v1+s26+$0x0] =	vst.idx.msk $0xffff, v52  }
.LBB2_15:
0x36c: {  	p1 =	slt.u32 s16, $0x70;
	v1 =	vor.u32 s11, v36;
	v50 =	vld [tilespmem:s15+$0xFFFFFFF0];
	[tilespmem:v49+s26+$0x0] =	vst.idx.msk $0xffff, v44;
	s10 =	smov.u32 s5;
	s5 =	smov.u32 s16  }
0x36d: {  	v44 =	vor.u32 s10, v36;
	v49 =	vld [tilespmem:s15+$0xFFFFFE10];
	s17 =	sadd.s32 $0x1, s10;
	[tilespmem:v47+s26+$0x0] =	vst.idx.msk $0xffff, v42  }
0x36e: {  	s21 =	sadd.s32 $0x2, s10;
	v42 =	vor.u32 s17, v36;
	v47 =	vld [tilespmem:s15+$0xFFFFFE30];
	[tilespmem:v48+s26+$0x0] =	vst.idx.msk $0xffff, v41  }
0x36f: {  	s22 =	sadd.s32 $0x3, s10;
	v41 =	vor.u32 s21, v36;
	v48 =	vld [tilespmem:s15+$0xFFFFFE50];
	[tilespmem:v45+s26+$0x0] =	vst.idx.msk $0xffff, v40  }
0x370: {  	s23 =	sadd.s32 $0x4, s10;
	v40 =	vor.u32 s22, v36;
	v45 =	vld [tilespmem:s15+$0xFFFFFE70];
	[tilespmem:v46+s26+$0x0] =	vst.idx.msk $0xffff, v43  }
0x371: {  	v43 =	vor.u32 s23, v36;
	v46 =	vld [tilespmem:s15+$0xFFFFFE90];
	[tilespmem:v1+s26+$0x0] =	vst.idx.msk $0xffff, v50  }
0x372: {  	s24 =	sadd.s32 $0x5, s10;
	v1 =	vor.u32 s11, v37;
	[tilespmem:v44+s26+$0x0] =	vst.idx.msk $0xffff, v49;
	v44 =	vld [tilespmem:s15+$0x0]  }
0x373: {  	s11 =	sadd.s32 $0x6, s10;
	[tilespmem:v42+s26+$0x0] =	vst.idx.msk $0xffff, v47;
	v42 =	vor.u32 s24, v36;
	v47 =	vld [tilespmem:s15+$0xFFFFFEB0]  }
0x374: {  	s0 =	sadd.s32 $0x7, s10;
	[tilespmem:v41+s26+$0x0] =	vst.idx.msk $0xffff, v48;
	v41 =	vor.u32 s11, v36;
	v48 =	vld [tilespmem:s15+$0xFFFFFED0]  }
0x375: {  	s13 =	sadd.s32 $0x8, s10;
	[tilespmem:v40+s26+$0x0] =	vst.idx.msk $0xffff, v45;
	v40 =	vor.u32 s0, v36;
	v45 =	vld [tilespmem:s15+$0xFFFFFEF0]  }
0x376: {  	s2 =	sadd.s32 $0x9, s10;
	[tilespmem:v43+s26+$0x0] =	vst.idx.msk $0xffff, v46;
	v43 =	vor.u32 s13, v36;
	v46 =	vld [tilespmem:s15+$0xFFFFFF10]  }
0x377: {  	s14 =	sadd.s32 $0xA, s10;
	v49 =	vor.u32 s2, v36;
	v50 =	vld [tilespmem:s15+$0xFFFFFF30];
	[tilespmem:v1+s26+$0x0] =	vst.idx.msk $0xffff, v44  }
0x378: {  	s6 =	sadd.s32 $0xB, s10;
	v1 =	vor.u32 s14, v36;
	[tilespmem:v42+s26+$0x0] =	vst.idx.msk $0xffff, v47;
	v42 =	vld [tilespmem:s15+$0xFFFFFF50]  }
0x379: {  	s7 =	sadd.s32 $0xC, s10;
	[tilespmem:v41+s26+$0x0] =	vst.idx.msk $0xffff, v48;
	v41 =	vor.u32 s6, v36;
	v44 =	vld [tilespmem:s15+$0xFFFFFF70]  }
0x37a: {  	s8 =	sadd.s32 $0xD, s10;
	[tilespmem:v40+s26+$0x0] =	vst.idx.msk $0xffff, v45;
	v40 =	vor.u32 s7, v36;
	v45 =	vld [tilespmem:s15+$0xFFFFFF90]  }
0x37b: {  	s18 =	sadd.s32 $0xE, s10;
	[tilespmem:v43+s26+$0x0] =	vst.idx.msk $0xffff, v46;
	v43 =	vor.u32 s8, v36;
	v46 =	vld [tilespmem:s15+$0xFFFFFFB0]  }
0x37c: {  	v47 =	vor.u32 s18, v36;
	[tilespmem:v49+s26+$0x0] =	vst.idx.msk $0xffff, v50;
	v48 =	vld [tilespmem:s15+$0xFFFFFFD0]  }
0x37d: {  	v49 =	vor.u32 s17, v37;
	v50 =	vld [tilespmem:s15+$0xFFFFFE40];
	[tilespmem:v1+s26+$0x0] =	vst.idx.msk $0xffff, v42  }
0x37e: {  	v1 =	vor.u32 s21, v37;
	v42 =	vld [tilespmem:s15+$0xFFFFFE60];
	[tilespmem:v41+s26+$0x0] =	vst.idx.msk $0xffff, v44  }
0x37f: {  	v41 =	vor.u32 s22, v37;
	v44 =	vld [tilespmem:s15+$0xFFFFFE80];
	[tilespmem:v40+s26+$0x0] =	vst.idx.msk $0xffff, v45  }
0x380: {  	v40 =	vor.u32 s23, v37;
	v45 =	vld [tilespmem:s15+$0xFFFFFEA0];
	[tilespmem:v43+s26+$0x0] =	vst.idx.msk $0xffff, v46  }
0x381: {  	v43 =	vor.u32 s24, v37;
	v46 =	vld [tilespmem:s15+$0xFFFFFEC0];
	[tilespmem:v47+s26+$0x0] =	vst.idx.msk $0xffff, v48  }
0x382: {  	v47 =	vor.u32 s11, v37;
	[tilespmem:v49+s26+$0x0] =	vst.idx.msk $0xffff, v50;
	v48 =	vld [tilespmem:s15+$0xFFFFFEE0]  }
0x383: {  	[tilespmem:v1+s26+$0x0] =	vst.idx.msk $0xffff, v42;
	v1 =	vor.u32 s0, v37;
	v42 =	vld [tilespmem:s15+$0xFFFFFF00]  }
0x384: {  	[tilespmem:v41+s26+$0x0] =	vst.idx.msk $0xffff, v44;
	v41 =	vor.u32 s13, v37;
	v50 =	vld [tilespmem:s15+$0xFFFFFF20]  }
0x385: {  	[tilespmem:v40+s26+$0x0] =	vst.idx.msk $0xffff, v45;
	v40 =	vor.u32 s2, v37;
	v45 =	vld [tilespmem:s15+$0xFFFFFF40]  }
0x386: {  	v51 =	vor.u32 s14, v37;
	[tilespmem:v43+s26+$0x0] =	vst.idx.msk $0xffff, v46;
	v52 =	vld [tilespmem:s15+$0xFFFFFF60]  }
.Ltmp9:
0x387: {  	v49 =	vor.u32 s6, v37;
	[tilespmem:v47+s26+$0x0] =	vst.idx.msk $0xffff, v48;
	v44 =	vld [tilespmem:s15+$0xFFFFFF80];
	(pc) =	sbr.rel @p1 .LBB2_15-.Ltmp9, $4  }
0x388: {  	v47 =	vor.u32 s7, v37;
	[tilespmem:v1+s26+$0x0] =	vst.idx.msk $0xffff, v42;
	v42 =	vld [tilespmem:s15+$0xFFFFFFA0]  }
0x389: {  	v48 =	vor.u32 s8, v37;
	[tilespmem:v41+s26+$0x0] =	vst.idx.msk $0xffff, v50;
	v41 =	vld [tilespmem:s15+$0xFFFFFFC0]  }
0x38a: {  	[tilespmem:v40+s26+$0x0] =	vst.idx.msk $0xffff, v45;
	v45 =	vor.u32 s18, v37;
	v40 =	vld [tilespmem:s15+$0xFFFFFFE0]  }
0x38b: {  	s16 =	sadd.s32 $0x10, s16;
	s11 =	sadd.s32 $0xF, s5;
	v46 =	vor.u32 s10, v37;
	v43 =	vld [tilespmem:s15+$0xFFFFFE20];
	[tilespmem:v51+s26+$0x0] =	vst.idx.msk $0xffff, v52;
	s15 =	sadd.s32 $0x200, s15  }
0x38c: {  	s10 =	smov.u32 s5  }
.LBB2_17:
0x38d: {  	_ =	sdelay $0x3  }
0x38e: {  	v1 =	vor.u32 s11, v36;
	v50 =	vld [tilespmem:s15+$0xFFFFFFF0];
	[tilespmem:v49+s26+$0x0] =	vst.idx.msk @p0 $0xffff, v44  }
0x38f: {  	v7 =	vor.u32 s10, v36;
	v52 =	vld [tilespmem:s15+$0xFFFFFE10];
	s0 =	sadd.s32 $0x1, s10;
	[tilespmem:v47+s26+$0x0] =	vst.idx.msk @p0 $0xffff, v42  }
0x390: {  	v54 =	vld [tilespmem:s15+$0xFFFFFE30];
	s2 =	sadd.s32 $0x2, s10;
	v53 =	vor.u32 s0, v36;
	[tilespmem:v48+s26+$0x0] =	vst.idx.msk @p0 $0xffff, v41  }
0x391: {  	v56 =	vld [tilespmem:s15+$0xFFFFFE50];
	s5 =	sadd.s32 $0x3, s10;
	v55 =	vor.u32 s2, v36;
	[tilespmem:v45+s26+$0x0] =	vst.idx.msk @p0 $0xffff, v40  }
0x392: {  	v58 =	vld [tilespmem:s15+$0xFFFFFE70];
	s6 =	sadd.s32 $0x4, s10;
	v57 =	vor.u32 s5, v36;
	[tilespmem:v46+s26+$0x0] =	vst.idx.msk @p0 $0xffff, v43  }
0x393: {  	v4 =	vld [tilespmem:s15+$0xFFFFFE90];
	s7 =	sadd.s32 $0x5, s10;
	v59 =	vor.u32 s6, v36;
	[tilespmem:v1+s26+$0x0] =	vst.idx.msk $0xffff, v50  }
0x394: {  	v6 =	vor.u32 s7, v36;
	[tilespmem:v7+s26+$0x0] =	vst.idx.msk $0xffff, v52;
	v7 =	vld [tilespmem:s15+$0xFFFFFEB0]  }
0x395: {  	s8 =	sadd.s32 $0x6, s10;
	v1 =	vor.u32 s11, v37;
	v5 =	vld [tilespmem:s15+$0x0];
	[tilespmem:v53+s26+$0x0] =	vst.idx.msk $0xffff, v54  }
0x396: {  	s30 =	sadd.s32 $0x7, s10;
	v52 =	vor.u32 s8, v36;
	[tilespmem:v55+s26+$0x0] =	vst.idx.msk $0xffff, v56;
	v53 =	vld [tilespmem:s15+$0xFFFFFED0]  }
0x397: {  	s13 =	sadd.s32 $0x8, s10;
	[tilespmem:v57+s26+$0x0] =	vst.idx.msk $0xffff, v58;
	v54 =	vor.u32 s30, v36;
	v55 =	vld [tilespmem:s15+$0xFFFFFEF0]  }
0x398: {  	s14 =	sadd.s32 $0x9, s10;
	[tilespmem:v59+s26+$0x0] =	vst.idx.msk $0xffff, v4;
	v56 =	vor.u32 s13, v36;
	v57 =	vld [tilespmem:s15+$0xFFFFFF10]  }
0x399: {  	s16 =	sadd.s32 $0xA, s10;
	v58 =	vor.u32 s14, v36;
	v59 =	vld [tilespmem:s15+$0xFFFFFF30];
	[tilespmem:v6+s26+$0x0] =	vst.idx.msk $0xffff, v7  }
0x39a: {  	s17 =	sadd.s32 $0xB, s10;
	v4 =	vld [tilespmem:s15+$0xFFFFFF50];
	[tilespmem:v1+s26+$0x0] =	vst.idx.msk $0xffff, v5;
	v1 =	vor.u32 s16, v36  }
0x39b: {  	s18 =	sadd.s32 $0xC, s10;
	v6 =	vld [tilespmem:s15+$0xFFFFFF70];
	[tilespmem:v52+s26+$0x0] =	vst.idx.msk $0xffff, v53;
	v5 =	vor.u32 s17, v36  }
0x39c: {  	s21 =	sadd.s32 $0xD, s10;
	v7 =	vor.u32 s18, v36;
	[tilespmem:v54+s26+$0x0] =	vst.idx.msk $0xffff, v55;
	v52 =	vld [tilespmem:s15+$0xFFFFFF90]  }
0x39d: {  	s22 =	sadd.s32 $0xE, s10;
	[tilespmem:v56+s26+$0x0] =	vst.idx.msk $0xffff, v57;
	v53 =	vor.u32 s21, v36;
	v54 =	vld [tilespmem:s15+$0xFFFFFFB0]  }
0x39e: {  	[tilespmem:v58+s26+$0x0] =	vst.idx.msk $0xffff, v59;
	v55 =	vor.u32 s22, v36;
	v56 =	vld [tilespmem:s15+$0xFFFFFFD0]  }
0x39f: {  	v57 =	vor.u32 s0, v37;
	v58 =	vld [tilespmem:s15+$0xFFFFFE40];
	[tilespmem:v1+s26+$0x0] =	vst.idx.msk $0xffff, v4  }
0x3a0: {  	v59 =	vld [tilespmem:s15+$0xFFFFFE60];
	v1 =	vor.u32 s2, v37;
	[tilespmem:v5+s26+$0x0] =	vst.idx.msk $0xffff, v6  }
0x3a1: {  	v4 =	vor.u32 s5, v37;
	v5 =	vld [tilespmem:s15+$0xFFFFFE80];
	[tilespmem:v7+s26+$0x0] =	vst.idx.msk $0xffff, v52  }
0x3a2: {  	v6 =	vor.u32 s6, v37;
	v7 =	vld [tilespmem:s15+$0xFFFFFEA0];
	[tilespmem:v53+s26+$0x0] =	vst.idx.msk $0xffff, v54  }
0x3a3: {  	v52 =	vor.u32 s7, v37;
	v53 =	vld [tilespmem:s15+$0xFFFFFEC0];
	[tilespmem:v55+s26+$0x0] =	vst.idx.msk $0xffff, v56  }
0x3a4: {  	[tilespmem:v57+s26+$0x0] =	vst.idx.msk $0xffff, v58;
	v54 =	vor.u32 s8, v37;
	v55 =	vld [tilespmem:s15+$0xFFFFFEE0]  }
0x3a5: {  	v57 =	vor.u32 s13, v37;
	v58 =	vld [tilespmem:s15+$0xFFFFFF20];
	[tilespmem:v1+s26+$0x0] =	vst.idx.msk $0xffff, v59  }
0x3a6: {  	v56 =	vld [tilespmem:s15+$0xFFFFFF00];
	v1 =	vor.u32 s30, v37;
	[tilespmem:v4+s26+$0x0] =	vst.idx.msk $0xffff, v5  }
0x3a7: {  	[tilespmem:v6+s26+$0x0] =	vst.idx.msk $0xffff, v7;
	v59 =	vor.u32 s14, v37;
	v4 =	vld [tilespmem:s15+$0xFFFFFF40]  }
0x3a8: {  	[tilespmem:v52+s26+$0x0] =	vst.idx.msk $0xffff, v53;
	v5 =	vor.u32 s16, v37;
	v6 =	vld [tilespmem:s15+$0xFFFFFF60]  }
0x3a9: {  	[tilespmem:v54+s26+$0x0] =	vst.idx.msk $0xffff, v55;
	v7 =	vor.u32 s17, v37;
	v52 =	vld [tilespmem:s15+$0xFFFFFF80]  }
0x3aa: {  	[tilespmem:v57+s26+$0x0] =	vst.idx.msk $0xffff, v58;
	v54 =	vor.u32 s21, v37;
	v55 =	vld [tilespmem:s15+$0xFFFFFFC0]  }
0x3ab: {  	v53 =	vld [tilespmem:s15+$0xFFFFFFA0];
	[tilespmem:v1+s26+$0x0] =	vst.idx.msk $0xffff, v56;
	v1 =	vor.u32 s18, v37  }
0x3ac: {  	v57 =	vld [tilespmem:s15+$0xFFFFFFE0];
	[tilespmem:v59+s26+$0x0] =	vst.idx.msk $0xffff, v4;
	v56 =	vor.u32 s22, v37  }
0x3ad: {  	p1 =	por $0x1, $0x1;
	v58 =	vor.u32 s10, v37;
	v59 =	vld [tilespmem:s15+$0xFFFFFE20];
	[tilespmem:v5+s26+$0x0] =	vst.idx.msk $0xffff, v6  }
.Ltmp10:
0x3ae: {  	[tilespmem:v7+s26+$0x0] =	vst.idx.msk $0xffff, v52;
	(pc) =	sbr.rel @!p1 .LBB2_18-.Ltmp10, $4  }
0x3af: {  	[tilespmem:v54+s26+$0x0] =	vst.idx.msk $0xffff, v55  }
0x3b0: {  	[tilespmem:v1+s26+$0x0] =	vst.idx.msk $0xffff, v53  }
0x3b1: {  	p0 =	por $0x0, $0x0;
	s11 =	simm.s32 $0xF;
	[tilespmem:v56+s26+$0x0] =	vst.idx.msk $0xffff, v57  }
0x3b2: {  	s5 =	simm.s32 $0x10;
	s10 =	simm.s32 $0x0;
	s15 =	simm.s32 $0x105F0;
	[tilespmem:v58+s26+$0x0] =	vst.idx.msk $0xffff, v59  }
0x3b3: {  	v1 =	vor.u32 s11, v38;
	v40 =	vld [tilespmem:s15+$0xFFFFFFF0]  }
0x3b4: {  	v41 =	vld [tilespmem:s15+$0xFFFFFE10];
	v42 =	vor.u32 s10, v38;
	s0 =	simm.s32 $0x1  }
0x3b5: {  	v43 =	vld [tilespmem:s15+$0xFFFFFE30];
	s2 =	simm.s32 $0x2;
	v44 =	vor.u32 s0, v38  }
0x3b6: {  	v45 =	vld [tilespmem:s15+$0xFFFFFE50];
	s8 =	simm.s32 $0x5;
	v46 =	vor.u32 s2, v38  }
0x3b7: {  	v57 =	vld [tilespmem:s15+$0xFFFFFEB0];
	s13 =	simm.s32 $0x6;
	v58 =	vor.u32 s8, v38  }
0x3b8: {  	s7 =	simm.s32 $0x4;
	v59 =	vld [tilespmem:s15+$0xFFFFFED0];
	v4 =	vor.u32 s13, v38;
	[tilespmem:v1+s26+$0x0] =	vst.idx.msk $0xffff, v40  }
0x3b9: {  	v49 =	vld [tilespmem:s15+$0xFFFFFE90];
	s14 =	simm.s32 $0x7;
	v1 =	vor.u32 s7, v38;
	[tilespmem:v42+s26+$0x0] =	vst.idx.msk $0xffff, v41  }
0x3ba: {  	v5 =	vld [tilespmem:s15+$0xFFFFFEF0];
	s17 =	simm.s32 $0x9;
	v6 =	vor.u32 s14, v38;
	[tilespmem:v44+s26+$0x0] =	vst.idx.msk $0xffff, v43  }
0x3bb: {  	v52 =	vld [tilespmem:s15+$0xFFFFFF30];
	s18 =	simm.s32 $0xA;
	v50 =	vor.u32 s17, v38;
	[tilespmem:v46+s26+$0x0] =	vst.idx.msk $0xffff, v45  }
0x3bc: {  	v53 =	vld [tilespmem:s15+$0xFFFFFF50];
	v54 =	vor.u32 s18, v38;
	[tilespmem:v58+s26+$0x0] =	vst.idx.msk $0xffff, v57  }
0x3bd: {  	v56 =	vor.u32 s11, v39;
	s16 =	simm.s32 $0x8;
	v40 =	vld [tilespmem:s15+$0x0];
	[tilespmem:v4+s26+$0x0] =	vst.idx.msk $0xffff, v59  }
0x3be: {  	v7 =	vld [tilespmem:s15+$0xFFFFFF10];
	s21 =	simm.s32 $0xB;
	[tilespmem:v1+s26+$0x0] =	vst.idx.msk $0xffff, v49;
	v1 =	vor.u32 s16, v38  }
0x3bf: {  	v55 =	vld [tilespmem:s15+$0xFFFFFF70];
	s22 =	simm.s32 $0xC;
	v59 =	vor.u32 s21, v38;
	[tilespmem:v6+s26+$0x0] =	vst.idx.msk $0xffff, v5  }
0x3c0: {  	s6 =	simm.s32 $0x3;
	v4 =	vld [tilespmem:s15+$0xFFFFFF90];
	v5 =	vor.u32 s22, v38;
	[tilespmem:v50+s26+$0x0] =	vst.idx.msk $0xffff, v52  }
0x3c1: {  	v47 =	vld [tilespmem:s15+$0xFFFFFE70];
	v48 =	vor.u32 s6, v38;
	[tilespmem:v54+s26+$0x0] =	vst.idx.msk $0xffff, v53  }
0x3c2: {  	s23 =	simm.s32 $0xD;
	v53 =	vor.u32 s2, v39;
	v52 =	vld [tilespmem:s15+$0xFFFFFE60];
	[tilespmem:v56+s26+$0x0] =	vst.idx.msk $0xffff, v40  }
0x3c3: {  	s24 =	simm.s32 $0xE;
	v6 =	vld [tilespmem:s15+$0xFFFFFFB0];
	[tilespmem:v1+s26+$0x0] =	vst.idx.msk $0xffff, v7;
	v1 =	vor.u32 s23, v38  }
0x3c4: {  	v57 =	vor.u32 s24, v38;
	v56 =	vld [tilespmem:s15+$0xFFFFFFD0];
	[tilespmem:v59+s26+$0x0] =	vst.idx.msk $0xffff, v55  }
0x3c5: {  	[tilespmem:v5+s26+$0x0] =	vst.idx.msk $0xffff, v4;
	v59 =	vld [tilespmem:s15+$0xFFFFFEA0];
	v4 =	vor.u32 s7, v39  }
0x3c6: {  	[tilespmem:v48+s26+$0x0] =	vst.idx.msk $0xffff, v47;
	v58 =	vld [tilespmem:s15+$0xFFFFFE40];
	v7 =	vor.u32 s0, v39  }
0x3c7: {  	v54 =	vld [tilespmem:s15+$0xFFFFFE80];
	v55 =	vor.u32 s6, v39;
	[tilespmem:v53+s26+$0x0] =	vst.idx.msk $0xffff, v52  }
0x3c8: {  	v5 =	vor.u32 s8, v39;
	[tilespmem:v1+s26+$0x0] =	vst.idx.msk $0xffff, v6;
	v1 =	vld [tilespmem:s15+$0xFFFFFEC0]  }
0x3c9: {  	[tilespmem:v57+s26+$0x0] =	vst.idx.msk $0xffff, v56;
	v56 =	vld [tilespmem:s15+$0xFFFFFF00];
	v57 =	vor.u32 s14, v39  }
0x3ca: {  	v52 =	vld [tilespmem:s15+$0xFFFFFF40];
	[tilespmem:v4+s26+$0x0] =	vst.idx.msk $0xffff, v59;
	v59 =	vor.u32 s17, v39  }
0x3cb: {  	v6 =	vld [tilespmem:s15+$0xFFFFFEE0];
	[tilespmem:v7+s26+$0x0] =	vst.idx.msk $0xffff, v58;
	v7 =	vor.u32 s13, v39  }
0x3cc: {  	v51 =	vor.u32 s16, v39;
	[tilespmem:v55+s26+$0x0] =	vst.idx.msk $0xffff, v54;
	v58 =	vld [tilespmem:s15+$0xFFFFFF20]  }
0x3cd: {  	p1 =	por $0x1, $0x1;
	v53 =	vld [tilespmem:s15+$0xFFFFFF60];
	[tilespmem:v5+s26+$0x0] =	vst.idx.msk $0xffff, v1;
	v1 =	vor.u32 s18, v39  }
.Ltmp11:
0x3ce: {  	v49 =	vor.u32 s21, v39;
	v43 =	vld [tilespmem:s15+$0xFFFFFF80];
	[tilespmem:v57+s26+$0x0] =	vst.idx.msk $0xffff, v56;
	(pc) =	sbr.rel @!p1 .LBB2_20-.Ltmp11, $4  }
0x3cf: {  	v46 =	vor.u32 s22, v39;
	v42 =	vld [tilespmem:s15+$0xFFFFFFA0];
	[tilespmem:v59+s26+$0x0] =	vst.idx.msk $0xffff, v52  }
0x3d0: {  	v48 =	vor.u32 s23, v39;
	v41 =	vld [tilespmem:s15+$0xFFFFFFC0];
	[tilespmem:v7+s26+$0x0] =	vst.idx.msk $0xffff, v6  }
0x3d1: {  	p0 =	por $0x1, $0x1;
	s22 =	simm.s32 $0x1F;
	v47 =	vor.u32 s24, v39;
	v40 =	vld [tilespmem:s15+$0xFFFFFFE0];
	[tilespmem:v51+s26+$0x0] =	vst.idx.msk $0xffff, v58  }
0x3d2: {  	v44 =	vld [tilespmem:s15+$0xFFFFFE20];
	v45 =	vor.u32 s10, v39;
	s16 =	simm.s32 $0x10;
	s17 =	simm.s32 $0x20;
	s15 =	simm.s32 $0x107F0;
	[tilespmem:v1+s26+$0x0] =	vst.idx.msk $0xffff, v53  }
.LBB2_21:
0x3d3: {  	p1 =	slt.u32 s17, $0x70;
	v1 =	vor.u32 s22, v38;
	v50 =	vld [tilespmem:s15+$0xFFFFFFF0];
	[tilespmem:v49+s26+$0x0] =	vst.idx.msk $0xffff, v43;
	s21 =	smov.u32 s16;
	s16 =	smov.u32 s17  }
0x3d4: {  	v43 =	vor.u32 s21, v38;
	v49 =	vld [tilespmem:s15+$0xFFFFFE10];
	s23 =	sadd.s32 $0x1, s21;
	[tilespmem:v46+s26+$0x0] =	vst.idx.msk $0xffff, v42  }
0x3d5: {  	s24 =	sadd.s32 $0x2, s21;
	v42 =	vor.u32 s23, v38;
	v46 =	vld [tilespmem:s15+$0xFFFFFE30];
	[tilespmem:v48+s26+$0x0] =	vst.idx.msk $0xffff, v41  }
0x3d6: {  	s28 =	sadd.s32 $0x3, s21;
	v41 =	vor.u32 s24, v38;
	v48 =	vld [tilespmem:s15+$0xFFFFFE50];
	[tilespmem:v47+s26+$0x0] =	vst.idx.msk $0xffff, v40  }
0x3d7: {  	s29 =	sadd.s32 $0x4, s21;
	v40 =	vor.u32 s28, v38;
	v47 =	vld [tilespmem:s15+$0xFFFFFE70];
	[tilespmem:v45+s26+$0x0] =	vst.idx.msk $0xffff, v44  }
0x3d8: {  	v44 =	vor.u32 s29, v38;
	v45 =	vld [tilespmem:s15+$0xFFFFFE90];
	[tilespmem:v1+s26+$0x0] =	vst.idx.msk $0xffff, v50  }
0x3d9: {  	s30 =	sadd.s32 $0x5, s21;
	v1 =	vor.u32 s22, v39;
	[tilespmem:v43+s26+$0x0] =	vst.idx.msk $0xffff, v49;
	v43 =	vld [tilespmem:s15+$0x0]  }
0x3da: {  	s22 =	sadd.s32 $0x6, s21;
	[tilespmem:v42+s26+$0x0] =	vst.idx.msk $0xffff, v46;
	v42 =	vor.u32 s30, v38;
	v46 =	vld [tilespmem:s15+$0xFFFFFEB0]  }
0x3db: {  	s0 =	sadd.s32 $0x7, s21;
	[tilespmem:v41+s26+$0x0] =	vst.idx.msk $0xffff, v48;
	v41 =	vor.u32 s22, v38;
	v48 =	vld [tilespmem:s15+$0xFFFFFED0]  }
0x3dc: {  	s13 =	sadd.s32 $0x8, s21;
	[tilespmem:v40+s26+$0x0] =	vst.idx.msk $0xffff, v47;
	v40 =	vor.u32 s0, v38;
	v47 =	vld [tilespmem:s15+$0xFFFFFEF0]  }
0x3dd: {  	s2 =	sadd.s32 $0x9, s21;
	[tilespmem:v44+s26+$0x0] =	vst.idx.msk $0xffff, v45;
	v44 =	vor.u32 s13, v38;
	v45 =	vld [tilespmem:s15+$0xFFFFFF10]  }
0x3de: {  	s14 =	sadd.s32 $0xA, s21;
	v49 =	vor.u32 s2, v38;
	v50 =	vld [tilespmem:s15+$0xFFFFFF30];
	[tilespmem:v1+s26+$0x0] =	vst.idx.msk $0xffff, v43  }
0x3df: {  	s6 =	sadd.s32 $0xB, s21;
	v1 =	vor.u32 s14, v38;
	[tilespmem:v42+s26+$0x0] =	vst.idx.msk $0xffff, v46;
	v42 =	vld [tilespmem:s15+$0xFFFFFF50]  }
0x3e0: {  	s7 =	sadd.s32 $0xC, s21;
	[tilespmem:v41+s26+$0x0] =	vst.idx.msk $0xffff, v48;
	v41 =	vor.u32 s6, v38;
	v43 =	vld [tilespmem:s15+$0xFFFFFF70]  }
0x3e1: {  	s8 =	sadd.s32 $0xD, s21;
	[tilespmem:v40+s26+$0x0] =	vst.idx.msk $0xffff, v47;
	v40 =	vor.u32 s7, v38;
	v46 =	vld [tilespmem:s15+$0xFFFFFF90]  }
0x3e2: {  	s18 =	sadd.s32 $0xE, s21;
	[tilespmem:v44+s26+$0x0] =	vst.idx.msk $0xffff, v45;
	v44 =	vor.u32 s8, v38;
	v45 =	vld [tilespmem:s15+$0xFFFFFFB0]  }
0x3e3: {  	v47 =	vor.u32 s18, v38;
	[tilespmem:v49+s26+$0x0] =	vst.idx.msk $0xffff, v50;
	v48 =	vld [tilespmem:s15+$0xFFFFFFD0]  }
0x3e4: {  	v49 =	vor.u32 s23, v39;
	v50 =	vld [tilespmem:s15+$0xFFFFFE40];
	[tilespmem:v1+s26+$0x0] =	vst.idx.msk $0xffff, v42  }
0x3e5: {  	v1 =	vor.u32 s24, v39;
	v42 =	vld [tilespmem:s15+$0xFFFFFE60];
	[tilespmem:v41+s26+$0x0] =	vst.idx.msk $0xffff, v43  }
0x3e6: {  	v41 =	vor.u32 s28, v39;
	v43 =	vld [tilespmem:s15+$0xFFFFFE80];
	[tilespmem:v40+s26+$0x0] =	vst.idx.msk $0xffff, v46  }
0x3e7: {  	v40 =	vor.u32 s29, v39;
	v46 =	vld [tilespmem:s15+$0xFFFFFEA0];
	[tilespmem:v44+s26+$0x0] =	vst.idx.msk $0xffff, v45  }
0x3e8: {  	v44 =	vor.u32 s30, v39;
	v45 =	vld [tilespmem:s15+$0xFFFFFEC0];
	[tilespmem:v47+s26+$0x0] =	vst.idx.msk $0xffff, v48  }
0x3e9: {  	v47 =	vor.u32 s22, v39;
	[tilespmem:v49+s26+$0x0] =	vst.idx.msk $0xffff, v50;
	v48 =	vld [tilespmem:s15+$0xFFFFFEE0]  }
0x3ea: {  	[tilespmem:v1+s26+$0x0] =	vst.idx.msk $0xffff, v42;
	v1 =	vor.u32 s0, v39;
	v42 =	vld [tilespmem:s15+$0xFFFFFF00]  }
0x3eb: {  	[tilespmem:v41+s26+$0x0] =	vst.idx.msk $0xffff, v43;
	v41 =	vor.u32 s13, v39;
	v50 =	vld [tilespmem:s15+$0xFFFFFF20]  }
0x3ec: {  	[tilespmem:v40+s26+$0x0] =	vst.idx.msk $0xffff, v46;
	v40 =	vor.u32 s2, v39;
	v51 =	vld [tilespmem:s15+$0xFFFFFF40]  }
0x3ed: {  	v52 =	vor.u32 s14, v39;
	[tilespmem:v44+s26+$0x0] =	vst.idx.msk $0xffff, v45;
	v53 =	vld [tilespmem:s15+$0xFFFFFF60]  }
.Ltmp12:
0x3ee: {  	v49 =	vor.u32 s6, v39;
	[tilespmem:v47+s26+$0x0] =	vst.idx.msk $0xffff, v48;
	v43 =	vld [tilespmem:s15+$0xFFFFFF80];
	(pc) =	sbr.rel @p1 .LBB2_21-.Ltmp12, $4  }
0x3ef: {  	v46 =	vor.u32 s7, v39;
	[tilespmem:v1+s26+$0x0] =	vst.idx.msk $0xffff, v42;
	v42 =	vld [tilespmem:s15+$0xFFFFFFA0]  }
0x3f0: {  	v48 =	vor.u32 s8, v39;
	[tilespmem:v41+s26+$0x0] =	vst.idx.msk $0xffff, v50;
	v41 =	vld [tilespmem:s15+$0xFFFFFFC0]  }
0x3f1: {  	v47 =	vor.u32 s18, v39;
	[tilespmem:v40+s26+$0x0] =	vst.idx.msk $0xffff, v51;
	v40 =	vld [tilespmem:s15+$0xFFFFFFE0]  }
0x3f2: {  	s17 =	sadd.s32 $0x10, s17;
	s22 =	sadd.s32 $0xF, s16;
	v45 =	vor.u32 s21, v39;
	v44 =	vld [tilespmem:s15+$0xFFFFFE20];
	[tilespmem:v52+s26+$0x0] =	vst.idx.msk $0xffff, v53;
	s15 =	sadd.s32 $0x200, s15  }
.LBB2_22:
0x3f3: {  	_ =	sdelay $0x3  }
0x3f4: {  	v1 =	vor.u32 s22, v38;
	v50 =	vld [tilespmem:s15+$0xFFFFFFF0];
	[tilespmem:v49+s26+$0x0] =	vst.idx.msk @p0 $0xffff, v43  }
0x3f5: {  	v6 =	vor.u32 s16, v38;
	v7 =	vld [tilespmem:s15+$0xFFFFFE10];
	s0 =	sadd.s32 $0x1, s16;
	[tilespmem:v46+s26+$0x0] =	vst.idx.msk @p0 $0xffff, v42  }
0x3f6: {  	v53 =	vld [tilespmem:s15+$0xFFFFFE30];
	s2 =	sadd.s32 $0x2, s16;
	v52 =	vor.u32 s0, v38;
	[tilespmem:v48+s26+$0x0] =	vst.idx.msk @p0 $0xffff, v41  }
0x3f7: {  	v55 =	vld [tilespmem:s15+$0xFFFFFE50];
	s6 =	sadd.s32 $0x3, s16;
	v54 =	vor.u32 s2, v38;
	[tilespmem:v47+s26+$0x0] =	vst.idx.msk @p0 $0xffff, v40  }
0x3f8: {  	v57 =	vld [tilespmem:s15+$0xFFFFFE70];
	s7 =	sadd.s32 $0x4, s16;
	v56 =	vor.u32 s6, v38;
	[tilespmem:v45+s26+$0x0] =	vst.idx.msk @p0 $0xffff, v44  }
0x3f9: {  	v59 =	vld [tilespmem:s15+$0xFFFFFE90];
	s8 =	sadd.s32 $0x5, s16;
	v58 =	vor.u32 s7, v38;
	[tilespmem:v1+s26+$0x0] =	vst.idx.msk $0xffff, v50  }
0x3fa: {  	v5 =	vor.u32 s8, v38;
	[tilespmem:v6+s26+$0x0] =	vst.idx.msk $0xffff, v7;
	v6 =	vld [tilespmem:s15+$0xFFFFFEB0]  }
0x3fb: {  	s13 =	sadd.s32 $0x6, s16;
	v1 =	vor.u32 s22, v39;
	v4 =	vld [tilespmem:s15+$0x0];
	[tilespmem:v52+s26+$0x0] =	vst.idx.msk $0xffff, v53  }
0x3fc: {  	s14 =	sadd.s32 $0x7, s16;
	v7 =	vor.u32 s13, v38;
	[tilespmem:v54+s26+$0x0] =	vst.idx.msk $0xffff, v55;
	v52 =	vld [tilespmem:s15+$0xFFFFFED0]  }
0x3fd: {  	s17 =	sadd.s32 $0x8, s16;
	[tilespmem:v56+s26+$0x0] =	vst.idx.msk $0xffff, v57;
	v53 =	vor.u32 s14, v38;
	v54 =	vld [tilespmem:s15+$0xFFFFFEF0]  }
0x3fe: {  	s18 =	sadd.s32 $0x9, s16;
	[tilespmem:v58+s26+$0x0] =	vst.idx.msk $0xffff, v59;
	v55 =	vor.u32 s17, v38;
	v56 =	vld [tilespmem:s15+$0xFFFFFF10]  }
0x3ff: {  	s21 =	sadd.s32 $0xA, s16;
	v57 =	vor.u32 s18, v38;
	v58 =	vld [tilespmem:s15+$0xFFFFFF30];
	[tilespmem:v5+s26+$0x0] =	vst.idx.msk $0xffff, v6  }
0x400: {  	s30 =	sadd.s32 $0xB, s16;
	v59 =	vld [tilespmem:s15+$0xFFFFFF50];
	[tilespmem:v1+s26+$0x0] =	vst.idx.msk $0xffff, v4;
	v1 =	vor.u32 s21, v38  }
0x401: {  	s23 =	sadd.s32 $0xC, s16;
	v5 =	vld [tilespmem:s15+$0xFFFFFF70];
	[tilespmem:v7+s26+$0x0] =	vst.idx.msk $0xffff, v52;
	v4 =	vor.u32 s30, v38  }
0x402: {  	s24 =	sadd.s32 $0xD, s16;
	v6 =	vor.u32 s23, v38;
	[tilespmem:v53+s26+$0x0] =	vst.idx.msk $0xffff, v54;
	v7 =	vld [tilespmem:s15+$0xFFFFFF90]  }
0x403: {  	s28 =	sadd.s32 $0xE, s16;
	[tilespmem:v55+s26+$0x0] =	vst.idx.msk $0xffff, v56;
	v52 =	vor.u32 s24, v38;
	v53 =	vld [tilespmem:s15+$0xFFFFFFB0]  }
0x404: {  	[tilespmem:v57+s26+$0x0] =	vst.idx.msk $0xffff, v58;
	v54 =	vor.u32 s28, v38;
	v55 =	vld [tilespmem:s15+$0xFFFFFFD0]  }
0x405: {  	v56 =	vor.u32 s0, v39;
	v57 =	vld [tilespmem:s15+$0xFFFFFE40];
	[tilespmem:v1+s26+$0x0] =	vst.idx.msk $0xffff, v59  }
0x406: {  	v58 =	vld [tilespmem:s15+$0xFFFFFE60];
	v1 =	vor.u32 s2, v39;
	[tilespmem:v4+s26+$0x0] =	vst.idx.msk $0xffff, v5  }
0x407: {  	v59 =	vor.u32 s6, v39;
	v4 =	vld [tilespmem:s15+$0xFFFFFE80];
	[tilespmem:v6+s26+$0x0] =	vst.idx.msk $0xffff, v7  }
0x408: {  	v5 =	vor.u32 s7, v39;
	v6 =	vld [tilespmem:s15+$0xFFFFFEA0];
	[tilespmem:v52+s26+$0x0] =	vst.idx.msk $0xffff, v53  }
0x409: {  	v7 =	vor.u32 s8, v39;
	v52 =	vld [tilespmem:s15+$0xFFFFFEC0];
	[tilespmem:v54+s26+$0x0] =	vst.idx.msk $0xffff, v55  }
0x40a: {  	[tilespmem:v56+s26+$0x0] =	vst.idx.msk $0xffff, v57;
	v53 =	vor.u32 s13, v39;
	v54 =	vld [tilespmem:s15+$0xFFFFFEE0]  }
0x40b: {  	v56 =	vor.u32 s17, v39;
	v57 =	vld [tilespmem:s15+$0xFFFFFF20];
	[tilespmem:v1+s26+$0x0] =	vst.idx.msk $0xffff, v58  }
0x40c: {  	v55 =	vld [tilespmem:s15+$0xFFFFFF00];
	v1 =	vor.u32 s14, v39;
	[tilespmem:v59+s26+$0x0] =	vst.idx.msk $0xffff, v4  }
0x40d: {  	[tilespmem:v5+s26+$0x0] =	vst.idx.msk $0xffff, v6;
	v58 =	vor.u32 s18, v39;
	v59 =	vld [tilespmem:s15+$0xFFFFFF40]  }
0x40e: {  	[tilespmem:v7+s26+$0x0] =	vst.idx.msk $0xffff, v52;
	v4 =	vor.u32 s21, v39;
	v5 =	vld [tilespmem:s15+$0xFFFFFF60]  }
0x40f: {  	[tilespmem:v53+s26+$0x0] =	vst.idx.msk $0xffff, v54;
	v6 =	vor.u32 s30, v39;
	v7 =	vld [tilespmem:s15+$0xFFFFFF80]  }
0x410: {  	[tilespmem:v56+s26+$0x0] =	vst.idx.msk $0xffff, v57;
	v53 =	vor.u32 s24, v39;
	v54 =	vld [tilespmem:s15+$0xFFFFFFC0]  }
0x411: {  	v52 =	vld [tilespmem:s15+$0xFFFFFFA0];
	[tilespmem:v1+s26+$0x0] =	vst.idx.msk $0xffff, v55;
	v1 =	vor.u32 s23, v39  }
0x412: {  	[tilespmem:v58+s26+$0x0] =	vst.idx.msk $0xffff, v59  }
0x413: {  	v56 =	vld [tilespmem:s15+$0xFFFFFFE0];
	v55 =	vor.u32 s28, v39;
	[tilespmem:v4+s26+$0x0] =	vst.idx.msk $0xffff, v5  }
0x414: {  	v57 =	vor.u32 s16, v39;
	v58 =	vld [tilespmem:s15+$0xFFFFFE20];
	[tilespmem:v6+s26+$0x0] =	vst.idx.msk $0xffff, v7  }
0x415: {  	[tilespmem:v53+s26+$0x0] =	vst.idx.msk $0xffff, v54  }
0x416: {  	[tilespmem:v1+s26+$0x0] =	vst.idx.msk $0xffff, v52  }
0x417: {  	s21 =	sshll.u32 s20, $0x14;
	s22 =	rddreg [dreg:$0x4]  }
0x418: {  	[tilespmem:v55+s26+$0x0] =	vst.idx.msk $0xffff, v56;
	s0 =	sor.u32 s22, s21  }
0x419: {  	s23 =	rddreg [dreg:$0x1];
	[tilespmem:v57+s26+$0x0] =	vst.idx.msk $0xffff, v58;
	s0 =	sshrl.u32 s0, $0x3  }
0x41a: {  	s24 =	rddreg [dreg:$0x5];
	s2 =	sadd.s32 s23, s0  }
0x41b: {  	[hbm4b:s2+s3] =	stream.linear.scatter [tilespmem:s26], [sflag:$0x4], $0x1000, $0x38;
	[tilespmem:$0x1D400] =	vst v63  }
0x41c: {  	s28 =	simm.s32 $0x16400;
	s29 =	rddreg [dreg:$0x6];
	s2 =	sadd.s32 s0, s24  }
0x41d: {  	[hbm4b:s2+s3] =	stream.linear.scatter [tilespmem:s28], [sflag:$0x4], $0x1000, $0x38;
	[tilespmem:$0x1D400] =	vst v63  }
0x41e: {  	s30 =	simm.s32 $0x17400;
	s2 =	sadd.s32 s0, s29  }
0x41f: {  	[hbm4b:s2+s3] =	stream.linear.scatter [tilespmem:s30], [sflag:$0x4], $0x1000, $0x38;
	[tilespmem:$0x1D400] =	vst v63  }
0x420: {  	p0 =	seq.s32 s20, $0x18;
	s6 =	simm.s32 $0x18400;
	s0 =	sadd.s32 s0, s9  }
0x421: {  	[hbm4b:s0+s3] =	stream.linear.scatter [tilespmem:s6], [sflag:$0x4], $0x1000, $0x38;
	[tilespmem:$0x1D400] =	vst v63  }
0x422: {  	s0 =	simm.s32 @!p0 $0x4  }
0x423: {  	_ =	swait.ge @!p0 [sflag:s0], $0x1000  }
0x424: {  	[sflag:s0] =	ssyncset.done @!p0 $0x0  }
0x425: {  	[sflag:s0] =	ssyncadd.s32 @!p0 $0xFFFFF000  }
0x426: {  	_ =	swait.ge @!p0 [sflag:s0], $0x1000  }
0x427: {  	[sflag:s0] =	ssyncset.done @!p0 $0x0  }
0x428: {  	[sflag:s0] =	ssyncadd.s32 @!p0 $0xFFFFF000  }
0x429: {  	_ =	swait.ge @!p0 [sflag:s0], $0x1000  }
0x42a: {  	[sflag:s0] =	ssyncset.done @!p0 $0x0  }
0x42b: {  	[sflag:s0] =	ssyncadd.s32 @!p0 $0xFFFFF000  }
0x42c: {  	_ =	swait.ge @!p0 [sflag:s0], $0x1000  }
0x42d: {  	s2 =	sshll.u32 @!p0 s20, $0xA;
	[sflag:s0] =	ssyncset.done @!p0 $0x0  }
0x42e: {  	[sflag:s0] =	ssyncadd.s32 @!p0 $0xFFFFF000;
	s0 =	sand.u32 @!p0 $0x3FFFFC00, s2  }
0x42f: {  	s7 =	simm.s32 @!p0 $0xD400;
	s6 =	simm.s32 @!p0 $0x80;
	s2 =	sadd.s32 @!p0 $0x7400, s0  }
0x430: {  	[tilespmem:s7], [sflag:$0x2] =	stream.indirect.gather @!p0 [hbm4b:s4+s6], $0x20, s2, s6, $0xb8;
	[tilespmem:$0x1D400] =	vst v63  }
0x431: {  	s2 =	sadd.s32 @!p0 $0x7480, s0;
	s7 =	simm.s32 @!p0 $0xE400  }
0x432: {  	[tilespmem:s7], [sflag:$0x2] =	stream.indirect.gather @!p0 [hbm4b:s4+s6], $0x20, s2, s6, $0xb8;
	[tilespmem:$0x1D400] =	vst v63  }
0x433: {  	s2 =	sadd.s32 @!p0 $0x7500, s0;
	s7 =	simm.s32 @!p0 $0xF400  }
0x434: {  	[tilespmem:s7], [sflag:$0x2] =	stream.indirect.gather @!p0 [hbm4b:s4+s6], $0x20, s2, s6, $0xb8;
	[tilespmem:$0x1D400] =	vst v63  }
0x435: {  	s0 =	sadd.s32 @!p0 $0x7580, s0;
	s2 =	simm.s32 @!p0 $0x10400  }
0x436: {  	[tilespmem:s2], [sflag:$0x2] =	stream.indirect.gather @!p0 [hbm4b:s4+s6], $0x20, s0, s6, $0xb8;
	[tilespmem:$0x1D400] =	vst v63  }
0x437: {  	_ =	swait.ge [sflag:s31], $0x1000  }
0x438: {  	[sflag:s31] =	ssyncset.done $0x0  }
0x439: {  	[sflag:s31] =	ssyncadd.s32 $0xFFFFF000  }
0x43a: {  	_ =	swait.ge [sflag:s31], $0x1000  }
0x43b: {  	[sflag:s31] =	ssyncset.done $0x0  }
0x43c: {  	[sflag:s31] =	ssyncadd.s32 $0xFFFFF000  }
0x43d: {  	_ =	swait.ge [sflag:s31], $0x1000  }
0x43e: {  	[sflag:s31] =	ssyncset.done $0x0  }
0x43f: {  	[sflag:s31] =	ssyncadd.s32 $0xFFFFF000  }
0x440: {  	_ =	swait.ge [sflag:s31], $0x1000  }
0x441: {  	[sflag:s31] =	ssyncset.done $0x0  }
0x442: {  	s15 =	simm.s32 $0x11500;
	[sflag:s31] =	ssyncadd.s32 $0xFFFFF000  }
0x443: {  	v1 =	vor.u32 s11, v32;
	v59 =	vld [tilespmem:s15+$0xE0]  }
0x444: {  	v4 =	vor.u32 s10, v32;
	s7 =	simm.s32 $0x1;
	v5 =	vld [tilespmem:s15+$0xFFFFFF00]  }
0x445: {  	s8 =	simm.s32 $0x2;
	v6 =	vor.u32 s7, v32;
	v7 =	vld [tilespmem:s15+$0xFFFFFF20]  }
0x446: {  	s13 =	simm.s32 $0x3;
	v52 =	vor.u32 s8, v32;
	v53 =	vld [tilespmem:s15+$0xFFFFFF40]  }
0x447: {  	s14 =	simm.s32 $0x4;
	v54 =	vor.u32 s13, v32;
	v55 =	vld [tilespmem:s15+$0xFFFFFF60]  }
0x448: {  	s16 =	simm.s32 $0x5;
	v56 =	vor.u32 s14, v32;
	v57 =	vld [tilespmem:s15+$0xFFFFFF80];
	[tilespmem:v1+s1+$0x0] =	vst.idx.msk $0xffff, v59  }
0x449: {  	s17 =	simm.s32 $0x6;
	v58 =	vor.u32 s16, v32;
	[tilespmem:v4+s1+$0x0] =	vst.idx.msk $0xffff, v5;
	v59 =	vld [tilespmem:s15+$0xFFFFFFA0]  }
0x44a: {  	s18 =	simm.s32 $0x7;
	[tilespmem:v6+s1+$0x0] =	vst.idx.msk $0xffff, v7;
	v4 =	vor.u32 s17, v32;
	v5 =	vld [tilespmem:s15+$0xFFFFFFC0]  }
0x44b: {  	[tilespmem:v52+s1+$0x0] =	vst.idx.msk $0xffff, v53;
	v6 =	vor.u32 s18, v32;
	v7 =	vld [tilespmem:s15+$0xFFFFFFE0]  }
0x44c: {  	s21 =	simm.s32 $0x8;
	v1 =	vor.u32 s11, v33;
	[tilespmem:v54+s1+$0x0] =	vst.idx.msk $0xffff, v55;
	v40 =	vld [tilespmem:s15+$0xF0]  }
0x44d: {  	s22 =	simm.s32 $0x9;
	[tilespmem:v56+s1+$0x0] =	vst.idx.msk $0xffff, v57;
	v52 =	vor.u32 s21, v32;
	v53 =	vld [tilespmem:s15+$0x0]  }
0x44e: {  	s24 =	simm.s32 $0xB;
	v54 =	vor.u32 s22, v32;
	v55 =	vld [tilespmem:s15+$0x20];
	[tilespmem:v58+s1+$0x0] =	vst.idx.msk $0xffff, v59  }
0x44f: {  	s28 =	simm.s32 $0xC;
	v57 =	vor.u32 s24, v32;
	[tilespmem:v4+s1+$0x0] =	vst.idx.msk $0xffff, v5;
	v58 =	vld [tilespmem:s15+$0x60]  }
0x450: {  	s23 =	simm.s32 $0xA;
	[tilespmem:v6+s1+$0x0] =	vst.idx.msk $0xffff, v7;
	v59 =	vor.u32 s28, v32;
	v4 =	vld [tilespmem:s15+$0x80]  }
0x451: {  	s29 =	simm.s32 $0xD;
	v56 =	vld [tilespmem:s15+$0x40];
	[tilespmem:v1+s1+$0x0] =	vst.idx.msk $0xffff, v40;
	v1 =	vor.u32 s23, v32  }
0x452: {  	s30 =	simm.s32 $0xE;
	[tilespmem:v52+s1+$0x0] =	vst.idx.msk $0xffff, v53;
	v5 =	vor.u32 s29, v32;
	v6 =	vld [tilespmem:s15+$0xA0]  }
0x453: {  	[tilespmem:v54+s1+$0x0] =	vst.idx.msk $0xffff, v55;
	v7 =	vor.u32 s30, v32;
	v52 =	vld [tilespmem:s15+$0xC0]  }
0x454: {  	v53 =	vor.u32 s7, v33;
	v54 =	vld [tilespmem:s15+$0xFFFFFF30];
	[tilespmem:v57+s1+$0x0] =	vst.idx.msk $0xffff, v58  }
0x455: {  	[tilespmem:v59+s1+$0x0] =	vst.idx.msk $0xffff, v4;
	v58 =	vor.u32 s14, v33;
	v59 =	vld [tilespmem:s15+$0xFFFFFF90]  }
0x456: {  	v55 =	vld [tilespmem:s15+$0xFFFFFF50];
	[tilespmem:v1+s1+$0x0] =	vst.idx.msk $0xffff, v56;
	v1 =	vor.u32 s8, v33  }
0x457: {  	v57 =	vld [tilespmem:s15+$0xFFFFFF70];
	[tilespmem:v5+s1+$0x0] =	vst.idx.msk $0xffff, v6;
	v56 =	vor.u32 s13, v33  }
0x458: {  	v4 =	vor.u32 s16, v33;
	v5 =	vld [tilespmem:s15+$0xFFFFFFB0];
	[tilespmem:v7+s1+$0x0] =	vst.idx.msk $0xffff, v52  }
0x459: {  	v6 =	vor.u32 s17, v33;
	[tilespmem:v53+s1+$0x0] =	vst.idx.msk $0xffff, v54;
	v7 =	vld [tilespmem:s15+$0xFFFFFFD0]  }
0x45a: {  	v51 =	vld [tilespmem:s15+$0x50];
	[tilespmem:v58+s1+$0x0] =	vst.idx.msk $0xffff, v59;
	v59 =	vor.u32 s23, v33  }
0x45b: {  	v54 =	vor.u32 s18, v33;
	[tilespmem:v1+s1+$0x0] =	vst.idx.msk $0xffff, v55;
	v1 =	vld [tilespmem:s15+$0xFFFFFFF0]  }
0x45c: {  	v55 =	vor.u32 s21, v33;
	[tilespmem:v56+s1+$0x0] =	vst.idx.msk $0xffff, v57;
	v56 =	vld [tilespmem:s15+$0x10]  }
0x45d: {  	v58 =	vld [tilespmem:s15+$0x30];
	[tilespmem:v4+s1+$0x0] =	vst.idx.msk $0xffff, v5;
	v57 =	vor.u32 s22, v33  }
0x45e: {  	v49 =	vor.u32 s24, v33;
	v48 =	vld [tilespmem:s15+$0x70];
	[tilespmem:v6+s1+$0x0] =	vst.idx.msk $0xffff, v7  }
0x45f: {  	v47 =	vor.u32 s28, v33;
	v45 =	vld [tilespmem:s15+$0x90];
	[tilespmem:v59+s1+$0x0] =	vst.idx.msk $0xffff, v51  }
0x460: {  	v46 =	vor.u32 s29, v33;
	v41 =	vld [tilespmem:s15+$0xB0];
	[tilespmem:v54+s1+$0x0] =	vst.idx.msk $0xffff, v1  }
0x461: {  	s20 =	sadd.s32 $0x1, s20;
	v43 =	vor.u32 s30, v33;
	s11 =	simm.s32 $0x11700;
	v42 =	vld [tilespmem:s15+$0xD0];
	[tilespmem:v55+s1+$0x0] =	vst.idx.msk $0xffff, v56  }
0x462: {  	v44 =	vld [tilespmem:s15+$0xFFFFFF10];
	v40 =	vor.u32 s10, v33;
	s16 =	simm.s32 $0x20;
	s22 =	simm.s32 $0x1F;
	s15 =	simm.s32 $0x10;
	[tilespmem:v57+s1+$0x0] =	vst.idx.msk $0xffff, v58  }
.LBB2_23:
0x463: {  	p0 =	slt.u32 s16, $0x70;
	v1 =	vor.u32 s22, v32;
	v50 =	vld [tilespmem:s11+$0xE0];
	[tilespmem:v49+s1+$0x0] =	vst.idx.msk $0xffff, v48;
	s17 =	smov.u32 s15;
	s15 =	smov.u32 s16  }
0x464: {  	v48 =	vor.u32 s17, v32;
	v49 =	vld [tilespmem:s11+$0xFFFFFF00];
	s21 =	sadd.s32 $0x1, s17;
	[tilespmem:v47+s1+$0x0] =	vst.idx.msk $0xffff, v45  }
0x465: {  	s23 =	sadd.s32 $0x2, s17;
	v45 =	vor.u32 s21, v32;
	v47 =	vld [tilespmem:s11+$0xFFFFFF20];
	[tilespmem:v46+s1+$0x0] =	vst.idx.msk $0xffff, v41  }
0x466: {  	s24 =	sadd.s32 $0x3, s17;
	v41 =	vor.u32 s23, v32;
	v46 =	vld [tilespmem:s11+$0xFFFFFF40];
	[tilespmem:v43+s1+$0x0] =	vst.idx.msk $0xffff, v42  }
0x467: {  	s28 =	sadd.s32 $0x4, s17;
	v42 =	vor.u32 s24, v32;
	v43 =	vld [tilespmem:s11+$0xFFFFFF60];
	[tilespmem:v40+s1+$0x0] =	vst.idx.msk $0xffff, v44  }
0x468: {  	v40 =	vor.u32 s28, v32;
	v44 =	vld [tilespmem:s11+$0xFFFFFF80];
	[tilespmem:v1+s1+$0x0] =	vst.idx.msk $0xffff, v50  }
0x469: {  	s29 =	sadd.s32 $0x5, s17;
	v1 =	vor.u32 s22, v33;
	[tilespmem:v48+s1+$0x0] =	vst.idx.msk $0xffff, v49;
	v48 =	vld [tilespmem:s11+$0xF0]  }
0x46a: {  	s22 =	sadd.s32 $0x6, s17;
	[tilespmem:v45+s1+$0x0] =	vst.idx.msk $0xffff, v47;
	v45 =	vor.u32 s29, v32;
	v47 =	vld [tilespmem:s11+$0xFFFFFFA0]  }
0x46b: {  	s0 =	sadd.s32 $0x7, s17;
	[tilespmem:v41+s1+$0x0] =	vst.idx.msk $0xffff, v46;
	v41 =	vor.u32 s22, v32;
	v46 =	vld [tilespmem:s11+$0xFFFFFFC0]  }
0x46c: {  	s13 =	sadd.s32 $0x8, s17;
	[tilespmem:v42+s1+$0x0] =	vst.idx.msk $0xffff, v43;
	v42 =	vor.u32 s0, v32;
	v43 =	vld [tilespmem:s11+$0xFFFFFFE0]  }
0x46d: {  	s2 =	sadd.s32 $0x9, s17;
	[tilespmem:v40+s1+$0x0] =	vst.idx.msk $0xffff, v44;
	v40 =	vor.u32 s13, v32;
	v44 =	vld [tilespmem:s11+$0x0]  }
0x46e: {  	s14 =	sadd.s32 $0xA, s17;
	v49 =	vor.u32 s2, v32;
	v50 =	vld [tilespmem:s11+$0x20];
	[tilespmem:v1+s1+$0x0] =	vst.idx.msk $0xffff, v48  }
0x46f: {  	s6 =	sadd.s32 $0xB, s17;
	v1 =	vor.u32 s14, v32;
	[tilespmem:v45+s1+$0x0] =	vst.idx.msk $0xffff, v47;
	v45 =	vld [tilespmem:s11+$0x40]  }
0x470: {  	s7 =	sadd.s32 $0xC, s17;
	[tilespmem:v41+s1+$0x0] =	vst.idx.msk $0xffff, v46;
	v41 =	vor.u32 s6, v32;
	v46 =	vld [tilespmem:s11+$0x60]  }
0x471: {  	s8 =	sadd.s32 $0xD, s17;
	[tilespmem:v42+s1+$0x0] =	vst.idx.msk $0xffff, v43;
	v42 =	vor.u32 s7, v32;
	v43 =	vld [tilespmem:s11+$0x80]  }
0x472: {  	s18 =	sadd.s32 $0xE, s17;
	[tilespmem:v40+s1+$0x0] =	vst.idx.msk $0xffff, v44;
	v40 =	vor.u32 s8, v32;
	v44 =	vld [tilespmem:s11+$0xA0]  }
0x473: {  	v47 =	vor.u32 s18, v32;
	[tilespmem:v49+s1+$0x0] =	vst.idx.msk $0xffff, v50;
	v48 =	vld [tilespmem:s11+$0xC0]  }
0x474: {  	v49 =	vor.u32 s21, v33;
	v50 =	vld [tilespmem:s11+$0xFFFFFF30];
	[tilespmem:v1+s1+$0x0] =	vst.idx.msk $0xffff, v45  }
0x475: {  	v1 =	vor.u32 s23, v33;
	v45 =	vld [tilespmem:s11+$0xFFFFFF50];
	[tilespmem:v41+s1+$0x0] =	vst.idx.msk $0xffff, v46  }
0x476: {  	v41 =	vor.u32 s24, v33;
	v46 =	vld [tilespmem:s11+$0xFFFFFF70];
	[tilespmem:v42+s1+$0x0] =	vst.idx.msk $0xffff, v43  }
0x477: {  	v42 =	vor.u32 s28, v33;
	v43 =	vld [tilespmem:s11+$0xFFFFFF90];
	[tilespmem:v40+s1+$0x0] =	vst.idx.msk $0xffff, v44  }
0x478: {  	v40 =	vor.u32 s29, v33;
	v44 =	vld [tilespmem:s11+$0xFFFFFFB0];
	[tilespmem:v47+s1+$0x0] =	vst.idx.msk $0xffff, v48  }
0x479: {  	v47 =	vor.u32 s22, v33;
	[tilespmem:v49+s1+$0x0] =	vst.idx.msk $0xffff, v50;
	v48 =	vld [tilespmem:s11+$0xFFFFFFD0]  }
0x47a: {  	[tilespmem:v1+s1+$0x0] =	vst.idx.msk $0xffff, v45;
	v1 =	vor.u32 s0, v33;
	v45 =	vld [tilespmem:s11+$0xFFFFFFF0]  }
0x47b: {  	[tilespmem:v41+s1+$0x0] =	vst.idx.msk $0xffff, v46;
	v41 =	vor.u32 s13, v33;
	v46 =	vld [tilespmem:s11+$0x10]  }
0x47c: {  	[tilespmem:v42+s1+$0x0] =	vst.idx.msk $0xffff, v43;
	v42 =	vor.u32 s2, v33;
	v43 =	vld [tilespmem:s11+$0x30]  }
0x47d: {  	v50 =	vor.u32 s14, v33;
	[tilespmem:v40+s1+$0x0] =	vst.idx.msk $0xffff, v44;
	v51 =	vld [tilespmem:s11+$0x50]  }
.Ltmp13:
0x47e: {  	v49 =	vor.u32 s6, v33;
	[tilespmem:v47+s1+$0x0] =	vst.idx.msk $0xffff, v48;
	v48 =	vld [tilespmem:s11+$0x70];
	(pc) =	sbr.rel @p0 .LBB2_23-.Ltmp13, $4  }
0x47f: {  	v47 =	vor.u32 s7, v33;
	[tilespmem:v1+s1+$0x0] =	vst.idx.msk $0xffff, v45;
	v45 =	vld [tilespmem:s11+$0x90]  }
0x480: {  	[tilespmem:v41+s1+$0x0] =	vst.idx.msk $0xffff, v46;
	v46 =	vor.u32 s8, v33;
	v41 =	vld [tilespmem:s11+$0xB0]  }
0x481: {  	[tilespmem:v42+s1+$0x0] =	vst.idx.msk $0xffff, v43;
	v43 =	vor.u32 s18, v33;
	v42 =	vld [tilespmem:s11+$0xD0]  }
0x482: {  	s16 =	sadd.s32 $0x10, s16;
	s22 =	sadd.s32 $0xF, s15;
	v40 =	vor.u32 s17, v33;
	v44 =	vld [tilespmem:s11+$0xFFFFFF10];
	[tilespmem:v50+s1+$0x0] =	vst.idx.msk $0xffff, v51;
	s11 =	sadd.s32 $0x200, s11  }
0x483: {  	_ =	sdelay $0x3  }
0x484: {  	v1 =	vor.u32 s22, v32;
	v50 =	vld [tilespmem:s11+$0xE0];
	[tilespmem:v49+s1+$0x0] =	vst.idx.msk $0xffff, v48  }
0x485: {  	v7 =	vor.u32 s15, v32;
	v52 =	vld [tilespmem:s11+$0xFFFFFF00];
	s0 =	sadd.s32 $0x1, s15;
	[tilespmem:v47+s1+$0x0] =	vst.idx.msk $0xffff, v45  }
0x486: {  	v54 =	vld [tilespmem:s11+$0xFFFFFF20];
	s2 =	sadd.s32 $0x2, s15;
	v53 =	vor.u32 s0, v32;
	[tilespmem:v46+s1+$0x0] =	vst.idx.msk $0xffff, v41  }
0x487: {  	v56 =	vld [tilespmem:s11+$0xFFFFFF40];
	s6 =	sadd.s32 $0x3, s15;
	v55 =	vor.u32 s2, v32;
	[tilespmem:v43+s1+$0x0] =	vst.idx.msk $0xffff, v42  }
0x488: {  	v58 =	vld [tilespmem:s11+$0xFFFFFF60];
	s7 =	sadd.s32 $0x4, s15;
	v57 =	vor.u32 s6, v32;
	[tilespmem:v40+s1+$0x0] =	vst.idx.msk $0xffff, v44  }
0x489: {  	v4 =	vld [tilespmem:s11+$0xFFFFFF80];
	s8 =	sadd.s32 $0x5, s15;
	v59 =	vor.u32 s7, v32;
	[tilespmem:v1+s1+$0x0] =	vst.idx.msk $0xffff, v50  }
0x48a: {  	v6 =	vor.u32 s8, v32;
	[tilespmem:v7+s1+$0x0] =	vst.idx.msk $0xffff, v52;
	v7 =	vld [tilespmem:s11+$0xFFFFFFA0]  }
0x48b: {  	s13 =	sadd.s32 $0x6, s15;
	v1 =	vor.u32 s22, v33;
	v5 =	vld [tilespmem:s11+$0xF0];
	[tilespmem:v53+s1+$0x0] =	vst.idx.msk $0xffff, v54  }
0x48c: {  	s14 =	sadd.s32 $0x7, s15;
	v52 =	vor.u32 s13, v32;
	[tilespmem:v55+s1+$0x0] =	vst.idx.msk $0xffff, v56;
	v53 =	vld [tilespmem:s11+$0xFFFFFFC0]  }
0x48d: {  	s16 =	sadd.s32 $0x8, s15;
	[tilespmem:v57+s1+$0x0] =	vst.idx.msk $0xffff, v58;
	v54 =	vor.u32 s14, v32;
	v55 =	vld [tilespmem:s11+$0xFFFFFFE0]  }
0x48e: {  	s17 =	sadd.s32 $0x9, s15;
	[tilespmem:v59+s1+$0x0] =	vst.idx.msk $0xffff, v4;
	v56 =	vor.u32 s16, v32;
	v57 =	vld [tilespmem:s11+$0x0]  }
0x48f: {  	s18 =	sadd.s32 $0xA, s15;
	v58 =	vor.u32 s17, v32;
	v59 =	vld [tilespmem:s11+$0x20];
	[tilespmem:v6+s1+$0x0] =	vst.idx.msk $0xffff, v7  }
0x490: {  	s21 =	sadd.s32 $0xB, s15;
	v4 =	vld [tilespmem:s11+$0x40];
	[tilespmem:v1+s1+$0x0] =	vst.idx.msk $0xffff, v5;
	v1 =	vor.u32 s18, v32  }
0x491: {  	s30 =	sadd.s32 $0xC, s15;
	v6 =	vld [tilespmem:s11+$0x60];
	[tilespmem:v52+s1+$0x0] =	vst.idx.msk $0xffff, v53;
	v5 =	vor.u32 s21, v32  }
0x492: {  	s23 =	sadd.s32 $0xD, s15;
	v7 =	vor.u32 s30, v32;
	[tilespmem:v54+s1+$0x0] =	vst.idx.msk $0xffff, v55;
	v52 =	vld [tilespmem:s11+$0x80]  }
0x493: {  	s24 =	sadd.s32 $0xE, s15;
	[tilespmem:v56+s1+$0x0] =	vst.idx.msk $0xffff, v57;
	v53 =	vor.u32 s23, v32;
	v54 =	vld [tilespmem:s11+$0xA0]  }
0x494: {  	[tilespmem:v58+s1+$0x0] =	vst.idx.msk $0xffff, v59;
	v55 =	vor.u32 s24, v32;
	v56 =	vld [tilespmem:s11+$0xC0]  }
0x495: {  	v57 =	vor.u32 s0, v33;
	v58 =	vld [tilespmem:s11+$0xFFFFFF30];
	[tilespmem:v1+s1+$0x0] =	vst.idx.msk $0xffff, v4  }
0x496: {  	v59 =	vld [tilespmem:s11+$0xFFFFFF50];
	v1 =	vor.u32 s2, v33;
	[tilespmem:v5+s1+$0x0] =	vst.idx.msk $0xffff, v6  }
0x497: {  	v4 =	vor.u32 s6, v33;
	v5 =	vld [tilespmem:s11+$0xFFFFFF70];
	[tilespmem:v7+s1+$0x0] =	vst.idx.msk $0xffff, v52  }
0x498: {  	v6 =	vor.u32 s7, v33;
	v7 =	vld [tilespmem:s11+$0xFFFFFF90];
	[tilespmem:v53+s1+$0x0] =	vst.idx.msk $0xffff, v54  }
0x499: {  	v52 =	vor.u32 s8, v33;
	v53 =	vld [tilespmem:s11+$0xFFFFFFB0];
	[tilespmem:v55+s1+$0x0] =	vst.idx.msk $0xffff, v56  }
0x49a: {  	[tilespmem:v57+s1+$0x0] =	vst.idx.msk $0xffff, v58;
	v54 =	vor.u32 s13, v33;
	v55 =	vld [tilespmem:s11+$0xFFFFFFD0]  }
0x49b: {  	v57 =	vor.u32 s16, v33;
	v58 =	vld [tilespmem:s11+$0x10];
	[tilespmem:v1+s1+$0x0] =	vst.idx.msk $0xffff, v59  }
0x49c: {  	v56 =	vld [tilespmem:s11+$0xFFFFFFF0];
	v1 =	vor.u32 s14, v33;
	[tilespmem:v4+s1+$0x0] =	vst.idx.msk $0xffff, v5  }
0x49d: {  	[tilespmem:v6+s1+$0x0] =	vst.idx.msk $0xffff, v7;
	v59 =	vor.u32 s17, v33;
	v4 =	vld [tilespmem:s11+$0x30]  }
0x49e: {  	[tilespmem:v52+s1+$0x0] =	vst.idx.msk $0xffff, v53;
	v5 =	vor.u32 s18, v33;
	v6 =	vld [tilespmem:s11+$0x50]  }
0x49f: {  	[tilespmem:v54+s1+$0x0] =	vst.idx.msk $0xffff, v55;
	v7 =	vor.u32 s21, v33;
	v52 =	vld [tilespmem:s11+$0x70]  }
0x4a0: {  	[tilespmem:v57+s1+$0x0] =	vst.idx.msk $0xffff, v58;
	v54 =	vor.u32 s23, v33;
	v55 =	vld [tilespmem:s11+$0xB0]  }
0x4a1: {  	v53 =	vld [tilespmem:s11+$0x90];
	[tilespmem:v1+s1+$0x0] =	vst.idx.msk $0xffff, v56;
	v1 =	vor.u32 s30, v33  }
0x4a2: {  	v57 =	vld [tilespmem:s11+$0xD0];
	[tilespmem:v59+s1+$0x0] =	vst.idx.msk $0xffff, v4;
	v56 =	vor.u32 s24, v33  }
0x4a3: {  	v58 =	vor.u32 s15, v33;
	v59 =	vld [tilespmem:s11+$0xFFFFFF10];
	[tilespmem:v5+s1+$0x0] =	vst.idx.msk $0xffff, v6  }
0x4a4: {  	[tilespmem:v7+s1+$0x0] =	vst.idx.msk $0xffff, v52  }
0x4a5: {  	[tilespmem:v54+s1+$0x0] =	vst.idx.msk $0xffff, v55  }
0x4a6: {  	[tilespmem:v1+s1+$0x0] =	vst.idx.msk $0xffff, v53  }
0x4a7: {  	[tilespmem:v56+s1+$0x0] =	vst.idx.msk $0xffff, v57  }
0x4a8: {  	s7 =	simm.s32 $0xF;
	s15 =	simm.s32 $0x125F0;
	[tilespmem:v58+s1+$0x0] =	vst.idx.msk $0xffff, v59  }
0x4a9: {  	v1 =	vor.u32 s7, v34;
	v40 =	vld [tilespmem:s15+$0xFFFFFFF0]  }
0x4aa: {  	s8 =	simm.s32 $0x1;
	v4 =	vor.u32 s10, v34;
	v42 =	vld [tilespmem:s15+$0xFFFFFE10]  }
0x4ab: {  	v5 =	vor.u32 s8, v34;
	s11 =	simm.s32 $0x2;
	v44 =	vld [tilespmem:s15+$0xFFFFFE30]  }
0x4ac: {  	s13 =	simm.s32 $0x3;
	v6 =	vor.u32 s11, v34;
	v46 =	vld [tilespmem:s15+$0xFFFFFE50]  }
0x4ad: {  	s14 =	simm.s32 $0x4;
	v7 =	vor.u32 s13, v34;
	v48 =	vld [tilespmem:s15+$0xFFFFFE70]  }
0x4ae: {  	s16 =	simm.s32 $0x5;
	v52 =	vor.u32 s14, v34;
	v50 =	vld [tilespmem:s15+$0xFFFFFE90];
	[tilespmem:v1+s1+$0x0] =	vst.idx.msk $0xffff, v40  }
0x4af: {  	s22 =	simm.s32 $0x9;
	v53 =	vor.u32 s16, v34;
	v54 =	vld [tilespmem:s15+$0xFFFFFEB0];
	[tilespmem:v4+s1+$0x0] =	vst.idx.msk $0xffff, v42  }
0x4b0: {  	s17 =	simm.s32 $0x6;
	v57 =	vor.u32 s22, v34;
	v58 =	vld [tilespmem:s15+$0xFFFFFF30];
	[tilespmem:v5+s1+$0x0] =	vst.idx.msk $0xffff, v44  }
0x4b1: {  	v55 =	vor.u32 s17, v34;
	[tilespmem:v6+s1+$0x0] =	vst.idx.msk $0xffff, v46;
	v4 =	vld [tilespmem:s15+$0xFFFFFED0]  }
0x4b2: {  	s18 =	simm.s32 $0x7;
	v1 =	vor.u32 s7, v35;
	[tilespmem:v7+s1+$0x0] =	vst.idx.msk $0xffff, v48;
	v40 =	vld [tilespmem:s15+$0x0]  }
0x4b3: {  	s21 =	simm.s32 $0x8;
	v5 =	vor.u32 s18, v34;
	v6 =	vld [tilespmem:s15+$0xFFFFFEF0];
	[tilespmem:v52+s1+$0x0] =	vst.idx.msk $0xffff, v50  }
0x4b4: {  	s24 =	simm.s32 $0xB;
	v56 =	vld [tilespmem:s15+$0xFFFFFF10];
	v7 =	vor.u32 s21, v34;
	[tilespmem:v53+s1+$0x0] =	vst.idx.msk $0xffff, v54  }
0x4b5: {  	s28 =	simm.s32 $0xC;
	v52 =	vor.u32 s24, v34;
	v53 =	vld [tilespmem:s15+$0xFFFFFF70];
	[tilespmem:v57+s1+$0x0] =	vst.idx.msk $0xffff, v58  }
0x4b6: {  	s23 =	simm.s32 $0xA;
	v54 =	vor.u32 s28, v34;
	[tilespmem:v55+s1+$0x0] =	vst.idx.msk $0xffff, v4;
	v55 =	vld [tilespmem:s15+$0xFFFFFF90]  }
0x4b7: {  	s29 =	simm.s32 $0xD;
	v59 =	vld [tilespmem:s15+$0xFFFFFF50];
	[tilespmem:v1+s1+$0x0] =	vst.idx.msk $0xffff, v40;
	v1 =	vor.u32 s23, v34  }
0x4b8: {  	s30 =	simm.s32 $0xE;
	[tilespmem:v5+s1+$0x0] =	vst.idx.msk $0xffff, v6;
	v4 =	vor.u32 s29, v34;
	v5 =	vld [tilespmem:s15+$0xFFFFFFB0]  }
0x4b9: {  	[tilespmem:v7+s1+$0x0] =	vst.idx.msk $0xffff, v56;
	v6 =	vor.u32 s30, v34;
	v7 =	vld [tilespmem:s15+$0xFFFFFFD0]  }
0x4ba: {  	v57 =	vld [tilespmem:s15+$0xFFFFFE40];
	v56 =	vor.u32 s8, v35;
	[tilespmem:v52+s1+$0x0] =	vst.idx.msk $0xffff, v53  }
0x4bb: {  	v53 =	vor.u32 s14, v35;
	[tilespmem:v54+s1+$0x0] =	vst.idx.msk $0xffff, v55;
	v54 =	vld [tilespmem:s15+$0xFFFFFEA0]  }
0x4bc: {  	v58 =	vld [tilespmem:s15+$0xFFFFFE60];
	[tilespmem:v1+s1+$0x0] =	vst.idx.msk $0xffff, v59;
	v1 =	vor.u32 s11, v35  }
0x4bd: {  	v52 =	vld [tilespmem:s15+$0xFFFFFE80];
	[tilespmem:v4+s1+$0x0] =	vst.idx.msk $0xffff, v5;
	v59 =	vor.u32 s13, v35  }
0x4be: {  	v55 =	vor.u32 s16, v35;
	v4 =	vld [tilespmem:s15+$0xFFFFFEC0];
	[tilespmem:v6+s1+$0x0] =	vst.idx.msk $0xffff, v7  }
0x4bf: {  	[tilespmem:v56+s1+$0x0] =	vst.idx.msk $0xffff, v57;
	v5 =	vor.u32 s17, v35;
	v6 =	vld [tilespmem:s15+$0xFFFFFEE0]  }
0x4c0: {  	v56 =	vor.u32 s21, v35;
	v57 =	vld [tilespmem:s15+$0xFFFFFF20];
	[tilespmem:v53+s1+$0x0] =	vst.idx.msk $0xffff, v54  }
0x4c1: {  	v7 =	vld [tilespmem:s15+$0xFFFFFF00];
	[tilespmem:v1+s1+$0x0] =	vst.idx.msk $0xffff, v58;
	v1 =	vor.u32 s18, v35  }
0x4c2: {  	[tilespmem:v59+s1+$0x0] =	vst.idx.msk $0xffff, v52;
	v58 =	vor.u32 s22, v35;
	v59 =	vld [tilespmem:s15+$0xFFFFFF40]  }
0x4c3: {  	v51 =	vor.u32 s23, v35;
	[tilespmem:v55+s1+$0x0] =	vst.idx.msk $0xffff, v4;
	v52 =	vld [tilespmem:s15+$0xFFFFFF60]  }
0x4c4: {  	v49 =	vor.u32 s24, v35;
	v48 =	vld [tilespmem:s15+$0xFFFFFF80];
	[tilespmem:v5+s1+$0x0] =	vst.idx.msk $0xffff, v6  }
0x4c5: {  	v47 =	vor.u32 s28, v35;
	v46 =	vld [tilespmem:s15+$0xFFFFFFA0];
	[tilespmem:v56+s1+$0x0] =	vst.idx.msk $0xffff, v57  }
0x4c6: {  	v45 =	vor.u32 s29, v35;
	v43 =	vld [tilespmem:s15+$0xFFFFFFC0];
	[tilespmem:v1+s1+$0x0] =	vst.idx.msk $0xffff, v7  }
0x4c7: {  	v42 =	vor.u32 s30, v35;
	v41 =	vld [tilespmem:s15+$0xFFFFFFE0];
	[tilespmem:v58+s1+$0x0] =	vst.idx.msk $0xffff, v59  }
0x4c8: {  	v44 =	vld [tilespmem:s15+$0xFFFFFE20];
	v40 =	vor.u32 s10, v35;
	s10 =	simm.s32 $0x127F0;
	s11 =	simm.s32 $0x20;
	s22 =	simm.s32 $0x1F;
	[tilespmem:v51+s1+$0x0] =	vst.idx.msk $0xffff, v52  }
.LBB2_25:
0x4c9: {  	p0 =	slt.u32 s11, $0x70;
	v1 =	vor.u32 s22, v34;
	v50 =	vld [tilespmem:s10+$0xFFFFFFF0];
	[tilespmem:v49+s1+$0x0] =	vst.idx.msk $0xffff, v48;
	s15 =	smov.u32 s5;
	s5 =	smov.u32 s11  }
0x4ca: {  	v48 =	vor.u32 s15, v34;
	v49 =	vld [tilespmem:s10+$0xFFFFFE10];
	s16 =	sadd.s32 $0x1, s15;
	[tilespmem:v47+s1+$0x0] =	vst.idx.msk $0xffff, v46  }
0x4cb: {  	s17 =	sadd.s32 $0x2, s15;
	v46 =	vor.u32 s16, v34;
	v47 =	vld [tilespmem:s10+$0xFFFFFE30];
	[tilespmem:v45+s1+$0x0] =	vst.idx.msk $0xffff, v43  }
0x4cc: {  	s21 =	sadd.s32 $0x3, s15;
	v43 =	vor.u32 s17, v34;
	v45 =	vld [tilespmem:s10+$0xFFFFFE50];
	[tilespmem:v42+s1+$0x0] =	vst.idx.msk $0xffff, v41  }
0x4cd: {  	s23 =	sadd.s32 $0x4, s15;
	v41 =	vor.u32 s21, v34;
	v42 =	vld [tilespmem:s10+$0xFFFFFE70];
	[tilespmem:v40+s1+$0x0] =	vst.idx.msk $0xffff, v44  }
0x4ce: {  	v40 =	vor.u32 s23, v34;
	v44 =	vld [tilespmem:s10+$0xFFFFFE90];
	[tilespmem:v1+s1+$0x0] =	vst.idx.msk $0xffff, v50  }
0x4cf: {  	s24 =	sadd.s32 $0x5, s15;
	v1 =	vor.u32 s22, v35;
	[tilespmem:v48+s1+$0x0] =	vst.idx.msk $0xffff, v49;
	v48 =	vld [tilespmem:s10+$0x0]  }
0x4d0: {  	s22 =	sadd.s32 $0x6, s15;
	[tilespmem:v46+s1+$0x0] =	vst.idx.msk $0xffff, v47;
	v46 =	vor.u32 s24, v34;
	v47 =	vld [tilespmem:s10+$0xFFFFFEB0]  }
0x4d1: {  	s0 =	sadd.s32 $0x7, s15;
	[tilespmem:v43+s1+$0x0] =	vst.idx.msk $0xffff, v45;
	v43 =	vor.u32 s22, v34;
	v45 =	vld [tilespmem:s10+$0xFFFFFED0]  }
0x4d2: {  	s13 =	sadd.s32 $0x8, s15;
	[tilespmem:v41+s1+$0x0] =	vst.idx.msk $0xffff, v42;
	v41 =	vor.u32 s0, v34;
	v42 =	vld [tilespmem:s10+$0xFFFFFEF0]  }
0x4d3: {  	s2 =	sadd.s32 $0x9, s15;
	[tilespmem:v40+s1+$0x0] =	vst.idx.msk $0xffff, v44;
	v40 =	vor.u32 s13, v34;
	v44 =	vld [tilespmem:s10+$0xFFFFFF10]  }
0x4d4: {  	s14 =	sadd.s32 $0xA, s15;
	v49 =	vor.u32 s2, v34;
	v50 =	vld [tilespmem:s10+$0xFFFFFF30];
	[tilespmem:v1+s1+$0x0] =	vst.idx.msk $0xffff, v48  }
0x4d5: {  	s6 =	sadd.s32 $0xB, s15;
	v1 =	vor.u32 s14, v34;
	[tilespmem:v46+s1+$0x0] =	vst.idx.msk $0xffff, v47;
	v46 =	vld [tilespmem:s10+$0xFFFFFF50]  }
0x4d6: {  	s7 =	sadd.s32 $0xC, s15;
	[tilespmem:v43+s1+$0x0] =	vst.idx.msk $0xffff, v45;
	v43 =	vor.u32 s6, v34;
	v45 =	vld [tilespmem:s10+$0xFFFFFF70]  }
0x4d7: {  	s8 =	sadd.s32 $0xD, s15;
	[tilespmem:v41+s1+$0x0] =	vst.idx.msk $0xffff, v42;
	v41 =	vor.u32 s7, v34;
	v42 =	vld [tilespmem:s10+$0xFFFFFF90]  }
0x4d8: {  	s18 =	sadd.s32 $0xE, s15;
	[tilespmem:v40+s1+$0x0] =	vst.idx.msk $0xffff, v44;
	v40 =	vor.u32 s8, v34;
	v44 =	vld [tilespmem:s10+$0xFFFFFFB0]  }
0x4d9: {  	v47 =	vor.u32 s18, v34;
	[tilespmem:v49+s1+$0x0] =	vst.idx.msk $0xffff, v50;
	v48 =	vld [tilespmem:s10+$0xFFFFFFD0]  }
0x4da: {  	v49 =	vor.u32 s16, v35;
	v50 =	vld [tilespmem:s10+$0xFFFFFE40];
	[tilespmem:v1+s1+$0x0] =	vst.idx.msk $0xffff, v46  }
0x4db: {  	v1 =	vor.u32 s17, v35;
	v46 =	vld [tilespmem:s10+$0xFFFFFE60];
	[tilespmem:v43+s1+$0x0] =	vst.idx.msk $0xffff, v45  }
0x4dc: {  	v43 =	vor.u32 s21, v35;
	v45 =	vld [tilespmem:s10+$0xFFFFFE80];
	[tilespmem:v41+s1+$0x0] =	vst.idx.msk $0xffff, v42  }
0x4dd: {  	v41 =	vor.u32 s23, v35;
	v42 =	vld [tilespmem:s10+$0xFFFFFEA0];
	[tilespmem:v40+s1+$0x0] =	vst.idx.msk $0xffff, v44  }
0x4de: {  	v40 =	vor.u32 s24, v35;
	v44 =	vld [tilespmem:s10+$0xFFFFFEC0];
	[tilespmem:v47+s1+$0x0] =	vst.idx.msk $0xffff, v48  }
0x4df: {  	v47 =	vor.u32 s22, v35;
	[tilespmem:v49+s1+$0x0] =	vst.idx.msk $0xffff, v50;
	v48 =	vld [tilespmem:s10+$0xFFFFFEE0]  }
0x4e0: {  	[tilespmem:v1+s1+$0x0] =	vst.idx.msk $0xffff, v46;
	v1 =	vor.u32 s0, v35;
	v46 =	vld [tilespmem:s10+$0xFFFFFF00]  }
0x4e1: {  	[tilespmem:v43+s1+$0x0] =	vst.idx.msk $0xffff, v45;
	v43 =	vor.u32 s13, v35;
	v45 =	vld [tilespmem:s10+$0xFFFFFF20]  }
0x4e2: {  	[tilespmem:v41+s1+$0x0] =	vst.idx.msk $0xffff, v42;
	v41 =	vor.u32 s2, v35;
	v42 =	vld [tilespmem:s10+$0xFFFFFF40]  }
0x4e3: {  	v50 =	vor.u32 s14, v35;
	[tilespmem:v40+s1+$0x0] =	vst.idx.msk $0xffff, v44;
	v51 =	vld [tilespmem:s10+$0xFFFFFF60]  }
.Ltmp14:
0x4e4: {  	v49 =	vor.u32 s6, v35;
	[tilespmem:v47+s1+$0x0] =	vst.idx.msk $0xffff, v48;
	v48 =	vld [tilespmem:s10+$0xFFFFFF80];
	(pc) =	sbr.rel @p0 .LBB2_25-.Ltmp14, $4  }
0x4e5: {  	v47 =	vor.u32 s7, v35;
	[tilespmem:v1+s1+$0x0] =	vst.idx.msk $0xffff, v46;
	v46 =	vld [tilespmem:s10+$0xFFFFFFA0]  }
0x4e6: {  	[tilespmem:v43+s1+$0x0] =	vst.idx.msk $0xffff, v45;
	v45 =	vor.u32 s8, v35;
	v43 =	vld [tilespmem:s10+$0xFFFFFFC0]  }
0x4e7: {  	[tilespmem:v41+s1+$0x0] =	vst.idx.msk $0xffff, v42;
	v42 =	vor.u32 s18, v35;
	v41 =	vld [tilespmem:s10+$0xFFFFFFE0]  }
0x4e8: {  	s11 =	sadd.s32 $0x10, s11;
	s22 =	sadd.s32 $0xF, s5;
	v40 =	vor.u32 s15, v35;
	v44 =	vld [tilespmem:s10+$0xFFFFFE20];
	[tilespmem:v50+s1+$0x0] =	vst.idx.msk $0xffff, v51;
	s10 =	sadd.s32 $0x200, s10  }
0x4e9: {  	_ =	sdelay $0x3  }
0x4ea: {  	v1 =	vor.u32 s22, v34;
	v50 =	vld [tilespmem:s10+$0xFFFFFFF0];
	[tilespmem:v49+s1+$0x0] =	vst.idx.msk $0xffff, v48  }
0x4eb: {  	v7 =	vor.u32 s5, v34;
	v52 =	vld [tilespmem:s10+$0xFFFFFE10];
	s0 =	sadd.s32 $0x1, s5;
	[tilespmem:v47+s1+$0x0] =	vst.idx.msk $0xffff, v46  }
0x4ec: {  	v54 =	vld [tilespmem:s10+$0xFFFFFE30];
	s2 =	sadd.s32 $0x2, s5;
	v53 =	vor.u32 s0, v34;
	[tilespmem:v45+s1+$0x0] =	vst.idx.msk $0xffff, v43  }
0x4ed: {  	v56 =	vld [tilespmem:s10+$0xFFFFFE50];
	s6 =	sadd.s32 $0x3, s5;
	v55 =	vor.u32 s2, v34;
	[tilespmem:v42+s1+$0x0] =	vst.idx.msk $0xffff, v41  }
0x4ee: {  	v58 =	vld [tilespmem:s10+$0xFFFFFE70];
	s7 =	sadd.s32 $0x4, s5;
	v57 =	vor.u32 s6, v34;
	[tilespmem:v40+s1+$0x0] =	vst.idx.msk $0xffff, v44  }
0x4ef: {  	v4 =	vld [tilespmem:s10+$0xFFFFFE90];
	s8 =	sadd.s32 $0x5, s5;
	v59 =	vor.u32 s7, v34;
	[tilespmem:v1+s1+$0x0] =	vst.idx.msk $0xffff, v50  }
0x4f0: {  	v6 =	vor.u32 s8, v34;
	[tilespmem:v7+s1+$0x0] =	vst.idx.msk $0xffff, v52;
	v7 =	vld [tilespmem:s10+$0xFFFFFEB0]  }
0x4f1: {  	s11 =	sadd.s32 $0x6, s5;
	v1 =	vor.u32 s22, v35;
	v5 =	vld [tilespmem:s10+$0x0];
	[tilespmem:v53+s1+$0x0] =	vst.idx.msk $0xffff, v54  }
0x4f2: {  	s13 =	sadd.s32 $0x7, s5;
	v52 =	vor.u32 s11, v34;
	[tilespmem:v55+s1+$0x0] =	vst.idx.msk $0xffff, v56;
	v53 =	vld [tilespmem:s10+$0xFFFFFED0]  }
0x4f3: {  	s14 =	sadd.s32 $0x8, s5;
	[tilespmem:v57+s1+$0x0] =	vst.idx.msk $0xffff, v58;
	v54 =	vor.u32 s13, v34;
	v55 =	vld [tilespmem:s10+$0xFFFFFEF0]  }
0x4f4: {  	s15 =	sadd.s32 $0x9, s5;
	[tilespmem:v59+s1+$0x0] =	vst.idx.msk $0xffff, v4;
	v56 =	vor.u32 s14, v34;
	v57 =	vld [tilespmem:s10+$0xFFFFFF10]  }
0x4f5: {  	s16 =	sadd.s32 $0xA, s5;
	v58 =	vor.u32 s15, v34;
	v59 =	vld [tilespmem:s10+$0xFFFFFF30];
	[tilespmem:v6+s1+$0x0] =	vst.idx.msk $0xffff, v7  }
0x4f6: {  	s17 =	sadd.s32 $0xB, s5;
	v4 =	vld [tilespmem:s10+$0xFFFFFF50];
	[tilespmem:v1+s1+$0x0] =	vst.idx.msk $0xffff, v5;
	v1 =	vor.u32 s16, v34  }
0x4f7: {  	s18 =	sadd.s32 $0xC, s5;
	v6 =	vld [tilespmem:s10+$0xFFFFFF70];
	[tilespmem:v52+s1+$0x0] =	vst.idx.msk $0xffff, v53;
	v5 =	vor.u32 s17, v34  }
0x4f8: {  	s21 =	sadd.s32 $0xD, s5;
	v7 =	vor.u32 s18, v34;
	[tilespmem:v54+s1+$0x0] =	vst.idx.msk $0xffff, v55;
	v52 =	vld [tilespmem:s10+$0xFFFFFF90]  }
0x4f9: {  	s30 =	sadd.s32 $0xE, s5;
	[tilespmem:v56+s1+$0x0] =	vst.idx.msk $0xffff, v57;
	v53 =	vor.u32 s21, v34;
	v54 =	vld [tilespmem:s10+$0xFFFFFFB0]  }
0x4fa: {  	[tilespmem:v58+s1+$0x0] =	vst.idx.msk $0xffff, v59;
	v55 =	vor.u32 s30, v34;
	v56 =	vld [tilespmem:s10+$0xFFFFFFD0]  }
0x4fb: {  	v57 =	vor.u32 s0, v35;
	v58 =	vld [tilespmem:s10+$0xFFFFFE40];
	[tilespmem:v1+s1+$0x0] =	vst.idx.msk $0xffff, v4  }
0x4fc: {  	v59 =	vld [tilespmem:s10+$0xFFFFFE60];
	v1 =	vor.u32 s2, v35;
	[tilespmem:v5+s1+$0x0] =	vst.idx.msk $0xffff, v6  }
0x4fd: {  	v4 =	vor.u32 s6, v35;
	v5 =	vld [tilespmem:s10+$0xFFFFFE80];
	[tilespmem:v7+s1+$0x0] =	vst.idx.msk $0xffff, v52  }
0x4fe: {  	v6 =	vor.u32 s7, v35;
	v7 =	vld [tilespmem:s10+$0xFFFFFEA0];
	[tilespmem:v53+s1+$0x0] =	vst.idx.msk $0xffff, v54  }
0x4ff: {  	v52 =	vor.u32 s8, v35;
	v53 =	vld [tilespmem:s10+$0xFFFFFEC0];
	[tilespmem:v55+s1+$0x0] =	vst.idx.msk $0xffff, v56  }
0x500: {  	[tilespmem:v57+s1+$0x0] =	vst.idx.msk $0xffff, v58;
	v54 =	vor.u32 s11, v35;
	v55 =	vld [tilespmem:s10+$0xFFFFFEE0]  }
0x501: {  	v57 =	vor.u32 s14, v35;
	v58 =	vld [tilespmem:s10+$0xFFFFFF20];
	[tilespmem:v1+s1+$0x0] =	vst.idx.msk $0xffff, v59  }
0x502: {  	v56 =	vld [tilespmem:s10+$0xFFFFFF00];
	v1 =	vor.u32 s13, v35;
	[tilespmem:v4+s1+$0x0] =	vst.idx.msk $0xffff, v5  }
0x503: {  	[tilespmem:v6+s1+$0x0] =	vst.idx.msk $0xffff, v7;
	v59 =	vor.u32 s15, v35;
	v4 =	vld [tilespmem:s10+$0xFFFFFF40]  }
0x504: {  	[tilespmem:v52+s1+$0x0] =	vst.idx.msk $0xffff, v53;
	v5 =	vor.u32 s16, v35;
	v6 =	vld [tilespmem:s10+$0xFFFFFF60]  }
0x505: {  	[tilespmem:v54+s1+$0x0] =	vst.idx.msk $0xffff, v55;
	v7 =	vor.u32 s17, v35;
	v52 =	vld [tilespmem:s10+$0xFFFFFF80]  }
0x506: {  	[tilespmem:v57+s1+$0x0] =	vst.idx.msk $0xffff, v58;
	v54 =	vor.u32 s21, v35;
	v55 =	vld [tilespmem:s10+$0xFFFFFFC0]  }
0x507: {  	v53 =	vld [tilespmem:s10+$0xFFFFFFA0];
	[tilespmem:v1+s1+$0x0] =	vst.idx.msk $0xffff, v56;
	v1 =	vor.u32 s18, v35  }
0x508: {  	v57 =	vld [tilespmem:s10+$0xFFFFFFE0];
	[tilespmem:v59+s1+$0x0] =	vst.idx.msk $0xffff, v4;
	v56 =	vor.u32 s30, v35  }
0x509: {  	p1 =	por $0x1, $0x1;
	v58 =	vor.u32 s5, v35;
	v59 =	vld [tilespmem:s10+$0xFFFFFE20];
	[tilespmem:v5+s1+$0x0] =	vst.idx.msk $0xffff, v6  }
.Ltmp15:
0x50a: {  	[tilespmem:v7+s1+$0x0] =	vst.idx.msk $0xffff, v52;
	(pc) =	sbr.rel @!p1 .LBB2_27-.Ltmp15, $4  }
0x50b: {  	[tilespmem:v54+s1+$0x0] =	vst.idx.msk $0xffff, v55  }
0x50c: {  	[tilespmem:v1+s1+$0x0] =	vst.idx.msk $0xffff, v53  }
0x50d: {  	p0 =	por $0x0, $0x0;
	s11 =	simm.s32 $0xF;
	[tilespmem:v56+s1+$0x0] =	vst.idx.msk $0xffff, v57  }
0x50e: {  	s15 =	simm.s32 $0x135F0;
	s5 =	simm.s32 $0x10;
	s10 =	simm.s32 $0x0;
	[tilespmem:v58+s1+$0x0] =	vst.idx.msk $0xffff, v59  }
0x50f: {  	v1 =	vor.u32 s11, v36;
	v40 =	vld [tilespmem:s15+$0xFFFFFFF0]  }
0x510: {  	v41 =	vld [tilespmem:s15+$0xFFFFFE10];
	v42 =	vor.u32 s10, v36;
	s0 =	simm.s32 $0x1  }
0x511: {  	v43 =	vld [tilespmem:s15+$0xFFFFFE30];
	s2 =	simm.s32 $0x2;
	v44 =	vor.u32 s0, v36  }
0x512: {  	v45 =	vld [tilespmem:s15+$0xFFFFFE50];
	s8 =	simm.s32 $0x5;
	v46 =	vor.u32 s2, v36  }
0x513: {  	v57 =	vld [tilespmem:s15+$0xFFFFFEB0];
	s13 =	simm.s32 $0x6;
	v58 =	vor.u32 s8, v36  }
0x514: {  	s7 =	simm.s32 $0x4;
	v59 =	vld [tilespmem:s15+$0xFFFFFED0];
	v4 =	vor.u32 s13, v36;
	[tilespmem:v1+s1+$0x0] =	vst.idx.msk $0xffff, v40  }
0x515: {  	v49 =	vld [tilespmem:s15+$0xFFFFFE90];
	s14 =	simm.s32 $0x7;
	v1 =	vor.u32 s7, v36;
	[tilespmem:v42+s1+$0x0] =	vst.idx.msk $0xffff, v41  }
0x516: {  	v5 =	vld [tilespmem:s15+$0xFFFFFEF0];
	s17 =	simm.s32 $0x9;
	v6 =	vor.u32 s14, v36;
	[tilespmem:v44+s1+$0x0] =	vst.idx.msk $0xffff, v43  }
0x517: {  	v52 =	vld [tilespmem:s15+$0xFFFFFF30];
	s18 =	simm.s32 $0xA;
	v50 =	vor.u32 s17, v36;
	[tilespmem:v46+s1+$0x0] =	vst.idx.msk $0xffff, v45  }
0x518: {  	v53 =	vld [tilespmem:s15+$0xFFFFFF50];
	v54 =	vor.u32 s18, v36;
	[tilespmem:v58+s1+$0x0] =	vst.idx.msk $0xffff, v57  }
0x519: {  	v56 =	vor.u32 s11, v37;
	s16 =	simm.s32 $0x8;
	v40 =	vld [tilespmem:s15+$0x0];
	[tilespmem:v4+s1+$0x0] =	vst.idx.msk $0xffff, v59  }
0x51a: {  	v7 =	vld [tilespmem:s15+$0xFFFFFF10];
	s21 =	simm.s32 $0xB;
	[tilespmem:v1+s1+$0x0] =	vst.idx.msk $0xffff, v49;
	v1 =	vor.u32 s16, v36  }
0x51b: {  	v55 =	vld [tilespmem:s15+$0xFFFFFF70];
	s22 =	simm.s32 $0xC;
	v59 =	vor.u32 s21, v36;
	[tilespmem:v6+s1+$0x0] =	vst.idx.msk $0xffff, v5  }
0x51c: {  	s6 =	simm.s32 $0x3;
	v4 =	vld [tilespmem:s15+$0xFFFFFF90];
	v5 =	vor.u32 s22, v36;
	[tilespmem:v50+s1+$0x0] =	vst.idx.msk $0xffff, v52  }
0x51d: {  	v47 =	vld [tilespmem:s15+$0xFFFFFE70];
	v48 =	vor.u32 s6, v36;
	[tilespmem:v54+s1+$0x0] =	vst.idx.msk $0xffff, v53  }
0x51e: {  	s23 =	simm.s32 $0xD;
	v53 =	vor.u32 s2, v37;
	v52 =	vld [tilespmem:s15+$0xFFFFFE60];
	[tilespmem:v56+s1+$0x0] =	vst.idx.msk $0xffff, v40  }
0x51f: {  	s24 =	simm.s32 $0xE;
	v6 =	vld [tilespmem:s15+$0xFFFFFFB0];
	[tilespmem:v1+s1+$0x0] =	vst.idx.msk $0xffff, v7;
	v1 =	vor.u32 s23, v36  }
0x520: {  	v57 =	vor.u32 s24, v36;
	v56 =	vld [tilespmem:s15+$0xFFFFFFD0];
	[tilespmem:v59+s1+$0x0] =	vst.idx.msk $0xffff, v55  }
0x521: {  	[tilespmem:v5+s1+$0x0] =	vst.idx.msk $0xffff, v4;
	v59 =	vld [tilespmem:s15+$0xFFFFFEA0];
	v4 =	vor.u32 s7, v37  }
0x522: {  	[tilespmem:v48+s1+$0x0] =	vst.idx.msk $0xffff, v47;
	v58 =	vld [tilespmem:s15+$0xFFFFFE40];
	v7 =	vor.u32 s0, v37  }
0x523: {  	v54 =	vld [tilespmem:s15+$0xFFFFFE80];
	v55 =	vor.u32 s6, v37;
	[tilespmem:v53+s1+$0x0] =	vst.idx.msk $0xffff, v52  }
0x524: {  	v5 =	vor.u32 s8, v37;
	[tilespmem:v1+s1+$0x0] =	vst.idx.msk $0xffff, v6;
	v1 =	vld [tilespmem:s15+$0xFFFFFEC0]  }
0x525: {  	[tilespmem:v57+s1+$0x0] =	vst.idx.msk $0xffff, v56;
	v56 =	vld [tilespmem:s15+$0xFFFFFF00];
	v57 =	vor.u32 s14, v37  }
0x526: {  	v52 =	vld [tilespmem:s15+$0xFFFFFF40];
	[tilespmem:v4+s1+$0x0] =	vst.idx.msk $0xffff, v59;
	v59 =	vor.u32 s17, v37  }
0x527: {  	v6 =	vld [tilespmem:s15+$0xFFFFFEE0];
	[tilespmem:v7+s1+$0x0] =	vst.idx.msk $0xffff, v58;
	v7 =	vor.u32 s13, v37  }
0x528: {  	v51 =	vor.u32 s16, v37;
	[tilespmem:v55+s1+$0x0] =	vst.idx.msk $0xffff, v54;
	v58 =	vld [tilespmem:s15+$0xFFFFFF20]  }
0x529: {  	p3 =	por $0x1, $0x1;
	v53 =	vld [tilespmem:s15+$0xFFFFFF60];
	[tilespmem:v5+s1+$0x0] =	vst.idx.msk $0xffff, v1;
	v1 =	vor.u32 s18, v37  }
.Ltmp16:
0x52a: {  	v49 =	vor.u32 s21, v37;
	v43 =	vld [tilespmem:s15+$0xFFFFFF80];
	[tilespmem:v57+s1+$0x0] =	vst.idx.msk $0xffff, v56;
	(pc) =	sbr.rel @!p3 .LBB2_29-.Ltmp16, $4  }
0x52b: {  	v46 =	vor.u32 s22, v37;
	v42 =	vld [tilespmem:s15+$0xFFFFFFA0];
	[tilespmem:v59+s1+$0x0] =	vst.idx.msk $0xffff, v52  }
0x52c: {  	v48 =	vor.u32 s23, v37;
	v41 =	vld [tilespmem:s15+$0xFFFFFFC0];
	[tilespmem:v7+s1+$0x0] =	vst.idx.msk $0xffff, v6  }
0x52d: {  	p2 =	por $0x1, $0x1;
	s22 =	simm.s32 $0x1F;
	v47 =	vor.u32 s24, v37;
	v40 =	vld [tilespmem:s15+$0xFFFFFFE0];
	[tilespmem:v51+s1+$0x0] =	vst.idx.msk $0xffff, v58  }
0x52e: {  	v44 =	vld [tilespmem:s15+$0xFFFFFE20];
	v45 =	vor.u32 s10, v37;
	s16 =	simm.s32 $0x10;
	s17 =	simm.s32 $0x20;
	s15 =	simm.s32 $0x137F0;
	[tilespmem:v1+s1+$0x0] =	vst.idx.msk $0xffff, v53  }
.LBB2_30:
0x52f: {  	p3 =	slt.u32 s17, $0x70;
	v1 =	vor.u32 s22, v36;
	v50 =	vld [tilespmem:s15+$0xFFFFFFF0];
	[tilespmem:v49+s1+$0x0] =	vst.idx.msk $0xffff, v43;
	s21 =	smov.u32 s16;
	s16 =	smov.u32 s17  }
0x530: {  	v43 =	vor.u32 s21, v36;
	v49 =	vld [tilespmem:s15+$0xFFFFFE10];
	s23 =	sadd.s32 $0x1, s21;
	[tilespmem:v46+s1+$0x0] =	vst.idx.msk $0xffff, v42  }
0x531: {  	s24 =	sadd.s32 $0x2, s21;
	v42 =	vor.u32 s23, v36;
	v46 =	vld [tilespmem:s15+$0xFFFFFE30];
	[tilespmem:v48+s1+$0x0] =	vst.idx.msk $0xffff, v41  }
0x532: {  	s28 =	sadd.s32 $0x3, s21;
	v41 =	vor.u32 s24, v36;
	v48 =	vld [tilespmem:s15+$0xFFFFFE50];
	[tilespmem:v47+s1+$0x0] =	vst.idx.msk $0xffff, v40  }
0x533: {  	s29 =	sadd.s32 $0x4, s21;
	v40 =	vor.u32 s28, v36;
	v47 =	vld [tilespmem:s15+$0xFFFFFE70];
	[tilespmem:v45+s1+$0x0] =	vst.idx.msk $0xffff, v44  }
0x534: {  	v44 =	vor.u32 s29, v36;
	v45 =	vld [tilespmem:s15+$0xFFFFFE90];
	[tilespmem:v1+s1+$0x0] =	vst.idx.msk $0xffff, v50  }
0x535: {  	s30 =	sadd.s32 $0x5, s21;
	v1 =	vor.u32 s22, v37;
	[tilespmem:v43+s1+$0x0] =	vst.idx.msk $0xffff, v49;
	v43 =	vld [tilespmem:s15+$0x0]  }
0x536: {  	s22 =	sadd.s32 $0x6, s21;
	[tilespmem:v42+s1+$0x0] =	vst.idx.msk $0xffff, v46;
	v42 =	vor.u32 s30, v36;
	v46 =	vld [tilespmem:s15+$0xFFFFFEB0]  }
0x537: {  	s0 =	sadd.s32 $0x7, s21;
	[tilespmem:v41+s1+$0x0] =	vst.idx.msk $0xffff, v48;
	v41 =	vor.u32 s22, v36;
	v48 =	vld [tilespmem:s15+$0xFFFFFED0]  }
0x538: {  	s13 =	sadd.s32 $0x8, s21;
	[tilespmem:v40+s1+$0x0] =	vst.idx.msk $0xffff, v47;
	v40 =	vor.u32 s0, v36;
	v47 =	vld [tilespmem:s15+$0xFFFFFEF0]  }
0x539: {  	s2 =	sadd.s32 $0x9, s21;
	[tilespmem:v44+s1+$0x0] =	vst.idx.msk $0xffff, v45;
	v44 =	vor.u32 s13, v36;
	v45 =	vld [tilespmem:s15+$0xFFFFFF10]  }
0x53a: {  	s14 =	sadd.s32 $0xA, s21;
	v49 =	vor.u32 s2, v36;
	v50 =	vld [tilespmem:s15+$0xFFFFFF30];
	[tilespmem:v1+s1+$0x0] =	vst.idx.msk $0xffff, v43  }
0x53b: {  	s6 =	sadd.s32 $0xB, s21;
	v1 =	vor.u32 s14, v36;
	[tilespmem:v42+s1+$0x0] =	vst.idx.msk $0xffff, v46;
	v42 =	vld [tilespmem:s15+$0xFFFFFF50]  }
0x53c: {  	s7 =	sadd.s32 $0xC, s21;
	[tilespmem:v41+s1+$0x0] =	vst.idx.msk $0xffff, v48;
	v41 =	vor.u32 s6, v36;
	v43 =	vld [tilespmem:s15+$0xFFFFFF70]  }
0x53d: {  	s8 =	sadd.s32 $0xD, s21;
	[tilespmem:v40+s1+$0x0] =	vst.idx.msk $0xffff, v47;
	v40 =	vor.u32 s7, v36;
	v46 =	vld [tilespmem:s15+$0xFFFFFF90]  }
0x53e: {  	s18 =	sadd.s32 $0xE, s21;
	[tilespmem:v44+s1+$0x0] =	vst.idx.msk $0xffff, v45;
	v44 =	vor.u32 s8, v36;
	v45 =	vld [tilespmem:s15+$0xFFFFFFB0]  }
0x53f: {  	v47 =	vor.u32 s18, v36;
	[tilespmem:v49+s1+$0x0] =	vst.idx.msk $0xffff, v50;
	v48 =	vld [tilespmem:s15+$0xFFFFFFD0]  }
0x540: {  	v49 =	vor.u32 s23, v37;
	v50 =	vld [tilespmem:s15+$0xFFFFFE40];
	[tilespmem:v1+s1+$0x0] =	vst.idx.msk $0xffff, v42  }
0x541: {  	v1 =	vor.u32 s24, v37;
	v42 =	vld [tilespmem:s15+$0xFFFFFE60];
	[tilespmem:v41+s1+$0x0] =	vst.idx.msk $0xffff, v43  }
0x542: {  	v41 =	vor.u32 s28, v37;
	v43 =	vld [tilespmem:s15+$0xFFFFFE80];
	[tilespmem:v40+s1+$0x0] =	vst.idx.msk $0xffff, v46  }
0x543: {  	v40 =	vor.u32 s29, v37;
	v46 =	vld [tilespmem:s15+$0xFFFFFEA0];
	[tilespmem:v44+s1+$0x0] =	vst.idx.msk $0xffff, v45  }
0x544: {  	v44 =	vor.u32 s30, v37;
	v45 =	vld [tilespmem:s15+$0xFFFFFEC0];
	[tilespmem:v47+s1+$0x0] =	vst.idx.msk $0xffff, v48  }
0x545: {  	v47 =	vor.u32 s22, v37;
	[tilespmem:v49+s1+$0x0] =	vst.idx.msk $0xffff, v50;
	v48 =	vld [tilespmem:s15+$0xFFFFFEE0]  }
0x546: {  	[tilespmem:v1+s1+$0x0] =	vst.idx.msk $0xffff, v42;
	v1 =	vor.u32 s0, v37;
	v42 =	vld [tilespmem:s15+$0xFFFFFF00]  }
0x547: {  	[tilespmem:v41+s1+$0x0] =	vst.idx.msk $0xffff, v43;
	v41 =	vor.u32 s13, v37;
	v50 =	vld [tilespmem:s15+$0xFFFFFF20]  }
0x548: {  	[tilespmem:v40+s1+$0x0] =	vst.idx.msk $0xffff, v46;
	v40 =	vor.u32 s2, v37;
	v51 =	vld [tilespmem:s15+$0xFFFFFF40]  }
0x549: {  	v52 =	vor.u32 s14, v37;
	[tilespmem:v44+s1+$0x0] =	vst.idx.msk $0xffff, v45;
	v53 =	vld [tilespmem:s15+$0xFFFFFF60]  }
.Ltmp17:
0x54a: {  	v49 =	vor.u32 s6, v37;
	[tilespmem:v47+s1+$0x0] =	vst.idx.msk $0xffff, v48;
	v43 =	vld [tilespmem:s15+$0xFFFFFF80];
	(pc) =	sbr.rel @p3 .LBB2_30-.Ltmp17, $4  }
0x54b: {  	v46 =	vor.u32 s7, v37;
	[tilespmem:v1+s1+$0x0] =	vst.idx.msk $0xffff, v42;
	v42 =	vld [tilespmem:s15+$0xFFFFFFA0]  }
0x54c: {  	v48 =	vor.u32 s8, v37;
	[tilespmem:v41+s1+$0x0] =	vst.idx.msk $0xffff, v50;
	v41 =	vld [tilespmem:s15+$0xFFFFFFC0]  }
0x54d: {  	v47 =	vor.u32 s18, v37;
	[tilespmem:v40+s1+$0x0] =	vst.idx.msk $0xffff, v51;
	v40 =	vld [tilespmem:s15+$0xFFFFFFE0]  }
0x54e: {  	s17 =	sadd.s32 $0x10, s17;
	s22 =	sadd.s32 $0xF, s16;
	v45 =	vor.u32 s21, v37;
	v44 =	vld [tilespmem:s15+$0xFFFFFE20];
	[tilespmem:v52+s1+$0x0] =	vst.idx.msk $0xffff, v53;
	s15 =	sadd.s32 $0x200, s15  }
.LBB2_31:
0x54f: {  	_ =	sdelay $0x3  }
0x550: {  	v1 =	vor.u32 s22, v36;
	v50 =	vld [tilespmem:s15+$0xFFFFFFF0];
	[tilespmem:v49+s1+$0x0] =	vst.idx.msk @p2 $0xffff, v43  }
0x551: {  	v7 =	vor.u32 s16, v36;
	v52 =	vld [tilespmem:s15+$0xFFFFFE10];
	s0 =	sadd.s32 $0x1, s16;
	[tilespmem:v46+s1+$0x0] =	vst.idx.msk @p2 $0xffff, v42  }
0x552: {  	v54 =	vld [tilespmem:s15+$0xFFFFFE30];
	s2 =	sadd.s32 $0x2, s16;
	v53 =	vor.u32 s0, v36;
	[tilespmem:v48+s1+$0x0] =	vst.idx.msk @p2 $0xffff, v41  }
0x553: {  	v56 =	vld [tilespmem:s15+$0xFFFFFE50];
	s6 =	sadd.s32 $0x3, s16;
	v55 =	vor.u32 s2, v36;
	[tilespmem:v47+s1+$0x0] =	vst.idx.msk @p2 $0xffff, v40  }
0x554: {  	v58 =	vld [tilespmem:s15+$0xFFFFFE70];
	s7 =	sadd.s32 $0x4, s16;
	v57 =	vor.u32 s6, v36;
	[tilespmem:v45+s1+$0x0] =	vst.idx.msk @p2 $0xffff, v44  }
0x555: {  	v4 =	vld [tilespmem:s15+$0xFFFFFE90];
	s8 =	sadd.s32 $0x5, s16;
	v59 =	vor.u32 s7, v36;
	[tilespmem:v1+s1+$0x0] =	vst.idx.msk $0xffff, v50  }
0x556: {  	v6 =	vor.u32 s8, v36;
	[tilespmem:v7+s1+$0x0] =	vst.idx.msk $0xffff, v52;
	v7 =	vld [tilespmem:s15+$0xFFFFFEB0]  }
0x557: {  	s13 =	sadd.s32 $0x6, s16;
	v1 =	vor.u32 s22, v37;
	v5 =	vld [tilespmem:s15+$0x0];
	[tilespmem:v53+s1+$0x0] =	vst.idx.msk $0xffff, v54  }
0x558: {  	s14 =	sadd.s32 $0x7, s16;
	v52 =	vor.u32 s13, v36;
	[tilespmem:v55+s1+$0x0] =	vst.idx.msk $0xffff, v56;
	v53 =	vld [tilespmem:s15+$0xFFFFFED0]  }
0x559: {  	s17 =	sadd.s32 $0x8, s16;
	[tilespmem:v57+s1+$0x0] =	vst.idx.msk $0xffff, v58;
	v54 =	vor.u32 s14, v36;
	v55 =	vld [tilespmem:s15+$0xFFFFFEF0]  }
0x55a: {  	s18 =	sadd.s32 $0x9, s16;
	[tilespmem:v59+s1+$0x0] =	vst.idx.msk $0xffff, v4;
	v56 =	vor.u32 s17, v36;
	v57 =	vld [tilespmem:s15+$0xFFFFFF10]  }
0x55b: {  	s21 =	sadd.s32 $0xA, s16;
	v58 =	vor.u32 s18, v36;
	v59 =	vld [tilespmem:s15+$0xFFFFFF30];
	[tilespmem:v6+s1+$0x0] =	vst.idx.msk $0xffff, v7  }
0x55c: {  	s30 =	sadd.s32 $0xB, s16;
	v4 =	vld [tilespmem:s15+$0xFFFFFF50];
	[tilespmem:v1+s1+$0x0] =	vst.idx.msk $0xffff, v5;
	v1 =	vor.u32 s21, v36  }
0x55d: {  	s23 =	sadd.s32 $0xC, s16;
	v6 =	vld [tilespmem:s15+$0xFFFFFF70];
	[tilespmem:v52+s1+$0x0] =	vst.idx.msk $0xffff, v53;
	v5 =	vor.u32 s30, v36  }
0x55e: {  	s24 =	sadd.s32 $0xD, s16;
	v7 =	vor.u32 s23, v36;
	[tilespmem:v54+s1+$0x0] =	vst.idx.msk $0xffff, v55;
	v52 =	vld [tilespmem:s15+$0xFFFFFF90]  }
0x55f: {  	s28 =	sadd.s32 $0xE, s16;
	[tilespmem:v56+s1+$0x0] =	vst.idx.msk $0xffff, v57;
	v53 =	vor.u32 s24, v36;
	v54 =	vld [tilespmem:s15+$0xFFFFFFB0]  }
0x560: {  	[tilespmem:v58+s1+$0x0] =	vst.idx.msk $0xffff, v59;
	v55 =	vor.u32 s28, v36;
	v56 =	vld [tilespmem:s15+$0xFFFFFFD0]  }
0x561: {  	v57 =	vor.u32 s0, v37;
	v58 =	vld [tilespmem:s15+$0xFFFFFE40];
	[tilespmem:v1+s1+$0x0] =	vst.idx.msk $0xffff, v4  }
0x562: {  	v59 =	vld [tilespmem:s15+$0xFFFFFE60];
	v1 =	vor.u32 s2, v37;
	[tilespmem:v5+s1+$0x0] =	vst.idx.msk $0xffff, v6  }
0x563: {  	v4 =	vor.u32 s6, v37;
	v5 =	vld [tilespmem:s15+$0xFFFFFE80];
	[tilespmem:v7+s1+$0x0] =	vst.idx.msk $0xffff, v52  }
0x564: {  	v6 =	vor.u32 s7, v37;
	v7 =	vld [tilespmem:s15+$0xFFFFFEA0];
	[tilespmem:v53+s1+$0x0] =	vst.idx.msk $0xffff, v54  }
0x565: {  	v52 =	vor.u32 s8, v37;
	v53 =	vld [tilespmem:s15+$0xFFFFFEC0];
	[tilespmem:v55+s1+$0x0] =	vst.idx.msk $0xffff, v56  }
0x566: {  	[tilespmem:v57+s1+$0x0] =	vst.idx.msk $0xffff, v58;
	v54 =	vor.u32 s13, v37;
	v55 =	vld [tilespmem:s15+$0xFFFFFEE0]  }
0x567: {  	v57 =	vor.u32 s17, v37;
	v58 =	vld [tilespmem:s15+$0xFFFFFF20];
	[tilespmem:v1+s1+$0x0] =	vst.idx.msk $0xffff, v59  }
0x568: {  	v56 =	vld [tilespmem:s15+$0xFFFFFF00];
	v1 =	vor.u32 s14, v37;
	[tilespmem:v4+s1+$0x0] =	vst.idx.msk $0xffff, v5  }
0x569: {  	[tilespmem:v6+s1+$0x0] =	vst.idx.msk $0xffff, v7;
	v59 =	vor.u32 s18, v37;
	v4 =	vld [tilespmem:s15+$0xFFFFFF40]  }
0x56a: {  	[tilespmem:v52+s1+$0x0] =	vst.idx.msk $0xffff, v53;
	v5 =	vor.u32 s21, v37;
	v6 =	vld [tilespmem:s15+$0xFFFFFF60]  }
0x56b: {  	[tilespmem:v54+s1+$0x0] =	vst.idx.msk $0xffff, v55;
	v7 =	vor.u32 s30, v37;
	v52 =	vld [tilespmem:s15+$0xFFFFFF80]  }
0x56c: {  	[tilespmem:v57+s1+$0x0] =	vst.idx.msk $0xffff, v58;
	v54 =	vor.u32 s24, v37;
	v55 =	vld [tilespmem:s15+$0xFFFFFFC0]  }
0x56d: {  	v53 =	vld [tilespmem:s15+$0xFFFFFFA0];
	[tilespmem:v1+s1+$0x0] =	vst.idx.msk $0xffff, v56;
	v1 =	vor.u32 s23, v37  }
0x56e: {  	v57 =	vld [tilespmem:s15+$0xFFFFFFE0];
	[tilespmem:v59+s1+$0x0] =	vst.idx.msk $0xffff, v4;
	v56 =	vor.u32 s28, v37  }
0x56f: {  	v58 =	vor.u32 s16, v37;
	v59 =	vld [tilespmem:s15+$0xFFFFFE20];
	[tilespmem:v5+s1+$0x0] =	vst.idx.msk $0xffff, v6  }
.Ltmp18:
0x570: {  	[tilespmem:v7+s1+$0x0] =	vst.idx.msk $0xffff, v52;
	(pc) =	sbr.rel @!p1 .LBB2_32-.Ltmp18, $4  }
0x571: {  	[tilespmem:v54+s1+$0x0] =	vst.idx.msk $0xffff, v55  }
0x572: {  	[tilespmem:v1+s1+$0x0] =	vst.idx.msk $0xffff, v53  }
0x573: {  	[tilespmem:v56+s1+$0x0] =	vst.idx.msk $0xffff, v57  }
0x574: {  	s15 =	simm.s32 $0x145F0;
	[tilespmem:v58+s1+$0x0] =	vst.idx.msk $0xffff, v59  }
0x575: {  	v1 =	vor.u32 s11, v38;
	v40 =	vld [tilespmem:s15+$0xFFFFFFF0]  }
0x576: {  	v41 =	vld [tilespmem:s15+$0xFFFFFE10];
	v42 =	vor.u32 s10, v38;
	s0 =	simm.s32 $0x1  }
0x577: {  	v43 =	vld [tilespmem:s15+$0xFFFFFE30];
	s2 =	simm.s32 $0x2;
	v44 =	vor.u32 s0, v38  }
0x578: {  	v45 =	vld [tilespmem:s15+$0xFFFFFE50];
	s6 =	simm.s32 $0x3;
	v46 =	vor.u32 s2, v38  }
0x579: {  	v47 =	vld [tilespmem:s15+$0xFFFFFE70];
	s8 =	simm.s32 $0x5;
	v48 =	vor.u32 s6, v38  }
0x57a: {  	s7 =	simm.s32 $0x4;
	v56 =	vld [tilespmem:s15+$0xFFFFFEB0];
	v57 =	vor.u32 s8, v38;
	[tilespmem:v1+s1+$0x0] =	vst.idx.msk $0xffff, v40  }
0x57b: {  	v49 =	vld [tilespmem:s15+$0xFFFFFE90];
	s30 =	simm.s32 $0x6;
	v1 =	vor.u32 s7, v38;
	[tilespmem:v42+s1+$0x0] =	vst.idx.msk $0xffff, v41  }
0x57c: {  	v58 =	vld [tilespmem:s15+$0xFFFFFED0];
	s13 =	simm.s32 $0x7;
	v59 =	vor.u32 s30, v38;
	[tilespmem:v44+s1+$0x0] =	vst.idx.msk $0xffff, v43  }
0x57d: {  	v4 =	vld [tilespmem:s15+$0xFFFFFEF0];
	v5 =	vor.u32 s13, v38;
	[tilespmem:v46+s1+$0x0] =	vst.idx.msk $0xffff, v45  }
0x57e: {  	v55 =	vor.u32 s11, v39;
	s16 =	simm.s32 $0x9;
	v40 =	vld [tilespmem:s15+$0x0];
	[tilespmem:v48+s1+$0x0] =	vst.idx.msk $0xffff, v47  }
0x57f: {  	s14 =	simm.s32 $0x8;
	v7 =	vld [tilespmem:s15+$0xFFFFFF30];
	v50 =	vor.u32 s16, v38;
	[tilespmem:v57+s1+$0x0] =	vst.idx.msk $0xffff, v56  }
0x580: {  	v6 =	vld [tilespmem:s15+$0xFFFFFF10];
	s17 =	simm.s32 $0xA;
	[tilespmem:v1+s1+$0x0] =	vst.idx.msk $0xffff, v49;
	v1 =	vor.u32 s14, v38  }
0x581: {  	v52 =	vld [tilespmem:s15+$0xFFFFFF50];
	s21 =	simm.s32 $0xC;
	v53 =	vor.u32 s17, v38;
	[tilespmem:v59+s1+$0x0] =	vst.idx.msk $0xffff, v58  }
0x582: {  	s18 =	simm.s32 $0xB;
	v59 =	vld [tilespmem:s15+$0xFFFFFF90];
	[tilespmem:v5+s1+$0x0] =	vst.idx.msk $0xffff, v4;
	v4 =	vor.u32 s21, v38  }
0x583: {  	v54 =	vld [tilespmem:s15+$0xFFFFFF70];
	[tilespmem:v55+s1+$0x0] =	vst.idx.msk $0xffff, v40;
	v55 =	vor.u32 s18, v38  }
0x584: {  	s22 =	simm.s32 $0xD;
	[tilespmem:v50+s1+$0x0] =	vst.idx.msk $0xffff, v7;
	v57 =	vor.u32 s0, v39;
	v56 =	vld [tilespmem:s15+$0xFFFFFE40]  }
0x585: {  	v5 =	vld [tilespmem:s15+$0xFFFFFFB0];
	[tilespmem:v1+s1+$0x0] =	vst.idx.msk $0xffff, v6;
	v1 =	vor.u32 s22, v38  }
0x586: {  	s23 =	simm.s32 $0xE;
	[tilespmem:v53+s1+$0x0] =	vst.idx.msk $0xffff, v52;
	v52 =	vor.u32 s2, v39;
	v58 =	vld [tilespmem:s15+$0xFFFFFE60]  }
0x587: {  	v7 =	vor.u32 s23, v38;
	[tilespmem:v4+s1+$0x0] =	vst.idx.msk $0xffff, v59;
	v6 =	vld [tilespmem:s15+$0xFFFFFFD0]  }
0x588: {  	v53 =	vld [tilespmem:s15+$0xFFFFFE80];
	[tilespmem:v55+s1+$0x0] =	vst.idx.msk $0xffff, v54;
	v54 =	vor.u32 s6, v39  }
0x589: {  	v59 =	vor.u32 s7, v39;
	[tilespmem:v57+s1+$0x0] =	vst.idx.msk $0xffff, v56;
	v55 =	vld [tilespmem:s15+$0xFFFFFEA0]  }
0x58a: {  	v4 =	vor.u32 s8, v39;
	[tilespmem:v1+s1+$0x0] =	vst.idx.msk $0xffff, v5;
	v1 =	vld [tilespmem:s15+$0xFFFFFEC0]  }
0x58b: {  	[tilespmem:v52+s1+$0x0] =	vst.idx.msk $0xffff, v58;
	v58 =	vor.u32 s14, v39;
	v57 =	vld [tilespmem:s15+$0xFFFFFF20]  }
0x58c: {  	[tilespmem:v7+s1+$0x0] =	vst.idx.msk $0xffff, v6;
	v5 =	vld [tilespmem:s15+$0xFFFFFEE0];
	v6 =	vor.u32 s30, v39  }
0x58d: {  	v56 =	vor.u32 s13, v39;
	v7 =	vld [tilespmem:s15+$0xFFFFFF00];
	[tilespmem:v54+s1+$0x0] =	vst.idx.msk $0xffff, v53  }
0x58e: {  	v51 =	vld [tilespmem:s15+$0xFFFFFF40];
	[tilespmem:v59+s1+$0x0] =	vst.idx.msk $0xffff, v55;
	v59 =	vor.u32 s16, v39  }
0x58f: {  	p1 =	por $0x1, $0x1;
	v52 =	vld [tilespmem:s15+$0xFFFFFF60];
	[tilespmem:v4+s1+$0x0] =	vst.idx.msk $0xffff, v1;
	v1 =	vor.u32 s17, v39  }
.Ltmp19:
0x590: {  	v49 =	vor.u32 s18, v39;
	v44 =	vld [tilespmem:s15+$0xFFFFFF80];
	[tilespmem:v58+s1+$0x0] =	vst.idx.msk $0xffff, v57;
	(pc) =	sbr.rel @!p1 .LBB2_34-.Ltmp19, $4  }
0x591: {  	v47 =	vor.u32 s21, v39;
	v42 =	vld [tilespmem:s15+$0xFFFFFFA0];
	[tilespmem:v6+s1+$0x0] =	vst.idx.msk $0xffff, v5  }
0x592: {  	v48 =	vor.u32 s22, v39;
	v41 =	vld [tilespmem:s15+$0xFFFFFFC0];
	[tilespmem:v56+s1+$0x0] =	vst.idx.msk $0xffff, v7  }
0x593: {  	s11 =	simm.s32 $0x1F;
	v45 =	vor.u32 s23, v39;
	v40 =	vld [tilespmem:s15+$0xFFFFFFE0];
	[tilespmem:v59+s1+$0x0] =	vst.idx.msk $0xffff, v51  }
0x594: {  	p0 =	por $0x1, $0x1;
	v43 =	vld [tilespmem:s15+$0xFFFFFE20];
	v46 =	vor.u32 s10, v39;
	s16 =	simm.s32 $0x20;
	s15 =	simm.s32 $0x147F0;
	[tilespmem:v1+s1+$0x0] =	vst.idx.msk $0xffff, v52  }
.LBB2_35:
0x595: {  	p1 =	slt.u32 s16, $0x70;
	v1 =	vor.u32 s11, v38;
	v50 =	vld [tilespmem:s15+$0xFFFFFFF0];
	[tilespmem:v49+s1+$0x0] =	vst.idx.msk $0xffff, v44;
	s10 =	smov.u32 s5;
	s5 =	smov.u32 s16  }
0x596: {  	v44 =	vor.u32 s10, v38;
	v49 =	vld [tilespmem:s15+$0xFFFFFE10];
	s17 =	sadd.s32 $0x1, s10;
	[tilespmem:v47+s1+$0x0] =	vst.idx.msk $0xffff, v42  }
0x597: {  	s21 =	sadd.s32 $0x2, s10;
	v42 =	vor.u32 s17, v38;
	v47 =	vld [tilespmem:s15+$0xFFFFFE30];
	[tilespmem:v48+s1+$0x0] =	vst.idx.msk $0xffff, v41  }
0x598: {  	s22 =	sadd.s32 $0x3, s10;
	v41 =	vor.u32 s21, v38;
	v48 =	vld [tilespmem:s15+$0xFFFFFE50];
	[tilespmem:v45+s1+$0x0] =	vst.idx.msk $0xffff, v40  }
0x599: {  	s23 =	sadd.s32 $0x4, s10;
	v40 =	vor.u32 s22, v38;
	v45 =	vld [tilespmem:s15+$0xFFFFFE70];
	[tilespmem:v46+s1+$0x0] =	vst.idx.msk $0xffff, v43  }
0x59a: {  	v43 =	vor.u32 s23, v38;
	v46 =	vld [tilespmem:s15+$0xFFFFFE90];
	[tilespmem:v1+s1+$0x0] =	vst.idx.msk $0xffff, v50  }
0x59b: {  	s24 =	sadd.s32 $0x5, s10;
	v1 =	vor.u32 s11, v39;
	[tilespmem:v44+s1+$0x0] =	vst.idx.msk $0xffff, v49;
	v44 =	vld [tilespmem:s15+$0x0]  }
0x59c: {  	s11 =	sadd.s32 $0x6, s10;
	[tilespmem:v42+s1+$0x0] =	vst.idx.msk $0xffff, v47;
	v42 =	vor.u32 s24, v38;
	v47 =	vld [tilespmem:s15+$0xFFFFFEB0]  }
0x59d: {  	s0 =	sadd.s32 $0x7, s10;
	[tilespmem:v41+s1+$0x0] =	vst.idx.msk $0xffff, v48;
	v41 =	vor.u32 s11, v38;
	v48 =	vld [tilespmem:s15+$0xFFFFFED0]  }
0x59e: {  	s13 =	sadd.s32 $0x8, s10;
	[tilespmem:v40+s1+$0x0] =	vst.idx.msk $0xffff, v45;
	v40 =	vor.u32 s0, v38;
	v45 =	vld [tilespmem:s15+$0xFFFFFEF0]  }
0x59f: {  	s2 =	sadd.s32 $0x9, s10;
	[tilespmem:v43+s1+$0x0] =	vst.idx.msk $0xffff, v46;
	v43 =	vor.u32 s13, v38;
	v46 =	vld [tilespmem:s15+$0xFFFFFF10]  }
0x5a0: {  	s14 =	sadd.s32 $0xA, s10;
	v49 =	vor.u32 s2, v38;
	v50 =	vld [tilespmem:s15+$0xFFFFFF30];
	[tilespmem:v1+s1+$0x0] =	vst.idx.msk $0xffff, v44  }
0x5a1: {  	s6 =	sadd.s32 $0xB, s10;
	v1 =	vor.u32 s14, v38;
	[tilespmem:v42+s1+$0x0] =	vst.idx.msk $0xffff, v47;
	v42 =	vld [tilespmem:s15+$0xFFFFFF50]  }
0x5a2: {  	s7 =	sadd.s32 $0xC, s10;
	[tilespmem:v41+s1+$0x0] =	vst.idx.msk $0xffff, v48;
	v41 =	vor.u32 s6, v38;
	v44 =	vld [tilespmem:s15+$0xFFFFFF70]  }
0x5a3: {  	s8 =	sadd.s32 $0xD, s10;
	[tilespmem:v40+s1+$0x0] =	vst.idx.msk $0xffff, v45;
	v40 =	vor.u32 s7, v38;
	v45 =	vld [tilespmem:s15+$0xFFFFFF90]  }
0x5a4: {  	s18 =	sadd.s32 $0xE, s10;
	[tilespmem:v43+s1+$0x0] =	vst.idx.msk $0xffff, v46;
	v43 =	vor.u32 s8, v38;
	v46 =	vld [tilespmem:s15+$0xFFFFFFB0]  }
0x5a5: {  	v47 =	vor.u32 s18, v38;
	[tilespmem:v49+s1+$0x0] =	vst.idx.msk $0xffff, v50;
	v48 =	vld [tilespmem:s15+$0xFFFFFFD0]  }
0x5a6: {  	v49 =	vor.u32 s17, v39;
	v50 =	vld [tilespmem:s15+$0xFFFFFE40];
	[tilespmem:v1+s1+$0x0] =	vst.idx.msk $0xffff, v42  }
0x5a7: {  	v1 =	vor.u32 s21, v39;
	v42 =	vld [tilespmem:s15+$0xFFFFFE60];
	[tilespmem:v41+s1+$0x0] =	vst.idx.msk $0xffff, v44  }
0x5a8: {  	v41 =	vor.u32 s22, v39;
	v44 =	vld [tilespmem:s15+$0xFFFFFE80];
	[tilespmem:v40+s1+$0x0] =	vst.idx.msk $0xffff, v45  }
0x5a9: {  	v40 =	vor.u32 s23, v39;
	v45 =	vld [tilespmem:s15+$0xFFFFFEA0];
	[tilespmem:v43+s1+$0x0] =	vst.idx.msk $0xffff, v46  }
0x5aa: {  	v43 =	vor.u32 s24, v39;
	v46 =	vld [tilespmem:s15+$0xFFFFFEC0];
	[tilespmem:v47+s1+$0x0] =	vst.idx.msk $0xffff, v48  }
0x5ab: {  	v47 =	vor.u32 s11, v39;
	[tilespmem:v49+s1+$0x0] =	vst.idx.msk $0xffff, v50;
	v48 =	vld [tilespmem:s15+$0xFFFFFEE0]  }
0x5ac: {  	[tilespmem:v1+s1+$0x0] =	vst.idx.msk $0xffff, v42;
	v1 =	vor.u32 s0, v39;
	v42 =	vld [tilespmem:s15+$0xFFFFFF00]  }
0x5ad: {  	[tilespmem:v41+s1+$0x0] =	vst.idx.msk $0xffff, v44;
	v41 =	vor.u32 s13, v39;
	v50 =	vld [tilespmem:s15+$0xFFFFFF20]  }
0x5ae: {  	[tilespmem:v40+s1+$0x0] =	vst.idx.msk $0xffff, v45;
	v40 =	vor.u32 s2, v39;
	v45 =	vld [tilespmem:s15+$0xFFFFFF40]  }
0x5af: {  	v51 =	vor.u32 s14, v39;
	[tilespmem:v43+s1+$0x0] =	vst.idx.msk $0xffff, v46;
	v52 =	vld [tilespmem:s15+$0xFFFFFF60]  }
.Ltmp20:
0x5b0: {  	v49 =	vor.u32 s6, v39;
	[tilespmem:v47+s1+$0x0] =	vst.idx.msk $0xffff, v48;
	v44 =	vld [tilespmem:s15+$0xFFFFFF80];
	(pc) =	sbr.rel @p1 .LBB2_35-.Ltmp20, $4  }
0x5b1: {  	v47 =	vor.u32 s7, v39;
	[tilespmem:v1+s1+$0x0] =	vst.idx.msk $0xffff, v42;
	v42 =	vld [tilespmem:s15+$0xFFFFFFA0]  }
0x5b2: {  	v48 =	vor.u32 s8, v39;
	[tilespmem:v41+s1+$0x0] =	vst.idx.msk $0xffff, v50;
	v41 =	vld [tilespmem:s15+$0xFFFFFFC0]  }
0x5b3: {  	[tilespmem:v40+s1+$0x0] =	vst.idx.msk $0xffff, v45;
	v45 =	vor.u32 s18, v39;
	v40 =	vld [tilespmem:s15+$0xFFFFFFE0]  }
0x5b4: {  	s16 =	sadd.s32 $0x10, s16;
	s11 =	sadd.s32 $0xF, s5;
	v46 =	vor.u32 s10, v39;
	v43 =	vld [tilespmem:s15+$0xFFFFFE20];
	[tilespmem:v51+s1+$0x0] =	vst.idx.msk $0xffff, v52;
	s15 =	sadd.s32 $0x200, s15  }
0x5b5: {  	s10 =	smov.u32 s5  }
.LBB2_37:
0x5b6: {  	_ =	sdelay $0x3  }
0x5b7: {  	v1 =	vor.u32 s11, v38;
	v50 =	vld [tilespmem:s15+$0xFFFFFFF0];
	[tilespmem:v49+s1+$0x0] =	vst.idx.msk @p0 $0xffff, v44  }
0x5b8: {  	v7 =	vor.u32 s10, v38;
	v52 =	vld [tilespmem:s15+$0xFFFFFE10];
	s0 =	sadd.s32 $0x1, s10;
	[tilespmem:v47+s1+$0x0] =	vst.idx.msk @p0 $0xffff, v42  }
0x5b9: {  	v54 =	vld [tilespmem:s15+$0xFFFFFE30];
	s2 =	sadd.s32 $0x2, s10;
	v53 =	vor.u32 s0, v38;
	[tilespmem:v48+s1+$0x0] =	vst.idx.msk @p0 $0xffff, v41  }
0x5ba: {  	v56 =	vld [tilespmem:s15+$0xFFFFFE50];
	s5 =	sadd.s32 $0x3, s10;
	v55 =	vor.u32 s2, v38;
	[tilespmem:v45+s1+$0x0] =	vst.idx.msk @p0 $0xffff, v40  }
0x5bb: {  	v58 =	vld [tilespmem:s15+$0xFFFFFE70];
	s6 =	sadd.s32 $0x4, s10;
	v57 =	vor.u32 s5, v38;
	[tilespmem:v46+s1+$0x0] =	vst.idx.msk @p0 $0xffff, v43  }
0x5bc: {  	v4 =	vld [tilespmem:s15+$0xFFFFFE90];
	s7 =	sadd.s32 $0x5, s10;
	v59 =	vor.u32 s6, v38;
	[tilespmem:v1+s1+$0x0] =	vst.idx.msk $0xffff, v50  }
0x5bd: {  	v6 =	vor.u32 s7, v38;
	[tilespmem:v7+s1+$0x0] =	vst.idx.msk $0xffff, v52;
	v7 =	vld [tilespmem:s15+$0xFFFFFEB0]  }
0x5be: {  	s8 =	sadd.s32 $0x6, s10;
	v1 =	vor.u32 s11, v39;
	v5 =	vld [tilespmem:s15+$0x0];
	[tilespmem:v53+s1+$0x0] =	vst.idx.msk $0xffff, v54  }
0x5bf: {  	s30 =	sadd.s32 $0x7, s10;
	v52 =	vor.u32 s8, v38;
	[tilespmem:v55+s1+$0x0] =	vst.idx.msk $0xffff, v56;
	v53 =	vld [tilespmem:s15+$0xFFFFFED0]  }
0x5c0: {  	s13 =	sadd.s32 $0x8, s10;
	[tilespmem:v57+s1+$0x0] =	vst.idx.msk $0xffff, v58;
	v54 =	vor.u32 s30, v38;
	v55 =	vld [tilespmem:s15+$0xFFFFFEF0]  }
0x5c1: {  	s14 =	sadd.s32 $0x9, s10;
	[tilespmem:v59+s1+$0x0] =	vst.idx.msk $0xffff, v4;
	v56 =	vor.u32 s13, v38;
	v57 =	vld [tilespmem:s15+$0xFFFFFF10]  }
0x5c2: {  	s16 =	sadd.s32 $0xA, s10;
	v58 =	vor.u32 s14, v38;
	v59 =	vld [tilespmem:s15+$0xFFFFFF30];
	[tilespmem:v6+s1+$0x0] =	vst.idx.msk $0xffff, v7  }
0x5c3: {  	s17 =	sadd.s32 $0xB, s10;
	v4 =	vld [tilespmem:s15+$0xFFFFFF50];
	[tilespmem:v1+s1+$0x0] =	vst.idx.msk $0xffff, v5;
	v1 =	vor.u32 s16, v38  }
0x5c4: {  	s18 =	sadd.s32 $0xC, s10;
	v6 =	vld [tilespmem:s15+$0xFFFFFF70];
	[tilespmem:v52+s1+$0x0] =	vst.idx.msk $0xffff, v53;
	v5 =	vor.u32 s17, v38  }
0x5c5: {  	s21 =	sadd.s32 $0xD, s10;
	v7 =	vor.u32 s18, v38;
	[tilespmem:v54+s1+$0x0] =	vst.idx.msk $0xffff, v55;
	v52 =	vld [tilespmem:s15+$0xFFFFFF90]  }
0x5c6: {  	s22 =	sadd.s32 $0xE, s10;
	[tilespmem:v56+s1+$0x0] =	vst.idx.msk $0xffff, v57;
	v53 =	vor.u32 s21, v38;
	v54 =	vld [tilespmem:s15+$0xFFFFFFB0]  }
0x5c7: {  	[tilespmem:v58+s1+$0x0] =	vst.idx.msk $0xffff, v59;
	v55 =	vor.u32 s22, v38;
	v56 =	vld [tilespmem:s15+$0xFFFFFFD0]  }
0x5c8: {  	v57 =	vor.u32 s0, v39;
	v58 =	vld [tilespmem:s15+$0xFFFFFE40];
	[tilespmem:v1+s1+$0x0] =	vst.idx.msk $0xffff, v4  }
0x5c9: {  	v59 =	vld [tilespmem:s15+$0xFFFFFE60];
	v1 =	vor.u32 s2, v39;
	[tilespmem:v5+s1+$0x0] =	vst.idx.msk $0xffff, v6  }
0x5ca: {  	v4 =	vor.u32 s5, v39;
	v5 =	vld [tilespmem:s15+$0xFFFFFE80];
	[tilespmem:v7+s1+$0x0] =	vst.idx.msk $0xffff, v52  }
0x5cb: {  	v6 =	vor.u32 s6, v39;
	v7 =	vld [tilespmem:s15+$0xFFFFFEA0];
	[tilespmem:v53+s1+$0x0] =	vst.idx.msk $0xffff, v54  }
0x5cc: {  	v52 =	vor.u32 s7, v39;
	v53 =	vld [tilespmem:s15+$0xFFFFFEC0];
	[tilespmem:v55+s1+$0x0] =	vst.idx.msk $0xffff, v56  }
0x5cd: {  	v54 =	vor.u32 s8, v39;
	[tilespmem:v57+s1+$0x0] =	vst.idx.msk $0xffff, v58;
	v55 =	vld [tilespmem:s15+$0xFFFFFEE0]  }
0x5ce: {  	v57 =	vor.u32 s13, v39;
	v58 =	vld [tilespmem:s15+$0xFFFFFF20];
	[tilespmem:v1+s1+$0x0] =	vst.idx.msk $0xffff, v59  }
0x5cf: {  	v56 =	vor.u32 s30, v39;
	v1 =	vld [tilespmem:s15+$0xFFFFFF00];
	[tilespmem:v4+s1+$0x0] =	vst.idx.msk $0xffff, v5  }
0x5d0: {  	v59 =	vor.u32 s14, v39;
	[tilespmem:v6+s1+$0x0] =	vst.idx.msk $0xffff, v7;
	v4 =	vld [tilespmem:s15+$0xFFFFFF40]  }
0x5d1: {  	v5 =	vor.u32 s16, v39;
	[tilespmem:v52+s1+$0x0] =	vst.idx.msk $0xffff, v53;
	v6 =	vld [tilespmem:s15+$0xFFFFFF60]  }
0x5d2: {  	v7 =	vor.u32 s17, v39;
	[tilespmem:v54+s1+$0x0] =	vst.idx.msk $0xffff, v55;
	v52 =	vld [tilespmem:s15+$0xFFFFFF80]  }
0x5d3: {  	v54 =	vor.u32 s21, v39;
	[tilespmem:v57+s1+$0x0] =	vst.idx.msk $0xffff, v58;
	v55 =	vld [tilespmem:s15+$0xFFFFFFC0]  }
0x5d4: {  	v53 =	vor.u32 s18, v39;
	[tilespmem:v56+s1+$0x0] =	vst.idx.msk $0xffff, v1;
	v1 =	vld [tilespmem:s15+$0xFFFFFFA0]  }
0x5d5: {  	[tilespmem:v59+s1+$0x0] =	vst.idx.msk $0xffff, v4  }
0x5d6: {  	v57 =	vld [tilespmem:s15+$0xFFFFFFE0];
	v56 =	vor.u32 s22, v39;
	[tilespmem:v5+s1+$0x0] =	vst.idx.msk $0xffff, v6  }
0x5d7: {  	v58 =	vor.u32 s10, v39;
	v59 =	vld [tilespmem:s15+$0xFFFFFE20];
	[tilespmem:v7+s1+$0x0] =	vst.idx.msk $0xffff, v52  }
0x5d8: {  	[tilespmem:v54+s1+$0x0] =	vst.idx.msk $0xffff, v55  }
0x5d9: {  	[tilespmem:v53+s1+$0x0] =	vst.idx.msk $0xffff, v1  }
0x5da: {  	s19 =	sshll.u32 s19, $0x13;
	s21 =	rddreg [dreg:$0x4]  }
0x5db: {  	[tilespmem:v56+s1+$0x0] =	vst.idx.msk $0xffff, v57;
	s0 =	sor.u32 s21, s19  }
0x5dc: {  	s22 =	rddreg [dreg:$0x1];
	[tilespmem:v58+s1+$0x0] =	vst.idx.msk $0xffff, v59;
	s0 =	sshrl.u32 s0, $0x3  }
0x5dd: {  	s23 =	rddreg [dreg:$0x5];
	s2 =	sadd.s32 s22, s0  }
0x5de: {  	[hbm4b:s2+s3] =	stream.linear.scatter [tilespmem:s1], [sflag:$0x5], $0x1000, $0x38;
	[tilespmem:$0x1D400] =	vst v63  }
0x5df: {  	s24 =	simm.s32 $0x1A400;
	p0 =	sne.s32 s20, $0x19;
	s2 =	sadd.s32 s0, s23  }
0x5e0: {  	[hbm4b:s2+s3] =	stream.linear.scatter [tilespmem:s24], [sflag:$0x5], $0x1000, $0x38;
	[tilespmem:$0x1D400] =	vst v63  }
.Ltmp21:
0x5e1: {  	s28 =	rddreg [dreg:$0x6];
	(pc) =	sbr.rel @p0 .LBB2_4-.Ltmp21, $4  }
.Ltmp22:
0x5e2: {  	s29 =	simm.s32 $0x1B400;
	s2 =	sadd.s32 s0, s28;
	(pc) =	sbr.rel @!p0 .LBB2_38-.Ltmp22, $4  }
0x5e3: {  	[hbm4b:s2+s3] =	stream.linear.scatter [tilespmem:s29], [sflag:$0x5], $0x1000, $0x38;
	[tilespmem:$0x1D400] =	vst v63  }
0x5e4: {  	s30 =	simm.s32 $0x1C400;
	s0 =	sadd.s32 s0, s9  }
0x5e5: {  	[hbm4b:s0+s3] =	stream.linear.scatter [tilespmem:s30], [sflag:$0x5], $0x1000, $0x38;
	[tilespmem:$0x1D400] =	vst v63  }
0x5e6: {  	_ = 	snop  }
.LBB2_7:
.Ltmp23:
0x5e7: {  	(pc) =	sbr.rel .LBB2_11-.Ltmp23, $2  }
0x5e8: {  	_ =	sdelay $0x2  }
0x5e9: {  	s22 =	simm.s32 $0xF;
	s16 =	simm.s32 $0x0;
	p2 =	por $0x0, $0x0  }
.LBB2_12:
.Ltmp24:
0x5ea: {  	(pc) =	sbr.rel .LBB2_17-.Ltmp24, $2  }
0x5eb: {  	_ =	sdelay $0x2  }
0x5ec: {  	_ = 	snop  }
.LBB2_18:
.Ltmp25:
0x5ed: {  	(pc) =	sbr.rel .LBB2_22-.Ltmp25, $2  }
0x5ee: {  	_ =	sdelay $0x2  }
0x5ef: {  	s22 =	simm.s32 $0xF;
	s16 =	simm.s32 $0x0  }
.LBB2_27:
.Ltmp26:
0x5f0: {  	(pc) =	sbr.rel .LBB2_31-.Ltmp26, $2  }
0x5f1: {  	_ =	sdelay $0x2  }
0x5f2: {  	s22 =	simm.s32 $0xF;
	s16 =	simm.s32 $0x0;
	p2 =	por $0x0, $0x0  }
.LBB2_32:
.Ltmp27:
0x5f3: {  	(pc) =	sbr.rel .LBB2_37-.Ltmp27, $2  }
0x5f4: {  	_ =	sdelay $0x2  }
0x5f5: {  	_ = 	snop  }
.LBB2_9:
.Ltmp28:
0x5f6: {  	(pc) =	sbr.rel .LBB2_11-.Ltmp28, $2  }
0x5f7: {  	_ =	sdelay $0x2  }
0x5f8: {  	s16 =	simm.s32 $0x10  }
.LBB2_14:
.Ltmp29:
0x5f9: {  	(pc) =	sbr.rel .LBB2_17-.Ltmp29, $2  }
0x5fa: {  	_ =	sdelay $0x2  }
0x5fb: {  	s10 =	simm.s32 $0x10  }
.LBB2_20:
.Ltmp30:
0x5fc: {  	(pc) =	sbr.rel .LBB2_22-.Ltmp30, $2  }
0x5fd: {  	_ =	sdelay $0x2  }
0x5fe: {  	s16 =	simm.s32 $0x10  }
.LBB2_29:
.Ltmp31:
0x5ff: {  	(pc) =	sbr.rel .LBB2_31-.Ltmp31, $2  }
0x600: {  	_ =	sdelay $0x2  }
0x601: {  	s16 =	simm.s32 $0x10  }
.LBB2_34:
.Ltmp32:
0x602: {  	(pc) =	sbr.rel .LBB2_37-.Ltmp32, $2  }
0x603: {  	_ =	sdelay $0x2  }
0x604: {  	s10 =	simm.s32 $0x10  }
.LBB2_39:
0x605: {  	_ =	sfence.sel $0x180000  }
0x606: {  	[bflag:$0x0] =	sbarrier.arrive $0xFFFF  }
0x607: {  	_ =	strace $0x90000047  }
0x608: {  	s0 =	stileid.u32;
	[bflag:$0x2] =	sbarrier.arrive $0xFFFF  }
0x609: {  	p0 =	sne.s32 s0, $0x0;
	s0 =	rddreg [dreg:$0x2]  }
0x60a: {  	s0 =	sadd.s32 @!p0 $0x100000, s0  }
0x60b: {  	[sflag:s0] =	ssyncadd.tile.s32 @!p0 $0x1;
	_ =	shalt  }
.Lfunc_end2:
_tile_overlayer_lowered:
.L_overlay_start_2:
0x60c: {  	(tag) =	ssettag $0x2  }
0x60d: {  	s0 =	rddreg [dreg:$0x0];
	s2 =	stileid.u32  }
0x60e: {  	s1 =	rddreg [dreg:$0x1];
	p0 =	sne.s32 s2, $0x0  }
0x60f: {  	s3 =	rddreg [dreg:$0x2];
	[bflag:$0x3] =	sbarrier.arrive $0xFFFF;
	s2 =	simm.s32 @!p0 $0x1C06  }
0x610: {  	[timem:s3], [sflag:s2] =	dma.local @!p0 [hbm:s0], s1  }
0x611: {  	s0 =	simm.s32 @!p0 $0x6  }
0x612: {  	_ =	swait.ge @!p0 [sflag:s0], s1  }
0x613: {  	s1 =	ssub.s32 @!p0 $0x0, s1;
	[sflag:s0] =	ssyncset.done @!p0 $0x0  }
0x614: {  	[sflag:s0] =	ssyncadd.s32 @!p0 s1  }
0x615: {  	[bflag:$0x3] =	sbarrier.arrive $0xFFFF  }
0x616: {  	_ =	shalt  }

</sc_bundles>
